<compile_context>
chip_gen: v7x
topology: tpu7x:2x2x1
jax: 0.10.2.dev20260603
libtpu: 0.0.44.dev20260713+nightly
codegen_flags: <defaults>
</compile_context>

<pallas_src>
import math

import jax
import jax.numpy as jnp
from jax import lax
from jax.experimental import pallas as pl
from jax.experimental.pallas import tpu as pltpu
from jax.experimental.pallas import tpu_sc as plsc

NC = 2
NS = 16
L = 16
NW = NC * NS


def _qkv_call(h, Wq, Wk, Wv, bn):
    n, d = h.shape

    def body(h_ref, wq_ref, wk_ref, wv_ref, q_ref, k_ref, v_ref):
        hb = h_ref[...]
        dn = (((1,), (1,)), ((), ()))
        q_ref[...] = lax.dot_general(hb, wq_ref[...], dn,
                                     preferred_element_type=jnp.float32)
        k_ref[...] = lax.dot_general(hb, wk_ref[...], dn,
                                     preferred_element_type=jnp.float32)
        v_ref[...] = lax.dot_general(hb, wv_ref[...], dn,
                                     preferred_element_type=jnp.float32)

    wspec = pl.BlockSpec((d, d), lambda i: (0, 0))
    rspec = pl.BlockSpec((bn, d), lambda i: (i, 0))
    out = jax.ShapeDtypeStruct((n, d), jnp.float32)
    return pl.pallas_call(
        body,
        grid=(n // bn,),
        in_specs=[rspec, wspec, wspec, wspec],
        out_specs=[rspec, rspec, rspec],
        out_shape=[out, out, out],
    )(h, Wq, Wk, Wv)


def _edge_call(q, k, v, src, dst):
    n, d = q.shape
    e = src.shape[0]
    C = 64
    nd8 = d // L
    ngrp = C // L
    tpairs = e // (2 * C)
    tp_full = tpairs // NW
    tp_extra = tpairs - tp_full * NW
    WB = 40
    wrc = n // WB
    wrc_full = wrc // NS
    wrc_extra = wrc - wrc_full * NS
    src_n = n // C
    src_full = src_n // NS
    src_extra = src_n - src_full * NS
    s1_tail = n - src_n * C

    def body(q_hbm, k_hbm, v_hbm, src_hbm, dst_hbm, acc_hbm, s1_hbm,
             src0, src1, dst0, dst1, dc0, dc1, q0, q1, k0, k1, v0, v1,
             wb0, wb1, shared, s1sh,
             sq0, sq1, sk0, sk1, sv0, sv1, si0, si1, sc0, sc1, sw0, sw1):
        cid = lax.axis_index("c")
        sid = lax.axis_index("s")
        wid = sid * NC + cid
        inv_sqrt_d = 1.0 / math.sqrt(d)
        lane = lax.iota(jnp.int32, L)
        srcb = (src0, src1)
        dstb = (dst0, dst1)
        dstc = (dc0, dc1)
        qb = (q0, q1)
        kb = (k0, k1)
        vb = (v0, v1)
        wbufb = (wb0, wb1)
        sqb = (sq0, sq1)
        skb = (sk0, sk1)
        svb = (sv0, sv1)
        sib = (si0, si1)
        scb = (sc0, sc1)
        swb = (sw0, sw1)
        vrows = v0
        wbuf = wb0

        def zmsg(r, _):
            for i in range(nd8):
                vrows[r, pl.ds(i * L, L)] = jnp.zeros((L,), jnp.float32)
            return 0
        lax.fori_loop(0, C, zmsg, 0)

        def zw(i, _):
            wbuf[pl.ds(i * L, L)] = jnp.zeros((L,), jnp.float32)
            return 0
        lax.fori_loop(0, C // L, zw, 0)

        def zsh(t, _):
            pltpu.sync_copy(vrows.at[pl.ds(0, WB)],
                            shared.at[pl.ds((sid + t * NS) * WB, WB)])
            return 0
        lax.fori_loop(0, wrc_full, zsh, 0)
        @pl.when(sid < wrc_extra)
        def _():
            pltpu.sync_copy(vrows.at[pl.ds(0, WB)],
                            shared.at[pl.ds((sid + wrc_full * NS) * WB, WB)])

        def zs1(t, _):
            pltpu.sync_copy(wbuf, s1sh.at[pl.ds((sid + t * NS) * C, C)])
            return 0
        lax.fori_loop(0, src_full, zs1, 0)
        @pl.when(sid < src_extra)
        def _():
            pltpu.sync_copy(wbuf, s1sh.at[pl.ds((sid + src_full * NS) * C, C)])
        if s1_tail:
            @pl.when(sid == NS - 1)
            def _():
                pltpu.sync_copy(wbuf.at[pl.ds(0, s1_tail)],
                                s1sh.at[pl.ds(src_n * C, s1_tail)])
        plsc.subcore_barrier()

        def fire_idx(c, p):
            base = c * C
            pltpu.async_copy(src_hbm.at[pl.ds(base, C)], srcb[p], sib[p])
            pltpu.async_copy(dst_hbm.at[pl.ds(base, C)], dstb[p], sib[p])

        def drain_idx(p):
            pltpu.make_async_copy(
                src_hbm.at[pl.ds(0, C)], srcb[p], sib[p]).wait()
            pltpu.make_async_copy(
                dst_hbm.at[pl.ds(0, C)], dstb[p], sib[p]).wait()

        def fire_rows(p):
            pltpu.async_copy(q_hbm.at[dstb[p]], qb[p], sqb[p])
            pltpu.async_copy(k_hbm.at[srcb[p]], kb[p], skb[p])
            pltpu.async_copy(v_hbm.at[srcb[p]], vb[p], svb[p])

        def drain_rows(p):
            pltpu.make_async_copy(q_hbm.at[dstb[p]], qb[p], sqb[p]).wait()
            pltpu.make_async_copy(k_hbm.at[srcb[p]], kb[p], skb[p]).wait()
            pltpu.make_async_copy(v_hbm.at[srcb[p]], vb[p], svb[p]).wait()

        def fire_scatter(p):
            pltpu.async_copy(vb[p], shared.at[dstc[p]], scb[p], add=True)
            pltpu.async_copy(wbufb[p], s1sh.at[dstc[p]], swb[p], add=True)

        def drain_scatter(p):
            pltpu.make_async_copy(vb[p], shared.at[dstc[p]], scb[p]).wait()
            pltpu.make_async_copy(wbufb[p], s1sh.at[dstc[p]], swb[p]).wait()

        def compute(p):
            H = L // 2
            lo = lane < H

            def grp(g2, _):
                e0 = g2 * L

                def rowdot(ei):
                    acc = qb[p][ei, pl.ds(0, L)] * kb[p][ei, pl.ds(0, L)]
                    for i in range(1, nd8):
                        acc = acc + (qb[p][ei, pl.ds(i * L, L)] *
                                     kb[p][ei, pl.ds(i * L, L)])
                    return acc

                def dot2(jj, sv):
                    aa = rowdot(e0 + jj)
                    bb = rowdot(e0 + jj + H)
                    aa = aa + jnp.take(aa, lane ^ H, mode="fill")
                    bb = bb + jnp.take(bb, lane ^ H, mode="fill")
                    cc = jnp.where(lo, aa, bb)
                    for sh in (4, 2, 1):
                        cc = cc + jnp.take(cc, lane ^ sh, mode="fill")
                    cc = cc * inv_sqrt_d
                    sv = jnp.where(lane == jj, cc, sv)
                    return jnp.where(lane == jj + H, cc, sv)

                sv = lax.fori_loop(0, H, dot2, jnp.zeros((L,), jnp.float32))
                sv = jnp.minimum(jnp.maximum(sv, -60.0), 60.0)
                wv = jnp.exp(sv)
                wbufb[p][pl.ds(e0, L)] = wv

                def scale2(jj, _):
                    for off in (0, H):
                        ei = e0 + jj + off
                        jf = jnp.full((L,), 0, jnp.int32) + (jj + off)
                        wj = jnp.take(wv, jf, mode="fill")
                        for i in range(nd8):
                            vb[p][ei, pl.ds(i * L, L)] = (
                                wj * vb[p][ei, pl.ds(i * L, L)])
                    return 0

                lax.fori_loop(0, H, scale2, 0)
                return 0

            lax.fori_loop(0, ngrp, grp, 0)

        if tp_extra:
            npairs = tp_full + jnp.where(wid < tp_extra, 1, 0)
        else:
            npairs = tp_full

        fire_idx(2 * wid, 0)
        drain_idx(0)
        fire_rows(0)
        fire_idx(2 * wid + 1, 1)

        def pair(t, _):
            more = t + 1 < npairs
            for b in range(2):
                o = 1 - b
                if b == 0:
                    @pl.when(t > 0)
                    def _():
                        drain_scatter(o)
                else:
                    drain_scatter(o)
                if b == 0:
                    drain_idx(o)
                    fire_rows(o)
                else:
                    @pl.when(more)
                    def _():
                        drain_idx(o)
                        fire_rows(o)
                drain_rows(b)
                def cpidx(i, _):
                    dstc[b][pl.ds(i * L, L)] = dstb[b][pl.ds(i * L, L)]
                    return 0
                lax.fori_loop(0, C // L, cpidx, 0)
                nxt = 2 * (wid + (t + 1) * NW) + b
                @pl.when(more)
                def _():
                    fire_idx(nxt, b)
                compute(b)
                fire_scatter(b)
            return 0

        lax.fori_loop(0, npairs, pair, 0)
        drain_scatter(1)
        plsc.subcore_barrier()

        def wb(t, _):
            bb = (sid + t * NS) * WB
            pltpu.sync_copy(shared.at[pl.ds(bb, WB)],
                            acc_hbm.at[cid, pl.ds(bb, WB)])
            return 0
        lax.fori_loop(0, wrc_full, wb, 0)
        @pl.when(sid < wrc_extra)
        def _():
            bb = (sid + wrc_full * NS) * WB
            pltpu.sync_copy(shared.at[pl.ds(bb, WB)],
                            acc_hbm.at[cid, pl.ds(bb, WB)])

        def wbs1(t, _):
            bb = (sid + t * NS) * C
            pltpu.sync_copy(s1sh.at[pl.ds(bb, C)], wbuf)
            pltpu.sync_copy(wbuf, s1_hbm.at[pl.ds(cid * n + bb, C)])
            return 0
        lax.fori_loop(0, src_full, wbs1, 0)
        @pl.when(sid < src_extra)
        def _():
            bb = (sid + src_full * NS) * C
            pltpu.sync_copy(s1sh.at[pl.ds(bb, C)], wbuf)
            pltpu.sync_copy(wbuf, s1_hbm.at[pl.ds(cid * n + bb, C)])
        if s1_tail:
            @pl.when(sid == NS - 1)
            def _():
                pltpu.sync_copy(s1sh.at[pl.ds(src_n * C, s1_tail)],
                                wbuf.at[pl.ds(0, s1_tail)])
                pltpu.sync_copy(wbuf.at[pl.ds(0, s1_tail)],
                                s1_hbm.at[pl.ds(cid * n + src_n * C, s1_tail)])

    mesh = plsc.VectorSubcoreMesh(core_axis_name="c", subcore_axis_name="s")
    rows = lambda: pltpu.VMEM((C, d), jnp.float32)
    return pl.kernel(
        body,
        out_type=(jax.ShapeDtypeStruct((NC, n, d), jnp.float32),
                  jax.ShapeDtypeStruct((NC * n,), jnp.float32)),
        mesh=mesh,
        compiler_params=pltpu.CompilerParams(needs_layout_passes=False),
        scratch_types=[
            pltpu.VMEM((C,), jnp.int32),
            pltpu.VMEM((C,), jnp.int32),
            pltpu.VMEM((C,), jnp.int32),
            pltpu.VMEM((C,), jnp.int32),
            pltpu.VMEM((C,), jnp.int32),
            pltpu.VMEM((C,), jnp.int32),
            rows(), rows(),
            rows(), rows(),
            rows(), rows(),
            pltpu.VMEM((C,), jnp.float32),
            pltpu.VMEM((C,), jnp.float32),
            pltpu.VMEM_SHARED((n, d), jnp.float32),
            pltpu.VMEM_SHARED((n,), jnp.float32),
            pltpu.SemaphoreType.DMA, pltpu.SemaphoreType.DMA,
            pltpu.SemaphoreType.DMA, pltpu.SemaphoreType.DMA,
            pltpu.SemaphoreType.DMA, pltpu.SemaphoreType.DMA,
            pltpu.SemaphoreType.DMA, pltpu.SemaphoreType.DMA,
            pltpu.SemaphoreType.DMA, pltpu.SemaphoreType.DMA,
            pltpu.SemaphoreType.DMA, pltpu.SemaphoreType.DMA,
        ],
    )(q, k, v, src, dst)


def _final_call(acc, s1t, h, Wp, bp2, bn):
    n, d = h.shape

    def body(acc_ref, s1_ref, h_ref, wp_ref, bp_ref, o_ref):
        agg = acc_ref[0] + acc_ref[1]
        den = jnp.sum(s1_ref[...], axis=1, keepdims=True) + 1e-9
        y = agg / den
        r = lax.dot_general(y, wp_ref[...], (((1,), (1,)), ((), ())),
                            preferred_element_type=jnp.float32)
        o_ref[...] = jnp.maximum(r + bp_ref[...] + h_ref[...], 0.0)

    return pl.pallas_call(
        body,
        grid=(n // bn,),
        in_specs=[
            pl.BlockSpec((NC, bn, d), lambda i: (0, i, 0)),
            pl.BlockSpec((bn, NC), lambda i: (i, 0)),
            pl.BlockSpec((bn, d), lambda i: (i, 0)),
            pl.BlockSpec((d, d), lambda i: (0, 0)),
            pl.BlockSpec((1, d), lambda i: (0, 0)),
        ],
        out_specs=pl.BlockSpec((bn, d), lambda i: (i, 0)),
        out_shape=jax.ShapeDtypeStruct((n, d), jnp.float32),
    )(acc, s1t, h, Wp, bp2)


def kernel(h, edges, Wq, Wk, Wv, Wp, bp):
    n, d = h.shape
    src = edges[0]
    dst = edges[1]
    q, k, v = _qkv_call(h, Wq, Wk, Wv, 1000)
    acc, s1 = _edge_call(q, k, v, src, dst)
    s1t = s1.reshape(NC, n).T
    return _final_call(acc, s1t, h, Wp, bp.reshape(1, d), 1000)

# --- scband reference (transcript-rebuilt; emitter-appended) ---
"""Pipeline reference for scband-route-net-lite-layer-52664888984238 (READ-ONLY COPY).

The authoritative reference and input builder live on the scoring server;
editing this copy changes nothing except your own understanding.
"""

import jax, jax.numpy as jnp
import numpy as np
import math

N = 10000
E = 320000
D = 128


def setup_inputs(seed: int = 0) -> dict:
    key = jax.random.key(seed)
    ks = jax.random.split(key, 8)
    h = jax.random.normal(ks[0], (N, D), dtype=jnp.float32)
    edges = jax.random.randint(ks[1], (2, E), 0, N, dtype=jnp.int32)
    s = 1.0 / math.sqrt(D)
    Wq = jax.random.uniform(ks[2], (D, D), dtype=jnp.float32, minval=-s, maxval=s)
    Wk = jax.random.uniform(ks[3], (D, D), dtype=jnp.float32, minval=-s, maxval=s)
    Wv = jax.random.uniform(ks[4], (D, D), dtype=jnp.float32, minval=-s, maxval=s)
    Wp = jax.random.uniform(ks[5], (D, D), dtype=jnp.float32, minval=-s, maxval=s)
    bp = jax.random.uniform(ks[6], (D,), dtype=jnp.float32, minval=-s, maxval=s)
    return {"h": h, "edges": edges, "Wq": Wq, "Wk": Wk, "Wv": Wv, "Wp": Wp, "bp": bp}


def reference(h, edges, Wq, Wk, Wv, Wp, bp):
    src = edges[0]
    dst = edges[1]
    n = h.shape[0]
    d = h.shape[1]
    q = h @ Wq.T
    k = h @ Wk.T
    v = h @ Wv.T
    scores = jnp.sum(q[dst] * k[src], axis=1) / math.sqrt(d)
    # torch scatter_reduce amax with -inf init == segment_max (empty segments -> -inf)
    max_per_dst = jax.ops.segment_max(scores, dst, num_segments=n)
    expv = jnp.exp(jnp.clip(scores - max_per_dst[dst], -50.0, 50.0))
    sum_per_dst = jax.ops.segment_sum(expv, dst, num_segments=n)
    alpha = expv / (sum_per_dst[dst] + 1e-09)
    alpha = jnp.nan_to_num(alpha, nan=0.0, posinf=0.0, neginf=0.0)
    msg = v[src] * alpha[:, None]
    agg = jax.ops.segment_sum(msg, dst, num_segments=n)
    out = jax.nn.relu(agg @ Wp.T + bp + h)
    return out

if __name__ == "__main__":
    import jax
    _d = setup_inputs()
    print(jax.jit(kernel)(*tuple(_d.values())))

</pallas_src>

<mosaic_0001>
#map = affine_map<(d0, d1) -> (0, 0)>
#map1 = affine_map<(d0, d1) -> (0)>
#map2 = affine_map<(d0, d1) -> (0, 0, 0)>
module attributes {stable_mosaic.version = 14 : i64} {
  func.func @body(%arg0: i32, %arg1: i32, %arg2: memref<10000x128xf32, #tpu.memory_space<hbm>>, %arg3: memref<10000x128xf32, #tpu.memory_space<hbm>>, %arg4: memref<10000x128xf32, #tpu.memory_space<hbm>>, %arg5: memref<320000xi32, #tpu.memory_space<hbm>>, %arg6: memref<320000xi32, #tpu.memory_space<hbm>>, %arg7: memref<2x10000x128xf32, #tpu.memory_space<hbm>>, %arg8: memref<20000xf32, #tpu.memory_space<hbm>>, %arg9: memref<64xi32, #tpu.memory_space<vmem>>, %arg10: memref<64xi32, #tpu.memory_space<vmem>>, %arg11: memref<64xi32, #tpu.memory_space<vmem>>, %arg12: memref<64xi32, #tpu.memory_space<vmem>>, %arg13: memref<64xi32, #tpu.memory_space<vmem>>, %arg14: memref<64xi32, #tpu.memory_space<vmem>>, %arg15: memref<64x128xf32, #tpu.memory_space<vmem>>, %arg16: memref<64x128xf32, #tpu.memory_space<vmem>>, %arg17: memref<64x128xf32, #tpu.memory_space<vmem>>, %arg18: memref<64x128xf32, #tpu.memory_space<vmem>>, %arg19: memref<64x128xf32, #tpu.memory_space<vmem>>, %arg20: memref<64x128xf32, #tpu.memory_space<vmem>>, %arg21: memref<64xf32, #tpu.memory_space<vmem>>, %arg22: memref<64xf32, #tpu.memory_space<vmem>>, %arg23: memref<10000x128xf32, #tpu.memory_space<vmem_shared>>, %arg24: memref<10000xf32, #tpu.memory_space<vmem_shared>>, %arg25: memref<!tpu.dma_semaphore, #tpu.memory_space<semaphore_mem>>, %arg26: memref<!tpu.dma_semaphore, #tpu.memory_space<semaphore_mem>>, %arg27: memref<!tpu.dma_semaphore, #tpu.memory_space<semaphore_mem>>, %arg28: memref<!tpu.dma_semaphore, #tpu.memory_space<semaphore_mem>>, %arg29: memref<!tpu.dma_semaphore, #tpu.memory_space<semaphore_mem>>, %arg30: memref<!tpu.dma_semaphore, #tpu.memory_space<semaphore_mem>>, %arg31: memref<!tpu.dma_semaphore, #tpu.memory_space<semaphore_mem>>, %arg32: memref<!tpu.dma_semaphore, #tpu.memory_space<semaphore_mem>>, %arg33: memref<!tpu.dma_semaphore, #tpu.memory_space<semaphore_mem>>, %arg34: memref<!tpu.dma_semaphore, #tpu.memory_space<semaphore_mem>>, %arg35: memref<!tpu.dma_semaphore, #tpu.memory_space<semaphore_mem>>, %arg36: memref<!tpu.dma_semaphore, #tpu.memory_space<semaphore_mem>>) attributes {dimension_semantics = [#tpu.dimension_semantics<core_parallel>, #tpu.dimension_semantics<subcore_parallel>], iteration_bounds = array<i64: 2, 16>, scalar_prefetch = 0 : i64, scratch_operands = 28 : i64, tpu.core_type = #tpu.core_type<sc_vector_subcore>, window_params = [{transform_indices = #map}, {transform_indices = #map}, {transform_indices = #map}, {transform_indices = #map1}, {transform_indices = #map1}, {transform_indices = #map2}, {transform_indices = #map1}]} {
    %mul3A = arith.constant 2 : i32
    %mul3A_0 = arith.muli %arg1, %mul3A : i32
    %add3A = arith.addi %mul3A_0, %arg0 : i32
    %iota3A = tpu.iota {dimensions = array<i32: 0>} : vector<16xi32>
    %scan3A = arith.constant 0 : i32
    %scan3A_1 = arith.constant 0 : i32
    %scan3A_2 = arith.constant 64 : i32
    %scan3A_3 = arith.addi %scan3A_1, %scan3A_2 : i32
    %scan3A_4 = arith.constant 1 : i32
    %scan3A_5 = scf.for %scan3A_123 = %scan3A_1 to %scan3A_3 step %scan3A_4 iter_args(%scan3A_124 = %scan3A) -> (i32)  : i32 {
      %broadcast_in_dim3A = arith.constant 0.000000e+00 : f32
      %broadcast_in_dim3A_125 = vector.broadcast %broadcast_in_dim3A : f32 to vector<16xf32>
      %swap3A = arith.index_cast %scan3A_123 : i32 to index
      %swap3A_126 = arith.constant 0 : index
      %swap3A_127 = tpu.vector_load %arg19[%swap3A, %swap3A_126] {strides = array<i32>} : memref<64x128xf32, #tpu.memory_space<vmem>>, vector<16xf32>,
      tpu.vector_store %arg19[%swap3A, %swap3A_126], %broadcast_in_dim3A_125 {strides = array<i32>} : memref<64x128xf32, #tpu.memory_space<vmem>>, vector<16xf32>,
      %broadcast_in_dim3A_128 = arith.constant 0.000000e+00 : f32
      %broadcast_in_dim3A_129 = vector.broadcast %broadcast_in_dim3A_128 : f32 to vector<16xf32>
      %swap3A_130 = arith.index_cast %scan3A_123 : i32 to index
      %swap3A_131 = arith.constant 16 : index
      %swap3A_132 = tpu.vector_load %arg19[%swap3A_130, %swap3A_131] {strides = array<i32>} : memref<64x128xf32, #tpu.memory_space<vmem>>, vector<16xf32>,
      tpu.vector_store %arg19[%swap3A_130, %swap3A_131], %broadcast_in_dim3A_129 {strides = array<i32>} : memref<64x128xf32, #tpu.memory_space<vmem>>, vector<16xf32>,
      %broadcast_in_dim3A_133 = arith.constant 0.000000e+00 : f32
      %broadcast_in_dim3A_134 = vector.broadcast %broadcast_in_dim3A_133 : f32 to vector<16xf32>
      %swap3A_135 = arith.index_cast %scan3A_123 : i32 to index
      %swap3A_136 = arith.constant 32 : index
      %swap3A_137 = tpu.vector_load %arg19[%swap3A_135, %swap3A_136] {strides = array<i32>} : memref<64x128xf32, #tpu.memory_space<vmem>>, vector<16xf32>,
      tpu.vector_store %arg19[%swap3A_135, %swap3A_136], %broadcast_in_dim3A_134 {strides = array<i32>} : memref<64x128xf32, #tpu.memory_space<vmem>>, vector<16xf32>,
      %broadcast_in_dim3A_138 = arith.constant 0.000000e+00 : f32
      %broadcast_in_dim3A_139 = vector.broadcast %broadcast_in_dim3A_138 : f32 to vector<16xf32>
      %swap3A_140 = arith.index_cast %scan3A_123 : i32 to index
      %swap3A_141 = arith.constant 48 : index
      %swap3A_142 = tpu.vector_load %arg19[%swap3A_140, %swap3A_141] {strides = array<i32>} : memref<64x128xf32, #tpu.memory_space<vmem>>, vector<16xf32>,
      tpu.vector_store %arg19[%swap3A_140, %swap3A_141], %broadcast_in_dim3A_139 {strides = array<i32>} : memref<64x128xf32, #tpu.memory_space<vmem>>, vector<16xf32>,
      %broadcast_in_dim3A_143 = arith.constant 0.000000e+00 : f32
      %broadcast_in_dim3A_144 = vector.broadcast %broadcast_in_dim3A_143 : f32 to vector<16xf32>
      %swap3A_145 = arith.index_cast %scan3A_123 : i32 to index
      %swap3A_146 = arith.constant 64 : index
      %swap3A_147 = tpu.vector_load %arg19[%swap3A_145, %swap3A_146] {strides = array<i32>} : memref<64x128xf32, #tpu.memory_space<vmem>>, vector<16xf32>,
      tpu.vector_store %arg19[%swap3A_145, %swap3A_146], %broadcast_in_dim3A_144 {strides = array<i32>} : memref<64x128xf32, #tpu.memory_space<vmem>>, vector<16xf32>,
      %broadcast_in_dim3A_148 = arith.constant 0.000000e+00 : f32
      %broadcast_in_dim3A_149 = vector.broadcast %broadcast_in_dim3A_148 : f32 to vector<16xf32>
      %swap3A_150 = arith.index_cast %scan3A_123 : i32 to index
      %swap3A_151 = arith.constant 80 : index
      %swap3A_152 = tpu.vector_load %arg19[%swap3A_150, %swap3A_151] {strides = array<i32>} : memref<64x128xf32, #tpu.memory_space<vmem>>, vector<16xf32>,
      tpu.vector_store %arg19[%swap3A_150, %swap3A_151], %broadcast_in_dim3A_149 {strides = array<i32>} : memref<64x128xf32, #tpu.memory_space<vmem>>, vector<16xf32>,
      %broadcast_in_dim3A_153 = arith.constant 0.000000e+00 : f32
      %broadcast_in_dim3A_154 = vector.broadcast %broadcast_in_dim3A_153 : f32 to vector<16xf32>
      %swap3A_155 = arith.index_cast %scan3A_123 : i32 to index
      %swap3A_156 = arith.constant 96 : index
      %swap3A_157 = tpu.vector_load %arg19[%swap3A_155, %swap3A_156] {strides = array<i32>} : memref<64x128xf32, #tpu.memory_space<vmem>>, vector<16xf32>,
      tpu.vector_store %arg19[%swap3A_155, %swap3A_156], %broadcast_in_dim3A_154 {strides = array<i32>} : memref<64x128xf32, #tpu.memory_space<vmem>>, vector<16xf32>,
      %broadcast_in_dim3A_158 = arith.constant 0.000000e+00 : f32
      %broadcast_in_dim3A_159 = vector.broadcast %broadcast_in_dim3A_158 : f32 to vector<16xf32>
      %swap3A_160 = arith.index_cast %scan3A_123 : i32 to index
      %swap3A_161 = arith.constant 112 : index
      %swap3A_162 = tpu.vector_load %arg19[%swap3A_160, %swap3A_161] {strides = array<i32>} : memref<64x128xf32, #tpu.memory_space<vmem>>, vector<16xf32>,
      tpu.vector_store %arg19[%swap3A_160, %swap3A_161], %broadcast_in_dim3A_159 {strides = array<i32>} : memref<64x128xf32, #tpu.memory_space<vmem>>, vector<16xf32>,
      %scan3A_163 = arith.constant 0 : i32
      scf.yield %scan3A_163 : i32
    }
    %scan3A_6 = arith.constant 64 : i32
    %scan3A_7 = arith.constant 0 : i32
    %scan3A_8 = arith.constant 0 : i32
    %scan3A_9 = arith.constant 4 : i32
    %scan3A_10 = arith.addi %scan3A_8, %scan3A_9 : i32
    %scan3A_11 = arith.constant 1 : i32
    %scan3A_12 = scf.for %scan3A_123 = %scan3A_8 to %scan3A_10 step %scan3A_11 iter_args(%scan3A_124 = %scan3A_7) -> (i32)  : i32 {
      %broadcast_in_dim3A = arith.constant 0.000000e+00 : f32
      %broadcast_in_dim3A_125 = vector.broadcast %broadcast_in_dim3A : f32 to vector<16xf32>
      %mul3A_126 = arith.constant 16 : i32
      %mul3A_127 = arith.muli %scan3A_123, %mul3A_126 : i32
      %swap3A = arith.index_cast %mul3A_127 : i32 to index
      %swap3A_128 = tpu.vector_load %arg21[%swap3A] {strides = array<i32>} : memref<64xf32, #tpu.memory_space<vmem>>, vector<16xf32>,
      tpu.vector_store %arg21[%swap3A], %broadcast_in_dim3A_125 {strides = array<i32>} : memref<64xf32, #tpu.memory_space<vmem>>, vector<16xf32>,
      %scan3A_129 = arith.constant 0 : i32
      scf.yield %scan3A_129 : i32
    }
    %scan3A_13 = arith.constant 4 : i32
    %scan3A_14 = arith.constant 0 : i32
    %scan3A_15 = arith.constant 0 : i32
    %scan3A_16 = arith.constant 15 : i32
    %scan3A_17 = arith.addi %scan3A_15, %scan3A_16 : i32
    %scan3A_18 = arith.constant 1 : i32
    %scan3A_19 = scf.for %scan3A_123 = %scan3A_15 to %scan3A_17 step %scan3A_18 iter_args(%scan3A_124 = %scan3A_14) -> (i32)  : i32 {
      %mul3A_125 = arith.constant 16 : i32
      %mul3A_126 = arith.muli %scan3A_123, %mul3A_125 : i32
      %add3A_127 = arith.addi %arg1, %mul3A_126 : i32
      %mul3A_128 = arith.constant 40 : i32
      %mul3A_129 = arith.muli %add3A_127, %mul3A_128 : i32
      "tpu.region"() ({
        %run_scoped3A = tpu.sem_alloc : memref<!tpu.dma_semaphore, #tpu.memory_space<semaphore_mem>>
        %dma_start3A_131 = arith.constant 0 : i32
        %dma_start3A_132 = arith.constant 0 : i32
        %dma_start3A_133 = tpu.memref_slice %arg19[%dma_start3A_131, %dma_start3A_132] : memref<64x128xf32, #tpu.memory_space<vmem>> -> memref<40x128xf32, #tpu.memory_space<vmem>>
        %dma_start3A_134 = arith.constant 0 : i32
        %dma_start3A_135 = tpu.memref_slice %arg23[%mul3A_129, %dma_start3A_134] : memref<10000x128xf32, #tpu.memory_space<vmem_shared>> -> memref<40x128xf32, #tpu.memory_space<vmem_shared>>
        %dma_start3A_136 = arith.constant 0 : i32
        %dma_start3A_137 = tpu.memref_slice %arg23[%mul3A_129, %dma_start3A_136] : memref<10000x128xf32, #tpu.memory_space<vmem_shared>> -> memref<40x128xf32, #tpu.memory_space<vmem_shared>>
        %dma_start3A_138 = arith.constant 0 : i32
        %dma_start3A_139 = arith.constant 0 : i32
        %dma_start3A_140 = tpu.memref_slice %arg19[%dma_start3A_138, %dma_start3A_139] : memref<64x128xf32, #tpu.memory_space<vmem>> -> memref<40x128xf32, #tpu.memory_space<vmem>>
        tpu.enqueue_dma source(%dma_start3A_140 : memref<40x128xf32, #tpu.memory_space<vmem>>) target(%dma_start3A_137 : memref<40x128xf32, #tpu.memory_space<vmem_shared>>) target_semaphore(%run_scoped3A : memref<!tpu.dma_semaphore, #tpu.memory_space<semaphore_mem>>)
        %dma_wait3A_141 = arith.constant 0 : i32
        %dma_wait3A_142 = arith.constant 0 : i32
        %dma_wait3A_143 = tpu.memref_slice %arg19[%dma_wait3A_141, %dma_wait3A_142] : memref<64x128xf32, #tpu.memory_space<vmem>> -> memref<40x128xf32, #tpu.memory_space<vmem>>
        %dma_wait3A_144 = arith.constant 0 : i32
        %dma_wait3A_145 = tpu.memref_slice %arg23[%mul3A_129, %dma_wait3A_144] : memref<10000x128xf32, #tpu.memory_space<vmem_shared>> -> memref<40x128xf32, #tpu.memory_space<vmem_shared>>
        %dma_wait3A_146 = arith.constant 0 : i32
        %dma_wait3A_147 = tpu.memref_slice %arg23[%mul3A_129, %dma_wait3A_146] : memref<10000x128xf32, #tpu.memory_space<vmem_shared>> -> memref<40x128xf32, #tpu.memory_space<vmem_shared>>
        %dma_wait3A_148 = arith.constant 0 : i32
        %dma_wait3A_149 = arith.constant 0 : i32
        %dma_wait3A_150 = tpu.memref_slice %arg19[%dma_wait3A_148, %dma_wait3A_149] : memref<64x128xf32, #tpu.memory_space<vmem>> -> memref<40x128xf32, #tpu.memory_space<vmem>>
        tpu.wait_dma2 semaphore(%run_scoped3A : memref<!tpu.dma_semaphore, #tpu.memory_space<semaphore_mem>>) src(%dma_wait3A_150 : memref<40x128xf32, #tpu.memory_space<vmem>>) dst(%dma_wait3A_147 : memref<40x128xf32, #tpu.memory_space<vmem_shared>>)
        tpu.yield
      }) : () -> ()
      %scan3A_130 = arith.constant 0 : i32
      scf.yield %scan3A_130 : i32
    }
    %scan3A_20 = arith.constant 15 : i32
    %lt3A = arith.constant 10 : i32
    %lt3A_21 = arith.cmpi slt, %arg1, %lt3A : i32
    %convert_element_type3A = arith.extui %lt3A_21 : i1 to i32
    %cond3A = arith.constant 0 : i32
    %cond3A_22 = arith.cmpi ne, %convert_element_type3A, %cond3A : i32
    scf.if %cond3A_22 {
      %add3A_123 = arith.constant 240 : i32
      %add3A_124 = arith.addi %arg1, %add3A_123 : i32
      %mul3A_125 = arith.constant 40 : i32
      %mul3A_126 = arith.muli %add3A_124, %mul3A_125 : i32
      "tpu.region"() ({
        %run_scoped3A = tpu.sem_alloc : memref<!tpu.dma_semaphore, #tpu.memory_space<semaphore_mem>>
        %dma_start3A_127 = arith.constant 0 : i32
        %dma_start3A_128 = arith.constant 0 : i32
        %dma_start3A_129 = tpu.memref_slice %arg19[%dma_start3A_127, %dma_start3A_128] : memref<64x128xf32, #tpu.memory_space<vmem>> -> memref<40x128xf32, #tpu.memory_space<vmem>>
        %dma_start3A_130 = arith.constant 0 : i32
        %dma_start3A_131 = tpu.memref_slice %arg23[%mul3A_126, %dma_start3A_130] : memref<10000x128xf32, #tpu.memory_space<vmem_shared>> -> memref<40x128xf32, #tpu.memory_space<vmem_shared>>
        %dma_start3A_132 = arith.constant 0 : i32
        %dma_start3A_133 = tpu.memref_slice %arg23[%mul3A_126, %dma_start3A_132] : memref<10000x128xf32, #tpu.memory_space<vmem_shared>> -> memref<40x128xf32, #tpu.memory_space<vmem_shared>>
        %dma_start3A_134 = arith.constant 0 : i32
        %dma_start3A_135 = arith.constant 0 : i32
        %dma_start3A_136 = tpu.memref_slice %arg19[%dma_start3A_134, %dma_start3A_135] : memref<64x128xf32, #tpu.memory_space<vmem>> -> memref<40x128xf32, #tpu.memory_space<vmem>>
        tpu.enqueue_dma source(%dma_start3A_136 : memref<40x128xf32, #tpu.memory_space<vmem>>) target(%dma_start3A_133 : memref<40x128xf32, #tpu.memory_space<vmem_shared>>) target_semaphore(%run_scoped3A : memref<!tpu.dma_semaphore, #tpu.memory_space<semaphore_mem>>)
        %dma_wait3A_137 = arith.constant 0 : i32
        %dma_wait3A_138 = arith.constant 0 : i32
        %dma_wait3A_139 = tpu.memref_slice %arg19[%dma_wait3A_137, %dma_wait3A_138] : memref<64x128xf32, #tpu.memory_space<vmem>> -> memref<40x128xf32, #tpu.memory_space<vmem>>
        %dma_wait3A_140 = arith.constant 0 : i32
        %dma_wait3A_141 = tpu.memref_slice %arg23[%mul3A_126, %dma_wait3A_140] : memref<10000x128xf32, #tpu.memory_space<vmem_shared>> -> memref<40x128xf32, #tpu.memory_space<vmem_shared>>
        %dma_wait3A_142 = arith.constant 0 : i32
        %dma_wait3A_143 = tpu.memref_slice %arg23[%mul3A_126, %dma_wait3A_142] : memref<10000x128xf32, #tpu.memory_space<vmem_shared>> -> memref<40x128xf32, #tpu.memory_space<vmem_shared>>
        %dma_wait3A_144 = arith.constant 0 : i32
        %dma_wait3A_145 = arith.constant 0 : i32
        %dma_wait3A_146 = tpu.memref_slice %arg19[%dma_wait3A_144, %dma_wait3A_145] : memref<64x128xf32, #tpu.memory_space<vmem>> -> memref<40x128xf32, #tpu.memory_space<vmem>>
        tpu.wait_dma2 semaphore(%run_scoped3A : memref<!tpu.dma_semaphore, #tpu.memory_space<semaphore_mem>>) src(%dma_wait3A_146 : memref<40x128xf32, #tpu.memory_space<vmem>>) dst(%dma_wait3A_143 : memref<40x128xf32, #tpu.memory_space<vmem_shared>>)
        tpu.yield
      }) : () -> ()
    } else {
    }
    %scan3A_23 = arith.constant 0 : i32
    %scan3A_24 = arith.constant 0 : i32
    %scan3A_25 = arith.constant 9 : i32
    %scan3A_26 = arith.addi %scan3A_24, %scan3A_25 : i32
    %scan3A_27 = arith.constant 1 : i32
    %scan3A_28 = scf.for %scan3A_123 = %scan3A_24 to %scan3A_26 step %scan3A_27 iter_args(%scan3A_124 = %scan3A_23) -> (i32)  : i32 {
      %mul3A_125 = arith.constant 16 : i32
      %mul3A_126 = arith.muli %scan3A_123, %mul3A_125 : i32
      %add3A_127 = arith.addi %arg1, %mul3A_126 : i32
      %mul3A_128 = arith.constant 64 : i32
      %mul3A_129 = arith.muli %add3A_127, %mul3A_128 : i32
      "tpu.region"() ({
        %run_scoped3A = tpu.sem_alloc : memref<!tpu.dma_semaphore, #tpu.memory_space<semaphore_mem>>
        %dma_start3A_131 = tpu.memref_slice %arg24[%mul3A_129] : memref<10000xf32, #tpu.memory_space<vmem_shared>> -> memref<64xf32, #tpu.memory_space<vmem_shared>>
        %dma_start3A_132 = tpu.memref_slice %arg24[%mul3A_129] : memref<10000xf32, #tpu.memory_space<vmem_shared>> -> memref<64xf32, #tpu.memory_space<vmem_shared>>
        tpu.enqueue_dma source(%arg21 : memref<64xf32, #tpu.memory_space<vmem>>) target(%dma_start3A_132 : memref<64xf32, #tpu.memory_space<vmem_shared>>) target_semaphore(%run_scoped3A : memref<!tpu.dma_semaphore, #tpu.memory_space<semaphore_mem>>)
        %dma_wait3A_133 = tpu.memref_slice %arg24[%mul3A_129] : memref<10000xf32, #tpu.memory_space<vmem_shared>> -> memref<64xf32, #tpu.memory_space<vmem_shared>>
        %dma_wait3A_134 = tpu.memref_slice %arg24[%mul3A_129] : memref<10000xf32, #tpu.memory_space<vmem_shared>> -> memref<64xf32, #tpu.memory_space<vmem_shared>>
        tpu.wait_dma2 semaphore(%run_scoped3A : memref<!tpu.dma_semaphore, #tpu.memory_space<semaphore_mem>>) src(%arg21 : memref<64xf32, #tpu.memory_space<vmem>>) dst(%dma_wait3A_134 : memref<64xf32, #tpu.memory_space<vmem_shared>>)
        tpu.yield
      }) : () -> ()
      %scan3A_130 = arith.constant 0 : i32
      scf.yield %scan3A_130 : i32
    }
    %scan3A_29 = arith.constant 9 : i32
    %lt3A_30 = arith.constant 12 : i32
    %lt3A_31 = arith.cmpi slt, %arg1, %lt3A_30 : i32
    %convert_element_type3A_32 = arith.extui %lt3A_31 : i1 to i32
    %cond3A_33 = arith.constant 0 : i32
    %cond3A_34 = arith.cmpi ne, %convert_element_type3A_32, %cond3A_33 : i32
    scf.if %cond3A_34 {
      %add3A_123 = arith.constant 144 : i32
      %add3A_124 = arith.addi %arg1, %add3A_123 : i32
      %mul3A_125 = arith.constant 64 : i32
      %mul3A_126 = arith.muli %add3A_124, %mul3A_125 : i32
      "tpu.region"() ({
        %run_scoped3A = tpu.sem_alloc : memref<!tpu.dma_semaphore, #tpu.memory_space<semaphore_mem>>
        %dma_start3A_127 = tpu.memref_slice %arg24[%mul3A_126] : memref<10000xf32, #tpu.memory_space<vmem_shared>> -> memref<64xf32, #tpu.memory_space<vmem_shared>>
        %dma_start3A_128 = tpu.memref_slice %arg24[%mul3A_126] : memref<10000xf32, #tpu.memory_space<vmem_shared>> -> memref<64xf32, #tpu.memory_space<vmem_shared>>
        tpu.enqueue_dma source(%arg21 : memref<64xf32, #tpu.memory_space<vmem>>) target(%dma_start3A_128 : memref<64xf32, #tpu.memory_space<vmem_shared>>) target_semaphore(%run_scoped3A : memref<!tpu.dma_semaphore, #tpu.memory_space<semaphore_mem>>)
        %dma_wait3A_129 = tpu.memref_slice %arg24[%mul3A_126] : memref<10000xf32, #tpu.memory_space<vmem_shared>> -> memref<64xf32, #tpu.memory_space<vmem_shared>>
        %dma_wait3A_130 = tpu.memref_slice %arg24[%mul3A_126] : memref<10000xf32, #tpu.memory_space<vmem_shared>> -> memref<64xf32, #tpu.memory_space<vmem_shared>>
        tpu.wait_dma2 semaphore(%run_scoped3A : memref<!tpu.dma_semaphore, #tpu.memory_space<semaphore_mem>>) src(%arg21 : memref<64xf32, #tpu.memory_space<vmem>>) dst(%dma_wait3A_130 : memref<64xf32, #tpu.memory_space<vmem_shared>>)
        tpu.yield
      }) : () -> ()
    } else {
    }
    %eq3A = arith.constant 15 : i32
    %eq3A_35 = arith.cmpi eq, %arg1, %eq3A : i32
    %convert_element_type3A_36 = arith.extui %eq3A_35 : i1 to i32
    %cond3A_37 = arith.constant 0 : i32
    %cond3A_38 = arith.cmpi ne, %convert_element_type3A_36, %cond3A_37 : i32
    scf.if %cond3A_38 {
      "tpu.region"() ({
        %run_scoped3A = tpu.sem_alloc : memref<!tpu.dma_semaphore, #tpu.memory_space<semaphore_mem>>
        %dma_start3A_123 = arith.constant 0 : i32
        %dma_start3A_124 = tpu.memref_slice %arg21[%dma_start3A_123] : memref<64xf32, #tpu.memory_space<vmem>> -> memref<16xf32, #tpu.memory_space<vmem>>
        %dma_start3A_125 = arith.constant 9984 : i32
        %dma_start3A_126 = tpu.memref_slice %arg24[%dma_start3A_125] : memref<10000xf32, #tpu.memory_space<vmem_shared>> -> memref<16xf32, #tpu.memory_space<vmem_shared>>
        %dma_start3A_127 = arith.constant 9984 : i32
        %dma_start3A_128 = tpu.memref_slice %arg24[%dma_start3A_127] : memref<10000xf32, #tpu.memory_space<vmem_shared>> -> memref<16xf32, #tpu.memory_space<vmem_shared>>
        %dma_start3A_129 = arith.constant 0 : i32
        %dma_start3A_130 = tpu.memref_slice %arg21[%dma_start3A_129] : memref<64xf32, #tpu.memory_space<vmem>> -> memref<16xf32, #tpu.memory_space<vmem>>
        tpu.enqueue_dma source(%dma_start3A_130 : memref<16xf32, #tpu.memory_space<vmem>>) target(%dma_start3A_128 : memref<16xf32, #tpu.memory_space<vmem_shared>>) target_semaphore(%run_scoped3A : memref<!tpu.dma_semaphore, #tpu.memory_space<semaphore_mem>>)
        %dma_wait3A_131 = arith.constant 0 : i32
        %dma_wait3A_132 = tpu.memref_slice %arg21[%dma_wait3A_131] : memref<64xf32, #tpu.memory_space<vmem>> -> memref<16xf32, #tpu.memory_space<vmem>>
        %dma_wait3A_133 = arith.constant 9984 : i32
        %dma_wait3A_134 = tpu.memref_slice %arg24[%dma_wait3A_133] : memref<10000xf32, #tpu.memory_space<vmem_shared>> -> memref<16xf32, #tpu.memory_space<vmem_shared>>
        %dma_wait3A_135 = arith.constant 9984 : i32
        %dma_wait3A_136 = tpu.memref_slice %arg24[%dma_wait3A_135] : memref<10000xf32, #tpu.memory_space<vmem_shared>> -> memref<16xf32, #tpu.memory_space<vmem_shared>>
        %dma_wait3A_137 = arith.constant 0 : i32
        %dma_wait3A_138 = tpu.memref_slice %arg21[%dma_wait3A_137] : memref<64xf32, #tpu.memory_space<vmem>> -> memref<16xf32, #tpu.memory_space<vmem>>
        tpu.wait_dma2 semaphore(%run_scoped3A : memref<!tpu.dma_semaphore, #tpu.memory_space<semaphore_mem>>) src(%dma_wait3A_138 : memref<16xf32, #tpu.memory_space<vmem>>) dst(%dma_wait3A_136 : memref<16xf32, #tpu.memory_space<vmem_shared>>)
        tpu.yield
      }) : () -> ()
    } else {
    }
    %barrier3A = arith.constant 0 : index
    tpu.barrier barrier_id(%barrier3A)
    %lt3A_39 = arith.constant 4 : i32
    %lt3A_40 = arith.cmpi slt, %add3A, %lt3A_39 : i32
    %jit3A = arith.constant 1 : i32
    %jit3A_41 = arith.constant 0 : i32
    %select_n3A = arith.select %lt3A_40, %jit3A, %jit3A_41 : i32
    %add3A_42 = arith.constant 78 : i32
    %add3A_43 = arith.addi %add3A_42, %select_n3A : i32
    %mul3A_44 = arith.constant 2 : i32
    %mul3A_45 = arith.muli %mul3A_44, %add3A : i32
    %mul3A_46 = arith.constant 64 : i32
    %mul3A_47 = arith.muli %mul3A_45, %mul3A_46 : i32
    %dma_start3A = tpu.memref_slice %arg5[%mul3A_47] : memref<320000xi32, #tpu.memory_space<hbm>> -> memref<64xi32, #tpu.memory_space<hbm>>
    %dma_start3A_48 = tpu.memref_slice %arg5[%mul3A_47] : memref<320000xi32, #tpu.memory_space<hbm>> -> memref<64xi32, #tpu.memory_space<hbm>>
    tpu.enqueue_dma source(%dma_start3A_48 : memref<64xi32, #tpu.memory_space<hbm>>) target(%arg9 : memref<64xi32, #tpu.memory_space<vmem>>) target_semaphore(%arg31 : memref<!tpu.dma_semaphore, #tpu.memory_space<semaphore_mem>>)
    %dma_start3A_49 = tpu.memref_slice %arg6[%mul3A_47] : memref<320000xi32, #tpu.memory_space<hbm>> -> memref<64xi32, #tpu.memory_space<hbm>>
    %dma_start3A_50 = tpu.memref_slice %arg6[%mul3A_47] : memref<320000xi32, #tpu.memory_space<hbm>> -> memref<64xi32, #tpu.memory_space<hbm>>
    tpu.enqueue_dma source(%dma_start3A_50 : memref<64xi32, #tpu.memory_space<hbm>>) target(%arg11 : memref<64xi32, #tpu.memory_space<vmem>>) target_semaphore(%arg31 : memref<!tpu.dma_semaphore, #tpu.memory_space<semaphore_mem>>)
    %dma_wait3A = arith.constant 0 : i32
    %dma_wait3A_51 = tpu.memref_slice %arg5[%dma_wait3A] : memref<320000xi32, #tpu.memory_space<hbm>> -> memref<64xi32, #tpu.memory_space<hbm>>
    %dma_wait3A_52 = arith.constant 0 : i32
    %dma_wait3A_53 = tpu.memref_slice %arg5[%dma_wait3A_52] : memref<320000xi32, #tpu.memory_space<hbm>> -> memref<64xi32, #tpu.memory_space<hbm>>
    tpu.wait_dma2 semaphore(%arg31 : memref<!tpu.dma_semaphore, #tpu.memory_space<semaphore_mem>>) src(%dma_wait3A_53 : memref<64xi32, #tpu.memory_space<hbm>>) dst(%arg9 : memref<64xi32, #tpu.memory_space<vmem>>)
    %dma_wait3A_54 = arith.constant 0 : i32
    %dma_wait3A_55 = tpu.memref_slice %arg6[%dma_wait3A_54] : memref<320000xi32, #tpu.memory_space<hbm>> -> memref<64xi32, #tpu.memory_space<hbm>>
    %dma_wait3A_56 = arith.constant 0 : i32
    %dma_wait3A_57 = tpu.memref_slice %arg6[%dma_wait3A_56] : memref<320000xi32, #tpu.memory_space<hbm>> -> memref<64xi32, #tpu.memory_space<hbm>>
    tpu.wait_dma2 semaphore(%arg31 : memref<!tpu.dma_semaphore, #tpu.memory_space<semaphore_mem>>) src(%dma_wait3A_57 : memref<64xi32, #tpu.memory_space<hbm>>) dst(%arg11 : memref<64xi32, #tpu.memory_space<vmem>>)
    %dma_start3A_58 = arith.constant 0 : i32
    %dma_start3A_59 = arith.constant 0 : i32
    %dma_start3A_60 = tpu.memref_slice %arg2[%dma_start3A_58, %dma_start3A_59] : memref<10000x128xf32, #tpu.memory_space<hbm>> -> memref<10000x128xf32, #tpu.memory_space<hbm>>
    tpu.enqueue_indirect_dma source(%dma_start3A_60 : memref<10000x128xf32, #tpu.memory_space<hbm>>) target(%arg15 : memref<64x128xf32, #tpu.memory_space<vmem>>) offsets(%arg11 : memref<64xi32, #tpu.memory_space<vmem>>) semaphore(%arg25 : memref<!tpu.dma_semaphore, #tpu.memory_space<semaphore_mem>>)
    %dma_start3A_61 = arith.constant 0 : i32
    %dma_start3A_62 = arith.constant 0 : i32
    %dma_start3A_63 = tpu.memref_slice %arg3[%dma_start3A_61, %dma_start3A_62] : memref<10000x128xf32, #tpu.memory_space<hbm>> -> memref<10000x128xf32, #tpu.memory_space<hbm>>
    tpu.enqueue_indirect_dma source(%dma_start3A_63 : memref<10000x128xf32, #tpu.memory_space<hbm>>) target(%arg17 : memref<64x128xf32, #tpu.memory_space<vmem>>) offsets(%arg9 : memref<64xi32, #tpu.memory_space<vmem>>) semaphore(%arg27 : memref<!tpu.dma_semaphore, #tpu.memory_space<semaphore_mem>>)
    %dma_start3A_64 = arith.constant 0 : i32
    %dma_start3A_65 = arith.constant 0 : i32
    %dma_start3A_66 = tpu.memref_slice %arg4[%dma_start3A_64, %dma_start3A_65] : memref<10000x128xf32, #tpu.memory_space<hbm>> -> memref<10000x128xf32, #tpu.memory_space<hbm>>
    tpu.enqueue_indirect_dma source(%dma_start3A_66 : memref<10000x128xf32, #tpu.memory_space<hbm>>) target(%arg19 : memref<64x128xf32, #tpu.memory_space<vmem>>) offsets(%arg9 : memref<64xi32, #tpu.memory_space<vmem>>) semaphore(%arg29 : memref<!tpu.dma_semaphore, #tpu.memory_space<semaphore_mem>>)
    %mul3A_67 = arith.constant 2 : i32
    %mul3A_68 = arith.muli %mul3A_67, %add3A : i32
    %add3A_69 = arith.constant 1 : i32
    %add3A_70 = arith.addi %mul3A_68, %add3A_69 : i32
    %mul3A_71 = arith.constant 64 : i32
    %mul3A_72 = arith.muli %add3A_70, %mul3A_71 : i32
    %dma_start3A_73 = tpu.memref_slice %arg5[%mul3A_72] : memref<320000xi32, #tpu.memory_space<hbm>> -> memref<64xi32, #tpu.memory_space<hbm>>
    %dma_start3A_74 = tpu.memref_slice %arg5[%mul3A_72] : memref<320000xi32, #tpu.memory_space<hbm>> -> memref<64xi32, #tpu.memory_space<hbm>>
    tpu.enqueue_dma source(%dma_start3A_74 : memref<64xi32, #tpu.memory_space<hbm>>) target(%arg10 : memref<64xi32, #tpu.memory_space<vmem>>) target_semaphore(%arg32 : memref<!tpu.dma_semaphore, #tpu.memory_space<semaphore_mem>>)
    %dma_start3A_75 = tpu.memref_slice %arg6[%mul3A_72] : memref<320000xi32, #tpu.memory_space<hbm>> -> memref<64xi32, #tpu.memory_space<hbm>>
    %dma_start3A_76 = tpu.memref_slice %arg6[%mul3A_72] : memref<320000xi32, #tpu.memory_space<hbm>> -> memref<64xi32, #tpu.memory_space<hbm>>
    tpu.enqueue_dma source(%dma_start3A_76 : memref<64xi32, #tpu.memory_space<hbm>>) target(%arg12 : memref<64xi32, #tpu.memory_space<vmem>>) target_semaphore(%arg32 : memref<!tpu.dma_semaphore, #tpu.memory_space<semaphore_mem>>)
    %while3A = arith.constant 0 : i32
    %while3A_77 = arith.constant 0 : i32
    %while3A_78 = arith.subi %add3A_43, %while3A : i32
    %while3A_79 = arith.addi %while3A, %while3A_78 : i32
    %while3A_80 = arith.constant 1 : i32
    %while3A_81 = arith.divsi %while3A_78, %while3A_80 : i32
    %while3A_82 = arith.muli %while3A_81, %while3A_80 : i32
    %while3A_83 = arith.addi %while3A, %while3A_82 : i32
    %while3A_84 = arith.constant 1 : i32
    %while3A_85 = scf.for %while3A_123 = %while3A to %while3A_83 step %while3A_84 iter_args(%while3A_124 = %while3A_77) -> (i32)  : i32 {
      %add3A_125 = arith.constant 1 : i32
      %add3A_126 = arith.addi %while3A_123, %add3A_125 : i32
      %lt3A_127 = arith.cmpi slt, %add3A_126, %add3A_43 : i32
      %gt3A = arith.constant 0 : i32
      %gt3A_128 = arith.cmpi sgt, %while3A_123, %gt3A : i32
      %convert_element_type3A_129 = arith.extui %gt3A_128 : i1 to i32
      %cond3A_130 = arith.constant 0 : i32
      %cond3A_131 = arith.cmpi ne, %convert_element_type3A_129, %cond3A_130 : i32
      scf.if %cond3A_131 {
        %dma_wait3A_244 = arith.constant 0 : i32
        %dma_wait3A_245 = arith.constant 0 : i32
        %dma_wait3A_246 = tpu.memref_slice %arg23[%dma_wait3A_244, %dma_wait3A_245] : memref<10000x128xf32, #tpu.memory_space<vmem_shared>> -> memref<10000x128xf32, #tpu.memory_space<vmem_shared>>
        tpu.wait_indirect_dma semaphore(%arg34 : memref<!tpu.dma_semaphore, #tpu.memory_space<semaphore_mem>>) src(%arg20 : memref<64x128xf32, #tpu.memory_space<vmem>>) dst(%dma_wait3A_246 : memref<10000x128xf32, #tpu.memory_space<vmem_shared>>)
        %dma_wait3A_247 = arith.constant 0 : i32
        %dma_wait3A_248 = tpu.memref_slice %arg24[%dma_wait3A_247] : memref<10000xf32, #tpu.memory_space<vmem_shared>> -> memref<10000xf32, #tpu.memory_space<vmem_shared>>
        tpu.wait_indirect_dma semaphore(%arg36 : memref<!tpu.dma_semaphore, #tpu.memory_space<semaphore_mem>>) src(%arg22 : memref<64xf32, #tpu.memory_space<vmem>>) dst(%dma_wait3A_248 : memref<10000xf32, #tpu.memory_space<vmem_shared>>)
      } else {
      }
      %dma_wait3A_132 = arith.constant 0 : i32
      %dma_wait3A_133 = tpu.memref_slice %arg5[%dma_wait3A_132] : memref<320000xi32, #tpu.memory_space<hbm>> -> memref<64xi32, #tpu.memory_space<hbm>>
      %dma_wait3A_134 = arith.constant 0 : i32
      %dma_wait3A_135 = tpu.memref_slice %arg5[%dma_wait3A_134] : memref<320000xi32, #tpu.memory_space<hbm>> -> memref<64xi32, #tpu.memory_space<hbm>>
      tpu.wait_dma2 semaphore(%arg32 : memref<!tpu.dma_semaphore, #tpu.memory_space<semaphore_mem>>) src(%dma_wait3A_135 : memref<64xi32, #tpu.memory_space<hbm>>) dst(%arg10 : memref<64xi32, #tpu.memory_space<vmem>>)
      %dma_wait3A_136 = arith.constant 0 : i32
      %dma_wait3A_137 = tpu.memref_slice %arg6[%dma_wait3A_136] : memref<320000xi32, #tpu.memory_space<hbm>> -> memref<64xi32, #tpu.memory_space<hbm>>
      %dma_wait3A_138 = arith.constant 0 : i32
      %dma_wait3A_139 = tpu.memref_slice %arg6[%dma_wait3A_138] : memref<320000xi32, #tpu.memory_space<hbm>> -> memref<64xi32, #tpu.memory_space<hbm>>
      tpu.wait_dma2 semaphore(%arg32 : memref<!tpu.dma_semaphore, #tpu.memory_space<semaphore_mem>>) src(%dma_wait3A_139 : memref<64xi32, #tpu.memory_space<hbm>>) dst(%arg12 : memref<64xi32, #tpu.memory_space<vmem>>)
      %dma_start3A_140 = arith.constant 0 : i32
      %dma_start3A_141 = arith.constant 0 : i32
      %dma_start3A_142 = tpu.memref_slice %arg2[%dma_start3A_140, %dma_start3A_141] : memref<10000x128xf32, #tpu.memory_space<hbm>> -> memref<10000x128xf32, #tpu.memory_space<hbm>>
      tpu.enqueue_indirect_dma source(%dma_start3A_142 : memref<10000x128xf32, #tpu.memory_space<hbm>>) target(%arg16 : memref<64x128xf32, #tpu.memory_space<vmem>>) offsets(%arg12 : memref<64xi32, #tpu.memory_space<vmem>>) semaphore(%arg26 : memref<!tpu.dma_semaphore, #tpu.memory_space<semaphore_mem>>)
      %dma_start3A_143 = arith.constant 0 : i32
      %dma_start3A_144 = arith.constant 0 : i32
      %dma_start3A_145 = tpu.memref_slice %arg3[%dma_start3A_143, %dma_start3A_144] : memref<10000x128xf32, #tpu.memory_space<hbm>> -> memref<10000x128xf32, #tpu.memory_space<hbm>>
      tpu.enqueue_indirect_dma source(%dma_start3A_145 : memref<10000x128xf32, #tpu.memory_space<hbm>>) target(%arg18 : memref<64x128xf32, #tpu.memory_space<vmem>>) offsets(%arg10 : memref<64xi32, #tpu.memory_space<vmem>>) semaphore(%arg28 : memref<!tpu.dma_semaphore, #tpu.memory_space<semaphore_mem>>)
      %dma_start3A_146 = arith.constant 0 : i32
      %dma_start3A_147 = arith.constant 0 : i32
      %dma_start3A_148 = tpu.memref_slice %arg4[%dma_start3A_146, %dma_start3A_147] : memref<10000x128xf32, #tpu.memory_space<hbm>> -> memref<10000x128xf32, #tpu.memory_space<hbm>>
      tpu.enqueue_indirect_dma source(%dma_start3A_148 : memref<10000x128xf32, #tpu.memory_space<hbm>>) target(%arg20 : memref<64x128xf32, #tpu.memory_space<vmem>>) offsets(%arg10 : memref<64xi32, #tpu.memory_space<vmem>>) semaphore(%arg30 : memref<!tpu.dma_semaphore, #tpu.memory_space<semaphore_mem>>)
      %dma_wait3A_149 = arith.constant 0 : i32
      %dma_wait3A_150 = arith.constant 0 : i32
      %dma_wait3A_151 = tpu.memref_slice %arg2[%dma_wait3A_149, %dma_wait3A_150] : memref<10000x128xf32, #tpu.memory_space<hbm>> -> memref<10000x128xf32, #tpu.memory_space<hbm>>
      tpu.wait_indirect_dma semaphore(%arg25 : memref<!tpu.dma_semaphore, #tpu.memory_space<semaphore_mem>>) src(%dma_wait3A_151 : memref<10000x128xf32, #tpu.memory_space<hbm>>) dst(%arg15 : memref<64x128xf32, #tpu.memory_space<vmem>>)
      %dma_wait3A_152 = arith.constant 0 : i32
      %dma_wait3A_153 = arith.constant 0 : i32
      %dma_wait3A_154 = tpu.memref_slice %arg3[%dma_wait3A_152, %dma_wait3A_153] : memref<10000x128xf32, #tpu.memory_space<hbm>> -> memref<10000x128xf32, #tpu.memory_space<hbm>>
      tpu.wait_indirect_dma semaphore(%arg27 : memref<!tpu.dma_semaphore, #tpu.memory_space<semaphore_mem>>) src(%dma_wait3A_154 : memref<10000x128xf32, #tpu.memory_space<hbm>>) dst(%arg17 : memref<64x128xf32, #tpu.memory_space<vmem>>)
      %dma_wait3A_155 = arith.constant 0 : i32
      %dma_wait3A_156 = arith.constant 0 : i32
      %dma_wait3A_157 = tpu.memref_slice %arg4[%dma_wait3A_155, %dma_wait3A_156] : memref<10000x128xf32, #tpu.memory_space<hbm>> -> memref<10000x128xf32, #tpu.memory_space<hbm>>
      tpu.wait_indirect_dma semaphore(%arg29 : memref<!tpu.dma_semaphore, #tpu.memory_space<semaphore_mem>>) src(%dma_wait3A_157 : memref<10000x128xf32, #tpu.memory_space<hbm>>) dst(%arg19 : memref<64x128xf32, #tpu.memory_space<vmem>>)
      %scan3A_158 = arith.constant 0 : i32
      %scan3A_159 = arith.constant 0 : i32
      %scan3A_160 = arith.constant 4 : i32
      %scan3A_161 = arith.addi %scan3A_159, %scan3A_160 : i32
      %scan3A_162 = arith.constant 1 : i32
      %scan3A_163 = scf.for %scan3A_244 = %scan3A_159 to %scan3A_161 step %scan3A_162 iter_args(%scan3A_245 = %scan3A_158) -> (i32)  : i32 {
        %mul3A_246 = arith.constant 16 : i32
        %mul3A_247 = arith.muli %scan3A_244, %mul3A_246 : i32
        %get3A = arith.index_cast %mul3A_247 : i32 to index
        %get3A_248 = tpu.vector_load %arg11[%get3A] {strides = array<i32>} : memref<64xi32, #tpu.memory_space<vmem>>, vector<16xi32>,
        %mul3A_249 = arith.constant 16 : i32
        %mul3A_250 = arith.muli %scan3A_244, %mul3A_249 : i32
        %swap3A = arith.index_cast %mul3A_250 : i32 to index
        %swap3A_251 = tpu.vector_load %arg13[%swap3A] {strides = array<i32>} : memref<64xi32, #tpu.memory_space<vmem>>, vector<16xi32>,
        tpu.vector_store %arg13[%swap3A], %get3A_248 {strides = array<i32>} : memref<64xi32, #tpu.memory_space<vmem>>, vector<16xi32>,
        %scan3A_252 = arith.constant 0 : i32
        scf.yield %scan3A_252 : i32
      }
      %scan3A_164 = arith.constant 4 : i32
      %add3A_165 = arith.constant 1 : i32
      %add3A_166 = arith.addi %while3A_123, %add3A_165 : i32
      %mul3A_167 = arith.constant 32 : i32
      %mul3A_168 = arith.muli %add3A_166, %mul3A_167 : i32
      %add3A_169 = arith.addi %add3A, %mul3A_168 : i32
      %mul3A_170 = arith.constant 2 : i32
      %mul3A_171 = arith.muli %mul3A_170, %add3A_169 : i32
      %add3A_172 = arith.constant 0 : i32
      %add3A_173 = arith.addi %mul3A_171, %add3A_172 : i32
      %convert_element_type3A_174 = arith.extui %lt3A_127 : i1 to i32
      %cond3A_175 = arith.constant 0 : i32
      %cond3A_176 = arith.cmpi ne, %convert_element_type3A_174, %cond3A_175 : i32
      scf.if %cond3A_176 {
        %mul3A_244 = arith.constant 64 : i32
        %mul3A_245 = arith.muli %add3A_173, %mul3A_244 : i32
        %dma_start3A_246 = tpu.memref_slice %arg5[%mul3A_245] : memref<320000xi32, #tpu.memory_space<hbm>> -> memref<64xi32, #tpu.memory_space<hbm>>
        %dma_start3A_247 = tpu.memref_slice %arg5[%mul3A_245] : memref<320000xi32, #tpu.memory_space<hbm>> -> memref<64xi32, #tpu.memory_space<hbm>>
        tpu.enqueue_dma source(%dma_start3A_247 : memref<64xi32, #tpu.memory_space<hbm>>) target(%arg9 : memref<64xi32, #tpu.memory_space<vmem>>) target_semaphore(%arg31 : memref<!tpu.dma_semaphore, #tpu.memory_space<semaphore_mem>>)
        %dma_start3A_248 = tpu.memref_slice %arg6[%mul3A_245] : memref<320000xi32, #tpu.memory_space<hbm>> -> memref<64xi32, #tpu.memory_space<hbm>>
        %dma_start3A_249 = tpu.memref_slice %arg6[%mul3A_245] : memref<320000xi32, #tpu.memory_space<hbm>> -> memref<64xi32, #tpu.memory_space<hbm>>
        tpu.enqueue_dma source(%dma_start3A_249 : memref<64xi32, #tpu.memory_space<hbm>>) target(%arg11 : memref<64xi32, #tpu.memory_space<vmem>>) target_semaphore(%arg31 : memref<!tpu.dma_semaphore, #tpu.memory_space<semaphore_mem>>)
      } else {
      }
      %lt3A_177 = arith.constant 8 : i32
      %lt3A_178 = vector.broadcast %lt3A_177 : i32 to vector<16xi32>
      %lt3A_179 = arith.cmpi slt, %iota3A, %lt3A_178 : vector<16xi32>
      %scan3A_180 = arith.constant 0 : i32
      %scan3A_181 = arith.constant 0 : i32
      %scan3A_182 = arith.constant 4 : i32
      %scan3A_183 = arith.addi %scan3A_181, %scan3A_182 : i32
      %scan3A_184 = arith.constant 1 : i32
      %scan3A_185 = scf.for %scan3A_244 = %scan3A_181 to %scan3A_183 step %scan3A_184 iter_args(%scan3A_245 = %scan3A_180) -> (i32)  : i32 {
        %mul3A_246 = arith.constant 16 : i32
        %mul3A_247 = arith.muli %scan3A_244, %mul3A_246 : i32
        %broadcast_in_dim3A = arith.constant 0.000000e+00 : f32
        %broadcast_in_dim3A_248 = vector.broadcast %broadcast_in_dim3A : f32 to vector<16xf32>
        %scan3A_249 = arith.constant 0 : i32
        %scan3A_250 = arith.constant 8 : i32
        %scan3A_251 = arith.addi %scan3A_249, %scan3A_250 : i32
        %scan3A_252 = arith.constant 1 : i32
        %scan3A_253 = scf.for %scan3A_268 = %scan3A_249 to %scan3A_251 step %scan3A_252 iter_args(%scan3A_269 = %broadcast_in_dim3A_248) -> (vector<16xf32>)  : i32 {
          %add3A_270 = arith.addi %mul3A_247, %scan3A_268 : i32
          %get3A = arith.index_cast %add3A_270 : i32 to index
          %get3A_271 = arith.constant 0 : index
          %get3A_272 = tpu.vector_load %arg15[%get3A, %get3A_271] {strides = array<i32>} : memref<64x128xf32, #tpu.memory_space<vmem>>, vector<16xf32>,
          %get3A_273 = arith.index_cast %add3A_270 : i32 to index
          %get3A_274 = arith.constant 0 : index
          %get3A_275 = tpu.vector_load %arg17[%get3A_273, %get3A_274] {strides = array<i32>} : memref<64x128xf32, #tpu.memory_space<vmem>>, vector<16xf32>,
          %mul3A_276 = arith.mulf %get3A_272, %get3A_275 : vector<16xf32>
          %get3A_277 = arith.index_cast %add3A_270 : i32 to index
          %get3A_278 = arith.constant 16 : index
          %get3A_279 = tpu.vector_load %arg15[%get3A_277, %get3A_278] {strides = array<i32>} : memref<64x128xf32, #tpu.memory_space<vmem>>, vector<16xf32>,
          %get3A_280 = arith.index_cast %add3A_270 : i32 to index
          %get3A_281 = arith.constant 16 : index
          %get3A_282 = tpu.vector_load %arg17[%get3A_280, %get3A_281] {strides = array<i32>} : memref<64x128xf32, #tpu.memory_space<vmem>>, vector<16xf32>,
          %mul3A_283 = arith.mulf %get3A_279, %get3A_282 : vector<16xf32>
          %add3A_284 = arith.addf %mul3A_276, %mul3A_283 : vector<16xf32>
          %get3A_285 = arith.index_cast %add3A_270 : i32 to index
          %get3A_286 = arith.constant 32 : index
          %get3A_287 = tpu.vector_load %arg15[%get3A_285, %get3A_286] {strides = array<i32>} : memref<64x128xf32, #tpu.memory_space<vmem>>, vector<16xf32>,
          %get3A_288 = arith.index_cast %add3A_270 : i32 to index
          %get3A_289 = arith.constant 32 : index
          %get3A_290 = tpu.vector_load %arg17[%get3A_288, %get3A_289] {strides = array<i32>} : memref<64x128xf32, #tpu.memory_space<vmem>>, vector<16xf32>,
          %mul3A_291 = arith.mulf %get3A_287, %get3A_290 : vector<16xf32>
          %add3A_292 = arith.addf %add3A_284, %mul3A_291 : vector<16xf32>
          %get3A_293 = arith.index_cast %add3A_270 : i32 to index
          %get3A_294 = arith.constant 48 : index
          %get3A_295 = tpu.vector_load %arg15[%get3A_293, %get3A_294] {strides = array<i32>} : memref<64x128xf32, #tpu.memory_space<vmem>>, vector<16xf32>,
          %get3A_296 = arith.index_cast %add3A_270 : i32 to index
          %get3A_297 = arith.constant 48 : index
          %get3A_298 = tpu.vector_load %arg17[%get3A_296, %get3A_297] {strides = array<i32>} : memref<64x128xf32, #tpu.memory_space<vmem>>, vector<16xf32>,
          %mul3A_299 = arith.mulf %get3A_295, %get3A_298 : vector<16xf32>
          %add3A_300 = arith.addf %add3A_292, %mul3A_299 : vector<16xf32>
          %get3A_301 = arith.index_cast %add3A_270 : i32 to index
          %get3A_302 = arith.constant 64 : index
          %get3A_303 = tpu.vector_load %arg15[%get3A_301, %get3A_302] {strides = array<i32>} : memref<64x128xf32, #tpu.memory_space<vmem>>, vector<16xf32>,
          %get3A_304 = arith.index_cast %add3A_270 : i32 to index
          %get3A_305 = arith.constant 64 : index
          %get3A_306 = tpu.vector_load %arg17[%get3A_304, %get3A_305] {strides = array<i32>} : memref<64x128xf32, #tpu.memory_space<vmem>>, vector<16xf32>,
          %mul3A_307 = arith.mulf %get3A_303, %get3A_306 : vector<16xf32>
          %add3A_308 = arith.addf %add3A_300, %mul3A_307 : vector<16xf32>
          %get3A_309 = arith.index_cast %add3A_270 : i32 to index
          %get3A_310 = arith.constant 80 : index
          %get3A_311 = tpu.vector_load %arg15[%get3A_309, %get3A_310] {strides = array<i32>} : memref<64x128xf32, #tpu.memory_space<vmem>>, vector<16xf32>,
          %get3A_312 = arith.index_cast %add3A_270 : i32 to index
          %get3A_313 = arith.constant 80 : index
          %get3A_314 = tpu.vector_load %arg17[%get3A_312, %get3A_313] {strides = array<i32>} : memref<64x128xf32, #tpu.memory_space<vmem>>, vector<16xf32>,
          %mul3A_315 = arith.mulf %get3A_311, %get3A_314 : vector<16xf32>
          %add3A_316 = arith.addf %add3A_308, %mul3A_315 : vector<16xf32>
          %get3A_317 = arith.index_cast %add3A_270 : i32 to index
          %get3A_318 = arith.constant 96 : index
          %get3A_319 = tpu.vector_load %arg15[%get3A_317, %get3A_318] {strides = array<i32>} : memref<64x128xf32, #tpu.memory_space<vmem>>, vector<16xf32>,
          %get3A_320 = arith.index_cast %add3A_270 : i32 to index
          %get3A_321 = arith.constant 96 : index
          %get3A_322 = tpu.vector_load %arg17[%get3A_320, %get3A_321] {strides = array<i32>} : memref<64x128xf32, #tpu.memory_space<vmem>>, vector<16xf32>,
          %mul3A_323 = arith.mulf %get3A_319, %get3A_322 : vector<16xf32>
          %add3A_324 = arith.addf %add3A_316, %mul3A_323 : vector<16xf32>
          %get3A_325 = arith.index_cast %add3A_270 : i32 to index
          %get3A_326 = arith.constant 112 : index
          %get3A_327 = tpu.vector_load %arg15[%get3A_325, %get3A_326] {strides = array<i32>} : memref<64x128xf32, #tpu.memory_space<vmem>>, vector<16xf32>,
          %get3A_328 = arith.index_cast %add3A_270 : i32 to index
          %get3A_329 = arith.constant 112 : index
          %get3A_330 = tpu.vector_load %arg17[%get3A_328, %get3A_329] {strides = array<i32>} : memref<64x128xf32, #tpu.memory_space<vmem>>, vector<16xf32>,
          %mul3A_331 = arith.mulf %get3A_327, %get3A_330 : vector<16xf32>
          %add3A_332 = arith.addf %add3A_324, %mul3A_331 : vector<16xf32>
          %add3A_333 = arith.addi %mul3A_247, %scan3A_268 : i32
          %add3A_334 = arith.constant 8 : i32
          %add3A_335 = arith.addi %add3A_333, %add3A_334 : i32
          %get3A_336 = arith.index_cast %add3A_335 : i32 to index
          %get3A_337 = arith.constant 0 : index
          %get3A_338 = tpu.vector_load %arg15[%get3A_336, %get3A_337] {strides = array<i32>} : memref<64x128xf32, #tpu.memory_space<vmem>>, vector<16xf32>,
          %get3A_339 = arith.index_cast %add3A_335 : i32 to index
          %get3A_340 = arith.constant 0 : index
          %get3A_341 = tpu.vector_load %arg17[%get3A_339, %get3A_340] {strides = array<i32>} : memref<64x128xf32, #tpu.memory_space<vmem>>, vector<16xf32>,
          %mul3A_342 = arith.mulf %get3A_338, %get3A_341 : vector<16xf32>
          %get3A_343 = arith.index_cast %add3A_335 : i32 to index
          %get3A_344 = arith.constant 16 : index
          %get3A_345 = tpu.vector_load %arg15[%get3A_343, %get3A_344] {strides = array<i32>} : memref<64x128xf32, #tpu.memory_space<vmem>>, vector<16xf32>,
          %get3A_346 = arith.index_cast %add3A_335 : i32 to index
          %get3A_347 = arith.constant 16 : index
          %get3A_348 = tpu.vector_load %arg17[%get3A_346, %get3A_347] {strides = array<i32>} : memref<64x128xf32, #tpu.memory_space<vmem>>, vector<16xf32>,
          %mul3A_349 = arith.mulf %get3A_345, %get3A_348 : vector<16xf32>
          %add3A_350 = arith.addf %mul3A_342, %mul3A_349 : vector<16xf32>
          %get3A_351 = arith.index_cast %add3A_335 : i32 to index
          %get3A_352 = arith.constant 32 : index
          %get3A_353 = tpu.vector_load %arg15[%get3A_351, %get3A_352] {strides = array<i32>} : memref<64x128xf32, #tpu.memory_space<vmem>>, vector<16xf32>,
          %get3A_354 = arith.index_cast %add3A_335 : i32 to index
          %get3A_355 = arith.constant 32 : index
          %get3A_356 = tpu.vector_load %arg17[%get3A_354, %get3A_355] {strides = array<i32>} : memref<64x128xf32, #tpu.memory_space<vmem>>, vector<16xf32>,
          %mul3A_357 = arith.mulf %get3A_353, %get3A_356 : vector<16xf32>
          %add3A_358 = arith.addf %add3A_350, %mul3A_357 : vector<16xf32>
          %get3A_359 = arith.index_cast %add3A_335 : i32 to index
          %get3A_360 = arith.constant 48 : index
          %get3A_361 = tpu.vector_load %arg15[%get3A_359, %get3A_360] {strides = array<i32>} : memref<64x128xf32, #tpu.memory_space<vmem>>, vector<16xf32>,
          %get3A_362 = arith.index_cast %add3A_335 : i32 to index
          %get3A_363 = arith.constant 48 : index
          %get3A_364 = tpu.vector_load %arg17[%get3A_362, %get3A_363] {strides = array<i32>} : memref<64x128xf32, #tpu.memory_space<vmem>>, vector<16xf32>,
          %mul3A_365 = arith.mulf %get3A_361, %get3A_364 : vector<16xf32>
          %add3A_366 = arith.addf %add3A_358, %mul3A_365 : vector<16xf32>
          %get3A_367 = arith.index_cast %add3A_335 : i32 to index
          %get3A_368 = arith.constant 64 : index
          %get3A_369 = tpu.vector_load %arg15[%get3A_367, %get3A_368] {strides = array<i32>} : memref<64x128xf32, #tpu.memory_space<vmem>>, vector<16xf32>,
          %get3A_370 = arith.index_cast %add3A_335 : i32 to index
          %get3A_371 = arith.constant 64 : index
          %get3A_372 = tpu.vector_load %arg17[%get3A_370, %get3A_371] {strides = array<i32>} : memref<64x128xf32, #tpu.memory_space<vmem>>, vector<16xf32>,
          %mul3A_373 = arith.mulf %get3A_369, %get3A_372 : vector<16xf32>
          %add3A_374 = arith.addf %add3A_366, %mul3A_373 : vector<16xf32>
          %get3A_375 = arith.index_cast %add3A_335 : i32 to index
          %get3A_376 = arith.constant 80 : index
          %get3A_377 = tpu.vector_load %arg15[%get3A_375, %get3A_376] {strides = array<i32>} : memref<64x128xf32, #tpu.memory_space<vmem>>, vector<16xf32>,
          %get3A_378 = arith.index_cast %add3A_335 : i32 to index
          %get3A_379 = arith.constant 80 : index
          %get3A_380 = tpu.vector_load %arg17[%get3A_378, %get3A_379] {strides = array<i32>} : memref<64x128xf32, #tpu.memory_space<vmem>>, vector<16xf32>,
          %mul3A_381 = arith.mulf %get3A_377, %get3A_380 : vector<16xf32>
          %add3A_382 = arith.addf %add3A_374, %mul3A_381 : vector<16xf32>
          %get3A_383 = arith.index_cast %add3A_335 : i32 to index
          %get3A_384 = arith.constant 96 : index
          %get3A_385 = tpu.vector_load %arg15[%get3A_383, %get3A_384] {strides = array<i32>} : memref<64x128xf32, #tpu.memory_space<vmem>>, vector<16xf32>,
          %get3A_386 = arith.index_cast %add3A_335 : i32 to index
          %get3A_387 = arith.constant 96 : index
          %get3A_388 = tpu.vector_load %arg17[%get3A_386, %get3A_387] {strides = array<i32>} : memref<64x128xf32, #tpu.memory_space<vmem>>, vector<16xf32>,
          %mul3A_389 = arith.mulf %get3A_385, %get3A_388 : vector<16xf32>
          %add3A_390 = arith.addf %add3A_382, %mul3A_389 : vector<16xf32>
          %get3A_391 = arith.index_cast %add3A_335 : i32 to index
          %get3A_392 = arith.constant 112 : index
          %get3A_393 = tpu.vector_load %arg15[%get3A_391, %get3A_392] {strides = array<i32>} : memref<64x128xf32, #tpu.memory_space<vmem>>, vector<16xf32>,
          %get3A_394 = arith.index_cast %add3A_335 : i32 to index
          %get3A_395 = arith.constant 112 : index
          %get3A_396 = tpu.vector_load %arg17[%get3A_394, %get3A_395] {strides = array<i32>} : memref<64x128xf32, #tpu.memory_space<vmem>>, vector<16xf32>,
          %mul3A_397 = arith.mulf %get3A_393, %get3A_396 : vector<16xf32>
          %add3A_398 = arith.addf %add3A_390, %mul3A_397 : vector<16xf32>
          %xor3A = arith.constant 8 : i32
          %xor3A_399 = vector.broadcast %xor3A : i32 to vector<16xi32>
          %xor3A_400 = arith.xori %iota3A, %xor3A_399 : vector<16xi32>
          %lt3A_401 = arith.constant 0 : i32
          %lt3A_402 = vector.broadcast %lt3A_401 : i32 to vector<16xi32>
          %lt3A_403 = arith.cmpi slt, %xor3A_400, %lt3A_402 : vector<16xi32>
          %add3A_404 = arith.constant 16 : i32
          %add3A_405 = vector.broadcast %add3A_404 : i32 to vector<16xi32>
          %add3A_406 = arith.addi %xor3A_400, %add3A_405 : vector<16xi32>
          %select_n3A_407 = arith.select %lt3A_403, %add3A_406, %xor3A_400 : vector<16xi1>, vector<16xi32>
          %broadcast_in_dim3A_408 = vector.shape_cast %select_n3A_407 : vector<16xi32> to vector<16x1xi32>
          %gather3A = vector.shape_cast %broadcast_in_dim3A_408 : vector<16x1xi32> to vector<16xi32>
          %gather3A_409 = tpu.dynamic_gather %add3A_332[%gather3A] in [0] : vector<16xf32>, vector<16xi32> -> vector<16xf32>
          %add3A_410 = arith.addf %add3A_332, %gather3A_409 : vector<16xf32>
          %xor3A_411 = arith.constant 8 : i32
          %xor3A_412 = vector.broadcast %xor3A_411 : i32 to vector<16xi32>
          %xor3A_413 = arith.xori %iota3A, %xor3A_412 : vector<16xi32>
          %lt3A_414 = arith.constant 0 : i32
          %lt3A_415 = vector.broadcast %lt3A_414 : i32 to vector<16xi32>
          %lt3A_416 = arith.cmpi slt, %xor3A_413, %lt3A_415 : vector<16xi32>
          %add3A_417 = arith.constant 16 : i32
          %add3A_418 = vector.broadcast %add3A_417 : i32 to vector<16xi32>
          %add3A_419 = arith.addi %xor3A_413, %add3A_418 : vector<16xi32>
          %select_n3A_420 = arith.select %lt3A_416, %add3A_419, %xor3A_413 : vector<16xi1>, vector<16xi32>
          %broadcast_in_dim3A_421 = vector.shape_cast %select_n3A_420 : vector<16xi32> to vector<16x1xi32>
          %gather3A_422 = vector.shape_cast %broadcast_in_dim3A_421 : vector<16x1xi32> to vector<16xi32>
          %gather3A_423 = tpu.dynamic_gather %add3A_398[%gather3A_422] in [0] : vector<16xf32>, vector<16xi32> -> vector<16xf32>
          %add3A_424 = arith.addf %add3A_398, %gather3A_423 : vector<16xf32>
          %select_n3A_425 = arith.select %lt3A_179, %add3A_410, %add3A_424 : vector<16xi1>, vector<16xf32>
          %xor3A_426 = arith.constant 4 : i32
          %xor3A_427 = vector.broadcast %xor3A_426 : i32 to vector<16xi32>
          %xor3A_428 = arith.xori %iota3A, %xor3A_427 : vector<16xi32>
          %lt3A_429 = arith.constant 0 : i32
          %lt3A_430 = vector.broadcast %lt3A_429 : i32 to vector<16xi32>
          %lt3A_431 = arith.cmpi slt, %xor3A_428, %lt3A_430 : vector<16xi32>
          %add3A_432 = arith.constant 16 : i32
          %add3A_433 = vector.broadcast %add3A_432 : i32 to vector<16xi32>
          %add3A_434 = arith.addi %xor3A_428, %add3A_433 : vector<16xi32>
          %select_n3A_435 = arith.select %lt3A_431, %add3A_434, %xor3A_428 : vector<16xi1>, vector<16xi32>
          %broadcast_in_dim3A_436 = vector.shape_cast %select_n3A_435 : vector<16xi32> to vector<16x1xi32>
          %gather3A_437 = vector.shape_cast %broadcast_in_dim3A_436 : vector<16x1xi32> to vector<16xi32>
          %gather3A_438 = tpu.dynamic_gather %select_n3A_425[%gather3A_437] in [0] : vector<16xf32>, vector<16xi32> -> vector<16xf32>
          %add3A_439 = arith.addf %select_n3A_425, %gather3A_438 : vector<16xf32>
          %xor3A_440 = arith.constant 2 : i32
          %xor3A_441 = vector.broadcast %xor3A_440 : i32 to vector<16xi32>
          %xor3A_442 = arith.xori %iota3A, %xor3A_441 : vector<16xi32>
          %lt3A_443 = arith.constant 0 : i32
          %lt3A_444 = vector.broadcast %lt3A_443 : i32 to vector<16xi32>
          %lt3A_445 = arith.cmpi slt, %xor3A_442, %lt3A_444 : vector<16xi32>
          %add3A_446 = arith.constant 16 : i32
          %add3A_447 = vector.broadcast %add3A_446 : i32 to vector<16xi32>
          %add3A_448 = arith.addi %xor3A_442, %add3A_447 : vector<16xi32>
          %select_n3A_449 = arith.select %lt3A_445, %add3A_448, %xor3A_442 : vector<16xi1>, vector<16xi32>
          %broadcast_in_dim3A_450 = vector.shape_cast %select_n3A_449 : vector<16xi32> to vector<16x1xi32>
          %gather3A_451 = vector.shape_cast %broadcast_in_dim3A_450 : vector<16x1xi32> to vector<16xi32>
          %gather3A_452 = tpu.dynamic_gather %add3A_439[%gather3A_451] in [0] : vector<16xf32>, vector<16xi32> -> vector<16xf32>
          %add3A_453 = arith.addf %add3A_439, %gather3A_452 : vector<16xf32>
          %xor3A_454 = arith.constant 1 : i32
          %xor3A_455 = vector.broadcast %xor3A_454 : i32 to vector<16xi32>
          %xor3A_456 = arith.xori %iota3A, %xor3A_455 : vector<16xi32>
          %lt3A_457 = arith.constant 0 : i32
          %lt3A_458 = vector.broadcast %lt3A_457 : i32 to vector<16xi32>
          %lt3A_459 = arith.cmpi slt, %xor3A_456, %lt3A_458 : vector<16xi32>
          %add3A_460 = arith.constant 16 : i32
          %add3A_461 = vector.broadcast %add3A_460 : i32 to vector<16xi32>
          %add3A_462 = arith.addi %xor3A_456, %add3A_461 : vector<16xi32>
          %select_n3A_463 = arith.select %lt3A_459, %add3A_462, %xor3A_456 : vector<16xi1>, vector<16xi32>
          %broadcast_in_dim3A_464 = vector.shape_cast %select_n3A_463 : vector<16xi32> to vector<16x1xi32>
          %gather3A_465 = vector.shape_cast %broadcast_in_dim3A_464 : vector<16x1xi32> to vector<16xi32>
          %gather3A_466 = tpu.dynamic_gather %add3A_453[%gather3A_465] in [0] : vector<16xf32>, vector<16xi32> -> vector<16xf32>
          %add3A_467 = arith.addf %add3A_453, %gather3A_466 : vector<16xf32>
          %mul3A_468 = arith.constant 0.0883883461 : f32
          %mul3A_469 = vector.broadcast %mul3A_468 : f32 to vector<16xf32>
          %mul3A_470 = arith.mulf %add3A_467, %mul3A_469 : vector<16xf32>
          %eq3A_471 = vector.broadcast %scan3A_268 : i32 to vector<16xi32>
          %eq3A_472 = arith.cmpi eq, %iota3A, %eq3A_471 : vector<16xi32>
          %select_n3A_473 = arith.select %eq3A_472, %mul3A_470, %scan3A_269 : vector<16xi1>, vector<16xf32>
          %add3A_474 = arith.constant 8 : i32
          %add3A_475 = arith.addi %scan3A_268, %add3A_474 : i32
          %eq3A_476 = vector.broadcast %add3A_475 : i32 to vector<16xi32>
          %eq3A_477 = arith.cmpi eq, %iota3A, %eq3A_476 : vector<16xi32>
          %select_n3A_478 = arith.select %eq3A_477, %mul3A_470, %select_n3A_473 : vector<16xi1>, vector<16xf32>
          scf.yield %select_n3A_478 : vector<16xf32>
        }
        %scan3A_254 = arith.constant 8 : i32
        %max3A = arith.constant -6.000000e+01 : f32
        %max3A_255 = vector.broadcast %max3A : f32 to vector<16xf32>
        %max3A_256 = arith.maximumf %scan3A_253, %max3A_255 : vector<16xf32>
        %min3A = arith.constant 6.000000e+01 : f32
        %min3A_257 = vector.broadcast %min3A : f32 to vector<16xf32>
        %min3A_258 = arith.minimumf %max3A_256, %min3A_257 : vector<16xf32>
        %exp3A = math.exp %min3A_258 : vector<16xf32>
        %swap3A = arith.index_cast %mul3A_247 : i32 to index
        %swap3A_259 = tpu.vector_load %arg21[%swap3A] {strides = array<i32>} : memref<64xf32, #tpu.memory_space<vmem>>, vector<16xf32>,
        tpu.vector_store %arg21[%swap3A], %exp3A {strides = array<i32>} : memref<64xf32, #tpu.memory_space<vmem>>, vector<16xf32>,
        %scan3A_260 = arith.constant 0 : i32
        %scan3A_261 = arith.constant 0 : i32
        %scan3A_262 = arith.constant 8 : i32
        %scan3A_263 = arith.addi %scan3A_261, %scan3A_262 : i32
        %scan3A_264 = arith.constant 1 : i32
        %scan3A_265 = scf.for %scan3A_268 = %scan3A_261 to %scan3A_263 step %scan3A_264 iter_args(%scan3A_269 = %scan3A_260) -> (i32)  : i32 {
          %add3A_270 = arith.addi %mul3A_247, %scan3A_268 : i32
          %add3A_271 = arith.constant 0 : i32
          %add3A_272 = arith.addi %add3A_270, %add3A_271 : i32
          %broadcast_in_dim3A_273 = arith.constant 0 : i32
          %broadcast_in_dim3A_274 = vector.broadcast %broadcast_in_dim3A_273 : i32 to vector<16xi32>
          %add3A_275 = arith.constant 0 : i32
          %add3A_276 = arith.addi %scan3A_268, %add3A_275 : i32
          %add3A_277 = vector.broadcast %add3A_276 : i32 to vector<16xi32>
          %add3A_278 = arith.addi %broadcast_in_dim3A_274, %add3A_277 : vector<16xi32>
          %lt3A_279 = arith.constant 0 : i32
          %lt3A_280 = vector.broadcast %lt3A_279 : i32 to vector<16xi32>
          %lt3A_281 = arith.cmpi slt, %add3A_278, %lt3A_280 : vector<16xi32>
          %add3A_282 = arith.constant 16 : i32
          %add3A_283 = vector.broadcast %add3A_282 : i32 to vector<16xi32>
          %add3A_284 = arith.addi %add3A_278, %add3A_283 : vector<16xi32>
          %select_n3A_285 = arith.select %lt3A_281, %add3A_284, %add3A_278 : vector<16xi1>, vector<16xi32>
          %broadcast_in_dim3A_286 = vector.shape_cast %select_n3A_285 : vector<16xi32> to vector<16x1xi32>
          %gather3A = vector.shape_cast %broadcast_in_dim3A_286 : vector<16x1xi32> to vector<16xi32>
          %gather3A_287 = tpu.dynamic_gather %exp3A[%gather3A] in [0] : vector<16xf32>, vector<16xi32> -> vector<16xf32>
          %get3A = arith.index_cast %add3A_272 : i32 to index
          %get3A_288 = arith.constant 0 : index
          %get3A_289 = tpu.vector_load %arg19[%get3A, %get3A_288] {strides = array<i32>} : memref<64x128xf32, #tpu.memory_space<vmem>>, vector<16xf32>,
          %mul3A_290 = arith.mulf %gather3A_287, %get3A_289 : vector<16xf32>
          %swap3A_291 = arith.index_cast %add3A_272 : i32 to index
          %swap3A_292 = arith.constant 0 : index
          %swap3A_293 = tpu.vector_load %arg19[%swap3A_291, %swap3A_292] {strides = array<i32>} : memref<64x128xf32, #tpu.memory_space<vmem>>, vector<16xf32>,
          tpu.vector_store %arg19[%swap3A_291, %swap3A_292], %mul3A_290 {strides = array<i32>} : memref<64x128xf32, #tpu.memory_space<vmem>>, vector<16xf32>,
          %get3A_294 = arith.index_cast %add3A_272 : i32 to index
          %get3A_295 = arith.constant 16 : index
          %get3A_296 = tpu.vector_load %arg19[%get3A_294, %get3A_295] {strides = array<i32>} : memref<64x128xf32, #tpu.memory_space<vmem>>, vector<16xf32>,
          %mul3A_297 = arith.mulf %gather3A_287, %get3A_296 : vector<16xf32>
          %swap3A_298 = arith.index_cast %add3A_272 : i32 to index
          %swap3A_299 = arith.constant 16 : index
          %swap3A_300 = tpu.vector_load %arg19[%swap3A_298, %swap3A_299] {strides = array<i32>} : memref<64x128xf32, #tpu.memory_space<vmem>>, vector<16xf32>,
          tpu.vector_store %arg19[%swap3A_298, %swap3A_299], %mul3A_297 {strides = array<i32>} : memref<64x128xf32, #tpu.memory_space<vmem>>, vector<16xf32>,
          %get3A_301 = arith.index_cast %add3A_272 : i32 to index
          %get3A_302 = arith.constant 32 : index
          %get3A_303 = tpu.vector_load %arg19[%get3A_301, %get3A_302] {strides = array<i32>} : memref<64x128xf32, #tpu.memory_space<vmem>>, vector<16xf32>,
          %mul3A_304 = arith.mulf %gather3A_287, %get3A_303 : vector<16xf32>
          %swap3A_305 = arith.index_cast %add3A_272 : i32 to index
          %swap3A_306 = arith.constant 32 : index
          %swap3A_307 = tpu.vector_load %arg19[%swap3A_305, %swap3A_306] {strides = array<i32>} : memref<64x128xf32, #tpu.memory_space<vmem>>, vector<16xf32>,
          tpu.vector_store %arg19[%swap3A_305, %swap3A_306], %mul3A_304 {strides = array<i32>} : memref<64x128xf32, #tpu.memory_space<vmem>>, vector<16xf32>,
          %get3A_308 = arith.index_cast %add3A_272 : i32 to index
          %get3A_309 = arith.constant 48 : index
          %get3A_310 = tpu.vector_load %arg19[%get3A_308, %get3A_309] {strides = array<i32>} : memref<64x128xf32, #tpu.memory_space<vmem>>, vector<16xf32>,
          %mul3A_311 = arith.mulf %gather3A_287, %get3A_310 : vector<16xf32>
          %swap3A_312 = arith.index_cast %add3A_272 : i32 to index
          %swap3A_313 = arith.constant 48 : index
          %swap3A_314 = tpu.vector_load %arg19[%swap3A_312, %swap3A_313] {strides = array<i32>} : memref<64x128xf32, #tpu.memory_space<vmem>>, vector<16xf32>,
          tpu.vector_store %arg19[%swap3A_312, %swap3A_313], %mul3A_311 {strides = array<i32>} : memref<64x128xf32, #tpu.memory_space<vmem>>, vector<16xf32>,
          %get3A_315 = arith.index_cast %add3A_272 : i32 to index
          %get3A_316 = arith.constant 64 : index
          %get3A_317 = tpu.vector_load %arg19[%get3A_315, %get3A_316] {strides = array<i32>} : memref<64x128xf32, #tpu.memory_space<vmem>>, vector<16xf32>,
          %mul3A_318 = arith.mulf %gather3A_287, %get3A_317 : vector<16xf32>
          %swap3A_319 = arith.index_cast %add3A_272 : i32 to index
          %swap3A_320 = arith.constant 64 : index
          %swap3A_321 = tpu.vector_load %arg19[%swap3A_319, %swap3A_320] {strides = array<i32>} : memref<64x128xf32, #tpu.memory_space<vmem>>, vector<16xf32>,
          tpu.vector_store %arg19[%swap3A_319, %swap3A_320], %mul3A_318 {strides = array<i32>} : memref<64x128xf32, #tpu.memory_space<vmem>>, vector<16xf32>,
          %get3A_322 = arith.index_cast %add3A_272 : i32 to index
          %get3A_323 = arith.constant 80 : index
          %get3A_324 = tpu.vector_load %arg19[%get3A_322, %get3A_323] {strides = array<i32>} : memref<64x128xf32, #tpu.memory_space<vmem>>, vector<16xf32>,
          %mul3A_325 = arith.mulf %gather3A_287, %get3A_324 : vector<16xf32>
          %swap3A_326 = arith.index_cast %add3A_272 : i32 to index
          %swap3A_327 = arith.constant 80 : index
          %swap3A_328 = tpu.vector_load %arg19[%swap3A_326, %swap3A_327] {strides = array<i32>} : memref<64x128xf32, #tpu.memory_space<vmem>>, vector<16xf32>,
          tpu.vector_store %arg19[%swap3A_326, %swap3A_327], %mul3A_325 {strides = array<i32>} : memref<64x128xf32, #tpu.memory_space<vmem>>, vector<16xf32>,
          %get3A_329 = arith.index_cast %add3A_272 : i32 to index
          %get3A_330 = arith.constant 96 : index
          %get3A_331 = tpu.vector_load %arg19[%get3A_329, %get3A_330] {strides = array<i32>} : memref<64x128xf32, #tpu.memory_space<vmem>>, vector<16xf32>,
          %mul3A_332 = arith.mulf %gather3A_287, %get3A_331 : vector<16xf32>
          %swap3A_333 = arith.index_cast %add3A_272 : i32 to index
          %swap3A_334 = arith.constant 96 : index
          %swap3A_335 = tpu.vector_load %arg19[%swap3A_333, %swap3A_334] {strides = array<i32>} : memref<64x128xf32, #tpu.memory_space<vmem>>, vector<16xf32>,
          tpu.vector_store %arg19[%swap3A_333, %swap3A_334], %mul3A_332 {strides = array<i32>} : memref<64x128xf32, #tpu.memory_space<vmem>>, vector<16xf32>,
          %get3A_336 = arith.index_cast %add3A_272 : i32 to index
          %get3A_337 = arith.constant 112 : index
          %get3A_338 = tpu.vector_load %arg19[%get3A_336, %get3A_337] {strides = array<i32>} : memref<64x128xf32, #tpu.memory_space<vmem>>, vector<16xf32>,
          %mul3A_339 = arith.mulf %gather3A_287, %get3A_338 : vector<16xf32>
          %swap3A_340 = arith.index_cast %add3A_272 : i32 to index
          %swap3A_341 = arith.constant 112 : index
          %swap3A_342 = tpu.vector_load %arg19[%swap3A_340, %swap3A_341] {strides = array<i32>} : memref<64x128xf32, #tpu.memory_space<vmem>>, vector<16xf32>,
          tpu.vector_store %arg19[%swap3A_340, %swap3A_341], %mul3A_339 {strides = array<i32>} : memref<64x128xf32, #tpu.memory_space<vmem>>, vector<16xf32>,
          %add3A_343 = arith.addi %mul3A_247, %scan3A_268 : i32
          %add3A_344 = arith.constant 8 : i32
          %add3A_345 = arith.addi %add3A_343, %add3A_344 : i32
          %broadcast_in_dim3A_346 = arith.constant 0 : i32
          %broadcast_in_dim3A_347 = vector.broadcast %broadcast_in_dim3A_346 : i32 to vector<16xi32>
          %add3A_348 = arith.constant 8 : i32
          %add3A_349 = arith.addi %scan3A_268, %add3A_348 : i32
          %add3A_350 = vector.broadcast %add3A_349 : i32 to vector<16xi32>
          %add3A_351 = arith.addi %broadcast_in_dim3A_347, %add3A_350 : vector<16xi32>
          %lt3A_352 = arith.constant 0 : i32
          %lt3A_353 = vector.broadcast %lt3A_352 : i32 to vector<16xi32>
          %lt3A_354 = arith.cmpi slt, %add3A_351, %lt3A_353 : vector<16xi32>
          %add3A_355 = arith.constant 16 : i32
          %add3A_356 = vector.broadcast %add3A_355 : i32 to vector<16xi32>
          %add3A_357 = arith.addi %add3A_351, %add3A_356 : vector<16xi32>
          %select_n3A_358 = arith.select %lt3A_354, %add3A_357, %add3A_351 : vector<16xi1>, vector<16xi32>
          %broadcast_in_dim3A_359 = vector.shape_cast %select_n3A_358 : vector<16xi32> to vector<16x1xi32>
          %gather3A_360 = vector.shape_cast %broadcast_in_dim3A_359 : vector<16x1xi32> to vector<16xi32>
          %gather3A_361 = tpu.dynamic_gather %exp3A[%gather3A_360] in [0] : vector<16xf32>, vector<16xi32> -> vector<16xf32>
          %get3A_362 = arith.index_cast %add3A_345 : i32 to index
          %get3A_363 = arith.constant 0 : index
          %get3A_364 = tpu.vector_load %arg19[%get3A_362, %get3A_363] {strides = array<i32>} : memref<64x128xf32, #tpu.memory_space<vmem>>, vector<16xf32>,
          %mul3A_365 = arith.mulf %gather3A_361, %get3A_364 : vector<16xf32>
          %swap3A_366 = arith.index_cast %add3A_345 : i32 to index
          %swap3A_367 = arith.constant 0 : index
          %swap3A_368 = tpu.vector_load %arg19[%swap3A_366, %swap3A_367] {strides = array<i32>} : memref<64x128xf32, #tpu.memory_space<vmem>>, vector<16xf32>,
          tpu.vector_store %arg19[%swap3A_366, %swap3A_367], %mul3A_365 {strides = array<i32>} : memref<64x128xf32, #tpu.memory_space<vmem>>, vector<16xf32>,
          %get3A_369 = arith.index_cast %add3A_345 : i32 to index
          %get3A_370 = arith.constant 16 : index
          %get3A_371 = tpu.vector_load %arg19[%get3A_369, %get3A_370] {strides = array<i32>} : memref<64x128xf32, #tpu.memory_space<vmem>>, vector<16xf32>,
          %mul3A_372 = arith.mulf %gather3A_361, %get3A_371 : vector<16xf32>
          %swap3A_373 = arith.index_cast %add3A_345 : i32 to index
          %swap3A_374 = arith.constant 16 : index
          %swap3A_375 = tpu.vector_load %arg19[%swap3A_373, %swap3A_374] {strides = array<i32>} : memref<64x128xf32, #tpu.memory_space<vmem>>, vector<16xf32>,
          tpu.vector_store %arg19[%swap3A_373, %swap3A_374], %mul3A_372 {strides = array<i32>} : memref<64x128xf32, #tpu.memory_space<vmem>>, vector<16xf32>,
          %get3A_376 = arith.index_cast %add3A_345 : i32 to index
          %get3A_377 = arith.constant 32 : index
          %get3A_378 = tpu.vector_load %arg19[%get3A_376, %get3A_377] {strides = array<i32>} : memref<64x128xf32, #tpu.memory_space<vmem>>, vector<16xf32>,
          %mul3A_379 = arith.mulf %gather3A_361, %get3A_378 : vector<16xf32>
          %swap3A_380 = arith.index_cast %add3A_345 : i32 to index
          %swap3A_381 = arith.constant 32 : index
          %swap3A_382 = tpu.vector_load %arg19[%swap3A_380, %swap3A_381] {strides = array<i32>} : memref<64x128xf32, #tpu.memory_space<vmem>>, vector<16xf32>,
          tpu.vector_store %arg19[%swap3A_380, %swap3A_381], %mul3A_379 {strides = array<i32>} : memref<64x128xf32, #tpu.memory_space<vmem>>, vector<16xf32>,
          %get3A_383 = arith.index_cast %add3A_345 : i32 to index
          %get3A_384 = arith.constant 48 : index
          %get3A_385 = tpu.vector_load %arg19[%get3A_383, %get3A_384] {strides = array<i32>} : memref<64x128xf32, #tpu.memory_space<vmem>>, vector<16xf32>,
          %mul3A_386 = arith.mulf %gather3A_361, %get3A_385 : vector<16xf32>
          %swap3A_387 = arith.index_cast %add3A_345 : i32 to index
          %swap3A_388 = arith.constant 48 : index
          %swap3A_389 = tpu.vector_load %arg19[%swap3A_387, %swap3A_388] {strides = array<i32>} : memref<64x128xf32, #tpu.memory_space<vmem>>, vector<16xf32>,
          tpu.vector_store %arg19[%swap3A_387, %swap3A_388], %mul3A_386 {strides = array<i32>} : memref<64x128xf32, #tpu.memory_space<vmem>>, vector<16xf32>,
          %get3A_390 = arith.index_cast %add3A_345 : i32 to index
          %get3A_391 = arith.constant 64 : index
          %get3A_392 = tpu.vector_load %arg19[%get3A_390, %get3A_391] {strides = array<i32>} : memref<64x128xf32, #tpu.memory_space<vmem>>, vector<16xf32>,
          %mul3A_393 = arith.mulf %gather3A_361, %get3A_392 : vector<16xf32>
          %swap3A_394 = arith.index_cast %add3A_345 : i32 to index
          %swap3A_395 = arith.constant 64 : index
          %swap3A_396 = tpu.vector_load %arg19[%swap3A_394, %swap3A_395] {strides = array<i32>} : memref<64x128xf32, #tpu.memory_space<vmem>>, vector<16xf32>,
          tpu.vector_store %arg19[%swap3A_394, %swap3A_395], %mul3A_393 {strides = array<i32>} : memref<64x128xf32, #tpu.memory_space<vmem>>, vector<16xf32>,
          %get3A_397 = arith.index_cast %add3A_345 : i32 to index
          %get3A_398 = arith.constant 80 : index
          %get3A_399 = tpu.vector_load %arg19[%get3A_397, %get3A_398] {strides = array<i32>} : memref<64x128xf32, #tpu.memory_space<vmem>>, vector<16xf32>,
          %mul3A_400 = arith.mulf %gather3A_361, %get3A_399 : vector<16xf32>
          %swap3A_401 = arith.index_cast %add3A_345 : i32 to index
          %swap3A_402 = arith.constant 80 : index
          %swap3A_403 = tpu.vector_load %arg19[%swap3A_401, %swap3A_402] {strides = array<i32>} : memref<64x128xf32, #tpu.memory_space<vmem>>, vector<16xf32>,
          tpu.vector_store %arg19[%swap3A_401, %swap3A_402], %mul3A_400 {strides = array<i32>} : memref<64x128xf32, #tpu.memory_space<vmem>>, vector<16xf32>,
          %get3A_404 = arith.index_cast %add3A_345 : i32 to index
          %get3A_405 = arith.constant 96 : index
          %get3A_406 = tpu.vector_load %arg19[%get3A_404, %get3A_405] {strides = array<i32>} : memref<64x128xf32, #tpu.memory_space<vmem>>, vector<16xf32>,
          %mul3A_407 = arith.mulf %gather3A_361, %get3A_406 : vector<16xf32>
          %swap3A_408 = arith.index_cast %add3A_345 : i32 to index
          %swap3A_409 = arith.constant 96 : index
          %swap3A_410 = tpu.vector_load %arg19[%swap3A_408, %swap3A_409] {strides = array<i32>} : memref<64x128xf32, #tpu.memory_space<vmem>>, vector<16xf32>,
          tpu.vector_store %arg19[%swap3A_408, %swap3A_409], %mul3A_407 {strides = array<i32>} : memref<64x128xf32, #tpu.memory_space<vmem>>, vector<16xf32>,
          %get3A_411 = arith.index_cast %add3A_345 : i32 to index
          %get3A_412 = arith.constant 112 : index
          %get3A_413 = tpu.vector_load %arg19[%get3A_411, %get3A_412] {strides = array<i32>} : memref<64x128xf32, #tpu.memory_space<vmem>>, vector<16xf32>,
          %mul3A_414 = arith.mulf %gather3A_361, %get3A_413 : vector<16xf32>
          %swap3A_415 = arith.index_cast %add3A_345 : i32 to index
          %swap3A_416 = arith.constant 112 : index
          %swap3A_417 = tpu.vector_load %arg19[%swap3A_415, %swap3A_416] {strides = array<i32>} : memref<64x128xf32, #tpu.memory_space<vmem>>, vector<16xf32>,
          tpu.vector_store %arg19[%swap3A_415, %swap3A_416], %mul3A_414 {strides = array<i32>} : memref<64x128xf32, #tpu.memory_space<vmem>>, vector<16xf32>,
          %scan3A_418 = arith.constant 0 : i32
          scf.yield %scan3A_418 : i32
        }
        %scan3A_266 = arith.constant 8 : i32
        %scan3A_267 = arith.constant 0 : i32
        scf.yield %scan3A_267 : i32
      }
      %scan3A_186 = arith.constant 4 : i32
      %dma_start3A_187 = arith.constant 0 : i32
      %dma_start3A_188 = arith.constant 0 : i32
      %dma_start3A_189 = tpu.memref_slice %arg23[%dma_start3A_187, %dma_start3A_188] : memref<10000x128xf32, #tpu.memory_space<vmem_shared>> -> memref<10000x128xf32, #tpu.memory_space<vmem_shared>>
      tpu.enqueue_indirect_dma source(%arg19 : memref<64x128xf32, #tpu.memory_space<vmem>>) target(%dma_start3A_189 : memref<10000x128xf32, #tpu.memory_space<vmem_shared>>) offsets(%arg13 : memref<64xi32, #tpu.memory_space<vmem>>) semaphore(%arg33 : memref<!tpu.dma_semaphore, #tpu.memory_space<semaphore_mem>>) {add = true}
      %dma_start3A_190 = arith.constant 0 : i32
      %dma_start3A_191 = tpu.memref_slice %arg24[%dma_start3A_190] : memref<10000xf32, #tpu.memory_space<vmem_shared>> -> memref<10000xf32, #tpu.memory_space<vmem_shared>>
      tpu.enqueue_indirect_dma source(%arg21 : memref<64xf32, #tpu.memory_space<vmem>>) target(%dma_start3A_191 : memref<10000xf32, #tpu.memory_space<vmem_shared>>) offsets(%arg13 : memref<64xi32, #tpu.memory_space<vmem>>) semaphore(%arg35 : memref<!tpu.dma_semaphore, #tpu.memory_space<semaphore_mem>>) {add = true}
      %dma_wait3A_192 = arith.constant 0 : i32
      %dma_wait3A_193 = arith.constant 0 : i32
      %dma_wait3A_194 = tpu.memref_slice %arg23[%dma_wait3A_192, %dma_wait3A_193] : memref<10000x128xf32, #tpu.memory_space<vmem_shared>> -> memref<10000x128xf32, #tpu.memory_space<vmem_shared>>
      tpu.wait_indirect_dma semaphore(%arg33 : memref<!tpu.dma_semaphore, #tpu.memory_space<semaphore_mem>>) src(%arg19 : memref<64x128xf32, #tpu.memory_space<vmem>>) dst(%dma_wait3A_194 : memref<10000x128xf32, #tpu.memory_space<vmem_shared>>)
      %dma_wait3A_195 = arith.constant 0 : i32
      %dma_wait3A_196 = tpu.memref_slice %arg24[%dma_wait3A_195] : memref<10000xf32, #tpu.memory_space<vmem_shared>> -> memref<10000xf32, #tpu.memory_space<vmem_shared>>
      tpu.wait_indirect_dma semaphore(%arg35 : memref<!tpu.dma_semaphore, #tpu.memory_space<semaphore_mem>>) src(%arg21 : memref<64xf32, #tpu.memory_space<vmem>>) dst(%dma_wait3A_196 : memref<10000xf32, #tpu.memory_space<vmem_shared>>)
      %convert_element_type3A_197 = arith.extui %lt3A_127 : i1 to i32
      %cond3A_198 = arith.constant 0 : i32
      %cond3A_199 = arith.cmpi ne, %convert_element_type3A_197, %cond3A_198 : i32
      scf.if %cond3A_199 {
        %dma_wait3A_244 = arith.constant 0 : i32
        %dma_wait3A_245 = tpu.memref_slice %arg5[%dma_wait3A_244] : memref<320000xi32, #tpu.memory_space<hbm>> -> memref<64xi32, #tpu.memory_space<hbm>>
        %dma_wait3A_246 = arith.constant 0 : i32
        %dma_wait3A_247 = tpu.memref_slice %arg5[%dma_wait3A_246] : memref<320000xi32, #tpu.memory_space<hbm>> -> memref<64xi32, #tpu.memory_space<hbm>>
        tpu.wait_dma2 semaphore(%arg31 : memref<!tpu.dma_semaphore, #tpu.memory_space<semaphore_mem>>) src(%dma_wait3A_247 : memref<64xi32, #tpu.memory_space<hbm>>) dst(%arg9 : memref<64xi32, #tpu.memory_space<vmem>>)
        %dma_wait3A_248 = arith.constant 0 : i32
        %dma_wait3A_249 = tpu.memref_slice %arg6[%dma_wait3A_248] : memref<320000xi32, #tpu.memory_space<hbm>> -> memref<64xi32, #tpu.memory_space<hbm>>
        %dma_wait3A_250 = arith.constant 0 : i32
        %dma_wait3A_251 = tpu.memref_slice %arg6[%dma_wait3A_250] : memref<320000xi32, #tpu.memory_space<hbm>> -> memref<64xi32, #tpu.memory_space<hbm>>
        tpu.wait_dma2 semaphore(%arg31 : memref<!tpu.dma_semaphore, #tpu.memory_space<semaphore_mem>>) src(%dma_wait3A_251 : memref<64xi32, #tpu.memory_space<hbm>>) dst(%arg11 : memref<64xi32, #tpu.memory_space<vmem>>)
        %dma_start3A_252 = arith.constant 0 : i32
        %dma_start3A_253 = arith.constant 0 : i32
        %dma_start3A_254 = tpu.memref_slice %arg2[%dma_start3A_252, %dma_start3A_253] : memref<10000x128xf32, #tpu.memory_space<hbm>> -> memref<10000x128xf32, #tpu.memory_space<hbm>>
        tpu.enqueue_indirect_dma source(%dma_start3A_254 : memref<10000x128xf32, #tpu.memory_space<hbm>>) target(%arg15 : memref<64x128xf32, #tpu.memory_space<vmem>>) offsets(%arg11 : memref<64xi32, #tpu.memory_space<vmem>>) semaphore(%arg25 : memref<!tpu.dma_semaphore, #tpu.memory_space<semaphore_mem>>)
        %dma_start3A_255 = arith.constant 0 : i32
        %dma_start3A_256 = arith.constant 0 : i32
        %dma_start3A_257 = tpu.memref_slice %arg3[%dma_start3A_255, %dma_start3A_256] : memref<10000x128xf32, #tpu.memory_space<hbm>> -> memref<10000x128xf32, #tpu.memory_space<hbm>>
        tpu.enqueue_indirect_dma source(%dma_start3A_257 : memref<10000x128xf32, #tpu.memory_space<hbm>>) target(%arg17 : memref<64x128xf32, #tpu.memory_space<vmem>>) offsets(%arg9 : memref<64xi32, #tpu.memory_space<vmem>>) semaphore(%arg27 : memref<!tpu.dma_semaphore, #tpu.memory_space<semaphore_mem>>)
        %dma_start3A_258 = arith.constant 0 : i32
        %dma_start3A_259 = arith.constant 0 : i32
        %dma_start3A_260 = tpu.memref_slice %arg4[%dma_start3A_258, %dma_start3A_259] : memref<10000x128xf32, #tpu.memory_space<hbm>> -> memref<10000x128xf32, #tpu.memory_space<hbm>>
        tpu.enqueue_indirect_dma source(%dma_start3A_260 : memref<10000x128xf32, #tpu.memory_space<hbm>>) target(%arg19 : memref<64x128xf32, #tpu.memory_space<vmem>>) offsets(%arg9 : memref<64xi32, #tpu.memory_space<vmem>>) semaphore(%arg29 : memref<!tpu.dma_semaphore, #tpu.memory_space<semaphore_mem>>)
      } else {
      }
      %dma_wait3A_200 = arith.constant 0 : i32
      %dma_wait3A_201 = arith.constant 0 : i32
      %dma_wait3A_202 = tpu.memref_slice %arg2[%dma_wait3A_200, %dma_wait3A_201] : memref<10000x128xf32, #tpu.memory_space<hbm>> -> memref<10000x128xf32, #tpu.memory_space<hbm>>
      tpu.wait_indirect_dma semaphore(%arg26 : memref<!tpu.dma_semaphore, #tpu.memory_space<semaphore_mem>>) src(%dma_wait3A_202 : memref<10000x128xf32, #tpu.memory_space<hbm>>) dst(%arg16 : memref<64x128xf32, #tpu.memory_space<vmem>>)
      %dma_wait3A_203 = arith.constant 0 : i32
      %dma_wait3A_204 = arith.constant 0 : i32
      %dma_wait3A_205 = tpu.memref_slice %arg3[%dma_wait3A_203, %dma_wait3A_204] : memref<10000x128xf32, #tpu.memory_space<hbm>> -> memref<10000x128xf32, #tpu.memory_space<hbm>>
      tpu.wait_indirect_dma semaphore(%arg28 : memref<!tpu.dma_semaphore, #tpu.memory_space<semaphore_mem>>) src(%dma_wait3A_205 : memref<10000x128xf32, #tpu.memory_space<hbm>>) dst(%arg18 : memref<64x128xf32, #tpu.memory_space<vmem>>)
      %dma_wait3A_206 = arith.constant 0 : i32
      %dma_wait3A_207 = arith.constant 0 : i32
      %dma_wait3A_208 = tpu.memref_slice %arg4[%dma_wait3A_206, %dma_wait3A_207] : memref<10000x128xf32, #tpu.memory_space<hbm>> -> memref<10000x128xf32, #tpu.memory_space<hbm>>
      tpu.wait_indirect_dma semaphore(%arg30 : memref<!tpu.dma_semaphore, #tpu.memory_space<semaphore_mem>>) src(%dma_wait3A_208 : memref<10000x128xf32, #tpu.memory_space<hbm>>) dst(%arg20 : memref<64x128xf32, #tpu.memory_space<vmem>>)
      %scan3A_209 = arith.constant 0 : i32
      %scan3A_210 = arith.constant 0 : i32
      %scan3A_211 = arith.constant 4 : i32
      %scan3A_212 = arith.addi %scan3A_210, %scan3A_211 : i32
      %scan3A_213 = arith.constant 1 : i32
      %scan3A_214 = scf.for %scan3A_244 = %scan3A_210 to %scan3A_212 step %scan3A_213 iter_args(%scan3A_245 = %scan3A_209) -> (i32)  : i32 {
        %mul3A_246 = arith.constant 16 : i32
        %mul3A_247 = arith.muli %scan3A_244, %mul3A_246 : i32
        %get3A = arith.index_cast %mul3A_247 : i32 to index
        %get3A_248 = tpu.vector_load %arg12[%get3A] {strides = array<i32>} : memref<64xi32, #tpu.memory_space<vmem>>, vector<16xi32>,
        %mul3A_249 = arith.constant 16 : i32
        %mul3A_250 = arith.muli %scan3A_244, %mul3A_249 : i32
        %swap3A = arith.index_cast %mul3A_250 : i32 to index
        %swap3A_251 = tpu.vector_load %arg14[%swap3A] {strides = array<i32>} : memref<64xi32, #tpu.memory_space<vmem>>, vector<16xi32>,
        tpu.vector_store %arg14[%swap3A], %get3A_248 {strides = array<i32>} : memref<64xi32, #tpu.memory_space<vmem>>, vector<16xi32>,
        %scan3A_252 = arith.constant 0 : i32
        scf.yield %scan3A_252 : i32
      }
      %scan3A_215 = arith.constant 4 : i32
      %add3A_216 = arith.constant 1 : i32
      %add3A_217 = arith.addi %while3A_123, %add3A_216 : i32
      %mul3A_218 = arith.constant 32 : i32
      %mul3A_219 = arith.muli %add3A_217, %mul3A_218 : i32
      %add3A_220 = arith.addi %add3A, %mul3A_219 : i32
      %mul3A_221 = arith.constant 2 : i32
      %mul3A_222 = arith.muli %mul3A_221, %add3A_220 : i32
      %add3A_223 = arith.constant 1 : i32
      %add3A_224 = arith.addi %mul3A_222, %add3A_223 : i32
      %convert_element_type3A_225 = arith.extui %lt3A_127 : i1 to i32
      %cond3A_226 = arith.constant 0 : i32
      %cond3A_227 = arith.cmpi ne, %convert_element_type3A_225, %cond3A_226 : i32
      scf.if %cond3A_227 {
        %mul3A_244 = arith.constant 64 : i32
        %mul3A_245 = arith.muli %add3A_224, %mul3A_244 : i32
        %dma_start3A_246 = tpu.memref_slice %arg5[%mul3A_245] : memref<320000xi32, #tpu.memory_space<hbm>> -> memref<64xi32, #tpu.memory_space<hbm>>
        %dma_start3A_247 = tpu.memref_slice %arg5[%mul3A_245] : memref<320000xi32, #tpu.memory_space<hbm>> -> memref<64xi32, #tpu.memory_space<hbm>>
        tpu.enqueue_dma source(%dma_start3A_247 : memref<64xi32, #tpu.memory_space<hbm>>) target(%arg10 : memref<64xi32, #tpu.memory_space<vmem>>) target_semaphore(%arg32 : memref<!tpu.dma_semaphore, #tpu.memory_space<semaphore_mem>>)
        %dma_start3A_248 = tpu.memref_slice %arg6[%mul3A_245] : memref<320000xi32, #tpu.memory_space<hbm>> -> memref<64xi32, #tpu.memory_space<hbm>>
        %dma_start3A_249 = tpu.memref_slice %arg6[%mul3A_245] : memref<320000xi32, #tpu.memory_space<hbm>> -> memref<64xi32, #tpu.memory_space<hbm>>
        tpu.enqueue_dma source(%dma_start3A_249 : memref<64xi32, #tpu.memory_space<hbm>>) target(%arg12 : memref<64xi32, #tpu.memory_space<vmem>>) target_semaphore(%arg32 : memref<!tpu.dma_semaphore, #tpu.memory_space<semaphore_mem>>)
      } else {
      }
      %lt3A_228 = arith.constant 8 : i32
      %lt3A_229 = vector.broadcast %lt3A_228 : i32 to vector<16xi32>
      %lt3A_230 = arith.cmpi slt, %iota3A, %lt3A_229 : vector<16xi32>
      %scan3A_231 = arith.constant 0 : i32
      %scan3A_232 = arith.constant 0 : i32
      %scan3A_233 = arith.constant 4 : i32
      %scan3A_234 = arith.addi %scan3A_232, %scan3A_233 : i32
      %scan3A_235 = arith.constant 1 : i32
      %scan3A_236 = scf.for %scan3A_244 = %scan3A_232 to %scan3A_234 step %scan3A_235 iter_args(%scan3A_245 = %scan3A_231) -> (i32)  : i32 {
        %mul3A_246 = arith.constant 16 : i32
        %mul3A_247 = arith.muli %scan3A_244, %mul3A_246 : i32
        %broadcast_in_dim3A = arith.constant 0.000000e+00 : f32
        %broadcast_in_dim3A_248 = vector.broadcast %broadcast_in_dim3A : f32 to vector<16xf32>
        %scan3A_249 = arith.constant 0 : i32
        %scan3A_250 = arith.constant 8 : i32
        %scan3A_251 = arith.addi %scan3A_249, %scan3A_250 : i32
        %scan3A_252 = arith.constant 1 : i32
        %scan3A_253 = scf.for %scan3A_268 = %scan3A_249 to %scan3A_251 step %scan3A_252 iter_args(%scan3A_269 = %broadcast_in_dim3A_248) -> (vector<16xf32>)  : i32 {
          %add3A_270 = arith.addi %mul3A_247, %scan3A_268 : i32
          %get3A = arith.index_cast %add3A_270 : i32 to index
          %get3A_271 = arith.constant 0 : index
          %get3A_272 = tpu.vector_load %arg16[%get3A, %get3A_271] {strides = array<i32>} : memref<64x128xf32, #tpu.memory_space<vmem>>, vector<16xf32>,
          %get3A_273 = arith.index_cast %add3A_270 : i32 to index
          %get3A_274 = arith.constant 0 : index
          %get3A_275 = tpu.vector_load %arg18[%get3A_273, %get3A_274] {strides = array<i32>} : memref<64x128xf32, #tpu.memory_space<vmem>>, vector<16xf32>,
          %mul3A_276 = arith.mulf %get3A_272, %get3A_275 : vector<16xf32>
          %get3A_277 = arith.index_cast %add3A_270 : i32 to index
          %get3A_278 = arith.constant 16 : index
          %get3A_279 = tpu.vector_load %arg16[%get3A_277, %get3A_278] {strides = array<i32>} : memref<64x128xf32, #tpu.memory_space<vmem>>, vector<16xf32>,
          %get3A_280 = arith.index_cast %add3A_270 : i32 to index
          %get3A_281 = arith.constant 16 : index
          %get3A_282 = tpu.vector_load %arg18[%get3A_280, %get3A_281] {strides = array<i32>} : memref<64x128xf32, #tpu.memory_space<vmem>>, vector<16xf32>,
          %mul3A_283 = arith.mulf %get3A_279, %get3A_282 : vector<16xf32>
          %add3A_284 = arith.addf %mul3A_276, %mul3A_283 : vector<16xf32>
          %get3A_285 = arith.index_cast %add3A_270 : i32 to index
          %get3A_286 = arith.constant 32 : index
          %get3A_287 = tpu.vector_load %arg16[%get3A_285, %get3A_286] {strides = array<i32>} : memref<64x128xf32, #tpu.memory_space<vmem>>, vector<16xf32>,
          %get3A_288 = arith.index_cast %add3A_270 : i32 to index
          %get3A_289 = arith.constant 32 : index
          %get3A_290 = tpu.vector_load %arg18[%get3A_288, %get3A_289] {strides = array<i32>} : memref<64x128xf32, #tpu.memory_space<vmem>>, vector<16xf32>,
          %mul3A_291 = arith.mulf %get3A_287, %get3A_290 : vector<16xf32>
          %add3A_292 = arith.addf %add3A_284, %mul3A_291 : vector<16xf32>
          %get3A_293 = arith.index_cast %add3A_270 : i32 to index
          %get3A_294 = arith.constant 48 : index
          %get3A_295 = tpu.vector_load %arg16[%get3A_293, %get3A_294] {strides = array<i32>} : memref<64x128xf32, #tpu.memory_space<vmem>>, vector<16xf32>,
          %get3A_296 = arith.index_cast %add3A_270 : i32 to index
          %get3A_297 = arith.constant 48 : index
          %get3A_298 = tpu.vector_load %arg18[%get3A_296, %get3A_297] {strides = array<i32>} : memref<64x128xf32, #tpu.memory_space<vmem>>, vector<16xf32>,
          %mul3A_299 = arith.mulf %get3A_295, %get3A_298 : vector<16xf32>
          %add3A_300 = arith.addf %add3A_292, %mul3A_299 : vector<16xf32>
          %get3A_301 = arith.index_cast %add3A_270 : i32 to index
          %get3A_302 = arith.constant 64 : index
          %get3A_303 = tpu.vector_load %arg16[%get3A_301, %get3A_302] {strides = array<i32>} : memref<64x128xf32, #tpu.memory_space<vmem>>, vector<16xf32>,
          %get3A_304 = arith.index_cast %add3A_270 : i32 to index
          %get3A_305 = arith.constant 64 : index
          %get3A_306 = tpu.vector_load %arg18[%get3A_304, %get3A_305] {strides = array<i32>} : memref<64x128xf32, #tpu.memory_space<vmem>>, vector<16xf32>,
          %mul3A_307 = arith.mulf %get3A_303, %get3A_306 : vector<16xf32>
          %add3A_308 = arith.addf %add3A_300, %mul3A_307 : vector<16xf32>
          %get3A_309 = arith.index_cast %add3A_270 : i32 to index
          %get3A_310 = arith.constant 80 : index
          %get3A_311 = tpu.vector_load %arg16[%get3A_309, %get3A_310] {strides = array<i32>} : memref<64x128xf32, #tpu.memory_space<vmem>>, vector<16xf32>,
          %get3A_312 = arith.index_cast %add3A_270 : i32 to index
          %get3A_313 = arith.constant 80 : index
          %get3A_314 = tpu.vector_load %arg18[%get3A_312, %get3A_313] {strides = array<i32>} : memref<64x128xf32, #tpu.memory_space<vmem>>, vector<16xf32>,
          %mul3A_315 = arith.mulf %get3A_311, %get3A_314 : vector<16xf32>
          %add3A_316 = arith.addf %add3A_308, %mul3A_315 : vector<16xf32>
          %get3A_317 = arith.index_cast %add3A_270 : i32 to index
          %get3A_318 = arith.constant 96 : index
          %get3A_319 = tpu.vector_load %arg16[%get3A_317, %get3A_318] {strides = array<i32>} : memref<64x128xf32, #tpu.memory_space<vmem>>, vector<16xf32>,
          %get3A_320 = arith.index_cast %add3A_270 : i32 to index
          %get3A_321 = arith.constant 96 : index
          %get3A_322 = tpu.vector_load %arg18[%get3A_320, %get3A_321] {strides = array<i32>} : memref<64x128xf32, #tpu.memory_space<vmem>>, vector<16xf32>,
          %mul3A_323 = arith.mulf %get3A_319, %get3A_322 : vector<16xf32>
          %add3A_324 = arith.addf %add3A_316, %mul3A_323 : vector<16xf32>
          %get3A_325 = arith.index_cast %add3A_270 : i32 to index
          %get3A_326 = arith.constant 112 : index
          %get3A_327 = tpu.vector_load %arg16[%get3A_325, %get3A_326] {strides = array<i32>} : memref<64x128xf32, #tpu.memory_space<vmem>>, vector<16xf32>,
          %get3A_328 = arith.index_cast %add3A_270 : i32 to index
          %get3A_329 = arith.constant 112 : index
          %get3A_330 = tpu.vector_load %arg18[%get3A_328, %get3A_329] {strides = array<i32>} : memref<64x128xf32, #tpu.memory_space<vmem>>, vector<16xf32>,
          %mul3A_331 = arith.mulf %get3A_327, %get3A_330 : vector<16xf32>
          %add3A_332 = arith.addf %add3A_324, %mul3A_331 : vector<16xf32>
          %add3A_333 = arith.addi %mul3A_247, %scan3A_268 : i32
          %add3A_334 = arith.constant 8 : i32
          %add3A_335 = arith.addi %add3A_333, %add3A_334 : i32
          %get3A_336 = arith.index_cast %add3A_335 : i32 to index
          %get3A_337 = arith.constant 0 : index
          %get3A_338 = tpu.vector_load %arg16[%get3A_336, %get3A_337] {strides = array<i32>} : memref<64x128xf32, #tpu.memory_space<vmem>>, vector<16xf32>,
          %get3A_339 = arith.index_cast %add3A_335 : i32 to index
          %get3A_340 = arith.constant 0 : index
          %get3A_341 = tpu.vector_load %arg18[%get3A_339, %get3A_340] {strides = array<i32>} : memref<64x128xf32, #tpu.memory_space<vmem>>, vector<16xf32>,
          %mul3A_342 = arith.mulf %get3A_338, %get3A_341 : vector<16xf32>
          %get3A_343 = arith.index_cast %add3A_335 : i32 to index
          %get3A_344 = arith.constant 16 : index
          %get3A_345 = tpu.vector_load %arg16[%get3A_343, %get3A_344] {strides = array<i32>} : memref<64x128xf32, #tpu.memory_space<vmem>>, vector<16xf32>,
          %get3A_346 = arith.index_cast %add3A_335 : i32 to index
          %get3A_347 = arith.constant 16 : index
          %get3A_348 = tpu.vector_load %arg18[%get3A_346, %get3A_347] {strides = array<i32>} : memref<64x128xf32, #tpu.memory_space<vmem>>, vector<16xf32>,
          %mul3A_349 = arith.mulf %get3A_345, %get3A_348 : vector<16xf32>
          %add3A_350 = arith.addf %mul3A_342, %mul3A_349 : vector<16xf32>
          %get3A_351 = arith.index_cast %add3A_335 : i32 to index
          %get3A_352 = arith.constant 32 : index
          %get3A_353 = tpu.vector_load %arg16[%get3A_351, %get3A_352] {strides = array<i32>} : memref<64x128xf32, #tpu.memory_space<vmem>>, vector<16xf32>,
          %get3A_354 = arith.index_cast %add3A_335 : i32 to index
          %get3A_355 = arith.constant 32 : index
          %get3A_356 = tpu.vector_load %arg18[%get3A_354, %get3A_355] {strides = array<i32>} : memref<64x128xf32, #tpu.memory_space<vmem>>, vector<16xf32>,
          %mul3A_357 = arith.mulf %get3A_353, %get3A_356 : vector<16xf32>
          %add3A_358 = arith.addf %add3A_350, %mul3A_357 : vector<16xf32>
          %get3A_359 = arith.index_cast %add3A_335 : i32 to index
          %get3A_360 = arith.constant 48 : index
          %get3A_361 = tpu.vector_load %arg16[%get3A_359, %get3A_360] {strides = array<i32>} : memref<64x128xf32, #tpu.memory_space<vmem>>, vector<16xf32>,
          %get3A_362 = arith.index_cast %add3A_335 : i32 to index
          %get3A_363 = arith.constant 48 : index
          %get3A_364 = tpu.vector_load %arg18[%get3A_362, %get3A_363] {strides = array<i32>} : memref<64x128xf32, #tpu.memory_space<vmem>>, vector<16xf32>,
          %mul3A_365 = arith.mulf %get3A_361, %get3A_364 : vector<16xf32>
          %add3A_366 = arith.addf %add3A_358, %mul3A_365 : vector<16xf32>
          %get3A_367 = arith.index_cast %add3A_335 : i32 to index
          %get3A_368 = arith.constant 64 : index
          %get3A_369 = tpu.vector_load %arg16[%get3A_367, %get3A_368] {strides = array<i32>} : memref<64x128xf32, #tpu.memory_space<vmem>>, vector<16xf32>,
          %get3A_370 = arith.index_cast %add3A_335 : i32 to index
          %get3A_371 = arith.constant 64 : index
          %get3A_372 = tpu.vector_load %arg18[%get3A_370, %get3A_371] {strides = array<i32>} : memref<64x128xf32, #tpu.memory_space<vmem>>, vector<16xf32>,
          %mul3A_373 = arith.mulf %get3A_369, %get3A_372 : vector<16xf32>
          %add3A_374 = arith.addf %add3A_366, %mul3A_373 : vector<16xf32>
          %get3A_375 = arith.index_cast %add3A_335 : i32 to index
          %get3A_376 = arith.constant 80 : index
          %get3A_377 = tpu.vector_load %arg16[%get3A_375, %get3A_376] {strides = array<i32>} : memref<64x128xf32, #tpu.memory_space<vmem>>, vector<16xf32>,
          %get3A_378 = arith.index_cast %add3A_335 : i32 to index
          %get3A_379 = arith.constant 80 : index
          %get3A_380 = tpu.vector_load %arg18[%get3A_378, %get3A_379] {strides = array<i32>} : memref<64x128xf32, #tpu.memory_space<vmem>>, vector<16xf32>,
          %mul3A_381 = arith.mulf %get3A_377, %get3A_380 : vector<16xf32>
          %add3A_382 = arith.addf %add3A_374, %mul3A_381 : vector<16xf32>
          %get3A_383 = arith.index_cast %add3A_335 : i32 to index
          %get3A_384 = arith.constant 96 : index
          %get3A_385 = tpu.vector_load %arg16[%get3A_383, %get3A_384] {strides = array<i32>} : memref<64x128xf32, #tpu.memory_space<vmem>>, vector<16xf32>,
          %get3A_386 = arith.index_cast %add3A_335 : i32 to index
          %get3A_387 = arith.constant 96 : index
          %get3A_388 = tpu.vector_load %arg18[%get3A_386, %get3A_387] {strides = array<i32>} : memref<64x128xf32, #tpu.memory_space<vmem>>, vector<16xf32>,
          %mul3A_389 = arith.mulf %get3A_385, %get3A_388 : vector<16xf32>
          %add3A_390 = arith.addf %add3A_382, %mul3A_389 : vector<16xf32>
          %get3A_391 = arith.index_cast %add3A_335 : i32 to index
          %get3A_392 = arith.constant 112 : index
          %get3A_393 = tpu.vector_load %arg16[%get3A_391, %get3A_392] {strides = array<i32>} : memref<64x128xf32, #tpu.memory_space<vmem>>, vector<16xf32>,
          %get3A_394 = arith.index_cast %add3A_335 : i32 to index
          %get3A_395 = arith.constant 112 : index
          %get3A_396 = tpu.vector_load %arg18[%get3A_394, %get3A_395] {strides = array<i32>} : memref<64x128xf32, #tpu.memory_space<vmem>>, vector<16xf32>,
          %mul3A_397 = arith.mulf %get3A_393, %get3A_396 : vector<16xf32>
          %add3A_398 = arith.addf %add3A_390, %mul3A_397 : vector<16xf32>
          %xor3A = arith.constant 8 : i32
          %xor3A_399 = vector.broadcast %xor3A : i32 to vector<16xi32>
          %xor3A_400 = arith.xori %iota3A, %xor3A_399 : vector<16xi32>
          %lt3A_401 = arith.constant 0 : i32
          %lt3A_402 = vector.broadcast %lt3A_401 : i32 to vector<16xi32>
          %lt3A_403 = arith.cmpi slt, %xor3A_400, %lt3A_402 : vector<16xi32>
          %add3A_404 = arith.constant 16 : i32
          %add3A_405 = vector.broadcast %add3A_404 : i32 to vector<16xi32>
          %add3A_406 = arith.addi %xor3A_400, %add3A_405 : vector<16xi32>
          %select_n3A_407 = arith.select %lt3A_403, %add3A_406, %xor3A_400 : vector<16xi1>, vector<16xi32>
          %broadcast_in_dim3A_408 = vector.shape_cast %select_n3A_407 : vector<16xi32> to vector<16x1xi32>
          %gather3A = vector.shape_cast %broadcast_in_dim3A_408 : vector<16x1xi32> to vector<16xi32>
          %gather3A_409 = tpu.dynamic_gather %add3A_332[%gather3A] in [0] : vector<16xf32>, vector<16xi32> -> vector<16xf32>
          %add3A_410 = arith.addf %add3A_332, %gather3A_409 : vector<16xf32>
          %xor3A_411 = arith.constant 8 : i32
          %xor3A_412 = vector.broadcast %xor3A_411 : i32 to vector<16xi32>
          %xor3A_413 = arith.xori %iota3A, %xor3A_412 : vector<16xi32>
          %lt3A_414 = arith.constant 0 : i32
          %lt3A_415 = vector.broadcast %lt3A_414 : i32 to vector<16xi32>
          %lt3A_416 = arith.cmpi slt, %xor3A_413, %lt3A_415 : vector<16xi32>
          %add3A_417 = arith.constant 16 : i32
          %add3A_418 = vector.broadcast %add3A_417 : i32 to vector<16xi32>
          %add3A_419 = arith.addi %xor3A_413, %add3A_418 : vector<16xi32>
          %select_n3A_420 = arith.select %lt3A_416, %add3A_419, %xor3A_413 : vector<16xi1>, vector<16xi32>
          %broadcast_in_dim3A_421 = vector.shape_cast %select_n3A_420 : vector<16xi32> to vector<16x1xi32>
          %gather3A_422 = vector.shape_cast %broadcast_in_dim3A_421 : vector<16x1xi32> to vector<16xi32>
          %gather3A_423 = tpu.dynamic_gather %add3A_398[%gather3A_422] in [0] : vector<16xf32>, vector<16xi32> -> vector<16xf32>
          %add3A_424 = arith.addf %add3A_398, %gather3A_423 : vector<16xf32>
          %select_n3A_425 = arith.select %lt3A_230, %add3A_410, %add3A_424 : vector<16xi1>, vector<16xf32>
          %xor3A_426 = arith.constant 4 : i32
          %xor3A_427 = vector.broadcast %xor3A_426 : i32 to vector<16xi32>
          %xor3A_428 = arith.xori %iota3A, %xor3A_427 : vector<16xi32>
          %lt3A_429 = arith.constant 0 : i32
          %lt3A_430 = vector.broadcast %lt3A_429 : i32 to vector<16xi32>
          %lt3A_431 = arith.cmpi slt, %xor3A_428, %lt3A_430 : vector<16xi32>
          %add3A_432 = arith.constant 16 : i32
          %add3A_433 = vector.broadcast %add3A_432 : i32 to vector<16xi32>
          %add3A_434 = arith.addi %xor3A_428, %add3A_433 : vector<16xi32>
          %select_n3A_435 = arith.select %lt3A_431, %add3A_434, %xor3A_428 : vector<16xi1>, vector<16xi32>
          %broadcast_in_dim3A_436 = vector.shape_cast %select_n3A_435 : vector<16xi32> to vector<16x1xi32>
          %gather3A_437 = vector.shape_cast %broadcast_in_dim3A_436 : vector<16x1xi32> to vector<16xi32>
          %gather3A_438 = tpu.dynamic_gather %select_n3A_425[%gather3A_437] in [0] : vector<16xf32>, vector<16xi32> -> vector<16xf32>
          %add3A_439 = arith.addf %select_n3A_425, %gather3A_438 : vector<16xf32>
          %xor3A_440 = arith.constant 2 : i32
          %xor3A_441 = vector.broadcast %xor3A_440 : i32 to vector<16xi32>
          %xor3A_442 = arith.xori %iota3A, %xor3A_441 : vector<16xi32>
          %lt3A_443 = arith.constant 0 : i32
          %lt3A_444 = vector.broadcast %lt3A_443 : i32 to vector<16xi32>
          %lt3A_445 = arith.cmpi slt, %xor3A_442, %lt3A_444 : vector<16xi32>
          %add3A_446 = arith.constant 16 : i32
          %add3A_447 = vector.broadcast %add3A_446 : i32 to vector<16xi32>
          %add3A_448 = arith.addi %xor3A_442, %add3A_447 : vector<16xi32>
          %select_n3A_449 = arith.select %lt3A_445, %add3A_448, %xor3A_442 : vector<16xi1>, vector<16xi32>
          %broadcast_in_dim3A_450 = vector.shape_cast %select_n3A_449 : vector<16xi32> to vector<16x1xi32>
          %gather3A_451 = vector.shape_cast %broadcast_in_dim3A_450 : vector<16x1xi32> to vector<16xi32>
          %gather3A_452 = tpu.dynamic_gather %add3A_439[%gather3A_451] in [0] : vector<16xf32>, vector<16xi32> -> vector<16xf32>
          %add3A_453 = arith.addf %add3A_439, %gather3A_452 : vector<16xf32>
          %xor3A_454 = arith.constant 1 : i32
          %xor3A_455 = vector.broadcast %xor3A_454 : i32 to vector<16xi32>
          %xor3A_456 = arith.xori %iota3A, %xor3A_455 : vector<16xi32>
          %lt3A_457 = arith.constant 0 : i32
          %lt3A_458 = vector.broadcast %lt3A_457 : i32 to vector<16xi32>
          %lt3A_459 = arith.cmpi slt, %xor3A_456, %lt3A_458 : vector<16xi32>
          %add3A_460 = arith.constant 16 : i32
          %add3A_461 = vector.broadcast %add3A_460 : i32 to vector<16xi32>
          %add3A_462 = arith.addi %xor3A_456, %add3A_461 : vector<16xi32>
          %select_n3A_463 = arith.select %lt3A_459, %add3A_462, %xor3A_456 : vector<16xi1>, vector<16xi32>
          %broadcast_in_dim3A_464 = vector.shape_cast %select_n3A_463 : vector<16xi32> to vector<16x1xi32>
          %gather3A_465 = vector.shape_cast %broadcast_in_dim3A_464 : vector<16x1xi32> to vector<16xi32>
          %gather3A_466 = tpu.dynamic_gather %add3A_453[%gather3A_465] in [0] : vector<16xf32>, vector<16xi32> -> vector<16xf32>
          %add3A_467 = arith.addf %add3A_453, %gather3A_466 : vector<16xf32>
          %mul3A_468 = arith.constant 0.0883883461 : f32
          %mul3A_469 = vector.broadcast %mul3A_468 : f32 to vector<16xf32>
          %mul3A_470 = arith.mulf %add3A_467, %mul3A_469 : vector<16xf32>
          %eq3A_471 = vector.broadcast %scan3A_268 : i32 to vector<16xi32>
          %eq3A_472 = arith.cmpi eq, %iota3A, %eq3A_471 : vector<16xi32>
          %select_n3A_473 = arith.select %eq3A_472, %mul3A_470, %scan3A_269 : vector<16xi1>, vector<16xf32>
          %add3A_474 = arith.constant 8 : i32
          %add3A_475 = arith.addi %scan3A_268, %add3A_474 : i32
          %eq3A_476 = vector.broadcast %add3A_475 : i32 to vector<16xi32>
          %eq3A_477 = arith.cmpi eq, %iota3A, %eq3A_476 : vector<16xi32>
          %select_n3A_478 = arith.select %eq3A_477, %mul3A_470, %select_n3A_473 : vector<16xi1>, vector<16xf32>
          scf.yield %select_n3A_478 : vector<16xf32>
        }
        %scan3A_254 = arith.constant 8 : i32
        %max3A = arith.constant -6.000000e+01 : f32
        %max3A_255 = vector.broadcast %max3A : f32 to vector<16xf32>
        %max3A_256 = arith.maximumf %scan3A_253, %max3A_255 : vector<16xf32>
        %min3A = arith.constant 6.000000e+01 : f32
        %min3A_257 = vector.broadcast %min3A : f32 to vector<16xf32>
        %min3A_258 = arith.minimumf %max3A_256, %min3A_257 : vector<16xf32>
        %exp3A = math.exp %min3A_258 : vector<16xf32>
        %swap3A = arith.index_cast %mul3A_247 : i32 to index
        %swap3A_259 = tpu.vector_load %arg22[%swap3A] {strides = array<i32>} : memref<64xf32, #tpu.memory_space<vmem>>, vector<16xf32>,
        tpu.vector_store %arg22[%swap3A], %exp3A {strides = array<i32>} : memref<64xf32, #tpu.memory_space<vmem>>, vector<16xf32>,
        %scan3A_260 = arith.constant 0 : i32
        %scan3A_261 = arith.constant 0 : i32
        %scan3A_262 = arith.constant 8 : i32
        %scan3A_263 = arith.addi %scan3A_261, %scan3A_262 : i32
        %scan3A_264 = arith.constant 1 : i32
        %scan3A_265 = scf.for %scan3A_268 = %scan3A_261 to %scan3A_263 step %scan3A_264 iter_args(%scan3A_269 = %scan3A_260) -> (i32)  : i32 {
          %add3A_270 = arith.addi %mul3A_247, %scan3A_268 : i32
          %add3A_271 = arith.constant 0 : i32
          %add3A_272 = arith.addi %add3A_270, %add3A_271 : i32
          %broadcast_in_dim3A_273 = arith.constant 0 : i32
          %broadcast_in_dim3A_274 = vector.broadcast %broadcast_in_dim3A_273 : i32 to vector<16xi32>
          %add3A_275 = arith.constant 0 : i32
          %add3A_276 = arith.addi %scan3A_268, %add3A_275 : i32
          %add3A_277 = vector.broadcast %add3A_276 : i32 to vector<16xi32>
          %add3A_278 = arith.addi %broadcast_in_dim3A_274, %add3A_277 : vector<16xi32>
          %lt3A_279 = arith.constant 0 : i32
          %lt3A_280 = vector.broadcast %lt3A_279 : i32 to vector<16xi32>
          %lt3A_281 = arith.cmpi slt, %add3A_278, %lt3A_280 : vector<16xi32>
          %add3A_282 = arith.constant 16 : i32
          %add3A_283 = vector.broadcast %add3A_282 : i32 to vector<16xi32>
          %add3A_284 = arith.addi %add3A_278, %add3A_283 : vector<16xi32>
          %select_n3A_285 = arith.select %lt3A_281, %add3A_284, %add3A_278 : vector<16xi1>, vector<16xi32>
          %broadcast_in_dim3A_286 = vector.shape_cast %select_n3A_285 : vector<16xi32> to vector<16x1xi32>
          %gather3A = vector.shape_cast %broadcast_in_dim3A_286 : vector<16x1xi32> to vector<16xi32>
          %gather3A_287 = tpu.dynamic_gather %exp3A[%gather3A] in [0] : vector<16xf32>, vector<16xi32> -> vector<16xf32>
          %get3A = arith.index_cast %add3A_272 : i32 to index
          %get3A_288 = arith.constant 0 : index
          %get3A_289 = tpu.vector_load %arg20[%get3A, %get3A_288] {strides = array<i32>} : memref<64x128xf32, #tpu.memory_space<vmem>>, vector<16xf32>,
          %mul3A_290 = arith.mulf %gather3A_287, %get3A_289 : vector<16xf32>
          %swap3A_291 = arith.index_cast %add3A_272 : i32 to index
          %swap3A_292 = arith.constant 0 : index
          %swap3A_293 = tpu.vector_load %arg20[%swap3A_291, %swap3A_292] {strides = array<i32>} : memref<64x128xf32, #tpu.memory_space<vmem>>, vector<16xf32>,
          tpu.vector_store %arg20[%swap3A_291, %swap3A_292], %mul3A_290 {strides = array<i32>} : memref<64x128xf32, #tpu.memory_space<vmem>>, vector<16xf32>,
          %get3A_294 = arith.index_cast %add3A_272 : i32 to index
          %get3A_295 = arith.constant 16 : index
          %get3A_296 = tpu.vector_load %arg20[%get3A_294, %get3A_295] {strides = array<i32>} : memref<64x128xf32, #tpu.memory_space<vmem>>, vector<16xf32>,
          %mul3A_297 = arith.mulf %gather3A_287, %get3A_296 : vector<16xf32>
          %swap3A_298 = arith.index_cast %add3A_272 : i32 to index
          %swap3A_299 = arith.constant 16 : index
          %swap3A_300 = tpu.vector_load %arg20[%swap3A_298, %swap3A_299] {strides = array<i32>} : memref<64x128xf32, #tpu.memory_space<vmem>>, vector<16xf32>,
          tpu.vector_store %arg20[%swap3A_298, %swap3A_299], %mul3A_297 {strides = array<i32>} : memref<64x128xf32, #tpu.memory_space<vmem>>, vector<16xf32>,
          %get3A_301 = arith.index_cast %add3A_272 : i32 to index
          %get3A_302 = arith.constant 32 : index
          %get3A_303 = tpu.vector_load %arg20[%get3A_301, %get3A_302] {strides = array<i32>} : memref<64x128xf32, #tpu.memory_space<vmem>>, vector<16xf32>,
          %mul3A_304 = arith.mulf %gather3A_287, %get3A_303 : vector<16xf32>
          %swap3A_305 = arith.index_cast %add3A_272 : i32 to index
          %swap3A_306 = arith.constant 32 : index
          %swap3A_307 = tpu.vector_load %arg20[%swap3A_305, %swap3A_306] {strides = array<i32>} : memref<64x128xf32, #tpu.memory_space<vmem>>, vector<16xf32>,
          tpu.vector_store %arg20[%swap3A_305, %swap3A_306], %mul3A_304 {strides = array<i32>} : memref<64x128xf32, #tpu.memory_space<vmem>>, vector<16xf32>,
          %get3A_308 = arith.index_cast %add3A_272 : i32 to index
          %get3A_309 = arith.constant 48 : index
          %get3A_310 = tpu.vector_load %arg20[%get3A_308, %get3A_309] {strides = array<i32>} : memref<64x128xf32, #tpu.memory_space<vmem>>, vector<16xf32>,
          %mul3A_311 = arith.mulf %gather3A_287, %get3A_310 : vector<16xf32>
          %swap3A_312 = arith.index_cast %add3A_272 : i32 to index
          %swap3A_313 = arith.constant 48 : index
          %swap3A_314 = tpu.vector_load %arg20[%swap3A_312, %swap3A_313] {strides = array<i32>} : memref<64x128xf32, #tpu.memory_space<vmem>>, vector<16xf32>,
          tpu.vector_store %arg20[%swap3A_312, %swap3A_313], %mul3A_311 {strides = array<i32>} : memref<64x128xf32, #tpu.memory_space<vmem>>, vector<16xf32>,
          %get3A_315 = arith.index_cast %add3A_272 : i32 to index
          %get3A_316 = arith.constant 64 : index
          %get3A_317 = tpu.vector_load %arg20[%get3A_315, %get3A_316] {strides = array<i32>} : memref<64x128xf32, #tpu.memory_space<vmem>>, vector<16xf32>,
          %mul3A_318 = arith.mulf %gather3A_287, %get3A_317 : vector<16xf32>
          %swap3A_319 = arith.index_cast %add3A_272 : i32 to index
          %swap3A_320 = arith.constant 64 : index
          %swap3A_321 = tpu.vector_load %arg20[%swap3A_319, %swap3A_320] {strides = array<i32>} : memref<64x128xf32, #tpu.memory_space<vmem>>, vector<16xf32>,
          tpu.vector_store %arg20[%swap3A_319, %swap3A_320], %mul3A_318 {strides = array<i32>} : memref<64x128xf32, #tpu.memory_space<vmem>>, vector<16xf32>,
          %get3A_322 = arith.index_cast %add3A_272 : i32 to index
          %get3A_323 = arith.constant 80 : index
          %get3A_324 = tpu.vector_load %arg20[%get3A_322, %get3A_323] {strides = array<i32>} : memref<64x128xf32, #tpu.memory_space<vmem>>, vector<16xf32>,
          %mul3A_325 = arith.mulf %gather3A_287, %get3A_324 : vector<16xf32>
          %swap3A_326 = arith.index_cast %add3A_272 : i32 to index
          %swap3A_327 = arith.constant 80 : index
          %swap3A_328 = tpu.vector_load %arg20[%swap3A_326, %swap3A_327] {strides = array<i32>} : memref<64x128xf32, #tpu.memory_space<vmem>>, vector<16xf32>,
          tpu.vector_store %arg20[%swap3A_326, %swap3A_327], %mul3A_325 {strides = array<i32>} : memref<64x128xf32, #tpu.memory_space<vmem>>, vector<16xf32>,
          %get3A_329 = arith.index_cast %add3A_272 : i32 to index
          %get3A_330 = arith.constant 96 : index
          %get3A_331 = tpu.vector_load %arg20[%get3A_329, %get3A_330] {strides = array<i32>} : memref<64x128xf32, #tpu.memory_space<vmem>>, vector<16xf32>,
          %mul3A_332 = arith.mulf %gather3A_287, %get3A_331 : vector<16xf32>
          %swap3A_333 = arith.index_cast %add3A_272 : i32 to index
          %swap3A_334 = arith.constant 96 : index
          %swap3A_335 = tpu.vector_load %arg20[%swap3A_333, %swap3A_334] {strides = array<i32>} : memref<64x128xf32, #tpu.memory_space<vmem>>, vector<16xf32>,
          tpu.vector_store %arg20[%swap3A_333, %swap3A_334], %mul3A_332 {strides = array<i32>} : memref<64x128xf32, #tpu.memory_space<vmem>>, vector<16xf32>,
          %get3A_336 = arith.index_cast %add3A_272 : i32 to index
          %get3A_337 = arith.constant 112 : index
          %get3A_338 = tpu.vector_load %arg20[%get3A_336, %get3A_337] {strides = array<i32>} : memref<64x128xf32, #tpu.memory_space<vmem>>, vector<16xf32>,
          %mul3A_339 = arith.mulf %gather3A_287, %get3A_338 : vector<16xf32>
          %swap3A_340 = arith.index_cast %add3A_272 : i32 to index
          %swap3A_341 = arith.constant 112 : index
          %swap3A_342 = tpu.vector_load %arg20[%swap3A_340, %swap3A_341] {strides = array<i32>} : memref<64x128xf32, #tpu.memory_space<vmem>>, vector<16xf32>,
          tpu.vector_store %arg20[%swap3A_340, %swap3A_341], %mul3A_339 {strides = array<i32>} : memref<64x128xf32, #tpu.memory_space<vmem>>, vector<16xf32>,
          %add3A_343 = arith.addi %mul3A_247, %scan3A_268 : i32
          %add3A_344 = arith.constant 8 : i32
          %add3A_345 = arith.addi %add3A_343, %add3A_344 : i32
          %broadcast_in_dim3A_346 = arith.constant 0 : i32
          %broadcast_in_dim3A_347 = vector.broadcast %broadcast_in_dim3A_346 : i32 to vector<16xi32>
          %add3A_348 = arith.constant 8 : i32
          %add3A_349 = arith.addi %scan3A_268, %add3A_348 : i32
          %add3A_350 = vector.broadcast %add3A_349 : i32 to vector<16xi32>
          %add3A_351 = arith.addi %broadcast_in_dim3A_347, %add3A_350 : vector<16xi32>
          %lt3A_352 = arith.constant 0 : i32
          %lt3A_353 = vector.broadcast %lt3A_352 : i32 to vector<16xi32>
          %lt3A_354 = arith.cmpi slt, %add3A_351, %lt3A_353 : vector<16xi32>
          %add3A_355 = arith.constant 16 : i32
          %add3A_356 = vector.broadcast %add3A_355 : i32 to vector<16xi32>
          %add3A_357 = arith.addi %add3A_351, %add3A_356 : vector<16xi32>
          %select_n3A_358 = arith.select %lt3A_354, %add3A_357, %add3A_351 : vector<16xi1>, vector<16xi32>
          %broadcast_in_dim3A_359 = vector.shape_cast %select_n3A_358 : vector<16xi32> to vector<16x1xi32>
          %gather3A_360 = vector.shape_cast %broadcast_in_dim3A_359 : vector<16x1xi32> to vector<16xi32>
          %gather3A_361 = tpu.dynamic_gather %exp3A[%gather3A_360] in [0] : vector<16xf32>, vector<16xi32> -> vector<16xf32>
          %get3A_362 = arith.index_cast %add3A_345 : i32 to index
          %get3A_363 = arith.constant 0 : index
          %get3A_364 = tpu.vector_load %arg20[%get3A_362, %get3A_363] {strides = array<i32>} : memref<64x128xf32, #tpu.memory_space<vmem>>, vector<16xf32>,
          %mul3A_365 = arith.mulf %gather3A_361, %get3A_364 : vector<16xf32>
          %swap3A_366 = arith.index_cast %add3A_345 : i32 to index
          %swap3A_367 = arith.constant 0 : index
          %swap3A_368 = tpu.vector_load %arg20[%swap3A_366, %swap3A_367] {strides = array<i32>} : memref<64x128xf32, #tpu.memory_space<vmem>>, vector<16xf32>,
          tpu.vector_store %arg20[%swap3A_366, %swap3A_367], %mul3A_365 {strides = array<i32>} : memref<64x128xf32, #tpu.memory_space<vmem>>, vector<16xf32>,
          %get3A_369 = arith.index_cast %add3A_345 : i32 to index
          %get3A_370 = arith.constant 16 : index
          %get3A_371 = tpu.vector_load %arg20[%get3A_369, %get3A_370] {strides = array<i32>} : memref<64x128xf32, #tpu.memory_space<vmem>>, vector<16xf32>,
          %mul3A_372 = arith.mulf %gather3A_361, %get3A_371 : vector<16xf32>
          %swap3A_373 = arith.index_cast %add3A_345 : i32 to index
          %swap3A_374 = arith.constant 16 : index
          %swap3A_375 = tpu.vector_load %arg20[%swap3A_373, %swap3A_374] {strides = array<i32>} : memref<64x128xf32, #tpu.memory_space<vmem>>, vector<16xf32>,
          tpu.vector_store %arg20[%swap3A_373, %swap3A_374], %mul3A_372 {strides = array<i32>} : memref<64x128xf32, #tpu.memory_space<vmem>>, vector<16xf32>,
          %get3A_376 = arith.index_cast %add3A_345 : i32 to index
          %get3A_377 = arith.constant 32 : index
          %get3A_378 = tpu.vector_load %arg20[%get3A_376, %get3A_377] {strides = array<i32>} : memref<64x128xf32, #tpu.memory_space<vmem>>, vector<16xf32>,
          %mul3A_379 = arith.mulf %gather3A_361, %get3A_378 : vector<16xf32>
          %swap3A_380 = arith.index_cast %add3A_345 : i32 to index
          %swap3A_381 = arith.constant 32 : index
          %swap3A_382 = tpu.vector_load %arg20[%swap3A_380, %swap3A_381] {strides = array<i32>} : memref<64x128xf32, #tpu.memory_space<vmem>>, vector<16xf32>,
          tpu.vector_store %arg20[%swap3A_380, %swap3A_381], %mul3A_379 {strides = array<i32>} : memref<64x128xf32, #tpu.memory_space<vmem>>, vector<16xf32>,
          %get3A_383 = arith.index_cast %add3A_345 : i32 to index
          %get3A_384 = arith.constant 48 : index
          %get3A_385 = tpu.vector_load %arg20[%get3A_383, %get3A_384] {strides = array<i32>} : memref<64x128xf32, #tpu.memory_space<vmem>>, vector<16xf32>,
          %mul3A_386 = arith.mulf %gather3A_361, %get3A_385 : vector<16xf32>
          %swap3A_387 = arith.index_cast %add3A_345 : i32 to index
          %swap3A_388 = arith.constant 48 : index
          %swap3A_389 = tpu.vector_load %arg20[%swap3A_387, %swap3A_388] {strides = array<i32>} : memref<64x128xf32, #tpu.memory_space<vmem>>, vector<16xf32>,
          tpu.vector_store %arg20[%swap3A_387, %swap3A_388], %mul3A_386 {strides = array<i32>} : memref<64x128xf32, #tpu.memory_space<vmem>>, vector<16xf32>,
          %get3A_390 = arith.index_cast %add3A_345 : i32 to index
          %get3A_391 = arith.constant 64 : index
          %get3A_392 = tpu.vector_load %arg20[%get3A_390, %get3A_391] {strides = array<i32>} : memref<64x128xf32, #tpu.memory_space<vmem>>, vector<16xf32>,
          %mul3A_393 = arith.mulf %gather3A_361, %get3A_392 : vector<16xf32>
          %swap3A_394 = arith.index_cast %add3A_345 : i32 to index
          %swap3A_395 = arith.constant 64 : index
          %swap3A_396 = tpu.vector_load %arg20[%swap3A_394, %swap3A_395] {strides = array<i32>} : memref<64x128xf32, #tpu.memory_space<vmem>>, vector<16xf32>,
          tpu.vector_store %arg20[%swap3A_394, %swap3A_395], %mul3A_393 {strides = array<i32>} : memref<64x128xf32, #tpu.memory_space<vmem>>, vector<16xf32>,
          %get3A_397 = arith.index_cast %add3A_345 : i32 to index
          %get3A_398 = arith.constant 80 : index
          %get3A_399 = tpu.vector_load %arg20[%get3A_397, %get3A_398] {strides = array<i32>} : memref<64x128xf32, #tpu.memory_space<vmem>>, vector<16xf32>,
          %mul3A_400 = arith.mulf %gather3A_361, %get3A_399 : vector<16xf32>
          %swap3A_401 = arith.index_cast %add3A_345 : i32 to index
          %swap3A_402 = arith.constant 80 : index
          %swap3A_403 = tpu.vector_load %arg20[%swap3A_401, %swap3A_402] {strides = array<i32>} : memref<64x128xf32, #tpu.memory_space<vmem>>, vector<16xf32>,
          tpu.vector_store %arg20[%swap3A_401, %swap3A_402], %mul3A_400 {strides = array<i32>} : memref<64x128xf32, #tpu.memory_space<vmem>>, vector<16xf32>,
          %get3A_404 = arith.index_cast %add3A_345 : i32 to index
          %get3A_405 = arith.constant 96 : index
          %get3A_406 = tpu.vector_load %arg20[%get3A_404, %get3A_405] {strides = array<i32>} : memref<64x128xf32, #tpu.memory_space<vmem>>, vector<16xf32>,
          %mul3A_407 = arith.mulf %gather3A_361, %get3A_406 : vector<16xf32>
          %swap3A_408 = arith.index_cast %add3A_345 : i32 to index
          %swap3A_409 = arith.constant 96 : index
          %swap3A_410 = tpu.vector_load %arg20[%swap3A_408, %swap3A_409] {strides = array<i32>} : memref<64x128xf32, #tpu.memory_space<vmem>>, vector<16xf32>,
          tpu.vector_store %arg20[%swap3A_408, %swap3A_409], %mul3A_407 {strides = array<i32>} : memref<64x128xf32, #tpu.memory_space<vmem>>, vector<16xf32>,
          %get3A_411 = arith.index_cast %add3A_345 : i32 to index
          %get3A_412 = arith.constant 112 : index
          %get3A_413 = tpu.vector_load %arg20[%get3A_411, %get3A_412] {strides = array<i32>} : memref<64x128xf32, #tpu.memory_space<vmem>>, vector<16xf32>,
          %mul3A_414 = arith.mulf %gather3A_361, %get3A_413 : vector<16xf32>
          %swap3A_415 = arith.index_cast %add3A_345 : i32 to index
          %swap3A_416 = arith.constant 112 : index
          %swap3A_417 = tpu.vector_load %arg20[%swap3A_415, %swap3A_416] {strides = array<i32>} : memref<64x128xf32, #tpu.memory_space<vmem>>, vector<16xf32>,
          tpu.vector_store %arg20[%swap3A_415, %swap3A_416], %mul3A_414 {strides = array<i32>} : memref<64x128xf32, #tpu.memory_space<vmem>>, vector<16xf32>,
          %scan3A_418 = arith.constant 0 : i32
          scf.yield %scan3A_418 : i32
        }
        %scan3A_266 = arith.constant 8 : i32
        %scan3A_267 = arith.constant 0 : i32
        scf.yield %scan3A_267 : i32
      }
      %scan3A_237 = arith.constant 4 : i32
      %dma_start3A_238 = arith.constant 0 : i32
      %dma_start3A_239 = arith.constant 0 : i32
      %dma_start3A_240 = tpu.memref_slice %arg23[%dma_start3A_238, %dma_start3A_239] : memref<10000x128xf32, #tpu.memory_space<vmem_shared>> -> memref<10000x128xf32, #tpu.memory_space<vmem_shared>>
      tpu.enqueue_indirect_dma source(%arg20 : memref<64x128xf32, #tpu.memory_space<vmem>>) target(%dma_start3A_240 : memref<10000x128xf32, #tpu.memory_space<vmem_shared>>) offsets(%arg14 : memref<64xi32, #tpu.memory_space<vmem>>) semaphore(%arg34 : memref<!tpu.dma_semaphore, #tpu.memory_space<semaphore_mem>>) {add = true}
      %dma_start3A_241 = arith.constant 0 : i32
      %dma_start3A_242 = tpu.memref_slice %arg24[%dma_start3A_241] : memref<10000xf32, #tpu.memory_space<vmem_shared>> -> memref<10000xf32, #tpu.memory_space<vmem_shared>>
      tpu.enqueue_indirect_dma source(%arg22 : memref<64xf32, #tpu.memory_space<vmem>>) target(%dma_start3A_242 : memref<10000xf32, #tpu.memory_space<vmem_shared>>) offsets(%arg14 : memref<64xi32, #tpu.memory_space<vmem>>) semaphore(%arg36 : memref<!tpu.dma_semaphore, #tpu.memory_space<semaphore_mem>>) {add = true}
      %while3A_243 = arith.constant 0 : i32
      scf.yield %while3A_243 : i32
    }
    %while3A_86 = arith.constant 1 : i32
    %while3A_87 = scf.for %while3A_123 = %while3A_83 to %while3A_79 step %while3A_86 iter_args(%while3A_124 = %while3A_85) -> (i32)  : i32 {
      %add3A_125 = arith.constant 1 : i32
      %add3A_126 = arith.addi %while3A_123, %add3A_125 : i32
      %lt3A_127 = arith.cmpi slt, %add3A_126, %add3A_43 : i32
      %gt3A = arith.constant 0 : i32
      %gt3A_128 = arith.cmpi sgt, %while3A_123, %gt3A : i32
      %convert_element_type3A_129 = arith.extui %gt3A_128 : i1 to i32
      %cond3A_130 = arith.constant 0 : i32
      %cond3A_131 = arith.cmpi ne, %convert_element_type3A_129, %cond3A_130 : i32
      scf.if %cond3A_131 {
        %dma_wait3A_244 = arith.constant 0 : i32
        %dma_wait3A_245 = arith.constant 0 : i32
        %dma_wait3A_246 = tpu.memref_slice %arg23[%dma_wait3A_244, %dma_wait3A_245] : memref<10000x128xf32, #tpu.memory_space<vmem_shared>> -> memref<10000x128xf32, #tpu.memory_space<vmem_shared>>
        tpu.wait_indirect_dma semaphore(%arg34 : memref<!tpu.dma_semaphore, #tpu.memory_space<semaphore_mem>>) src(%arg20 : memref<64x128xf32, #tpu.memory_space<vmem>>) dst(%dma_wait3A_246 : memref<10000x128xf32, #tpu.memory_space<vmem_shared>>)
        %dma_wait3A_247 = arith.constant 0 : i32
        %dma_wait3A_248 = tpu.memref_slice %arg24[%dma_wait3A_247] : memref<10000xf32, #tpu.memory_space<vmem_shared>> -> memref<10000xf32, #tpu.memory_space<vmem_shared>>
        tpu.wait_indirect_dma semaphore(%arg36 : memref<!tpu.dma_semaphore, #tpu.memory_space<semaphore_mem>>) src(%arg22 : memref<64xf32, #tpu.memory_space<vmem>>) dst(%dma_wait3A_248 : memref<10000xf32, #tpu.memory_space<vmem_shared>>)
      } else {
      }
      %dma_wait3A_132 = arith.constant 0 : i32
      %dma_wait3A_133 = tpu.memref_slice %arg5[%dma_wait3A_132] : memref<320000xi32, #tpu.memory_space<hbm>> -> memref<64xi32, #tpu.memory_space<hbm>>
      %dma_wait3A_134 = arith.constant 0 : i32
      %dma_wait3A_135 = tpu.memref_slice %arg5[%dma_wait3A_134] : memref<320000xi32, #tpu.memory_space<hbm>> -> memref<64xi32, #tpu.memory_space<hbm>>
      tpu.wait_dma2 semaphore(%arg32 : memref<!tpu.dma_semaphore, #tpu.memory_space<semaphore_mem>>) src(%dma_wait3A_135 : memref<64xi32, #tpu.memory_space<hbm>>) dst(%arg10 : memref<64xi32, #tpu.memory_space<vmem>>)
      %dma_wait3A_136 = arith.constant 0 : i32
      %dma_wait3A_137 = tpu.memref_slice %arg6[%dma_wait3A_136] : memref<320000xi32, #tpu.memory_space<hbm>> -> memref<64xi32, #tpu.memory_space<hbm>>
      %dma_wait3A_138 = arith.constant 0 : i32
      %dma_wait3A_139 = tpu.memref_slice %arg6[%dma_wait3A_138] : memref<320000xi32, #tpu.memory_space<hbm>> -> memref<64xi32, #tpu.memory_space<hbm>>
      tpu.wait_dma2 semaphore(%arg32 : memref<!tpu.dma_semaphore, #tpu.memory_space<semaphore_mem>>) src(%dma_wait3A_139 : memref<64xi32, #tpu.memory_space<hbm>>) dst(%arg12 : memref<64xi32, #tpu.memory_space<vmem>>)
      %dma_start3A_140 = arith.constant 0 : i32
      %dma_start3A_141 = arith.constant 0 : i32
      %dma_start3A_142 = tpu.memref_slice %arg2[%dma_start3A_140, %dma_start3A_141] : memref<10000x128xf32, #tpu.memory_space<hbm>> -> memref<10000x128xf32, #tpu.memory_space<hbm>>
      tpu.enqueue_indirect_dma source(%dma_start3A_142 : memref<10000x128xf32, #tpu.memory_space<hbm>>) target(%arg16 : memref<64x128xf32, #tpu.memory_space<vmem>>) offsets(%arg12 : memref<64xi32, #tpu.memory_space<vmem>>) semaphore(%arg26 : memref<!tpu.dma_semaphore, #tpu.memory_space<semaphore_mem>>)
      %dma_start3A_143 = arith.constant 0 : i32
      %dma_start3A_144 = arith.constant 0 : i32
      %dma_start3A_145 = tpu.memref_slice %arg3[%dma_start3A_143, %dma_start3A_144] : memref<10000x128xf32, #tpu.memory_space<hbm>> -> memref<10000x128xf32, #tpu.memory_space<hbm>>
      tpu.enqueue_indirect_dma source(%dma_start3A_145 : memref<10000x128xf32, #tpu.memory_space<hbm>>) target(%arg18 : memref<64x128xf32, #tpu.memory_space<vmem>>) offsets(%arg10 : memref<64xi32, #tpu.memory_space<vmem>>) semaphore(%arg28 : memref<!tpu.dma_semaphore, #tpu.memory_space<semaphore_mem>>)
      %dma_start3A_146 = arith.constant 0 : i32
      %dma_start3A_147 = arith.constant 0 : i32
      %dma_start3A_148 = tpu.memref_slice %arg4[%dma_start3A_146, %dma_start3A_147] : memref<10000x128xf32, #tpu.memory_space<hbm>> -> memref<10000x128xf32, #tpu.memory_space<hbm>>
      tpu.enqueue_indirect_dma source(%dma_start3A_148 : memref<10000x128xf32, #tpu.memory_space<hbm>>) target(%arg20 : memref<64x128xf32, #tpu.memory_space<vmem>>) offsets(%arg10 : memref<64xi32, #tpu.memory_space<vmem>>) semaphore(%arg30 : memref<!tpu.dma_semaphore, #tpu.memory_space<semaphore_mem>>)
      %dma_wait3A_149 = arith.constant 0 : i32
      %dma_wait3A_150 = arith.constant 0 : i32
      %dma_wait3A_151 = tpu.memref_slice %arg2[%dma_wait3A_149, %dma_wait3A_150] : memref<10000x128xf32, #tpu.memory_space<hbm>> -> memref<10000x128xf32, #tpu.memory_space<hbm>>
      tpu.wait_indirect_dma semaphore(%arg25 : memref<!tpu.dma_semaphore, #tpu.memory_space<semaphore_mem>>) src(%dma_wait3A_151 : memref<10000x128xf32, #tpu.memory_space<hbm>>) dst(%arg15 : memref<64x128xf32, #tpu.memory_space<vmem>>)
      %dma_wait3A_152 = arith.constant 0 : i32
      %dma_wait3A_153 = arith.constant 0 : i32
      %dma_wait3A_154 = tpu.memref_slice %arg3[%dma_wait3A_152, %dma_wait3A_153] : memref<10000x128xf32, #tpu.memory_space<hbm>> -> memref<10000x128xf32, #tpu.memory_space<hbm>>
      tpu.wait_indirect_dma semaphore(%arg27 : memref<!tpu.dma_semaphore, #tpu.memory_space<semaphore_mem>>) src(%dma_wait3A_154 : memref<10000x128xf32, #tpu.memory_space<hbm>>) dst(%arg17 : memref<64x128xf32, #tpu.memory_space<vmem>>)
      %dma_wait3A_155 = arith.constant 0 : i32
      %dma_wait3A_156 = arith.constant 0 : i32
      %dma_wait3A_157 = tpu.memref_slice %arg4[%dma_wait3A_155, %dma_wait3A_156] : memref<10000x128xf32, #tpu.memory_space<hbm>> -> memref<10000x128xf32, #tpu.memory_space<hbm>>
      tpu.wait_indirect_dma semaphore(%arg29 : memref<!tpu.dma_semaphore, #tpu.memory_space<semaphore_mem>>) src(%dma_wait3A_157 : memref<10000x128xf32, #tpu.memory_space<hbm>>) dst(%arg19 : memref<64x128xf32, #tpu.memory_space<vmem>>)
      %scan3A_158 = arith.constant 0 : i32
      %scan3A_159 = arith.constant 0 : i32
      %scan3A_160 = arith.constant 4 : i32
      %scan3A_161 = arith.addi %scan3A_159, %scan3A_160 : i32
      %scan3A_162 = arith.constant 1 : i32
      %scan3A_163 = scf.for %scan3A_244 = %scan3A_159 to %scan3A_161 step %scan3A_162 iter_args(%scan3A_245 = %scan3A_158) -> (i32)  : i32 {
        %mul3A_246 = arith.constant 16 : i32
        %mul3A_247 = arith.muli %scan3A_244, %mul3A_246 : i32
        %get3A = arith.index_cast %mul3A_247 : i32 to index
        %get3A_248 = tpu.vector_load %arg11[%get3A] {strides = array<i32>} : memref<64xi32, #tpu.memory_space<vmem>>, vector<16xi32>,
        %mul3A_249 = arith.constant 16 : i32
        %mul3A_250 = arith.muli %scan3A_244, %mul3A_249 : i32
        %swap3A = arith.index_cast %mul3A_250 : i32 to index
        %swap3A_251 = tpu.vector_load %arg13[%swap3A] {strides = array<i32>} : memref<64xi32, #tpu.memory_space<vmem>>, vector<16xi32>,
        tpu.vector_store %arg13[%swap3A], %get3A_248 {strides = array<i32>} : memref<64xi32, #tpu.memory_space<vmem>>, vector<16xi32>,
        %scan3A_252 = arith.constant 0 : i32
        scf.yield %scan3A_252 : i32
      }
      %scan3A_164 = arith.constant 4 : i32
      %add3A_165 = arith.constant 1 : i32
      %add3A_166 = arith.addi %while3A_123, %add3A_165 : i32
      %mul3A_167 = arith.constant 32 : i32
      %mul3A_168 = arith.muli %add3A_166, %mul3A_167 : i32
      %add3A_169 = arith.addi %add3A, %mul3A_168 : i32
      %mul3A_170 = arith.constant 2 : i32
      %mul3A_171 = arith.muli %mul3A_170, %add3A_169 : i32
      %add3A_172 = arith.constant 0 : i32
      %add3A_173 = arith.addi %mul3A_171, %add3A_172 : i32
      %convert_element_type3A_174 = arith.extui %lt3A_127 : i1 to i32
      %cond3A_175 = arith.constant 0 : i32
      %cond3A_176 = arith.cmpi ne, %convert_element_type3A_174, %cond3A_175 : i32
      scf.if %cond3A_176 {
        %mul3A_244 = arith.constant 64 : i32
        %mul3A_245 = arith.muli %add3A_173, %mul3A_244 : i32
        %dma_start3A_246 = tpu.memref_slice %arg5[%mul3A_245] : memref<320000xi32, #tpu.memory_space<hbm>> -> memref<64xi32, #tpu.memory_space<hbm>>
        %dma_start3A_247 = tpu.memref_slice %arg5[%mul3A_245] : memref<320000xi32, #tpu.memory_space<hbm>> -> memref<64xi32, #tpu.memory_space<hbm>>
        tpu.enqueue_dma source(%dma_start3A_247 : memref<64xi32, #tpu.memory_space<hbm>>) target(%arg9 : memref<64xi32, #tpu.memory_space<vmem>>) target_semaphore(%arg31 : memref<!tpu.dma_semaphore, #tpu.memory_space<semaphore_mem>>)
        %dma_start3A_248 = tpu.memref_slice %arg6[%mul3A_245] : memref<320000xi32, #tpu.memory_space<hbm>> -> memref<64xi32, #tpu.memory_space<hbm>>
        %dma_start3A_249 = tpu.memref_slice %arg6[%mul3A_245] : memref<320000xi32, #tpu.memory_space<hbm>> -> memref<64xi32, #tpu.memory_space<hbm>>
        tpu.enqueue_dma source(%dma_start3A_249 : memref<64xi32, #tpu.memory_space<hbm>>) target(%arg11 : memref<64xi32, #tpu.memory_space<vmem>>) target_semaphore(%arg31 : memref<!tpu.dma_semaphore, #tpu.memory_space<semaphore_mem>>)
      } else {
      }
      %lt3A_177 = arith.constant 8 : i32
      %lt3A_178 = vector.broadcast %lt3A_177 : i32 to vector<16xi32>
      %lt3A_179 = arith.cmpi slt, %iota3A, %lt3A_178 : vector<16xi32>
      %scan3A_180 = arith.constant 0 : i32
      %scan3A_181 = arith.constant 0 : i32
      %scan3A_182 = arith.constant 4 : i32
      %scan3A_183 = arith.addi %scan3A_181, %scan3A_182 : i32
      %scan3A_184 = arith.constant 1 : i32
      %scan3A_185 = scf.for %scan3A_244 = %scan3A_181 to %scan3A_183 step %scan3A_184 iter_args(%scan3A_245 = %scan3A_180) -> (i32)  : i32 {
        %mul3A_246 = arith.constant 16 : i32
        %mul3A_247 = arith.muli %scan3A_244, %mul3A_246 : i32
        %broadcast_in_dim3A = arith.constant 0.000000e+00 : f32
        %broadcast_in_dim3A_248 = vector.broadcast %broadcast_in_dim3A : f32 to vector<16xf32>
        %scan3A_249 = arith.constant 0 : i32
        %scan3A_250 = arith.constant 8 : i32
        %scan3A_251 = arith.addi %scan3A_249, %scan3A_250 : i32
        %scan3A_252 = arith.constant 1 : i32
        %scan3A_253 = scf.for %scan3A_268 = %scan3A_249 to %scan3A_251 step %scan3A_252 iter_args(%scan3A_269 = %broadcast_in_dim3A_248) -> (vector<16xf32>)  : i32 {
          %add3A_270 = arith.addi %mul3A_247, %scan3A_268 : i32
          %get3A = arith.index_cast %add3A_270 : i32 to index
          %get3A_271 = arith.constant 0 : index
          %get3A_272 = tpu.vector_load %arg15[%get3A, %get3A_271] {strides = array<i32>} : memref<64x128xf32, #tpu.memory_space<vmem>>, vector<16xf32>,
          %get3A_273 = arith.index_cast %add3A_270 : i32 to index
          %get3A_274 = arith.constant 0 : index
          %get3A_275 = tpu.vector_load %arg17[%get3A_273, %get3A_274] {strides = array<i32>} : memref<64x128xf32, #tpu.memory_space<vmem>>, vector<16xf32>,
          %mul3A_276 = arith.mulf %get3A_272, %get3A_275 : vector<16xf32>
          %get3A_277 = arith.index_cast %add3A_270 : i32 to index
          %get3A_278 = arith.constant 16 : index
          %get3A_279 = tpu.vector_load %arg15[%get3A_277, %get3A_278] {strides = array<i32>} : memref<64x128xf32, #tpu.memory_space<vmem>>, vector<16xf32>,
          %get3A_280 = arith.index_cast %add3A_270 : i32 to index
          %get3A_281 = arith.constant 16 : index
          %get3A_282 = tpu.vector_load %arg17[%get3A_280, %get3A_281] {strides = array<i32>} : memref<64x128xf32, #tpu.memory_space<vmem>>, vector<16xf32>,
          %mul3A_283 = arith.mulf %get3A_279, %get3A_282 : vector<16xf32>
          %add3A_284 = arith.addf %mul3A_276, %mul3A_283 : vector<16xf32>
          %get3A_285 = arith.index_cast %add3A_270 : i32 to index
          %get3A_286 = arith.constant 32 : index
          %get3A_287 = tpu.vector_load %arg15[%get3A_285, %get3A_286] {strides = array<i32>} : memref<64x128xf32, #tpu.memory_space<vmem>>, vector<16xf32>,
          %get3A_288 = arith.index_cast %add3A_270 : i32 to index
          %get3A_289 = arith.constant 32 : index
          %get3A_290 = tpu.vector_load %arg17[%get3A_288, %get3A_289] {strides = array<i32>} : memref<64x128xf32, #tpu.memory_space<vmem>>, vector<16xf32>,
          %mul3A_291 = arith.mulf %get3A_287, %get3A_290 : vector<16xf32>
          %add3A_292 = arith.addf %add3A_284, %mul3A_291 : vector<16xf32>
          %get3A_293 = arith.index_cast %add3A_270 : i32 to index
          %get3A_294 = arith.constant 48 : index
          %get3A_295 = tpu.vector_load %arg15[%get3A_293, %get3A_294] {strides = array<i32>} : memref<64x128xf32, #tpu.memory_space<vmem>>, vector<16xf32>,
          %get3A_296 = arith.index_cast %add3A_270 : i32 to index
          %get3A_297 = arith.constant 48 : index
          %get3A_298 = tpu.vector_load %arg17[%get3A_296, %get3A_297] {strides = array<i32>} : memref<64x128xf32, #tpu.memory_space<vmem>>, vector<16xf32>,
          %mul3A_299 = arith.mulf %get3A_295, %get3A_298 : vector<16xf32>
          %add3A_300 = arith.addf %add3A_292, %mul3A_299 : vector<16xf32>
          %get3A_301 = arith.index_cast %add3A_270 : i32 to index
          %get3A_302 = arith.constant 64 : index
          %get3A_303 = tpu.vector_load %arg15[%get3A_301, %get3A_302] {strides = array<i32>} : memref<64x128xf32, #tpu.memory_space<vmem>>, vector<16xf32>,
          %get3A_304 = arith.index_cast %add3A_270 : i32 to index
          %get3A_305 = arith.constant 64 : index
          %get3A_306 = tpu.vector_load %arg17[%get3A_304, %get3A_305] {strides = array<i32>} : memref<64x128xf32, #tpu.memory_space<vmem>>, vector<16xf32>,
          %mul3A_307 = arith.mulf %get3A_303, %get3A_306 : vector<16xf32>
          %add3A_308 = arith.addf %add3A_300, %mul3A_307 : vector<16xf32>
          %get3A_309 = arith.index_cast %add3A_270 : i32 to index
          %get3A_310 = arith.constant 80 : index
          %get3A_311 = tpu.vector_load %arg15[%get3A_309, %get3A_310] {strides = array<i32>} : memref<64x128xf32, #tpu.memory_space<vmem>>, vector<16xf32>,
          %get3A_312 = arith.index_cast %add3A_270 : i32 to index
          %get3A_313 = arith.constant 80 : index
          %get3A_314 = tpu.vector_load %arg17[%get3A_312, %get3A_313] {strides = array<i32>} : memref<64x128xf32, #tpu.memory_space<vmem>>, vector<16xf32>,
          %mul3A_315 = arith.mulf %get3A_311, %get3A_314 : vector<16xf32>
          %add3A_316 = arith.addf %add3A_308, %mul3A_315 : vector<16xf32>
          %get3A_317 = arith.index_cast %add3A_270 : i32 to index
          %get3A_318 = arith.constant 96 : index
          %get3A_319 = tpu.vector_load %arg15[%get3A_317, %get3A_318] {strides = array<i32>} : memref<64x128xf32, #tpu.memory_space<vmem>>, vector<16xf32>,
          %get3A_320 = arith.index_cast %add3A_270 : i32 to index
          %get3A_321 = arith.constant 96 : index
          %get3A_322 = tpu.vector_load %arg17[%get3A_320, %get3A_321] {strides = array<i32>} : memref<64x128xf32, #tpu.memory_space<vmem>>, vector<16xf32>,
          %mul3A_323 = arith.mulf %get3A_319, %get3A_322 : vector<16xf32>
          %add3A_324 = arith.addf %add3A_316, %mul3A_323 : vector<16xf32>
          %get3A_325 = arith.index_cast %add3A_270 : i32 to index
          %get3A_326 = arith.constant 112 : index
          %get3A_327 = tpu.vector_load %arg15[%get3A_325, %get3A_326] {strides = array<i32>} : memref<64x128xf32, #tpu.memory_space<vmem>>, vector<16xf32>,
          %get3A_328 = arith.index_cast %add3A_270 : i32 to index
          %get3A_329 = arith.constant 112 : index
          %get3A_330 = tpu.vector_load %arg17[%get3A_328, %get3A_329] {strides = array<i32>} : memref<64x128xf32, #tpu.memory_space<vmem>>, vector<16xf32>,
          %mul3A_331 = arith.mulf %get3A_327, %get3A_330 : vector<16xf32>
          %add3A_332 = arith.addf %add3A_324, %mul3A_331 : vector<16xf32>
          %add3A_333 = arith.addi %mul3A_247, %scan3A_268 : i32
          %add3A_334 = arith.constant 8 : i32
          %add3A_335 = arith.addi %add3A_333, %add3A_334 : i32
          %get3A_336 = arith.index_cast %add3A_335 : i32 to index
          %get3A_337 = arith.constant 0 : index
          %get3A_338 = tpu.vector_load %arg15[%get3A_336, %get3A_337] {strides = array<i32>} : memref<64x128xf32, #tpu.memory_space<vmem>>, vector<16xf32>,
          %get3A_339 = arith.index_cast %add3A_335 : i32 to index
          %get3A_340 = arith.constant 0 : index
          %get3A_341 = tpu.vector_load %arg17[%get3A_339, %get3A_340] {strides = array<i32>} : memref<64x128xf32, #tpu.memory_space<vmem>>, vector<16xf32>,
          %mul3A_342 = arith.mulf %get3A_338, %get3A_341 : vector<16xf32>
          %get3A_343 = arith.index_cast %add3A_335 : i32 to index
          %get3A_344 = arith.constant 16 : index
          %get3A_345 = tpu.vector_load %arg15[%get3A_343, %get3A_344] {strides = array<i32>} : memref<64x128xf32, #tpu.memory_space<vmem>>, vector<16xf32>,
          %get3A_346 = arith.index_cast %add3A_335 : i32 to index
          %get3A_347 = arith.constant 16 : index
          %get3A_348 = tpu.vector_load %arg17[%get3A_346, %get3A_347] {strides = array<i32>} : memref<64x128xf32, #tpu.memory_space<vmem>>, vector<16xf32>,
          %mul3A_349 = arith.mulf %get3A_345, %get3A_348 : vector<16xf32>
          %add3A_350 = arith.addf %mul3A_342, %mul3A_349 : vector<16xf32>
          %get3A_351 = arith.index_cast %add3A_335 : i32 to index
          %get3A_352 = arith.constant 32 : index
          %get3A_353 = tpu.vector_load %arg15[%get3A_351, %get3A_352] {strides = array<i32>} : memref<64x128xf32, #tpu.memory_space<vmem>>, vector<16xf32>,
          %get3A_354 = arith.index_cast %add3A_335 : i32 to index
          %get3A_355 = arith.constant 32 : index
          %get3A_356 = tpu.vector_load %arg17[%get3A_354, %get3A_355] {strides = array<i32>} : memref<64x128xf32, #tpu.memory_space<vmem>>, vector<16xf32>,
          %mul3A_357 = arith.mulf %get3A_353, %get3A_356 : vector<16xf32>
          %add3A_358 = arith.addf %add3A_350, %mul3A_357 : vector<16xf32>
          %get3A_359 = arith.index_cast %add3A_335 : i32 to index
          %get3A_360 = arith.constant 48 : index
          %get3A_361 = tpu.vector_load %arg15[%get3A_359, %get3A_360] {strides = array<i32>} : memref<64x128xf32, #tpu.memory_space<vmem>>, vector<16xf32>,
          %get3A_362 = arith.index_cast %add3A_335 : i32 to index
          %get3A_363 = arith.constant 48 : index
          %get3A_364 = tpu.vector_load %arg17[%get3A_362, %get3A_363] {strides = array<i32>} : memref<64x128xf32, #tpu.memory_space<vmem>>, vector<16xf32>,
          %mul3A_365 = arith.mulf %get3A_361, %get3A_364 : vector<16xf32>
          %add3A_366 = arith.addf %add3A_358, %mul3A_365 : vector<16xf32>
          %get3A_367 = arith.index_cast %add3A_335 : i32 to index
          %get3A_368 = arith.constant 64 : index
          %get3A_369 = tpu.vector_load %arg15[%get3A_367, %get3A_368] {strides = array<i32>} : memref<64x128xf32, #tpu.memory_space<vmem>>, vector<16xf32>,
          %get3A_370 = arith.index_cast %add3A_335 : i32 to index
          %get3A_371 = arith.constant 64 : index
          %get3A_372 = tpu.vector_load %arg17[%get3A_370, %get3A_371] {strides = array<i32>} : memref<64x128xf32, #tpu.memory_space<vmem>>, vector<16xf32>,
          %mul3A_373 = arith.mulf %get3A_369, %get3A_372 : vector<16xf32>
          %add3A_374 = arith.addf %add3A_366, %mul3A_373 : vector<16xf32>
          %get3A_375 = arith.index_cast %add3A_335 : i32 to index
          %get3A_376 = arith.constant 80 : index
          %get3A_377 = tpu.vector_load %arg15[%get3A_375, %get3A_376] {strides = array<i32>} : memref<64x128xf32, #tpu.memory_space<vmem>>, vector<16xf32>,
          %get3A_378 = arith.index_cast %add3A_335 : i32 to index
          %get3A_379 = arith.constant 80 : index
          %get3A_380 = tpu.vector_load %arg17[%get3A_378, %get3A_379] {strides = array<i32>} : memref<64x128xf32, #tpu.memory_space<vmem>>, vector<16xf32>,
          %mul3A_381 = arith.mulf %get3A_377, %get3A_380 : vector<16xf32>
          %add3A_382 = arith.addf %add3A_374, %mul3A_381 : vector<16xf32>
          %get3A_383 = arith.index_cast %add3A_335 : i32 to index
          %get3A_384 = arith.constant 96 : index
          %get3A_385 = tpu.vector_load %arg15[%get3A_383, %get3A_384] {strides = array<i32>} : memref<64x128xf32, #tpu.memory_space<vmem>>, vector<16xf32>,
          %get3A_386 = arith.index_cast %add3A_335 : i32 to index
          %get3A_387 = arith.constant 96 : index
          %get3A_388 = tpu.vector_load %arg17[%get3A_386, %get3A_387] {strides = array<i32>} : memref<64x128xf32, #tpu.memory_space<vmem>>, vector<16xf32>,
          %mul3A_389 = arith.mulf %get3A_385, %get3A_388 : vector<16xf32>
          %add3A_390 = arith.addf %add3A_382, %mul3A_389 : vector<16xf32>
          %get3A_391 = arith.index_cast %add3A_335 : i32 to index
          %get3A_392 = arith.constant 112 : index
          %get3A_393 = tpu.vector_load %arg15[%get3A_391, %get3A_392] {strides = array<i32>} : memref<64x128xf32, #tpu.memory_space<vmem>>, vector<16xf32>,
          %get3A_394 = arith.index_cast %add3A_335 : i32 to index
          %get3A_395 = arith.constant 112 : index
          %get3A_396 = tpu.vector_load %arg17[%get3A_394, %get3A_395] {strides = array<i32>} : memref<64x128xf32, #tpu.memory_space<vmem>>, vector<16xf32>,
          %mul3A_397 = arith.mulf %get3A_393, %get3A_396 : vector<16xf32>
          %add3A_398 = arith.addf %add3A_390, %mul3A_397 : vector<16xf32>
          %xor3A = arith.constant 8 : i32
          %xor3A_399 = vector.broadcast %xor3A : i32 to vector<16xi32>
          %xor3A_400 = arith.xori %iota3A, %xor3A_399 : vector<16xi32>
          %lt3A_401 = arith.constant 0 : i32
          %lt3A_402 = vector.broadcast %lt3A_401 : i32 to vector<16xi32>
          %lt3A_403 = arith.cmpi slt, %xor3A_400, %lt3A_402 : vector<16xi32>
          %add3A_404 = arith.constant 16 : i32
          %add3A_405 = vector.broadcast %add3A_404 : i32 to vector<16xi32>
          %add3A_406 = arith.addi %xor3A_400, %add3A_405 : vector<16xi32>
          %select_n3A_407 = arith.select %lt3A_403, %add3A_406, %xor3A_400 : vector<16xi1>, vector<16xi32>
          %broadcast_in_dim3A_408 = vector.shape_cast %select_n3A_407 : vector<16xi32> to vector<16x1xi32>
          %gather3A = vector.shape_cast %broadcast_in_dim3A_408 : vector<16x1xi32> to vector<16xi32>
          %gather3A_409 = tpu.dynamic_gather %add3A_332[%gather3A] in [0] : vector<16xf32>, vector<16xi32> -> vector<16xf32>
          %add3A_410 = arith.addf %add3A_332, %gather3A_409 : vector<16xf32>
          %xor3A_411 = arith.constant 8 : i32
          %xor3A_412 = vector.broadcast %xor3A_411 : i32 to vector<16xi32>
          %xor3A_413 = arith.xori %iota3A, %xor3A_412 : vector<16xi32>
          %lt3A_414 = arith.constant 0 : i32
          %lt3A_415 = vector.broadcast %lt3A_414 : i32 to vector<16xi32>
          %lt3A_416 = arith.cmpi slt, %xor3A_413, %lt3A_415 : vector<16xi32>
          %add3A_417 = arith.constant 16 : i32
          %add3A_418 = vector.broadcast %add3A_417 : i32 to vector<16xi32>
          %add3A_419 = arith.addi %xor3A_413, %add3A_418 : vector<16xi32>
          %select_n3A_420 = arith.select %lt3A_416, %add3A_419, %xor3A_413 : vector<16xi1>, vector<16xi32>
          %broadcast_in_dim3A_421 = vector.shape_cast %select_n3A_420 : vector<16xi32> to vector<16x1xi32>
          %gather3A_422 = vector.shape_cast %broadcast_in_dim3A_421 : vector<16x1xi32> to vector<16xi32>
          %gather3A_423 = tpu.dynamic_gather %add3A_398[%gather3A_422] in [0] : vector<16xf32>, vector<16xi32> -> vector<16xf32>
          %add3A_424 = arith.addf %add3A_398, %gather3A_423 : vector<16xf32>
          %select_n3A_425 = arith.select %lt3A_179, %add3A_410, %add3A_424 : vector<16xi1>, vector<16xf32>
          %xor3A_426 = arith.constant 4 : i32
          %xor3A_427 = vector.broadcast %xor3A_426 : i32 to vector<16xi32>
          %xor3A_428 = arith.xori %iota3A, %xor3A_427 : vector<16xi32>
          %lt3A_429 = arith.constant 0 : i32
          %lt3A_430 = vector.broadcast %lt3A_429 : i32 to vector<16xi32>
          %lt3A_431 = arith.cmpi slt, %xor3A_428, %lt3A_430 : vector<16xi32>
          %add3A_432 = arith.constant 16 : i32
          %add3A_433 = vector.broadcast %add3A_432 : i32 to vector<16xi32>
          %add3A_434 = arith.addi %xor3A_428, %add3A_433 : vector<16xi32>
          %select_n3A_435 = arith.select %lt3A_431, %add3A_434, %xor3A_428 : vector<16xi1>, vector<16xi32>
          %broadcast_in_dim3A_436 = vector.shape_cast %select_n3A_435 : vector<16xi32> to vector<16x1xi32>
          %gather3A_437 = vector.shape_cast %broadcast_in_dim3A_436 : vector<16x1xi32> to vector<16xi32>
          %gather3A_438 = tpu.dynamic_gather %select_n3A_425[%gather3A_437] in [0] : vector<16xf32>, vector<16xi32> -> vector<16xf32>
          %add3A_439 = arith.addf %select_n3A_425, %gather3A_438 : vector<16xf32>
          %xor3A_440 = arith.constant 2 : i32
          %xor3A_441 = vector.broadcast %xor3A_440 : i32 to vector<16xi32>
          %xor3A_442 = arith.xori %iota3A, %xor3A_441 : vector<16xi32>
          %lt3A_443 = arith.constant 0 : i32
          %lt3A_444 = vector.broadcast %lt3A_443 : i32 to vector<16xi32>
          %lt3A_445 = arith.cmpi slt, %xor3A_442, %lt3A_444 : vector<16xi32>
          %add3A_446 = arith.constant 16 : i32
          %add3A_447 = vector.broadcast %add3A_446 : i32 to vector<16xi32>
          %add3A_448 = arith.addi %xor3A_442, %add3A_447 : vector<16xi32>
          %select_n3A_449 = arith.select %lt3A_445, %add3A_448, %xor3A_442 : vector<16xi1>, vector<16xi32>
          %broadcast_in_dim3A_450 = vector.shape_cast %select_n3A_449 : vector<16xi32> to vector<16x1xi32>
          %gather3A_451 = vector.shape_cast %broadcast_in_dim3A_450 : vector<16x1xi32> to vector<16xi32>
          %gather3A_452 = tpu.dynamic_gather %add3A_439[%gather3A_451] in [0] : vector<16xf32>, vector<16xi32> -> vector<16xf32>
          %add3A_453 = arith.addf %add3A_439, %gather3A_452 : vector<16xf32>
          %xor3A_454 = arith.constant 1 : i32
          %xor3A_455 = vector.broadcast %xor3A_454 : i32 to vector<16xi32>
          %xor3A_456 = arith.xori %iota3A, %xor3A_455 : vector<16xi32>
          %lt3A_457 = arith.constant 0 : i32
          %lt3A_458 = vector.broadcast %lt3A_457 : i32 to vector<16xi32>
          %lt3A_459 = arith.cmpi slt, %xor3A_456, %lt3A_458 : vector<16xi32>
          %add3A_460 = arith.constant 16 : i32
          %add3A_461 = vector.broadcast %add3A_460 : i32 to vector<16xi32>
          %add3A_462 = arith.addi %xor3A_456, %add3A_461 : vector<16xi32>
          %select_n3A_463 = arith.select %lt3A_459, %add3A_462, %xor3A_456 : vector<16xi1>, vector<16xi32>
          %broadcast_in_dim3A_464 = vector.shape_cast %select_n3A_463 : vector<16xi32> to vector<16x1xi32>
          %gather3A_465 = vector.shape_cast %broadcast_in_dim3A_464 : vector<16x1xi32> to vector<16xi32>
          %gather3A_466 = tpu.dynamic_gather %add3A_453[%gather3A_465] in [0] : vector<16xf32>, vector<16xi32> -> vector<16xf32>
          %add3A_467 = arith.addf %add3A_453, %gather3A_466 : vector<16xf32>
          %mul3A_468 = arith.constant 0.0883883461 : f32
          %mul3A_469 = vector.broadcast %mul3A_468 : f32 to vector<16xf32>
          %mul3A_470 = arith.mulf %add3A_467, %mul3A_469 : vector<16xf32>
          %eq3A_471 = vector.broadcast %scan3A_268 : i32 to vector<16xi32>
          %eq3A_472 = arith.cmpi eq, %iota3A, %eq3A_471 : vector<16xi32>
          %select_n3A_473 = arith.select %eq3A_472, %mul3A_470, %scan3A_269 : vector<16xi1>, vector<16xf32>
          %add3A_474 = arith.constant 8 : i32
          %add3A_475 = arith.addi %scan3A_268, %add3A_474 : i32
          %eq3A_476 = vector.broadcast %add3A_475 : i32 to vector<16xi32>
          %eq3A_477 = arith.cmpi eq, %iota3A, %eq3A_476 : vector<16xi32>
          %select_n3A_478 = arith.select %eq3A_477, %mul3A_470, %select_n3A_473 : vector<16xi1>, vector<16xf32>
          scf.yield %select_n3A_478 : vector<16xf32>
        }
        %scan3A_254 = arith.constant 8 : i32
        %max3A = arith.constant -6.000000e+01 : f32
        %max3A_255 = vector.broadcast %max3A : f32 to vector<16xf32>
        %max3A_256 = arith.maximumf %scan3A_253, %max3A_255 : vector<16xf32>
        %min3A = arith.constant 6.000000e+01 : f32
        %min3A_257 = vector.broadcast %min3A : f32 to vector<16xf32>
        %min3A_258 = arith.minimumf %max3A_256, %min3A_257 : vector<16xf32>
        %exp3A = math.exp %min3A_258 : vector<16xf32>
        %swap3A = arith.index_cast %mul3A_247 : i32 to index
        %swap3A_259 = tpu.vector_load %arg21[%swap3A] {strides = array<i32>} : memref<64xf32, #tpu.memory_space<vmem>>, vector<16xf32>,
        tpu.vector_store %arg21[%swap3A], %exp3A {strides = array<i32>} : memref<64xf32, #tpu.memory_space<vmem>>, vector<16xf32>,
        %scan3A_260 = arith.constant 0 : i32
        %scan3A_261 = arith.constant 0 : i32
        %scan3A_262 = arith.constant 8 : i32
        %scan3A_263 = arith.addi %scan3A_261, %scan3A_262 : i32
        %scan3A_264 = arith.constant 1 : i32
        %scan3A_265 = scf.for %scan3A_268 = %scan3A_261 to %scan3A_263 step %scan3A_264 iter_args(%scan3A_269 = %scan3A_260) -> (i32)  : i32 {
          %add3A_270 = arith.addi %mul3A_247, %scan3A_268 : i32
          %add3A_271 = arith.constant 0 : i32
          %add3A_272 = arith.addi %add3A_270, %add3A_271 : i32
          %broadcast_in_dim3A_273 = arith.constant 0 : i32
          %broadcast_in_dim3A_274 = vector.broadcast %broadcast_in_dim3A_273 : i32 to vector<16xi32>
          %add3A_275 = arith.constant 0 : i32
          %add3A_276 = arith.addi %scan3A_268, %add3A_275 : i32
          %add3A_277 = vector.broadcast %add3A_276 : i32 to vector<16xi32>
          %add3A_278 = arith.addi %broadcast_in_dim3A_274, %add3A_277 : vector<16xi32>
          %lt3A_279 = arith.constant 0 : i32
          %lt3A_280 = vector.broadcast %lt3A_279 : i32 to vector<16xi32>
          %lt3A_281 = arith.cmpi slt, %add3A_278, %lt3A_280 : vector<16xi32>
          %add3A_282 = arith.constant 16 : i32
          %add3A_283 = vector.broadcast %add3A_282 : i32 to vector<16xi32>
          %add3A_284 = arith.addi %add3A_278, %add3A_283 : vector<16xi32>
          %select_n3A_285 = arith.select %lt3A_281, %add3A_284, %add3A_278 : vector<16xi1>, vector<16xi32>
          %broadcast_in_dim3A_286 = vector.shape_cast %select_n3A_285 : vector<16xi32> to vector<16x1xi32>
          %gather3A = vector.shape_cast %broadcast_in_dim3A_286 : vector<16x1xi32> to vector<16xi32>
          %gather3A_287 = tpu.dynamic_gather %exp3A[%gather3A] in [0] : vector<16xf32>, vector<16xi32> -> vector<16xf32>
          %get3A = arith.index_cast %add3A_272 : i32 to index
          %get3A_288 = arith.constant 0 : index
          %get3A_289 = tpu.vector_load %arg19[%get3A, %get3A_288] {strides = array<i32>} : memref<64x128xf32, #tpu.memory_space<vmem>>, vector<16xf32>,
          %mul3A_290 = arith.mulf %gather3A_287, %get3A_289 : vector<16xf32>
          %swap3A_291 = arith.index_cast %add3A_272 : i32 to index
          %swap3A_292 = arith.constant 0 : index
          %swap3A_293 = tpu.vector_load %arg19[%swap3A_291, %swap3A_292] {strides = array<i32>} : memref<64x128xf32, #tpu.memory_space<vmem>>, vector<16xf32>,
          tpu.vector_store %arg19[%swap3A_291, %swap3A_292], %mul3A_290 {strides = array<i32>} : memref<64x128xf32, #tpu.memory_space<vmem>>, vector<16xf32>,
          %get3A_294 = arith.index_cast %add3A_272 : i32 to index
          %get3A_295 = arith.constant 16 : index
          %get3A_296 = tpu.vector_load %arg19[%get3A_294, %get3A_295] {strides = array<i32>} : memref<64x128xf32, #tpu.memory_space<vmem>>, vector<16xf32>,
          %mul3A_297 = arith.mulf %gather3A_287, %get3A_296 : vector<16xf32>
          %swap3A_298 = arith.index_cast %add3A_272 : i32 to index
          %swap3A_299 = arith.constant 16 : index
          %swap3A_300 = tpu.vector_load %arg19[%swap3A_298, %swap3A_299] {strides = array<i32>} : memref<64x128xf32, #tpu.memory_space<vmem>>, vector<16xf32>,
          tpu.vector_store %arg19[%swap3A_298, %swap3A_299], %mul3A_297 {strides = array<i32>} : memref<64x128xf32, #tpu.memory_space<vmem>>, vector<16xf32>,
          %get3A_301 = arith.index_cast %add3A_272 : i32 to index
          %get3A_302 = arith.constant 32 : index
          %get3A_303 = tpu.vector_load %arg19[%get3A_301, %get3A_302] {strides = array<i32>} : memref<64x128xf32, #tpu.memory_space<vmem>>, vector<16xf32>,
          %mul3A_304 = arith.mulf %gather3A_287, %get3A_303 : vector<16xf32>
          %swap3A_305 = arith.index_cast %add3A_272 : i32 to index
          %swap3A_306 = arith.constant 32 : index
          %swap3A_307 = tpu.vector_load %arg19[%swap3A_305, %swap3A_306] {strides = array<i32>} : memref<64x128xf32, #tpu.memory_space<vmem>>, vector<16xf32>,
          tpu.vector_store %arg19[%swap3A_305, %swap3A_306], %mul3A_304 {strides = array<i32>} : memref<64x128xf32, #tpu.memory_space<vmem>>, vector<16xf32>,
          %get3A_308 = arith.index_cast %add3A_272 : i32 to index
          %get3A_309 = arith.constant 48 : index
          %get3A_310 = tpu.vector_load %arg19[%get3A_308, %get3A_309] {strides = array<i32>} : memref<64x128xf32, #tpu.memory_space<vmem>>, vector<16xf32>,
          %mul3A_311 = arith.mulf %gather3A_287, %get3A_310 : vector<16xf32>
          %swap3A_312 = arith.index_cast %add3A_272 : i32 to index
          %swap3A_313 = arith.constant 48 : index
          %swap3A_314 = tpu.vector_load %arg19[%swap3A_312, %swap3A_313] {strides = array<i32>} : memref<64x128xf32, #tpu.memory_space<vmem>>, vector<16xf32>,
          tpu.vector_store %arg19[%swap3A_312, %swap3A_313], %mul3A_311 {strides = array<i32>} : memref<64x128xf32, #tpu.memory_space<vmem>>, vector<16xf32>,
          %get3A_315 = arith.index_cast %add3A_272 : i32 to index
          %get3A_316 = arith.constant 64 : index
          %get3A_317 = tpu.vector_load %arg19[%get3A_315, %get3A_316] {strides = array<i32>} : memref<64x128xf32, #tpu.memory_space<vmem>>, vector<16xf32>,
          %mul3A_318 = arith.mulf %gather3A_287, %get3A_317 : vector<16xf32>
          %swap3A_319 = arith.index_cast %add3A_272 : i32 to index
          %swap3A_320 = arith.constant 64 : index
          %swap3A_321 = tpu.vector_load %arg19[%swap3A_319, %swap3A_320] {strides = array<i32>} : memref<64x128xf32, #tpu.memory_space<vmem>>, vector<16xf32>,
          tpu.vector_store %arg19[%swap3A_319, %swap3A_320], %mul3A_318 {strides = array<i32>} : memref<64x128xf32, #tpu.memory_space<vmem>>, vector<16xf32>,
          %get3A_322 = arith.index_cast %add3A_272 : i32 to index
          %get3A_323 = arith.constant 80 : index
          %get3A_324 = tpu.vector_load %arg19[%get3A_322, %get3A_323] {strides = array<i32>} : memref<64x128xf32, #tpu.memory_space<vmem>>, vector<16xf32>,
          %mul3A_325 = arith.mulf %gather3A_287, %get3A_324 : vector<16xf32>
          %swap3A_326 = arith.index_cast %add3A_272 : i32 to index
          %swap3A_327 = arith.constant 80 : index
          %swap3A_328 = tpu.vector_load %arg19[%swap3A_326, %swap3A_327] {strides = array<i32>} : memref<64x128xf32, #tpu.memory_space<vmem>>, vector<16xf32>,
          tpu.vector_store %arg19[%swap3A_326, %swap3A_327], %mul3A_325 {strides = array<i32>} : memref<64x128xf32, #tpu.memory_space<vmem>>, vector<16xf32>,
          %get3A_329 = arith.index_cast %add3A_272 : i32 to index
          %get3A_330 = arith.constant 96 : index
          %get3A_331 = tpu.vector_load %arg19[%get3A_329, %get3A_330] {strides = array<i32>} : memref<64x128xf32, #tpu.memory_space<vmem>>, vector<16xf32>,
          %mul3A_332 = arith.mulf %gather3A_287, %get3A_331 : vector<16xf32>
          %swap3A_333 = arith.index_cast %add3A_272 : i32 to index
          %swap3A_334 = arith.constant 96 : index
          %swap3A_335 = tpu.vector_load %arg19[%swap3A_333, %swap3A_334] {strides = array<i32>} : memref<64x128xf32, #tpu.memory_space<vmem>>, vector<16xf32>,
          tpu.vector_store %arg19[%swap3A_333, %swap3A_334], %mul3A_332 {strides = array<i32>} : memref<64x128xf32, #tpu.memory_space<vmem>>, vector<16xf32>,
          %get3A_336 = arith.index_cast %add3A_272 : i32 to index
          %get3A_337 = arith.constant 112 : index
          %get3A_338 = tpu.vector_load %arg19[%get3A_336, %get3A_337] {strides = array<i32>} : memref<64x128xf32, #tpu.memory_space<vmem>>, vector<16xf32>,
          %mul3A_339 = arith.mulf %gather3A_287, %get3A_338 : vector<16xf32>
          %swap3A_340 = arith.index_cast %add3A_272 : i32 to index
          %swap3A_341 = arith.constant 112 : index
          %swap3A_342 = tpu.vector_load %arg19[%swap3A_340, %swap3A_341] {strides = array<i32>} : memref<64x128xf32, #tpu.memory_space<vmem>>, vector<16xf32>,
          tpu.vector_store %arg19[%swap3A_340, %swap3A_341], %mul3A_339 {strides = array<i32>} : memref<64x128xf32, #tpu.memory_space<vmem>>, vector<16xf32>,
          %add3A_343 = arith.addi %mul3A_247, %scan3A_268 : i32
          %add3A_344 = arith.constant 8 : i32
          %add3A_345 = arith.addi %add3A_343, %add3A_344 : i32
          %broadcast_in_dim3A_346 = arith.constant 0 : i32
          %broadcast_in_dim3A_347 = vector.broadcast %broadcast_in_dim3A_346 : i32 to vector<16xi32>
          %add3A_348 = arith.constant 8 : i32
          %add3A_349 = arith.addi %scan3A_268, %add3A_348 : i32
          %add3A_350 = vector.broadcast %add3A_349 : i32 to vector<16xi32>
          %add3A_351 = arith.addi %broadcast_in_dim3A_347, %add3A_350 : vector<16xi32>
          %lt3A_352 = arith.constant 0 : i32
          %lt3A_353 = vector.broadcast %lt3A_352 : i32 to vector<16xi32>
          %lt3A_354 = arith.cmpi slt, %add3A_351, %lt3A_353 : vector<16xi32>
          %add3A_355 = arith.constant 16 : i32
          %add3A_356 = vector.broadcast %add3A_355 : i32 to vector<16xi32>
          %add3A_357 = arith.addi %add3A_351, %add3A_356 : vector<16xi32>
          %select_n3A_358 = arith.select %lt3A_354, %add3A_357, %add3A_351 : vector<16xi1>, vector<16xi32>
          %broadcast_in_dim3A_359 = vector.shape_cast %select_n3A_358 : vector<16xi32> to vector<16x1xi32>
          %gather3A_360 = vector.shape_cast %broadcast_in_dim3A_359 : vector<16x1xi32> to vector<16xi32>
          %gather3A_361 = tpu.dynamic_gather %exp3A[%gather3A_360] in [0] : vector<16xf32>, vector<16xi32> -> vector<16xf32>
          %get3A_362 = arith.index_cast %add3A_345 : i32 to index
          %get3A_363 = arith.constant 0 : index
          %get3A_364 = tpu.vector_load %arg19[%get3A_362, %get3A_363] {strides = array<i32>} : memref<64x128xf32, #tpu.memory_space<vmem>>, vector<16xf32>,
          %mul3A_365 = arith.mulf %gather3A_361, %get3A_364 : vector<16xf32>
          %swap3A_366 = arith.index_cast %add3A_345 : i32 to index
          %swap3A_367 = arith.constant 0 : index
          %swap3A_368 = tpu.vector_load %arg19[%swap3A_366, %swap3A_367] {strides = array<i32>} : memref<64x128xf32, #tpu.memory_space<vmem>>, vector<16xf32>,
          tpu.vector_store %arg19[%swap3A_366, %swap3A_367], %mul3A_365 {strides = array<i32>} : memref<64x128xf32, #tpu.memory_space<vmem>>, vector<16xf32>,
          %get3A_369 = arith.index_cast %add3A_345 : i32 to index
          %get3A_370 = arith.constant 16 : index
          %get3A_371 = tpu.vector_load %arg19[%get3A_369, %get3A_370] {strides = array<i32>} : memref<64x128xf32, #tpu.memory_space<vmem>>, vector<16xf32>,
          %mul3A_372 = arith.mulf %gather3A_361, %get3A_371 : vector<16xf32>
          %swap3A_373 = arith.index_cast %add3A_345 : i32 to index
          %swap3A_374 = arith.constant 16 : index
          %swap3A_375 = tpu.vector_load %arg19[%swap3A_373, %swap3A_374] {strides = array<i32>} : memref<64x128xf32, #tpu.memory_space<vmem>>, vector<16xf32>,
          tpu.vector_store %arg19[%swap3A_373, %swap3A_374], %mul3A_372 {strides = array<i32>} : memref<64x128xf32, #tpu.memory_space<vmem>>, vector<16xf32>,
          %get3A_376 = arith.index_cast %add3A_345 : i32 to index
          %get3A_377 = arith.constant 32 : index
          %get3A_378 = tpu.vector_load %arg19[%get3A_376, %get3A_377] {strides = array<i32>} : memref<64x128xf32, #tpu.memory_space<vmem>>, vector<16xf32>,
          %mul3A_379 = arith.mulf %gather3A_361, %get3A_378 : vector<16xf32>
          %swap3A_380 = arith.index_cast %add3A_345 : i32 to index
          %swap3A_381 = arith.constant 32 : index
          %swap3A_382 = tpu.vector_load %arg19[%swap3A_380, %swap3A_381] {strides = array<i32>} : memref<64x128xf32, #tpu.memory_space<vmem>>, vector<16xf32>,
          tpu.vector_store %arg19[%swap3A_380, %swap3A_381], %mul3A_379 {strides = array<i32>} : memref<64x128xf32, #tpu.memory_space<vmem>>, vector<16xf32>,
          %get3A_383 = arith.index_cast %add3A_345 : i32 to index
          %get3A_384 = arith.constant 48 : index
          %get3A_385 = tpu.vector_load %arg19[%get3A_383, %get3A_384] {strides = array<i32>} : memref<64x128xf32, #tpu.memory_space<vmem>>, vector<16xf32>,
          %mul3A_386 = arith.mulf %gather3A_361, %get3A_385 : vector<16xf32>
          %swap3A_387 = arith.index_cast %add3A_345 : i32 to index
          %swap3A_388 = arith.constant 48 : index
          %swap3A_389 = tpu.vector_load %arg19[%swap3A_387, %swap3A_388] {strides = array<i32>} : memref<64x128xf32, #tpu.memory_space<vmem>>, vector<16xf32>,
          tpu.vector_store %arg19[%swap3A_387, %swap3A_388], %mul3A_386 {strides = array<i32>} : memref<64x128xf32, #tpu.memory_space<vmem>>, vector<16xf32>,
          %get3A_390 = arith.index_cast %add3A_345 : i32 to index
          %get3A_391 = arith.constant 64 : index
          %get3A_392 = tpu.vector_load %arg19[%get3A_390, %get3A_391] {strides = array<i32>} : memref<64x128xf32, #tpu.memory_space<vmem>>, vector<16xf32>,
          %mul3A_393 = arith.mulf %gather3A_361, %get3A_392 : vector<16xf32>
          %swap3A_394 = arith.index_cast %add3A_345 : i32 to index
          %swap3A_395 = arith.constant 64 : index
          %swap3A_396 = tpu.vector_load %arg19[%swap3A_394, %swap3A_395] {strides = array<i32>} : memref<64x128xf32, #tpu.memory_space<vmem>>, vector<16xf32>,
          tpu.vector_store %arg19[%swap3A_394, %swap3A_395], %mul3A_393 {strides = array<i32>} : memref<64x128xf32, #tpu.memory_space<vmem>>, vector<16xf32>,
          %get3A_397 = arith.index_cast %add3A_345 : i32 to index
          %get3A_398 = arith.constant 80 : index
          %get3A_399 = tpu.vector_load %arg19[%get3A_397, %get3A_398] {strides = array<i32>} : memref<64x128xf32, #tpu.memory_space<vmem>>, vector<16xf32>,
          %mul3A_400 = arith.mulf %gather3A_361, %get3A_399 : vector<16xf32>
          %swap3A_401 = arith.index_cast %add3A_345 : i32 to index
          %swap3A_402 = arith.constant 80 : index
          %swap3A_403 = tpu.vector_load %arg19[%swap3A_401, %swap3A_402] {strides = array<i32>} : memref<64x128xf32, #tpu.memory_space<vmem>>, vector<16xf32>,
          tpu.vector_store %arg19[%swap3A_401, %swap3A_402], %mul3A_400 {strides = array<i32>} : memref<64x128xf32, #tpu.memory_space<vmem>>, vector<16xf32>,
          %get3A_404 = arith.index_cast %add3A_345 : i32 to index
          %get3A_405 = arith.constant 96 : index
          %get3A_406 = tpu.vector_load %arg19[%get3A_404, %get3A_405] {strides = array<i32>} : memref<64x128xf32, #tpu.memory_space<vmem>>, vector<16xf32>,
          %mul3A_407 = arith.mulf %gather3A_361, %get3A_406 : vector<16xf32>
          %swap3A_408 = arith.index_cast %add3A_345 : i32 to index
          %swap3A_409 = arith.constant 96 : index
          %swap3A_410 = tpu.vector_load %arg19[%swap3A_408, %swap3A_409] {strides = array<i32>} : memref<64x128xf32, #tpu.memory_space<vmem>>, vector<16xf32>,
          tpu.vector_store %arg19[%swap3A_408, %swap3A_409], %mul3A_407 {strides = array<i32>} : memref<64x128xf32, #tpu.memory_space<vmem>>, vector<16xf32>,
          %get3A_411 = arith.index_cast %add3A_345 : i32 to index
          %get3A_412 = arith.constant 112 : index
          %get3A_413 = tpu.vector_load %arg19[%get3A_411, %get3A_412] {strides = array<i32>} : memref<64x128xf32, #tpu.memory_space<vmem>>, vector<16xf32>,
          %mul3A_414 = arith.mulf %gather3A_361, %get3A_413 : vector<16xf32>
          %swap3A_415 = arith.index_cast %add3A_345 : i32 to index
          %swap3A_416 = arith.constant 112 : index
          %swap3A_417 = tpu.vector_load %arg19[%swap3A_415, %swap3A_416] {strides = array<i32>} : memref<64x128xf32, #tpu.memory_space<vmem>>, vector<16xf32>,
          tpu.vector_store %arg19[%swap3A_415, %swap3A_416], %mul3A_414 {strides = array<i32>} : memref<64x128xf32, #tpu.memory_space<vmem>>, vector<16xf32>,
          %scan3A_418 = arith.constant 0 : i32
          scf.yield %scan3A_418 : i32
        }
        %scan3A_266 = arith.constant 8 : i32
        %scan3A_267 = arith.constant 0 : i32
        scf.yield %scan3A_267 : i32
      }
      %scan3A_186 = arith.constant 4 : i32
      %dma_start3A_187 = arith.constant 0 : i32
      %dma_start3A_188 = arith.constant 0 : i32
      %dma_start3A_189 = tpu.memref_slice %arg23[%dma_start3A_187, %dma_start3A_188] : memref<10000x128xf32, #tpu.memory_space<vmem_shared>> -> memref<10000x128xf32, #tpu.memory_space<vmem_shared>>
      tpu.enqueue_indirect_dma source(%arg19 : memref<64x128xf32, #tpu.memory_space<vmem>>) target(%dma_start3A_189 : memref<10000x128xf32, #tpu.memory_space<vmem_shared>>) offsets(%arg13 : memref<64xi32, #tpu.memory_space<vmem>>) semaphore(%arg33 : memref<!tpu.dma_semaphore, #tpu.memory_space<semaphore_mem>>) {add = true}
      %dma_start3A_190 = arith.constant 0 : i32
      %dma_start3A_191 = tpu.memref_slice %arg24[%dma_start3A_190] : memref<10000xf32, #tpu.memory_space<vmem_shared>> -> memref<10000xf32, #tpu.memory_space<vmem_shared>>
      tpu.enqueue_indirect_dma source(%arg21 : memref<64xf32, #tpu.memory_space<vmem>>) target(%dma_start3A_191 : memref<10000xf32, #tpu.memory_space<vmem_shared>>) offsets(%arg13 : memref<64xi32, #tpu.memory_space<vmem>>) semaphore(%arg35 : memref<!tpu.dma_semaphore, #tpu.memory_space<semaphore_mem>>) {add = true}
      %dma_wait3A_192 = arith.constant 0 : i32
      %dma_wait3A_193 = arith.constant 0 : i32
      %dma_wait3A_194 = tpu.memref_slice %arg23[%dma_wait3A_192, %dma_wait3A_193] : memref<10000x128xf32, #tpu.memory_space<vmem_shared>> -> memref<10000x128xf32, #tpu.memory_space<vmem_shared>>
      tpu.wait_indirect_dma semaphore(%arg33 : memref<!tpu.dma_semaphore, #tpu.memory_space<semaphore_mem>>) src(%arg19 : memref<64x128xf32, #tpu.memory_space<vmem>>) dst(%dma_wait3A_194 : memref<10000x128xf32, #tpu.memory_space<vmem_shared>>)
      %dma_wait3A_195 = arith.constant 0 : i32
      %dma_wait3A_196 = tpu.memref_slice %arg24[%dma_wait3A_195] : memref<10000xf32, #tpu.memory_space<vmem_shared>> -> memref<10000xf32, #tpu.memory_space<vmem_shared>>
      tpu.wait_indirect_dma semaphore(%arg35 : memref<!tpu.dma_semaphore, #tpu.memory_space<semaphore_mem>>) src(%arg21 : memref<64xf32, #tpu.memory_space<vmem>>) dst(%dma_wait3A_196 : memref<10000xf32, #tpu.memory_space<vmem_shared>>)
      %convert_element_type3A_197 = arith.extui %lt3A_127 : i1 to i32
      %cond3A_198 = arith.constant 0 : i32
      %cond3A_199 = arith.cmpi ne, %convert_element_type3A_197, %cond3A_198 : i32
      scf.if %cond3A_199 {
        %dma_wait3A_244 = arith.constant 0 : i32
        %dma_wait3A_245 = tpu.memref_slice %arg5[%dma_wait3A_244] : memref<320000xi32, #tpu.memory_space<hbm>> -> memref<64xi32, #tpu.memory_space<hbm>>
        %dma_wait3A_246 = arith.constant 0 : i32
        %dma_wait3A_247 = tpu.memref_slice %arg5[%dma_wait3A_246] : memref<320000xi32, #tpu.memory_space<hbm>> -> memref<64xi32, #tpu.memory_space<hbm>>
        tpu.wait_dma2 semaphore(%arg31 : memref<!tpu.dma_semaphore, #tpu.memory_space<semaphore_mem>>) src(%dma_wait3A_247 : memref<64xi32, #tpu.memory_space<hbm>>) dst(%arg9 : memref<64xi32, #tpu.memory_space<vmem>>)
        %dma_wait3A_248 = arith.constant 0 : i32
        %dma_wait3A_249 = tpu.memref_slice %arg6[%dma_wait3A_248] : memref<320000xi32, #tpu.memory_space<hbm>> -> memref<64xi32, #tpu.memory_space<hbm>>
        %dma_wait3A_250 = arith.constant 0 : i32
        %dma_wait3A_251 = tpu.memref_slice %arg6[%dma_wait3A_250] : memref<320000xi32, #tpu.memory_space<hbm>> -> memref<64xi32, #tpu.memory_space<hbm>>
        tpu.wait_dma2 semaphore(%arg31 : memref<!tpu.dma_semaphore, #tpu.memory_space<semaphore_mem>>) src(%dma_wait3A_251 : memref<64xi32, #tpu.memory_space<hbm>>) dst(%arg11 : memref<64xi32, #tpu.memory_space<vmem>>)
        %dma_start3A_252 = arith.constant 0 : i32
        %dma_start3A_253 = arith.constant 0 : i32
        %dma_start3A_254 = tpu.memref_slice %arg2[%dma_start3A_252, %dma_start3A_253] : memref<10000x128xf32, #tpu.memory_space<hbm>> -> memref<10000x128xf32, #tpu.memory_space<hbm>>
        tpu.enqueue_indirect_dma source(%dma_start3A_254 : memref<10000x128xf32, #tpu.memory_space<hbm>>) target(%arg15 : memref<64x128xf32, #tpu.memory_space<vmem>>) offsets(%arg11 : memref<64xi32, #tpu.memory_space<vmem>>) semaphore(%arg25 : memref<!tpu.dma_semaphore, #tpu.memory_space<semaphore_mem>>)
        %dma_start3A_255 = arith.constant 0 : i32
        %dma_start3A_256 = arith.constant 0 : i32
        %dma_start3A_257 = tpu.memref_slice %arg3[%dma_start3A_255, %dma_start3A_256] : memref<10000x128xf32, #tpu.memory_space<hbm>> -> memref<10000x128xf32, #tpu.memory_space<hbm>>
        tpu.enqueue_indirect_dma source(%dma_start3A_257 : memref<10000x128xf32, #tpu.memory_space<hbm>>) target(%arg17 : memref<64x128xf32, #tpu.memory_space<vmem>>) offsets(%arg9 : memref<64xi32, #tpu.memory_space<vmem>>) semaphore(%arg27 : memref<!tpu.dma_semaphore, #tpu.memory_space<semaphore_mem>>)
        %dma_start3A_258 = arith.constant 0 : i32
        %dma_start3A_259 = arith.constant 0 : i32
        %dma_start3A_260 = tpu.memref_slice %arg4[%dma_start3A_258, %dma_start3A_259] : memref<10000x128xf32, #tpu.memory_space<hbm>> -> memref<10000x128xf32, #tpu.memory_space<hbm>>
        tpu.enqueue_indirect_dma source(%dma_start3A_260 : memref<10000x128xf32, #tpu.memory_space<hbm>>) target(%arg19 : memref<64x128xf32, #tpu.memory_space<vmem>>) offsets(%arg9 : memref<64xi32, #tpu.memory_space<vmem>>) semaphore(%arg29 : memref<!tpu.dma_semaphore, #tpu.memory_space<semaphore_mem>>)
      } else {
      }
      %dma_wait3A_200 = arith.constant 0 : i32
      %dma_wait3A_201 = arith.constant 0 : i32
      %dma_wait3A_202 = tpu.memref_slice %arg2[%dma_wait3A_200, %dma_wait3A_201] : memref<10000x128xf32, #tpu.memory_space<hbm>> -> memref<10000x128xf32, #tpu.memory_space<hbm>>
      tpu.wait_indirect_dma semaphore(%arg26 : memref<!tpu.dma_semaphore, #tpu.memory_space<semaphore_mem>>) src(%dma_wait3A_202 : memref<10000x128xf32, #tpu.memory_space<hbm>>) dst(%arg16 : memref<64x128xf32, #tpu.memory_space<vmem>>)
      %dma_wait3A_203 = arith.constant 0 : i32
      %dma_wait3A_204 = arith.constant 0 : i32
      %dma_wait3A_205 = tpu.memref_slice %arg3[%dma_wait3A_203, %dma_wait3A_204] : memref<10000x128xf32, #tpu.memory_space<hbm>> -> memref<10000x128xf32, #tpu.memory_space<hbm>>
      tpu.wait_indirect_dma semaphore(%arg28 : memref<!tpu.dma_semaphore, #tpu.memory_space<semaphore_mem>>) src(%dma_wait3A_205 : memref<10000x128xf32, #tpu.memory_space<hbm>>) dst(%arg18 : memref<64x128xf32, #tpu.memory_space<vmem>>)
      %dma_wait3A_206 = arith.constant 0 : i32
      %dma_wait3A_207 = arith.constant 0 : i32
      %dma_wait3A_208 = tpu.memref_slice %arg4[%dma_wait3A_206, %dma_wait3A_207] : memref<10000x128xf32, #tpu.memory_space<hbm>> -> memref<10000x128xf32, #tpu.memory_space<hbm>>
      tpu.wait_indirect_dma semaphore(%arg30 : memref<!tpu.dma_semaphore, #tpu.memory_space<semaphore_mem>>) src(%dma_wait3A_208 : memref<10000x128xf32, #tpu.memory_space<hbm>>) dst(%arg20 : memref<64x128xf32, #tpu.memory_space<vmem>>)
      %scan3A_209 = arith.constant 0 : i32
      %scan3A_210 = arith.constant 0 : i32
      %scan3A_211 = arith.constant 4 : i32
      %scan3A_212 = arith.addi %scan3A_210, %scan3A_211 : i32
      %scan3A_213 = arith.constant 1 : i32
      %scan3A_214 = scf.for %scan3A_244 = %scan3A_210 to %scan3A_212 step %scan3A_213 iter_args(%scan3A_245 = %scan3A_209) -> (i32)  : i32 {
        %mul3A_246 = arith.constant 16 : i32
        %mul3A_247 = arith.muli %scan3A_244, %mul3A_246 : i32
        %get3A = arith.index_cast %mul3A_247 : i32 to index
        %get3A_248 = tpu.vector_load %arg12[%get3A] {strides = array<i32>} : memref<64xi32, #tpu.memory_space<vmem>>, vector<16xi32>,
        %mul3A_249 = arith.constant 16 : i32
        %mul3A_250 = arith.muli %scan3A_244, %mul3A_249 : i32
        %swap3A = arith.index_cast %mul3A_250 : i32 to index
        %swap3A_251 = tpu.vector_load %arg14[%swap3A] {strides = array<i32>} : memref<64xi32, #tpu.memory_space<vmem>>, vector<16xi32>,
        tpu.vector_store %arg14[%swap3A], %get3A_248 {strides = array<i32>} : memref<64xi32, #tpu.memory_space<vmem>>, vector<16xi32>,
        %scan3A_252 = arith.constant 0 : i32
        scf.yield %scan3A_252 : i32
      }
      %scan3A_215 = arith.constant 4 : i32
      %add3A_216 = arith.constant 1 : i32
      %add3A_217 = arith.addi %while3A_123, %add3A_216 : i32
      %mul3A_218 = arith.constant 32 : i32
      %mul3A_219 = arith.muli %add3A_217, %mul3A_218 : i32
      %add3A_220 = arith.addi %add3A, %mul3A_219 : i32
      %mul3A_221 = arith.constant 2 : i32
      %mul3A_222 = arith.muli %mul3A_221, %add3A_220 : i32
      %add3A_223 = arith.constant 1 : i32
      %add3A_224 = arith.addi %mul3A_222, %add3A_223 : i32
      %convert_element_type3A_225 = arith.extui %lt3A_127 : i1 to i32
      %cond3A_226 = arith.constant 0 : i32
      %cond3A_227 = arith.cmpi ne, %convert_element_type3A_225, %cond3A_226 : i32
      scf.if %cond3A_227 {
        %mul3A_244 = arith.constant 64 : i32
        %mul3A_245 = arith.muli %add3A_224, %mul3A_244 : i32
        %dma_start3A_246 = tpu.memref_slice %arg5[%mul3A_245] : memref<320000xi32, #tpu.memory_space<hbm>> -> memref<64xi32, #tpu.memory_space<hbm>>
        %dma_start3A_247 = tpu.memref_slice %arg5[%mul3A_245] : memref<320000xi32, #tpu.memory_space<hbm>> -> memref<64xi32, #tpu.memory_space<hbm>>
        tpu.enqueue_dma source(%dma_start3A_247 : memref<64xi32, #tpu.memory_space<hbm>>) target(%arg10 : memref<64xi32, #tpu.memory_space<vmem>>) target_semaphore(%arg32 : memref<!tpu.dma_semaphore, #tpu.memory_space<semaphore_mem>>)
        %dma_start3A_248 = tpu.memref_slice %arg6[%mul3A_245] : memref<320000xi32, #tpu.memory_space<hbm>> -> memref<64xi32, #tpu.memory_space<hbm>>
        %dma_start3A_249 = tpu.memref_slice %arg6[%mul3A_245] : memref<320000xi32, #tpu.memory_space<hbm>> -> memref<64xi32, #tpu.memory_space<hbm>>
        tpu.enqueue_dma source(%dma_start3A_249 : memref<64xi32, #tpu.memory_space<hbm>>) target(%arg12 : memref<64xi32, #tpu.memory_space<vmem>>) target_semaphore(%arg32 : memref<!tpu.dma_semaphore, #tpu.memory_space<semaphore_mem>>)
      } else {
      }
      %lt3A_228 = arith.constant 8 : i32
      %lt3A_229 = vector.broadcast %lt3A_228 : i32 to vector<16xi32>
      %lt3A_230 = arith.cmpi slt, %iota3A, %lt3A_229 : vector<16xi32>
      %scan3A_231 = arith.constant 0 : i32
      %scan3A_232 = arith.constant 0 : i32
      %scan3A_233 = arith.constant 4 : i32
      %scan3A_234 = arith.addi %scan3A_232, %scan3A_233 : i32
      %scan3A_235 = arith.constant 1 : i32
      %scan3A_236 = scf.for %scan3A_244 = %scan3A_232 to %scan3A_234 step %scan3A_235 iter_args(%scan3A_245 = %scan3A_231) -> (i32)  : i32 {
        %mul3A_246 = arith.constant 16 : i32
        %mul3A_247 = arith.muli %scan3A_244, %mul3A_246 : i32
        %broadcast_in_dim3A = arith.constant 0.000000e+00 : f32
        %broadcast_in_dim3A_248 = vector.broadcast %broadcast_in_dim3A : f32 to vector<16xf32>
        %scan3A_249 = arith.constant 0 : i32
        %scan3A_250 = arith.constant 8 : i32
        %scan3A_251 = arith.addi %scan3A_249, %scan3A_250 : i32
        %scan3A_252 = arith.constant 1 : i32
        %scan3A_253 = scf.for %scan3A_268 = %scan3A_249 to %scan3A_251 step %scan3A_252 iter_args(%scan3A_269 = %broadcast_in_dim3A_248) -> (vector<16xf32>)  : i32 {
          %add3A_270 = arith.addi %mul3A_247, %scan3A_268 : i32
          %get3A = arith.index_cast %add3A_270 : i32 to index
          %get3A_271 = arith.constant 0 : index
          %get3A_272 = tpu.vector_load %arg16[%get3A, %get3A_271] {strides = array<i32>} : memref<64x128xf32, #tpu.memory_space<vmem>>, vector<16xf32>,
          %get3A_273 = arith.index_cast %add3A_270 : i32 to index
          %get3A_274 = arith.constant 0 : index
          %get3A_275 = tpu.vector_load %arg18[%get3A_273, %get3A_274] {strides = array<i32>} : memref<64x128xf32, #tpu.memory_space<vmem>>, vector<16xf32>,
          %mul3A_276 = arith.mulf %get3A_272, %get3A_275 : vector<16xf32>
          %get3A_277 = arith.index_cast %add3A_270 : i32 to index
          %get3A_278 = arith.constant 16 : index
          %get3A_279 = tpu.vector_load %arg16[%get3A_277, %get3A_278] {strides = array<i32>} : memref<64x128xf32, #tpu.memory_space<vmem>>, vector<16xf32>,
          %get3A_280 = arith.index_cast %add3A_270 : i32 to index
          %get3A_281 = arith.constant 16 : index
          %get3A_282 = tpu.vector_load %arg18[%get3A_280, %get3A_281] {strides = array<i32>} : memref<64x128xf32, #tpu.memory_space<vmem>>, vector<16xf32>,
          %mul3A_283 = arith.mulf %get3A_279, %get3A_282 : vector<16xf32>
          %add3A_284 = arith.addf %mul3A_276, %mul3A_283 : vector<16xf32>
          %get3A_285 = arith.index_cast %add3A_270 : i32 to index
          %get3A_286 = arith.constant 32 : index
          %get3A_287 = tpu.vector_load %arg16[%get3A_285, %get3A_286] {strides = array<i32>} : memref<64x128xf32, #tpu.memory_space<vmem>>, vector<16xf32>,
          %get3A_288 = arith.index_cast %add3A_270 : i32 to index
          %get3A_289 = arith.constant 32 : index
          %get3A_290 = tpu.vector_load %arg18[%get3A_288, %get3A_289] {strides = array<i32>} : memref<64x128xf32, #tpu.memory_space<vmem>>, vector<16xf32>,
          %mul3A_291 = arith.mulf %get3A_287, %get3A_290 : vector<16xf32>
          %add3A_292 = arith.addf %add3A_284, %mul3A_291 : vector<16xf32>
          %get3A_293 = arith.index_cast %add3A_270 : i32 to index
          %get3A_294 = arith.constant 48 : index
          %get3A_295 = tpu.vector_load %arg16[%get3A_293, %get3A_294] {strides = array<i32>} : memref<64x128xf32, #tpu.memory_space<vmem>>, vector<16xf32>,
          %get3A_296 = arith.index_cast %add3A_270 : i32 to index
          %get3A_297 = arith.constant 48 : index
          %get3A_298 = tpu.vector_load %arg18[%get3A_296, %get3A_297] {strides = array<i32>} : memref<64x128xf32, #tpu.memory_space<vmem>>, vector<16xf32>,
          %mul3A_299 = arith.mulf %get3A_295, %get3A_298 : vector<16xf32>
          %add3A_300 = arith.addf %add3A_292, %mul3A_299 : vector<16xf32>
          %get3A_301 = arith.index_cast %add3A_270 : i32 to index
          %get3A_302 = arith.constant 64 : index
          %get3A_303 = tpu.vector_load %arg16[%get3A_301, %get3A_302] {strides = array<i32>} : memref<64x128xf32, #tpu.memory_space<vmem>>, vector<16xf32>,
          %get3A_304 = arith.index_cast %add3A_270 : i32 to index
          %get3A_305 = arith.constant 64 : index
          %get3A_306 = tpu.vector_load %arg18[%get3A_304, %get3A_305] {strides = array<i32>} : memref<64x128xf32, #tpu.memory_space<vmem>>, vector<16xf32>,
          %mul3A_307 = arith.mulf %get3A_303, %get3A_306 : vector<16xf32>
          %add3A_308 = arith.addf %add3A_300, %mul3A_307 : vector<16xf32>
          %get3A_309 = arith.index_cast %add3A_270 : i32 to index
          %get3A_310 = arith.constant 80 : index
          %get3A_311 = tpu.vector_load %arg16[%get3A_309, %get3A_310] {strides = array<i32>} : memref<64x128xf32, #tpu.memory_space<vmem>>, vector<16xf32>,
          %get3A_312 = arith.index_cast %add3A_270 : i32 to index
          %get3A_313 = arith.constant 80 : index
          %get3A_314 = tpu.vector_load %arg18[%get3A_312, %get3A_313] {strides = array<i32>} : memref<64x128xf32, #tpu.memory_space<vmem>>, vector<16xf32>,
          %mul3A_315 = arith.mulf %get3A_311, %get3A_314 : vector<16xf32>
          %add3A_316 = arith.addf %add3A_308, %mul3A_315 : vector<16xf32>
          %get3A_317 = arith.index_cast %add3A_270 : i32 to index
          %get3A_318 = arith.constant 96 : index
          %get3A_319 = tpu.vector_load %arg16[%get3A_317, %get3A_318] {strides = array<i32>} : memref<64x128xf32, #tpu.memory_space<vmem>>, vector<16xf32>,
          %get3A_320 = arith.index_cast %add3A_270 : i32 to index
          %get3A_321 = arith.constant 96 : index
          %get3A_322 = tpu.vector_load %arg18[%get3A_320, %get3A_321] {strides = array<i32>} : memref<64x128xf32, #tpu.memory_space<vmem>>, vector<16xf32>,
          %mul3A_323 = arith.mulf %get3A_319, %get3A_322 : vector<16xf32>
          %add3A_324 = arith.addf %add3A_316, %mul3A_323 : vector<16xf32>
          %get3A_325 = arith.index_cast %add3A_270 : i32 to index
          %get3A_326 = arith.constant 112 : index
          %get3A_327 = tpu.vector_load %arg16[%get3A_325, %get3A_326] {strides = array<i32>} : memref<64x128xf32, #tpu.memory_space<vmem>>, vector<16xf32>,
          %get3A_328 = arith.index_cast %add3A_270 : i32 to index
          %get3A_329 = arith.constant 112 : index
          %get3A_330 = tpu.vector_load %arg18[%get3A_328, %get3A_329] {strides = array<i32>} : memref<64x128xf32, #tpu.memory_space<vmem>>, vector<16xf32>,
          %mul3A_331 = arith.mulf %get3A_327, %get3A_330 : vector<16xf32>
          %add3A_332 = arith.addf %add3A_324, %mul3A_331 : vector<16xf32>
          %add3A_333 = arith.addi %mul3A_247, %scan3A_268 : i32
          %add3A_334 = arith.constant 8 : i32
          %add3A_335 = arith.addi %add3A_333, %add3A_334 : i32
          %get3A_336 = arith.index_cast %add3A_335 : i32 to index
          %get3A_337 = arith.constant 0 : index
          %get3A_338 = tpu.vector_load %arg16[%get3A_336, %get3A_337] {strides = array<i32>} : memref<64x128xf32, #tpu.memory_space<vmem>>, vector<16xf32>,
          %get3A_339 = arith.index_cast %add3A_335 : i32 to index
          %get3A_340 = arith.constant 0 : index
          %get3A_341 = tpu.vector_load %arg18[%get3A_339, %get3A_340] {strides = array<i32>} : memref<64x128xf32, #tpu.memory_space<vmem>>, vector<16xf32>,
          %mul3A_342 = arith.mulf %get3A_338, %get3A_341 : vector<16xf32>
          %get3A_343 = arith.index_cast %add3A_335 : i32 to index
          %get3A_344 = arith.constant 16 : index
          %get3A_345 = tpu.vector_load %arg16[%get3A_343, %get3A_344] {strides = array<i32>} : memref<64x128xf32, #tpu.memory_space<vmem>>, vector<16xf32>,
          %get3A_346 = arith.index_cast %add3A_335 : i32 to index
          %get3A_347 = arith.constant 16 : index
          %get3A_348 = tpu.vector_load %arg18[%get3A_346, %get3A_347] {strides = array<i32>} : memref<64x128xf32, #tpu.memory_space<vmem>>, vector<16xf32>,
          %mul3A_349 = arith.mulf %get3A_345, %get3A_348 : vector<16xf32>
          %add3A_350 = arith.addf %mul3A_342, %mul3A_349 : vector<16xf32>
          %get3A_351 = arith.index_cast %add3A_335 : i32 to index
          %get3A_352 = arith.constant 32 : index
          %get3A_353 = tpu.vector_load %arg16[%get3A_351, %get3A_352] {strides = array<i32>} : memref<64x128xf32, #tpu.memory_space<vmem>>, vector<16xf32>,
          %get3A_354 = arith.index_cast %add3A_335 : i32 to index
          %get3A_355 = arith.constant 32 : index
          %get3A_356 = tpu.vector_load %arg18[%get3A_354, %get3A_355] {strides = array<i32>} : memref<64x128xf32, #tpu.memory_space<vmem>>, vector<16xf32>,
          %mul3A_357 = arith.mulf %get3A_353, %get3A_356 : vector<16xf32>
          %add3A_358 = arith.addf %add3A_350, %mul3A_357 : vector<16xf32>
          %get3A_359 = arith.index_cast %add3A_335 : i32 to index
          %get3A_360 = arith.constant 48 : index
          %get3A_361 = tpu.vector_load %arg16[%get3A_359, %get3A_360] {strides = array<i32>} : memref<64x128xf32, #tpu.memory_space<vmem>>, vector<16xf32>,
          %get3A_362 = arith.index_cast %add3A_335 : i32 to index
          %get3A_363 = arith.constant 48 : index
          %get3A_364 = tpu.vector_load %arg18[%get3A_362, %get3A_363] {strides = array<i32>} : memref<64x128xf32, #tpu.memory_space<vmem>>, vector<16xf32>,
          %mul3A_365 = arith.mulf %get3A_361, %get3A_364 : vector<16xf32>
          %add3A_366 = arith.addf %add3A_358, %mul3A_365 : vector<16xf32>
          %get3A_367 = arith.index_cast %add3A_335 : i32 to index
          %get3A_368 = arith.constant 64 : index
          %get3A_369 = tpu.vector_load %arg16[%get3A_367, %get3A_368] {strides = array<i32>} : memref<64x128xf32, #tpu.memory_space<vmem>>, vector<16xf32>,
          %get3A_370 = arith.index_cast %add3A_335 : i32 to index
          %get3A_371 = arith.constant 64 : index
          %get3A_372 = tpu.vector_load %arg18[%get3A_370, %get3A_371] {strides = array<i32>} : memref<64x128xf32, #tpu.memory_space<vmem>>, vector<16xf32>,
          %mul3A_373 = arith.mulf %get3A_369, %get3A_372 : vector<16xf32>
          %add3A_374 = arith.addf %add3A_366, %mul3A_373 : vector<16xf32>
          %get3A_375 = arith.index_cast %add3A_335 : i32 to index
          %get3A_376 = arith.constant 80 : index
          %get3A_377 = tpu.vector_load %arg16[%get3A_375, %get3A_376] {strides = array<i32>} : memref<64x128xf32, #tpu.memory_space<vmem>>, vector<16xf32>,
          %get3A_378 = arith.index_cast %add3A_335 : i32 to index
          %get3A_379 = arith.constant 80 : index
          %get3A_380 = tpu.vector_load %arg18[%get3A_378, %get3A_379] {strides = array<i32>} : memref<64x128xf32, #tpu.memory_space<vmem>>, vector<16xf32>,
          %mul3A_381 = arith.mulf %get3A_377, %get3A_380 : vector<16xf32>
          %add3A_382 = arith.addf %add3A_374, %mul3A_381 : vector<16xf32>
          %get3A_383 = arith.index_cast %add3A_335 : i32 to index
          %get3A_384 = arith.constant 96 : index
          %get3A_385 = tpu.vector_load %arg16[%get3A_383, %get3A_384] {strides = array<i32>} : memref<64x128xf32, #tpu.memory_space<vmem>>, vector<16xf32>,
          %get3A_386 = arith.index_cast %add3A_335 : i32 to index
          %get3A_387 = arith.constant 96 : index
          %get3A_388 = tpu.vector_load %arg18[%get3A_386, %get3A_387] {strides = array<i32>} : memref<64x128xf32, #tpu.memory_space<vmem>>, vector<16xf32>,
          %mul3A_389 = arith.mulf %get3A_385, %get3A_388 : vector<16xf32>
          %add3A_390 = arith.addf %add3A_382, %mul3A_389 : vector<16xf32>
          %get3A_391 = arith.index_cast %add3A_335 : i32 to index
          %get3A_392 = arith.constant 112 : index
          %get3A_393 = tpu.vector_load %arg16[%get3A_391, %get3A_392] {strides = array<i32>} : memref<64x128xf32, #tpu.memory_space<vmem>>, vector<16xf32>,
          %get3A_394 = arith.index_cast %add3A_335 : i32 to index
          %get3A_395 = arith.constant 112 : index
          %get3A_396 = tpu.vector_load %arg18[%get3A_394, %get3A_395] {strides = array<i32>} : memref<64x128xf32, #tpu.memory_space<vmem>>, vector<16xf32>,
          %mul3A_397 = arith.mulf %get3A_393, %get3A_396 : vector<16xf32>
          %add3A_398 = arith.addf %add3A_390, %mul3A_397 : vector<16xf32>
          %xor3A = arith.constant 8 : i32
          %xor3A_399 = vector.broadcast %xor3A : i32 to vector<16xi32>
          %xor3A_400 = arith.xori %iota3A, %xor3A_399 : vector<16xi32>
          %lt3A_401 = arith.constant 0 : i32
          %lt3A_402 = vector.broadcast %lt3A_401 : i32 to vector<16xi32>
          %lt3A_403 = arith.cmpi slt, %xor3A_400, %lt3A_402 : vector<16xi32>
          %add3A_404 = arith.constant 16 : i32
          %add3A_405 = vector.broadcast %add3A_404 : i32 to vector<16xi32>
          %add3A_406 = arith.addi %xor3A_400, %add3A_405 : vector<16xi32>
          %select_n3A_407 = arith.select %lt3A_403, %add3A_406, %xor3A_400 : vector<16xi1>, vector<16xi32>
          %broadcast_in_dim3A_408 = vector.shape_cast %select_n3A_407 : vector<16xi32> to vector<16x1xi32>
          %gather3A = vector.shape_cast %broadcast_in_dim3A_408 : vector<16x1xi32> to vector<16xi32>
          %gather3A_409 = tpu.dynamic_gather %add3A_332[%gather3A] in [0] : vector<16xf32>, vector<16xi32> -> vector<16xf32>
          %add3A_410 = arith.addf %add3A_332, %gather3A_409 : vector<16xf32>
          %xor3A_411 = arith.constant 8 : i32
          %xor3A_412 = vector.broadcast %xor3A_411 : i32 to vector<16xi32>
          %xor3A_413 = arith.xori %iota3A, %xor3A_412 : vector<16xi32>
          %lt3A_414 = arith.constant 0 : i32
          %lt3A_415 = vector.broadcast %lt3A_414 : i32 to vector<16xi32>
          %lt3A_416 = arith.cmpi slt, %xor3A_413, %lt3A_415 : vector<16xi32>
          %add3A_417 = arith.constant 16 : i32
          %add3A_418 = vector.broadcast %add3A_417 : i32 to vector<16xi32>
          %add3A_419 = arith.addi %xor3A_413, %add3A_418 : vector<16xi32>
          %select_n3A_420 = arith.select %lt3A_416, %add3A_419, %xor3A_413 : vector<16xi1>, vector<16xi32>
          %broadcast_in_dim3A_421 = vector.shape_cast %select_n3A_420 : vector<16xi32> to vector<16x1xi32>
          %gather3A_422 = vector.shape_cast %broadcast_in_dim3A_421 : vector<16x1xi32> to vector<16xi32>
          %gather3A_423 = tpu.dynamic_gather %add3A_398[%gather3A_422] in [0] : vector<16xf32>, vector<16xi32> -> vector<16xf32>
          %add3A_424 = arith.addf %add3A_398, %gather3A_423 : vector<16xf32>
          %select_n3A_425 = arith.select %lt3A_230, %add3A_410, %add3A_424 : vector<16xi1>, vector<16xf32>
          %xor3A_426 = arith.constant 4 : i32
          %xor3A_427 = vector.broadcast %xor3A_426 : i32 to vector<16xi32>
          %xor3A_428 = arith.xori %iota3A, %xor3A_427 : vector<16xi32>
          %lt3A_429 = arith.constant 0 : i32
          %lt3A_430 = vector.broadcast %lt3A_429 : i32 to vector<16xi32>
          %lt3A_431 = arith.cmpi slt, %xor3A_428, %lt3A_430 : vector<16xi32>
          %add3A_432 = arith.constant 16 : i32
          %add3A_433 = vector.broadcast %add3A_432 : i32 to vector<16xi32>
          %add3A_434 = arith.addi %xor3A_428, %add3A_433 : vector<16xi32>
          %select_n3A_435 = arith.select %lt3A_431, %add3A_434, %xor3A_428 : vector<16xi1>, vector<16xi32>
          %broadcast_in_dim3A_436 = vector.shape_cast %select_n3A_435 : vector<16xi32> to vector<16x1xi32>
          %gather3A_437 = vector.shape_cast %broadcast_in_dim3A_436 : vector<16x1xi32> to vector<16xi32>
          %gather3A_438 = tpu.dynamic_gather %select_n3A_425[%gather3A_437] in [0] : vector<16xf32>, vector<16xi32> -> vector<16xf32>
          %add3A_439 = arith.addf %select_n3A_425, %gather3A_438 : vector<16xf32>
          %xor3A_440 = arith.constant 2 : i32
          %xor3A_441 = vector.broadcast %xor3A_440 : i32 to vector<16xi32>
          %xor3A_442 = arith.xori %iota3A, %xor3A_441 : vector<16xi32>
          %lt3A_443 = arith.constant 0 : i32
          %lt3A_444 = vector.broadcast %lt3A_443 : i32 to vector<16xi32>
          %lt3A_445 = arith.cmpi slt, %xor3A_442, %lt3A_444 : vector<16xi32>
          %add3A_446 = arith.constant 16 : i32
          %add3A_447 = vector.broadcast %add3A_446 : i32 to vector<16xi32>
          %add3A_448 = arith.addi %xor3A_442, %add3A_447 : vector<16xi32>
          %select_n3A_449 = arith.select %lt3A_445, %add3A_448, %xor3A_442 : vector<16xi1>, vector<16xi32>
          %broadcast_in_dim3A_450 = vector.shape_cast %select_n3A_449 : vector<16xi32> to vector<16x1xi32>
          %gather3A_451 = vector.shape_cast %broadcast_in_dim3A_450 : vector<16x1xi32> to vector<16xi32>
          %gather3A_452 = tpu.dynamic_gather %add3A_439[%gather3A_451] in [0] : vector<16xf32>, vector<16xi32> -> vector<16xf32>
          %add3A_453 = arith.addf %add3A_439, %gather3A_452 : vector<16xf32>
          %xor3A_454 = arith.constant 1 : i32
          %xor3A_455 = vector.broadcast %xor3A_454 : i32 to vector<16xi32>
          %xor3A_456 = arith.xori %iota3A, %xor3A_455 : vector<16xi32>
          %lt3A_457 = arith.constant 0 : i32
          %lt3A_458 = vector.broadcast %lt3A_457 : i32 to vector<16xi32>
          %lt3A_459 = arith.cmpi slt, %xor3A_456, %lt3A_458 : vector<16xi32>
          %add3A_460 = arith.constant 16 : i32
          %add3A_461 = vector.broadcast %add3A_460 : i32 to vector<16xi32>
          %add3A_462 = arith.addi %xor3A_456, %add3A_461 : vector<16xi32>
          %select_n3A_463 = arith.select %lt3A_459, %add3A_462, %xor3A_456 : vector<16xi1>, vector<16xi32>
          %broadcast_in_dim3A_464 = vector.shape_cast %select_n3A_463 : vector<16xi32> to vector<16x1xi32>
          %gather3A_465 = vector.shape_cast %broadcast_in_dim3A_464 : vector<16x1xi32> to vector<16xi32>
          %gather3A_466 = tpu.dynamic_gather %add3A_453[%gather3A_465] in [0] : vector<16xf32>, vector<16xi32> -> vector<16xf32>
          %add3A_467 = arith.addf %add3A_453, %gather3A_466 : vector<16xf32>
          %mul3A_468 = arith.constant 0.0883883461 : f32
          %mul3A_469 = vector.broadcast %mul3A_468 : f32 to vector<16xf32>
          %mul3A_470 = arith.mulf %add3A_467, %mul3A_469 : vector<16xf32>
          %eq3A_471 = vector.broadcast %scan3A_268 : i32 to vector<16xi32>
          %eq3A_472 = arith.cmpi eq, %iota3A, %eq3A_471 : vector<16xi32>
          %select_n3A_473 = arith.select %eq3A_472, %mul3A_470, %scan3A_269 : vector<16xi1>, vector<16xf32>
          %add3A_474 = arith.constant 8 : i32
          %add3A_475 = arith.addi %scan3A_268, %add3A_474 : i32
          %eq3A_476 = vector.broadcast %add3A_475 : i32 to vector<16xi32>
          %eq3A_477 = arith.cmpi eq, %iota3A, %eq3A_476 : vector<16xi32>
          %select_n3A_478 = arith.select %eq3A_477, %mul3A_470, %select_n3A_473 : vector<16xi1>, vector<16xf32>
          scf.yield %select_n3A_478 : vector<16xf32>
        }
        %scan3A_254 = arith.constant 8 : i32
        %max3A = arith.constant -6.000000e+01 : f32
        %max3A_255 = vector.broadcast %max3A : f32 to vector<16xf32>
        %max3A_256 = arith.maximumf %scan3A_253, %max3A_255 : vector<16xf32>
        %min3A = arith.constant 6.000000e+01 : f32
        %min3A_257 = vector.broadcast %min3A : f32 to vector<16xf32>
        %min3A_258 = arith.minimumf %max3A_256, %min3A_257 : vector<16xf32>
        %exp3A = math.exp %min3A_258 : vector<16xf32>
        %swap3A = arith.index_cast %mul3A_247 : i32 to index
        %swap3A_259 = tpu.vector_load %arg22[%swap3A] {strides = array<i32>} : memref<64xf32, #tpu.memory_space<vmem>>, vector<16xf32>,
        tpu.vector_store %arg22[%swap3A], %exp3A {strides = array<i32>} : memref<64xf32, #tpu.memory_space<vmem>>, vector<16xf32>,
        %scan3A_260 = arith.constant 0 : i32
        %scan3A_261 = arith.constant 0 : i32
        %scan3A_262 = arith.constant 8 : i32
        %scan3A_263 = arith.addi %scan3A_261, %scan3A_262 : i32
        %scan3A_264 = arith.constant 1 : i32
        %scan3A_265 = scf.for %scan3A_268 = %scan3A_261 to %scan3A_263 step %scan3A_264 iter_args(%scan3A_269 = %scan3A_260) -> (i32)  : i32 {
          %add3A_270 = arith.addi %mul3A_247, %scan3A_268 : i32
          %add3A_271 = arith.constant 0 : i32
          %add3A_272 = arith.addi %add3A_270, %add3A_271 : i32
          %broadcast_in_dim3A_273 = arith.constant 0 : i32
          %broadcast_in_dim3A_274 = vector.broadcast %broadcast_in_dim3A_273 : i32 to vector<16xi32>
          %add3A_275 = arith.constant 0 : i32
          %add3A_276 = arith.addi %scan3A_268, %add3A_275 : i32
          %add3A_277 = vector.broadcast %add3A_276 : i32 to vector<16xi32>
          %add3A_278 = arith.addi %broadcast_in_dim3A_274, %add3A_277 : vector<16xi32>
          %lt3A_279 = arith.constant 0 : i32
          %lt3A_280 = vector.broadcast %lt3A_279 : i32 to vector<16xi32>
          %lt3A_281 = arith.cmpi slt, %add3A_278, %lt3A_280 : vector<16xi32>
          %add3A_282 = arith.constant 16 : i32
          %add3A_283 = vector.broadcast %add3A_282 : i32 to vector<16xi32>
          %add3A_284 = arith.addi %add3A_278, %add3A_283 : vector<16xi32>
          %select_n3A_285 = arith.select %lt3A_281, %add3A_284, %add3A_278 : vector<16xi1>, vector<16xi32>
          %broadcast_in_dim3A_286 = vector.shape_cast %select_n3A_285 : vector<16xi32> to vector<16x1xi32>
          %gather3A = vector.shape_cast %broadcast_in_dim3A_286 : vector<16x1xi32> to vector<16xi32>
          %gather3A_287 = tpu.dynamic_gather %exp3A[%gather3A] in [0] : vector<16xf32>, vector<16xi32> -> vector<16xf32>
          %get3A = arith.index_cast %add3A_272 : i32 to index
          %get3A_288 = arith.constant 0 : index
          %get3A_289 = tpu.vector_load %arg20[%get3A, %get3A_288] {strides = array<i32>} : memref<64x128xf32, #tpu.memory_space<vmem>>, vector<16xf32>,
          %mul3A_290 = arith.mulf %gather3A_287, %get3A_289 : vector<16xf32>
          %swap3A_291 = arith.index_cast %add3A_272 : i32 to index
          %swap3A_292 = arith.constant 0 : index
          %swap3A_293 = tpu.vector_load %arg20[%swap3A_291, %swap3A_292] {strides = array<i32>} : memref<64x128xf32, #tpu.memory_space<vmem>>, vector<16xf32>,
          tpu.vector_store %arg20[%swap3A_291, %swap3A_292], %mul3A_290 {strides = array<i32>} : memref<64x128xf32, #tpu.memory_space<vmem>>, vector<16xf32>,
          %get3A_294 = arith.index_cast %add3A_272 : i32 to index
          %get3A_295 = arith.constant 16 : index
          %get3A_296 = tpu.vector_load %arg20[%get3A_294, %get3A_295] {strides = array<i32>} : memref<64x128xf32, #tpu.memory_space<vmem>>, vector<16xf32>,
          %mul3A_297 = arith.mulf %gather3A_287, %get3A_296 : vector<16xf32>
          %swap3A_298 = arith.index_cast %add3A_272 : i32 to index
          %swap3A_299 = arith.constant 16 : index
          %swap3A_300 = tpu.vector_load %arg20[%swap3A_298, %swap3A_299] {strides = array<i32>} : memref<64x128xf32, #tpu.memory_space<vmem>>, vector<16xf32>,
          tpu.vector_store %arg20[%swap3A_298, %swap3A_299], %mul3A_297 {strides = array<i32>} : memref<64x128xf32, #tpu.memory_space<vmem>>, vector<16xf32>,
          %get3A_301 = arith.index_cast %add3A_272 : i32 to index
          %get3A_302 = arith.constant 32 : index
          %get3A_303 = tpu.vector_load %arg20[%get3A_301, %get3A_302] {strides = array<i32>} : memref<64x128xf32, #tpu.memory_space<vmem>>, vector<16xf32>,
          %mul3A_304 = arith.mulf %gather3A_287, %get3A_303 : vector<16xf32>
          %swap3A_305 = arith.index_cast %add3A_272 : i32 to index
          %swap3A_306 = arith.constant 32 : index
          %swap3A_307 = tpu.vector_load %arg20[%swap3A_305, %swap3A_306] {strides = array<i32>} : memref<64x128xf32, #tpu.memory_space<vmem>>, vector<16xf32>,
          tpu.vector_store %arg20[%swap3A_305, %swap3A_306], %mul3A_304 {strides = array<i32>} : memref<64x128xf32, #tpu.memory_space<vmem>>, vector<16xf32>,
          %get3A_308 = arith.index_cast %add3A_272 : i32 to index
          %get3A_309 = arith.constant 48 : index
          %get3A_310 = tpu.vector_load %arg20[%get3A_308, %get3A_309] {strides = array<i32>} : memref<64x128xf32, #tpu.memory_space<vmem>>, vector<16xf32>,
          %mul3A_311 = arith.mulf %gather3A_287, %get3A_310 : vector<16xf32>
          %swap3A_312 = arith.index_cast %add3A_272 : i32 to index
          %swap3A_313 = arith.constant 48 : index
          %swap3A_314 = tpu.vector_load %arg20[%swap3A_312, %swap3A_313] {strides = array<i32>} : memref<64x128xf32, #tpu.memory_space<vmem>>, vector<16xf32>,
          tpu.vector_store %arg20[%swap3A_312, %swap3A_313], %mul3A_311 {strides = array<i32>} : memref<64x128xf32, #tpu.memory_space<vmem>>, vector<16xf32>,
          %get3A_315 = arith.index_cast %add3A_272 : i32 to index
          %get3A_316 = arith.constant 64 : index
          %get3A_317 = tpu.vector_load %arg20[%get3A_315, %get3A_316] {strides = array<i32>} : memref<64x128xf32, #tpu.memory_space<vmem>>, vector<16xf32>,
          %mul3A_318 = arith.mulf %gather3A_287, %get3A_317 : vector<16xf32>
          %swap3A_319 = arith.index_cast %add3A_272 : i32 to index
          %swap3A_320 = arith.constant 64 : index
          %swap3A_321 = tpu.vector_load %arg20[%swap3A_319, %swap3A_320] {strides = array<i32>} : memref<64x128xf32, #tpu.memory_space<vmem>>, vector<16xf32>,
          tpu.vector_store %arg20[%swap3A_319, %swap3A_320], %mul3A_318 {strides = array<i32>} : memref<64x128xf32, #tpu.memory_space<vmem>>, vector<16xf32>,
          %get3A_322 = arith.index_cast %add3A_272 : i32 to index
          %get3A_323 = arith.constant 80 : index
          %get3A_324 = tpu.vector_load %arg20[%get3A_322, %get3A_323] {strides = array<i32>} : memref<64x128xf32, #tpu.memory_space<vmem>>, vector<16xf32>,
          %mul3A_325 = arith.mulf %gather3A_287, %get3A_324 : vector<16xf32>
          %swap3A_326 = arith.index_cast %add3A_272 : i32 to index
          %swap3A_327 = arith.constant 80 : index
          %swap3A_328 = tpu.vector_load %arg20[%swap3A_326, %swap3A_327] {strides = array<i32>} : memref<64x128xf32, #tpu.memory_space<vmem>>, vector<16xf32>,
          tpu.vector_store %arg20[%swap3A_326, %swap3A_327], %mul3A_325 {strides = array<i32>} : memref<64x128xf32, #tpu.memory_space<vmem>>, vector<16xf32>,
          %get3A_329 = arith.index_cast %add3A_272 : i32 to index
          %get3A_330 = arith.constant 96 : index
          %get3A_331 = tpu.vector_load %arg20[%get3A_329, %get3A_330] {strides = array<i32>} : memref<64x128xf32, #tpu.memory_space<vmem>>, vector<16xf32>,
          %mul3A_332 = arith.mulf %gather3A_287, %get3A_331 : vector<16xf32>
          %swap3A_333 = arith.index_cast %add3A_272 : i32 to index
          %swap3A_334 = arith.constant 96 : index
          %swap3A_335 = tpu.vector_load %arg20[%swap3A_333, %swap3A_334] {strides = array<i32>} : memref<64x128xf32, #tpu.memory_space<vmem>>, vector<16xf32>,
          tpu.vector_store %arg20[%swap3A_333, %swap3A_334], %mul3A_332 {strides = array<i32>} : memref<64x128xf32, #tpu.memory_space<vmem>>, vector<16xf32>,
          %get3A_336 = arith.index_cast %add3A_272 : i32 to index
          %get3A_337 = arith.constant 112 : index
          %get3A_338 = tpu.vector_load %arg20[%get3A_336, %get3A_337] {strides = array<i32>} : memref<64x128xf32, #tpu.memory_space<vmem>>, vector<16xf32>,
          %mul3A_339 = arith.mulf %gather3A_287, %get3A_338 : vector<16xf32>
          %swap3A_340 = arith.index_cast %add3A_272 : i32 to index
          %swap3A_341 = arith.constant 112 : index
          %swap3A_342 = tpu.vector_load %arg20[%swap3A_340, %swap3A_341] {strides = array<i32>} : memref<64x128xf32, #tpu.memory_space<vmem>>, vector<16xf32>,
          tpu.vector_store %arg20[%swap3A_340, %swap3A_341], %mul3A_339 {strides = array<i32>} : memref<64x128xf32, #tpu.memory_space<vmem>>, vector<16xf32>,
          %add3A_343 = arith.addi %mul3A_247, %scan3A_268 : i32
          %add3A_344 = arith.constant 8 : i32
          %add3A_345 = arith.addi %add3A_343, %add3A_344 : i32
          %broadcast_in_dim3A_346 = arith.constant 0 : i32
          %broadcast_in_dim3A_347 = vector.broadcast %broadcast_in_dim3A_346 : i32 to vector<16xi32>
          %add3A_348 = arith.constant 8 : i32
          %add3A_349 = arith.addi %scan3A_268, %add3A_348 : i32
          %add3A_350 = vector.broadcast %add3A_349 : i32 to vector<16xi32>
          %add3A_351 = arith.addi %broadcast_in_dim3A_347, %add3A_350 : vector<16xi32>
          %lt3A_352 = arith.constant 0 : i32
          %lt3A_353 = vector.broadcast %lt3A_352 : i32 to vector<16xi32>
          %lt3A_354 = arith.cmpi slt, %add3A_351, %lt3A_353 : vector<16xi32>
          %add3A_355 = arith.constant 16 : i32
          %add3A_356 = vector.broadcast %add3A_355 : i32 to vector<16xi32>
          %add3A_357 = arith.addi %add3A_351, %add3A_356 : vector<16xi32>
          %select_n3A_358 = arith.select %lt3A_354, %add3A_357, %add3A_351 : vector<16xi1>, vector<16xi32>
          %broadcast_in_dim3A_359 = vector.shape_cast %select_n3A_358 : vector<16xi32> to vector<16x1xi32>
          %gather3A_360 = vector.shape_cast %broadcast_in_dim3A_359 : vector<16x1xi32> to vector<16xi32>
          %gather3A_361 = tpu.dynamic_gather %exp3A[%gather3A_360] in [0] : vector<16xf32>, vector<16xi32> -> vector<16xf32>
          %get3A_362 = arith.index_cast %add3A_345 : i32 to index
          %get3A_363 = arith.constant 0 : index
          %get3A_364 = tpu.vector_load %arg20[%get3A_362, %get3A_363] {strides = array<i32>} : memref<64x128xf32, #tpu.memory_space<vmem>>, vector<16xf32>,
          %mul3A_365 = arith.mulf %gather3A_361, %get3A_364 : vector<16xf32>
          %swap3A_366 = arith.index_cast %add3A_345 : i32 to index
          %swap3A_367 = arith.constant 0 : index
          %swap3A_368 = tpu.vector_load %arg20[%swap3A_366, %swap3A_367] {strides = array<i32>} : memref<64x128xf32, #tpu.memory_space<vmem>>, vector<16xf32>,
          tpu.vector_store %arg20[%swap3A_366, %swap3A_367], %mul3A_365 {strides = array<i32>} : memref<64x128xf32, #tpu.memory_space<vmem>>, vector<16xf32>,
          %get3A_369 = arith.index_cast %add3A_345 : i32 to index
          %get3A_370 = arith.constant 16 : index
          %get3A_371 = tpu.vector_load %arg20[%get3A_369, %get3A_370] {strides = array<i32>} : memref<64x128xf32, #tpu.memory_space<vmem>>, vector<16xf32>,
          %mul3A_372 = arith.mulf %gather3A_361, %get3A_371 : vector<16xf32>
          %swap3A_373 = arith.index_cast %add3A_345 : i32 to index
          %swap3A_374 = arith.constant 16 : index
          %swap3A_375 = tpu.vector_load %arg20[%swap3A_373, %swap3A_374] {strides = array<i32>} : memref<64x128xf32, #tpu.memory_space<vmem>>, vector<16xf32>,
          tpu.vector_store %arg20[%swap3A_373, %swap3A_374], %mul3A_372 {strides = array<i32>} : memref<64x128xf32, #tpu.memory_space<vmem>>, vector<16xf32>,
          %get3A_376 = arith.index_cast %add3A_345 : i32 to index
          %get3A_377 = arith.constant 32 : index
          %get3A_378 = tpu.vector_load %arg20[%get3A_376, %get3A_377] {strides = array<i32>} : memref<64x128xf32, #tpu.memory_space<vmem>>, vector<16xf32>,
          %mul3A_379 = arith.mulf %gather3A_361, %get3A_378 : vector<16xf32>
          %swap3A_380 = arith.index_cast %add3A_345 : i32 to index
          %swap3A_381 = arith.constant 32 : index
          %swap3A_382 = tpu.vector_load %arg20[%swap3A_380, %swap3A_381] {strides = array<i32>} : memref<64x128xf32, #tpu.memory_space<vmem>>, vector<16xf32>,
          tpu.vector_store %arg20[%swap3A_380, %swap3A_381], %mul3A_379 {strides = array<i32>} : memref<64x128xf32, #tpu.memory_space<vmem>>, vector<16xf32>,
          %get3A_383 = arith.index_cast %add3A_345 : i32 to index
          %get3A_384 = arith.constant 48 : index
          %get3A_385 = tpu.vector_load %arg20[%get3A_383, %get3A_384] {strides = array<i32>} : memref<64x128xf32, #tpu.memory_space<vmem>>, vector<16xf32>,
          %mul3A_386 = arith.mulf %gather3A_361, %get3A_385 : vector<16xf32>
          %swap3A_387 = arith.index_cast %add3A_345 : i32 to index
          %swap3A_388 = arith.constant 48 : index
          %swap3A_389 = tpu.vector_load %arg20[%swap3A_387, %swap3A_388] {strides = array<i32>} : memref<64x128xf32, #tpu.memory_space<vmem>>, vector<16xf32>,
          tpu.vector_store %arg20[%swap3A_387, %swap3A_388], %mul3A_386 {strides = array<i32>} : memref<64x128xf32, #tpu.memory_space<vmem>>, vector<16xf32>,
          %get3A_390 = arith.index_cast %add3A_345 : i32 to index
          %get3A_391 = arith.constant 64 : index
          %get3A_392 = tpu.vector_load %arg20[%get3A_390, %get3A_391] {strides = array<i32>} : memref<64x128xf32, #tpu.memory_space<vmem>>, vector<16xf32>,
          %mul3A_393 = arith.mulf %gather3A_361, %get3A_392 : vector<16xf32>
          %swap3A_394 = arith.index_cast %add3A_345 : i32 to index
          %swap3A_395 = arith.constant 64 : index
          %swap3A_396 = tpu.vector_load %arg20[%swap3A_394, %swap3A_395] {strides = array<i32>} : memref<64x128xf32, #tpu.memory_space<vmem>>, vector<16xf32>,
          tpu.vector_store %arg20[%swap3A_394, %swap3A_395], %mul3A_393 {strides = array<i32>} : memref<64x128xf32, #tpu.memory_space<vmem>>, vector<16xf32>,
          %get3A_397 = arith.index_cast %add3A_345 : i32 to index
          %get3A_398 = arith.constant 80 : index
          %get3A_399 = tpu.vector_load %arg20[%get3A_397, %get3A_398] {strides = array<i32>} : memref<64x128xf32, #tpu.memory_space<vmem>>, vector<16xf32>,
          %mul3A_400 = arith.mulf %gather3A_361, %get3A_399 : vector<16xf32>
          %swap3A_401 = arith.index_cast %add3A_345 : i32 to index
          %swap3A_402 = arith.constant 80 : index
          %swap3A_403 = tpu.vector_load %arg20[%swap3A_401, %swap3A_402] {strides = array<i32>} : memref<64x128xf32, #tpu.memory_space<vmem>>, vector<16xf32>,
          tpu.vector_store %arg20[%swap3A_401, %swap3A_402], %mul3A_400 {strides = array<i32>} : memref<64x128xf32, #tpu.memory_space<vmem>>, vector<16xf32>,
          %get3A_404 = arith.index_cast %add3A_345 : i32 to index
          %get3A_405 = arith.constant 96 : index
          %get3A_406 = tpu.vector_load %arg20[%get3A_404, %get3A_405] {strides = array<i32>} : memref<64x128xf32, #tpu.memory_space<vmem>>, vector<16xf32>,
          %mul3A_407 = arith.mulf %gather3A_361, %get3A_406 : vector<16xf32>
          %swap3A_408 = arith.index_cast %add3A_345 : i32 to index
          %swap3A_409 = arith.constant 96 : index
          %swap3A_410 = tpu.vector_load %arg20[%swap3A_408, %swap3A_409] {strides = array<i32>} : memref<64x128xf32, #tpu.memory_space<vmem>>, vector<16xf32>,
          tpu.vector_store %arg20[%swap3A_408, %swap3A_409], %mul3A_407 {strides = array<i32>} : memref<64x128xf32, #tpu.memory_space<vmem>>, vector<16xf32>,
          %get3A_411 = arith.index_cast %add3A_345 : i32 to index
          %get3A_412 = arith.constant 112 : index
          %get3A_413 = tpu.vector_load %arg20[%get3A_411, %get3A_412] {strides = array<i32>} : memref<64x128xf32, #tpu.memory_space<vmem>>, vector<16xf32>,
          %mul3A_414 = arith.mulf %gather3A_361, %get3A_413 : vector<16xf32>
          %swap3A_415 = arith.index_cast %add3A_345 : i32 to index
          %swap3A_416 = arith.constant 112 : index
          %swap3A_417 = tpu.vector_load %arg20[%swap3A_415, %swap3A_416] {strides = array<i32>} : memref<64x128xf32, #tpu.memory_space<vmem>>, vector<16xf32>,
          tpu.vector_store %arg20[%swap3A_415, %swap3A_416], %mul3A_414 {strides = array<i32>} : memref<64x128xf32, #tpu.memory_space<vmem>>, vector<16xf32>,
          %scan3A_418 = arith.constant 0 : i32
          scf.yield %scan3A_418 : i32
        }
        %scan3A_266 = arith.constant 8 : i32
        %scan3A_267 = arith.constant 0 : i32
        scf.yield %scan3A_267 : i32
      }
      %scan3A_237 = arith.constant 4 : i32
      %dma_start3A_238 = arith.constant 0 : i32
      %dma_start3A_239 = arith.constant 0 : i32
      %dma_start3A_240 = tpu.memref_slice %arg23[%dma_start3A_238, %dma_start3A_239] : memref<10000x128xf32, #tpu.memory_space<vmem_shared>> -> memref<10000x128xf32, #tpu.memory_space<vmem_shared>>
      tpu.enqueue_indirect_dma source(%arg20 : memref<64x128xf32, #tpu.memory_space<vmem>>) target(%dma_start3A_240 : memref<10000x128xf32, #tpu.memory_space<vmem_shared>>) offsets(%arg14 : memref<64xi32, #tpu.memory_space<vmem>>) semaphore(%arg34 : memref<!tpu.dma_semaphore, #tpu.memory_space<semaphore_mem>>) {add = true}
      %dma_start3A_241 = arith.constant 0 : i32
      %dma_start3A_242 = tpu.memref_slice %arg24[%dma_start3A_241] : memref<10000xf32, #tpu.memory_space<vmem_shared>> -> memref<10000xf32, #tpu.memory_space<vmem_shared>>
      tpu.enqueue_indirect_dma source(%arg22 : memref<64xf32, #tpu.memory_space<vmem>>) target(%dma_start3A_242 : memref<10000xf32, #tpu.memory_space<vmem_shared>>) offsets(%arg14 : memref<64xi32, #tpu.memory_space<vmem>>) semaphore(%arg36 : memref<!tpu.dma_semaphore, #tpu.memory_space<semaphore_mem>>) {add = true}
      %while3A_243 = arith.constant 0 : i32
      scf.yield %while3A_243 : i32
    }
    %dma_wait3A_88 = arith.constant 0 : i32
    %dma_wait3A_89 = arith.constant 0 : i32
    %dma_wait3A_90 = tpu.memref_slice %arg23[%dma_wait3A_88, %dma_wait3A_89] : memref<10000x128xf32, #tpu.memory_space<vmem_shared>> -> memref<10000x128xf32, #tpu.memory_space<vmem_shared>>
    tpu.wait_indirect_dma semaphore(%arg34 : memref<!tpu.dma_semaphore, #tpu.memory_space<semaphore_mem>>) src(%arg20 : memref<64x128xf32, #tpu.memory_space<vmem>>) dst(%dma_wait3A_90 : memref<10000x128xf32, #tpu.memory_space<vmem_shared>>)
    %dma_wait3A_91 = arith.constant 0 : i32
    %dma_wait3A_92 = tpu.memref_slice %arg24[%dma_wait3A_91] : memref<10000xf32, #tpu.memory_space<vmem_shared>> -> memref<10000xf32, #tpu.memory_space<vmem_shared>>
    tpu.wait_indirect_dma semaphore(%arg36 : memref<!tpu.dma_semaphore, #tpu.memory_space<semaphore_mem>>) src(%arg22 : memref<64xf32, #tpu.memory_space<vmem>>) dst(%dma_wait3A_92 : memref<10000xf32, #tpu.memory_space<vmem_shared>>)
    %barrier3A_93 = arith.constant 0 : index
    tpu.barrier barrier_id(%barrier3A_93)
    %scan3A_94 = arith.constant 0 : i32
    %scan3A_95 = arith.constant 0 : i32
    %scan3A_96 = arith.constant 15 : i32
    %scan3A_97 = arith.addi %scan3A_95, %scan3A_96 : i32
    %scan3A_98 = arith.constant 1 : i32
    %scan3A_99 = scf.for %scan3A_123 = %scan3A_95 to %scan3A_97 step %scan3A_98 iter_args(%scan3A_124 = %scan3A_94) -> (i32)  : i32 {
      %mul3A_125 = arith.constant 16 : i32
      %mul3A_126 = arith.muli %scan3A_123, %mul3A_125 : i32
      %add3A_127 = arith.addi %arg1, %mul3A_126 : i32
      %mul3A_128 = arith.constant 40 : i32
      %mul3A_129 = arith.muli %add3A_127, %mul3A_128 : i32
      "tpu.region"() ({
        %run_scoped3A = tpu.sem_alloc : memref<!tpu.dma_semaphore, #tpu.memory_space<semaphore_mem>>
        %dma_start3A_131 = arith.constant 0 : i32
        %dma_start3A_132 = tpu.memref_slice %arg7[%arg0, %mul3A_129, %dma_start3A_131] : memref<2x10000x128xf32, #tpu.memory_space<hbm>> -> memref<1x40x128xf32, #tpu.memory_space<hbm>>
        %dma_start3A_133 = tpu.memref_squeeze %dma_start3A_132 : memref<1x40x128xf32, #tpu.memory_space<hbm>> -> memref<40x128xf32, #tpu.memory_space<hbm>>
        %dma_start3A_134 = arith.constant 0 : i32
        %dma_start3A_135 = tpu.memref_slice %arg23[%mul3A_129, %dma_start3A_134] : memref<10000x128xf32, #tpu.memory_space<vmem_shared>> -> memref<40x128xf32, #tpu.memory_space<vmem_shared>>
        tpu.enqueue_dma source(%dma_start3A_135 : memref<40x128xf32, #tpu.memory_space<vmem_shared>>) target(%dma_start3A_133 : memref<40x128xf32, #tpu.memory_space<hbm>>) target_semaphore(%run_scoped3A : memref<!tpu.dma_semaphore, #tpu.memory_space<semaphore_mem>>)
        %dma_wait3A_136 = arith.constant 0 : i32
        %dma_wait3A_137 = tpu.memref_slice %arg7[%arg0, %mul3A_129, %dma_wait3A_136] : memref<2x10000x128xf32, #tpu.memory_space<hbm>> -> memref<1x40x128xf32, #tpu.memory_space<hbm>>
        %dma_wait3A_138 = tpu.memref_squeeze %dma_wait3A_137 : memref<1x40x128xf32, #tpu.memory_space<hbm>> -> memref<40x128xf32, #tpu.memory_space<hbm>>
        %dma_wait3A_139 = arith.constant 0 : i32
        %dma_wait3A_140 = tpu.memref_slice %arg23[%mul3A_129, %dma_wait3A_139] : memref<10000x128xf32, #tpu.memory_space<vmem_shared>> -> memref<40x128xf32, #tpu.memory_space<vmem_shared>>
        tpu.wait_dma2 semaphore(%run_scoped3A : memref<!tpu.dma_semaphore, #tpu.memory_space<semaphore_mem>>) src(%dma_wait3A_140 : memref<40x128xf32, #tpu.memory_space<vmem_shared>>) dst(%dma_wait3A_138 : memref<40x128xf32, #tpu.memory_space<hbm>>)
        tpu.yield
      }) : () -> ()
      %scan3A_130 = arith.constant 0 : i32
      scf.yield %scan3A_130 : i32
    }
    %scan3A_100 = arith.constant 15 : i32
    %lt3A_101 = arith.constant 10 : i32
    %lt3A_102 = arith.cmpi slt, %arg1, %lt3A_101 : i32
    %convert_element_type3A_103 = arith.extui %lt3A_102 : i1 to i32
    %cond3A_104 = arith.constant 0 : i32
    %cond3A_105 = arith.cmpi ne, %convert_element_type3A_103, %cond3A_104 : i32
    scf.if %cond3A_105 {
      %add3A_123 = arith.constant 240 : i32
      %add3A_124 = arith.addi %arg1, %add3A_123 : i32
      %mul3A_125 = arith.constant 40 : i32
      %mul3A_126 = arith.muli %add3A_124, %mul3A_125 : i32
      "tpu.region"() ({
        %run_scoped3A = tpu.sem_alloc : memref<!tpu.dma_semaphore, #tpu.memory_space<semaphore_mem>>
        %dma_start3A_127 = arith.constant 0 : i32
        %dma_start3A_128 = tpu.memref_slice %arg7[%arg0, %mul3A_126, %dma_start3A_127] : memref<2x10000x128xf32, #tpu.memory_space<hbm>> -> memref<1x40x128xf32, #tpu.memory_space<hbm>>
        %dma_start3A_129 = tpu.memref_squeeze %dma_start3A_128 : memref<1x40x128xf32, #tpu.memory_space<hbm>> -> memref<40x128xf32, #tpu.memory_space<hbm>>
        %dma_start3A_130 = arith.constant 0 : i32
        %dma_start3A_131 = tpu.memref_slice %arg23[%mul3A_126, %dma_start3A_130] : memref<10000x128xf32, #tpu.memory_space<vmem_shared>> -> memref<40x128xf32, #tpu.memory_space<vmem_shared>>
        tpu.enqueue_dma source(%dma_start3A_131 : memref<40x128xf32, #tpu.memory_space<vmem_shared>>) target(%dma_start3A_129 : memref<40x128xf32, #tpu.memory_space<hbm>>) target_semaphore(%run_scoped3A : memref<!tpu.dma_semaphore, #tpu.memory_space<semaphore_mem>>)
        %dma_wait3A_132 = arith.constant 0 : i32
        %dma_wait3A_133 = tpu.memref_slice %arg7[%arg0, %mul3A_126, %dma_wait3A_132] : memref<2x10000x128xf32, #tpu.memory_space<hbm>> -> memref<1x40x128xf32, #tpu.memory_space<hbm>>
        %dma_wait3A_134 = tpu.memref_squeeze %dma_wait3A_133 : memref<1x40x128xf32, #tpu.memory_space<hbm>> -> memref<40x128xf32, #tpu.memory_space<hbm>>
        %dma_wait3A_135 = arith.constant 0 : i32
        %dma_wait3A_136 = tpu.memref_slice %arg23[%mul3A_126, %dma_wait3A_135] : memref<10000x128xf32, #tpu.memory_space<vmem_shared>> -> memref<40x128xf32, #tpu.memory_space<vmem_shared>>
        tpu.wait_dma2 semaphore(%run_scoped3A : memref<!tpu.dma_semaphore, #tpu.memory_space<semaphore_mem>>) src(%dma_wait3A_136 : memref<40x128xf32, #tpu.memory_space<vmem_shared>>) dst(%dma_wait3A_134 : memref<40x128xf32, #tpu.memory_space<hbm>>)
        tpu.yield
      }) : () -> ()
    } else {
    }
    %scan3A_106 = arith.constant 0 : i32
    %scan3A_107 = arith.constant 0 : i32
    %scan3A_108 = arith.constant 9 : i32
    %scan3A_109 = arith.addi %scan3A_107, %scan3A_108 : i32
    %scan3A_110 = arith.constant 1 : i32
    %scan3A_111 = scf.for %scan3A_123 = %scan3A_107 to %scan3A_109 step %scan3A_110 iter_args(%scan3A_124 = %scan3A_106) -> (i32)  : i32 {
      %mul3A_125 = arith.constant 16 : i32
      %mul3A_126 = arith.muli %scan3A_123, %mul3A_125 : i32
      %add3A_127 = arith.addi %arg1, %mul3A_126 : i32
      %mul3A_128 = arith.constant 64 : i32
      %mul3A_129 = arith.muli %add3A_127, %mul3A_128 : i32
      "tpu.region"() ({
        %run_scoped3A = tpu.sem_alloc : memref<!tpu.dma_semaphore, #tpu.memory_space<semaphore_mem>>
        %dma_start3A_134 = tpu.memref_slice %arg24[%mul3A_129] : memref<10000xf32, #tpu.memory_space<vmem_shared>> -> memref<64xf32, #tpu.memory_space<vmem_shared>>
        %dma_start3A_135 = tpu.memref_slice %arg24[%mul3A_129] : memref<10000xf32, #tpu.memory_space<vmem_shared>> -> memref<64xf32, #tpu.memory_space<vmem_shared>>
        tpu.enqueue_dma source(%dma_start3A_135 : memref<64xf32, #tpu.memory_space<vmem_shared>>) target(%arg21 : memref<64xf32, #tpu.memory_space<vmem>>) target_semaphore(%run_scoped3A : memref<!tpu.dma_semaphore, #tpu.memory_space<semaphore_mem>>)
        %dma_wait3A_136 = tpu.memref_slice %arg24[%mul3A_129] : memref<10000xf32, #tpu.memory_space<vmem_shared>> -> memref<64xf32, #tpu.memory_space<vmem_shared>>
        %dma_wait3A_137 = tpu.memref_slice %arg24[%mul3A_129] : memref<10000xf32, #tpu.memory_space<vmem_shared>> -> memref<64xf32, #tpu.memory_space<vmem_shared>>
        tpu.wait_dma2 semaphore(%run_scoped3A : memref<!tpu.dma_semaphore, #tpu.memory_space<semaphore_mem>>) src(%dma_wait3A_137 : memref<64xf32, #tpu.memory_space<vmem_shared>>) dst(%arg21 : memref<64xf32, #tpu.memory_space<vmem>>)
        tpu.yield
      }) : () -> ()
      %mul3A_130 = arith.constant 10000 : i32
      %mul3A_131 = arith.muli %arg0, %mul3A_130 : i32
      %add3A_132 = arith.addi %mul3A_131, %mul3A_129 : i32
      "tpu.region"() ({
        %run_scoped3A = tpu.sem_alloc : memref<!tpu.dma_semaphore, #tpu.memory_space<semaphore_mem>>
        %dma_start3A_134 = tpu.memref_slice %arg8[%add3A_132] : memref<20000xf32, #tpu.memory_space<hbm>> -> memref<64xf32, #tpu.memory_space<hbm>>
        %dma_start3A_135 = tpu.memref_slice %arg8[%add3A_132] : memref<20000xf32, #tpu.memory_space<hbm>> -> memref<64xf32, #tpu.memory_space<hbm>>
        tpu.enqueue_dma source(%arg21 : memref<64xf32, #tpu.memory_space<vmem>>) target(%dma_start3A_135 : memref<64xf32, #tpu.memory_space<hbm>>) target_semaphore(%run_scoped3A : memref<!tpu.dma_semaphore, #tpu.memory_space<semaphore_mem>>)
        %dma_wait3A_136 = tpu.memref_slice %arg8[%add3A_132] : memref<20000xf32, #tpu.memory_space<hbm>> -> memref<64xf32, #tpu.memory_space<hbm>>
        %dma_wait3A_137 = tpu.memref_slice %arg8[%add3A_132] : memref<20000xf32, #tpu.memory_space<hbm>> -> memref<64xf32, #tpu.memory_space<hbm>>
        tpu.wait_dma2 semaphore(%run_scoped3A : memref<!tpu.dma_semaphore, #tpu.memory_space<semaphore_mem>>) src(%arg21 : memref<64xf32, #tpu.memory_space<vmem>>) dst(%dma_wait3A_137 : memref<64xf32, #tpu.memory_space<hbm>>)
        tpu.yield
      }) : () -> ()
      %scan3A_133 = arith.constant 0 : i32
      scf.yield %scan3A_133 : i32
    }
    %scan3A_112 = arith.constant 9 : i32
    %lt3A_113 = arith.constant 12 : i32
    %lt3A_114 = arith.cmpi slt, %arg1, %lt3A_113 : i32
    %convert_element_type3A_115 = arith.extui %lt3A_114 : i1 to i32
    %cond3A_116 = arith.constant 0 : i32
    %cond3A_117 = arith.cmpi ne, %convert_element_type3A_115, %cond3A_116 : i32
    scf.if %cond3A_117 {
      %add3A_123 = arith.constant 144 : i32
      %add3A_124 = arith.addi %arg1, %add3A_123 : i32
      %mul3A_125 = arith.constant 64 : i32
      %mul3A_126 = arith.muli %add3A_124, %mul3A_125 : i32
      "tpu.region"() ({
        %run_scoped3A = tpu.sem_alloc : memref<!tpu.dma_semaphore, #tpu.memory_space<semaphore_mem>>
        %dma_start3A_130 = tpu.memref_slice %arg24[%mul3A_126] : memref<10000xf32, #tpu.memory_space<vmem_shared>> -> memref<64xf32, #tpu.memory_space<vmem_shared>>
        %dma_start3A_131 = tpu.memref_slice %arg24[%mul3A_126] : memref<10000xf32, #tpu.memory_space<vmem_shared>> -> memref<64xf32, #tpu.memory_space<vmem_shared>>
        tpu.enqueue_dma source(%dma_start3A_131 : memref<64xf32, #tpu.memory_space<vmem_shared>>) target(%arg21 : memref<64xf32, #tpu.memory_space<vmem>>) target_semaphore(%run_scoped3A : memref<!tpu.dma_semaphore, #tpu.memory_space<semaphore_mem>>)
        %dma_wait3A_132 = tpu.memref_slice %arg24[%mul3A_126] : memref<10000xf32, #tpu.memory_space<vmem_shared>> -> memref<64xf32, #tpu.memory_space<vmem_shared>>
        %dma_wait3A_133 = tpu.memref_slice %arg24[%mul3A_126] : memref<10000xf32, #tpu.memory_space<vmem_shared>> -> memref<64xf32, #tpu.memory_space<vmem_shared>>
        tpu.wait_dma2 semaphore(%run_scoped3A : memref<!tpu.dma_semaphore, #tpu.memory_space<semaphore_mem>>) src(%dma_wait3A_133 : memref<64xf32, #tpu.memory_space<vmem_shared>>) dst(%arg21 : memref<64xf32, #tpu.memory_space<vmem>>)
        tpu.yield
      }) : () -> ()
      %mul3A_127 = arith.constant 10000 : i32
      %mul3A_128 = arith.muli %arg0, %mul3A_127 : i32
      %add3A_129 = arith.addi %mul3A_128, %mul3A_126 : i32
      "tpu.region"() ({
        %run_scoped3A = tpu.sem_alloc : memref<!tpu.dma_semaphore, #tpu.memory_space<semaphore_mem>>
        %dma_start3A_130 = tpu.memref_slice %arg8[%add3A_129] : memref<20000xf32, #tpu.memory_space<hbm>> -> memref<64xf32, #tpu.memory_space<hbm>>
        %dma_start3A_131 = tpu.memref_slice %arg8[%add3A_129] : memref<20000xf32, #tpu.memory_space<hbm>> -> memref<64xf32, #tpu.memory_space<hbm>>
        tpu.enqueue_dma source(%arg21 : memref<64xf32, #tpu.memory_space<vmem>>) target(%dma_start3A_131 : memref<64xf32, #tpu.memory_space<hbm>>) target_semaphore(%run_scoped3A : memref<!tpu.dma_semaphore, #tpu.memory_space<semaphore_mem>>)
        %dma_wait3A_132 = tpu.memref_slice %arg8[%add3A_129] : memref<20000xf32, #tpu.memory_space<hbm>> -> memref<64xf32, #tpu.memory_space<hbm>>
        %dma_wait3A_133 = tpu.memref_slice %arg8[%add3A_129] : memref<20000xf32, #tpu.memory_space<hbm>> -> memref<64xf32, #tpu.memory_space<hbm>>
        tpu.wait_dma2 semaphore(%run_scoped3A : memref<!tpu.dma_semaphore, #tpu.memory_space<semaphore_mem>>) src(%arg21 : memref<64xf32, #tpu.memory_space<vmem>>) dst(%dma_wait3A_133 : memref<64xf32, #tpu.memory_space<hbm>>)
        tpu.yield
      }) : () -> ()
    } else {
    }
    %eq3A_118 = arith.constant 15 : i32
    %eq3A_119 = arith.cmpi eq, %arg1, %eq3A_118 : i32
    %convert_element_type3A_120 = arith.extui %eq3A_119 : i1 to i32
    %cond3A_121 = arith.constant 0 : i32
    %cond3A_122 = arith.cmpi ne, %convert_element_type3A_120, %cond3A_121 : i32
    scf.if %cond3A_122 {
      "tpu.region"() ({
        %run_scoped3A = tpu.sem_alloc : memref<!tpu.dma_semaphore, #tpu.memory_space<semaphore_mem>>
        %dma_start3A_127 = arith.constant 0 : i32
        %dma_start3A_128 = tpu.memref_slice %arg21[%dma_start3A_127] : memref<64xf32, #tpu.memory_space<vmem>> -> memref<16xf32, #tpu.memory_space<vmem>>
        %dma_start3A_129 = arith.constant 9984 : i32
        %dma_start3A_130 = tpu.memref_slice %arg24[%dma_start3A_129] : memref<10000xf32, #tpu.memory_space<vmem_shared>> -> memref<16xf32, #tpu.memory_space<vmem_shared>>
        %dma_start3A_131 = arith.constant 0 : i32
        %dma_start3A_132 = tpu.memref_slice %arg21[%dma_start3A_131] : memref<64xf32, #tpu.memory_space<vmem>> -> memref<16xf32, #tpu.memory_space<vmem>>
        %dma_start3A_133 = arith.constant 9984 : i32
        %dma_start3A_134 = tpu.memref_slice %arg24[%dma_start3A_133] : memref<10000xf32, #tpu.memory_space<vmem_shared>> -> memref<16xf32, #tpu.memory_space<vmem_shared>>
        tpu.enqueue_dma source(%dma_start3A_134 : memref<16xf32, #tpu.memory_space<vmem_shared>>) target(%dma_start3A_132 : memref<16xf32, #tpu.memory_space<vmem>>) target_semaphore(%run_scoped3A : memref<!tpu.dma_semaphore, #tpu.memory_space<semaphore_mem>>)
        %dma_wait3A_135 = arith.constant 0 : i32
        %dma_wait3A_136 = tpu.memref_slice %arg21[%dma_wait3A_135] : memref<64xf32, #tpu.memory_space<vmem>> -> memref<16xf32, #tpu.memory_space<vmem>>
        %dma_wait3A_137 = arith.constant 9984 : i32
        %dma_wait3A_138 = tpu.memref_slice %arg24[%dma_wait3A_137] : memref<10000xf32, #tpu.memory_space<vmem_shared>> -> memref<16xf32, #tpu.memory_space<vmem_shared>>
        %dma_wait3A_139 = arith.constant 0 : i32
        %dma_wait3A_140 = tpu.memref_slice %arg21[%dma_wait3A_139] : memref<64xf32, #tpu.memory_space<vmem>> -> memref<16xf32, #tpu.memory_space<vmem>>
        %dma_wait3A_141 = arith.constant 9984 : i32
        %dma_wait3A_142 = tpu.memref_slice %arg24[%dma_wait3A_141] : memref<10000xf32, #tpu.memory_space<vmem_shared>> -> memref<16xf32, #tpu.memory_space<vmem_shared>>
        tpu.wait_dma2 semaphore(%run_scoped3A : memref<!tpu.dma_semaphore, #tpu.memory_space<semaphore_mem>>) src(%dma_wait3A_142 : memref<16xf32, #tpu.memory_space<vmem_shared>>) dst(%dma_wait3A_140 : memref<16xf32, #tpu.memory_space<vmem>>)
        tpu.yield
      }) : () -> ()
      %mul3A_123 = arith.constant 10000 : i32
      %mul3A_124 = arith.muli %arg0, %mul3A_123 : i32
      %add3A_125 = arith.constant 9984 : i32
      %add3A_126 = arith.addi %mul3A_124, %add3A_125 : i32
      "tpu.region"() ({
        %run_scoped3A = tpu.sem_alloc : memref<!tpu.dma_semaphore, #tpu.memory_space<semaphore_mem>>
        %dma_start3A_127 = arith.constant 0 : i32
        %dma_start3A_128 = tpu.memref_slice %arg21[%dma_start3A_127] : memref<64xf32, #tpu.memory_space<vmem>> -> memref<16xf32, #tpu.memory_space<vmem>>
        %dma_start3A_129 = tpu.memref_slice %arg8[%add3A_126] : memref<20000xf32, #tpu.memory_space<hbm>> -> memref<16xf32, #tpu.memory_space<hbm>>
        %dma_start3A_130 = tpu.memref_slice %arg8[%add3A_126] : memref<20000xf32, #tpu.memory_space<hbm>> -> memref<16xf32, #tpu.memory_space<hbm>>
        %dma_start3A_131 = arith.constant 0 : i32
        %dma_start3A_132 = tpu.memref_slice %arg21[%dma_start3A_131] : memref<64xf32, #tpu.memory_space<vmem>> -> memref<16xf32, #tpu.memory_space<vmem>>
        tpu.enqueue_dma source(%dma_start3A_132 : memref<16xf32, #tpu.memory_space<vmem>>) target(%dma_start3A_130 : memref<16xf32, #tpu.memory_space<hbm>>) target_semaphore(%run_scoped3A : memref<!tpu.dma_semaphore, #tpu.memory_space<semaphore_mem>>)
        %dma_wait3A_133 = arith.constant 0 : i32
        %dma_wait3A_134 = tpu.memref_slice %arg21[%dma_wait3A_133] : memref<64xf32, #tpu.memory_space<vmem>> -> memref<16xf32, #tpu.memory_space<vmem>>
        %dma_wait3A_135 = tpu.memref_slice %arg8[%add3A_126] : memref<20000xf32, #tpu.memory_space<hbm>> -> memref<16xf32, #tpu.memory_space<hbm>>
        %dma_wait3A_136 = tpu.memref_slice %arg8[%add3A_126] : memref<20000xf32, #tpu.memory_space<hbm>> -> memref<16xf32, #tpu.memory_space<hbm>>
        %dma_wait3A_137 = arith.constant 0 : i32
        %dma_wait3A_138 = tpu.memref_slice %arg21[%dma_wait3A_137] : memref<64xf32, #tpu.memory_space<vmem>> -> memref<16xf32, #tpu.memory_space<vmem>>
        tpu.wait_dma2 semaphore(%run_scoped3A : memref<!tpu.dma_semaphore, #tpu.memory_space<semaphore_mem>>) src(%dma_wait3A_138 : memref<16xf32, #tpu.memory_space<vmem>>) dst(%dma_wait3A_136 : memref<16xf32, #tpu.memory_space<hbm>>)
        tpu.yield
      }) : () -> ()
    } else {
    }
    return
  }
}

module attributes {stable_mosaic.version = 14 : i64} {
  func.func @body(%arg0: i32, %arg1: memref<1000x128xf32, #tpu.memory_space<vmem>>, %arg2: memref<128x128xf32, #tpu.memory_space<vmem>>, %arg3: memref<128x128xf32, #tpu.memory_space<vmem>>, %arg4: memref<128x128xf32, #tpu.memory_space<vmem>>, %arg5: memref<1000x128xf32, #tpu.memory_space<vmem>>, %arg6: memref<1000x128xf32, #tpu.memory_space<vmem>>, %arg7: memref<1000x128xf32, #tpu.memory_space<vmem>>) attributes {dimension_semantics = [#tpu.dimension_semantics<arbitrary>], iteration_bounds = array<i64: 10>, scalar_prefetch = 0 : i64, scratch_operands = 0 : i64, tpu.core_type = #tpu.core_type<tc>, window_params = [{transform_indices = @transform_0, window_bounds = array<i64: 1000, 128>}, {pipeline_mode = #tpu.pipeline_mode<synchronous>, transform_indices = @transform_1, window_bounds = array<i64: 128, 128>}, {pipeline_mode = #tpu.pipeline_mode<synchronous>, transform_indices = @transform_2, window_bounds = array<i64: 128, 128>}, {pipeline_mode = #tpu.pipeline_mode<synchronous>, transform_indices = @transform_3, window_bounds = array<i64: 128, 128>}, {transform_indices = @transform_4, window_bounds = array<i64: 1000, 128>}, {transform_indices = @transform_5, window_bounds = array<i64: 1000, 128>}, {transform_indices = @transform_6, window_bounds = array<i64: 1000, 128>}]} {
    %get3A = arith.constant 0 : index
    %get3A_0 = arith.constant 0 : index
    %get3A_1 = vector.load %arg1[%get3A, %get3A_0] : memref<1000x128xf32, #tpu.memory_space<vmem>>, vector<1000x128xf32>
    %get3A_2 = arith.constant 0 : index
    %get3A_3 = arith.constant 0 : index
    %get3A_4 = vector.load %arg2[%get3A_2, %get3A_3] : memref<128x128xf32, #tpu.memory_space<vmem>>, vector<128x128xf32>
    %dot_general3A = arith.constant dense<0.000000e+00> : vector<1000x128xf32>
    %dot_general3A_5 = tpu.matmul %get3A_1, %get3A_4, %dot_general3A {dimension_numbers = #tpu.dot_dimension_numbers<[1], [1], [0], [0], [0, 0, 1, 0], [], []>, transpose_lhs_hint = false} : vector<1000x128xf32>, vector<128x128xf32>, vector<1000x128xf32> -> vector<1000x128xf32>
    %swap3A = arith.constant 0 : index
    %swap3A_6 = arith.constant 0 : index
    %swap3A_7 = vector.load %arg5[%swap3A, %swap3A_6] : memref<1000x128xf32, #tpu.memory_space<vmem>>, vector<1000x128xf32>
    tpu.vector_store %arg5[%swap3A, %swap3A_6], %dot_general3A_5 {strides = array<i32>} : memref<1000x128xf32, #tpu.memory_space<vmem>>, vector<1000x128xf32>,
    %get3A_8 = arith.constant 0 : index
    %get3A_9 = arith.constant 0 : index
    %get3A_10 = vector.load %arg3[%get3A_8, %get3A_9] : memref<128x128xf32, #tpu.memory_space<vmem>>, vector<128x128xf32>
    %dot_general3A_11 = arith.constant dense<0.000000e+00> : vector<1000x128xf32>
    %dot_general3A_12 = tpu.matmul %get3A_1, %get3A_10, %dot_general3A_11 {dimension_numbers = #tpu.dot_dimension_numbers<[1], [1], [0], [0], [0, 0, 1, 0], [], []>, transpose_lhs_hint = false} : vector<1000x128xf32>, vector<128x128xf32>, vector<1000x128xf32> -> vector<1000x128xf32>
    %swap3A_13 = arith.constant 0 : index
    %swap3A_14 = arith.constant 0 : index
    %swap3A_15 = vector.load %arg6[%swap3A_13, %swap3A_14] : memref<1000x128xf32, #tpu.memory_space<vmem>>, vector<1000x128xf32>
    tpu.vector_store %arg6[%swap3A_13, %swap3A_14], %dot_general3A_12 {strides = array<i32>} : memref<1000x128xf32, #tpu.memory_space<vmem>>, vector<1000x128xf32>,
    %get3A_16 = arith.constant 0 : index
    %get3A_17 = arith.constant 0 : index
    %get3A_18 = vector.load %arg4[%get3A_16, %get3A_17] : memref<128x128xf32, #tpu.memory_space<vmem>>, vector<128x128xf32>
    %dot_general3A_19 = arith.constant dense<0.000000e+00> : vector<1000x128xf32>
    %dot_general3A_20 = tpu.matmul %get3A_1, %get3A_18, %dot_general3A_19 {dimension_numbers = #tpu.dot_dimension_numbers<[1], [1], [0], [0], [0, 0, 1, 0], [], []>, transpose_lhs_hint = false} : vector<1000x128xf32>, vector<128x128xf32>, vector<1000x128xf32> -> vector<1000x128xf32>
    %swap3A_21 = arith.constant 0 : index
    %swap3A_22 = arith.constant 0 : index
    %swap3A_23 = vector.load %arg7[%swap3A_21, %swap3A_22] : memref<1000x128xf32, #tpu.memory_space<vmem>>, vector<1000x128xf32>
    tpu.vector_store %arg7[%swap3A_21, %swap3A_22], %dot_general3A_20 {strides = array<i32>} : memref<1000x128xf32, #tpu.memory_space<vmem>>, vector<1000x128xf32>,
    return
  }
  func.func @transform_0(%arg0: i32) -> (i32, i32) {
    %c0_i32 = arith.constant 0 : i32
    %c0_i32_0 = arith.constant 0 : i32
    return %arg0, %c0_i32 : i32, i32
  }
  func.func @transform_1(%arg0: i32) -> (i32, i32) {
    %c0_i32 = arith.constant 0 : i32
    %c0_i32_0 = arith.constant 0 : i32
    %c0_i32_1 = arith.constant 0 : i32
    return %c0_i32, %c0_i32_0 : i32, i32
  }
  func.func @transform_2(%arg0: i32) -> (i32, i32) {
    %c0_i32 = arith.constant 0 : i32
    %c0_i32_0 = arith.constant 0 : i32
    %c0_i32_1 = arith.constant 0 : i32
    return %c0_i32, %c0_i32_0 : i32, i32
  }
  func.func @transform_3(%arg0: i32) -> (i32, i32) {
    %c0_i32 = arith.constant 0 : i32
    %c0_i32_0 = arith.constant 0 : i32
    %c0_i32_1 = arith.constant 0 : i32
    return %c0_i32, %c0_i32_0 : i32, i32
  }
  func.func @transform_4(%arg0: i32) -> (i32, i32) {
    %c0_i32 = arith.constant 0 : i32
    %c0_i32_0 = arith.constant 0 : i32
    return %arg0, %c0_i32 : i32, i32
  }
  func.func @transform_5(%arg0: i32) -> (i32, i32) {
    %c0_i32 = arith.constant 0 : i32
    %c0_i32_0 = arith.constant 0 : i32
    return %arg0, %c0_i32 : i32, i32
  }
  func.func @transform_6(%arg0: i32) -> (i32, i32) {
    %c0_i32 = arith.constant 0 : i32
    %c0_i32_0 = arith.constant 0 : i32
    return %arg0, %c0_i32 : i32, i32
  }
}

module attributes {stable_mosaic.version = 14 : i64} {
  func.func @body(%arg0: i32, %arg1: memref<2x1000x128xf32, #tpu.memory_space<vmem>>, %arg2: memref<1000x2xf32, #tpu.memory_space<vmem>>, %arg3: memref<1000x128xf32, #tpu.memory_space<vmem>>, %arg4: memref<128x128xf32, #tpu.memory_space<vmem>>, %arg5: memref<1x128xf32, #tpu.memory_space<vmem>>, %arg6: memref<1000x128xf32, #tpu.memory_space<vmem>>) attributes {dimension_semantics = [#tpu.dimension_semantics<arbitrary>], iteration_bounds = array<i64: 10>, scalar_prefetch = 0 : i64, scratch_operands = 0 : i64, tpu.core_type = #tpu.core_type<tc>, window_params = [{transform_indices = @transform_0, window_bounds = array<i64: 2, 1000, 128>}, {transform_indices = @transform_1, window_bounds = array<i64: 1000, 2>}, {transform_indices = @transform_2, window_bounds = array<i64: 1000, 128>}, {pipeline_mode = #tpu.pipeline_mode<synchronous>, transform_indices = @transform_3, window_bounds = array<i64: 128, 128>}, {pipeline_mode = #tpu.pipeline_mode<synchronous>, transform_indices = @transform_4, window_bounds = array<i64: 1, 128>}, {transform_indices = @transform_5, window_bounds = array<i64: 1000, 128>}]} {
    %get3A = arith.constant 0 : index
    %get3A_0 = arith.constant 0 : index
    %get3A_1 = arith.constant 0 : index
    %get3A_2 = vector.load %arg1[%get3A, %get3A_0, %get3A_1] : memref<2x1000x128xf32, #tpu.memory_space<vmem>>, vector<1x1000x128xf32>
    %get3A_3 = vector.shape_cast %get3A_2 : vector<1x1000x128xf32> to vector<1000x128xf32>
    %get3A_4 = arith.constant 1 : index
    %get3A_5 = arith.constant 0 : index
    %get3A_6 = arith.constant 0 : index
    %get3A_7 = vector.load %arg1[%get3A_4, %get3A_5, %get3A_6] : memref<2x1000x128xf32, #tpu.memory_space<vmem>>, vector<1x1000x128xf32>
    %get3A_8 = vector.shape_cast %get3A_7 : vector<1x1000x128xf32> to vector<1000x128xf32>
    %add3A = arith.addf %get3A_3, %get3A_8 : vector<1000x128xf32>
    %get3A_9 = arith.constant 0 : index
    %get3A_10 = arith.constant 0 : index
    %get3A_11 = vector.load %arg2[%get3A_9, %get3A_10] : memref<1000x2xf32, #tpu.memory_space<vmem>>, vector<1000x2xf32>
    %reduce_sum3A = arith.constant dense<0.000000e+00> : vector<1000xf32>
    %reduce_sum3A_12 = vector.multi_reduction <add>, %get3A_11, %reduce_sum3A [1] : vector<1000x2xf32> to vector<1000xf32>
    %broadcast_in_dim3A = vector.shape_cast %reduce_sum3A_12 : vector<1000xf32> to vector<1000x1xf32>
    %add3A_13 = arith.constant 9.99999971E-10 : f32
    %add3A_14 = vector.broadcast %add3A_13 : f32 to vector<1000x1xf32>
    %add3A_15 = arith.addf %broadcast_in_dim3A, %add3A_14 : vector<1000x1xf32>
    %div3A = vector.broadcast %add3A_15 : vector<1000x1xf32> to vector<1000x128xf32>
    %div3A_16 = arith.divf %add3A, %div3A : vector<1000x128xf32>
    %get3A_17 = arith.constant 0 : index
    %get3A_18 = arith.constant 0 : index
    %get3A_19 = vector.load %arg4[%get3A_17, %get3A_18] : memref<128x128xf32, #tpu.memory_space<vmem>>, vector<128x128xf32>
    %dot_general3A = arith.constant dense<0.000000e+00> : vector<1000x128xf32>
    %dot_general3A_20 = tpu.matmul %div3A_16, %get3A_19, %dot_general3A {dimension_numbers = #tpu.dot_dimension_numbers<[1], [1], [0], [0], [0, 0, 1, 0], [], []>, transpose_lhs_hint = false} : vector<1000x128xf32>, vector<128x128xf32>, vector<1000x128xf32> -> vector<1000x128xf32>
    %get3A_21 = arith.constant 0 : index
    %get3A_22 = arith.constant 0 : index
    %get3A_23 = vector.load %arg5[%get3A_21, %get3A_22] : memref<1x128xf32, #tpu.memory_space<vmem>>, vector<1x128xf32>
    %add3A_24 = vector.broadcast %get3A_23 : vector<1x128xf32> to vector<1000x128xf32>
    %add3A_25 = arith.addf %dot_general3A_20, %add3A_24 : vector<1000x128xf32>
    %get3A_26 = arith.constant 0 : index
    %get3A_27 = arith.constant 0 : index
    %get3A_28 = vector.load %arg3[%get3A_26, %get3A_27] : memref<1000x128xf32, #tpu.memory_space<vmem>>, vector<1000x128xf32>
    %add3A_29 = arith.addf %add3A_25, %get3A_28 : vector<1000x128xf32>
    %max3A = arith.constant 0.000000e+00 : f32
    %max3A_30 = vector.broadcast %max3A : f32 to vector<1000x128xf32>
    %max3A_31 = arith.maximumf %add3A_29, %max3A_30 : vector<1000x128xf32>
    %swap3A = arith.constant 0 : index
    %swap3A_32 = arith.constant 0 : index
    %swap3A_33 = vector.load %arg6[%swap3A, %swap3A_32] : memref<1000x128xf32, #tpu.memory_space<vmem>>, vector<1000x128xf32>
    tpu.vector_store %arg6[%swap3A, %swap3A_32], %max3A_31 {strides = array<i32>} : memref<1000x128xf32, #tpu.memory_space<vmem>>, vector<1000x128xf32>,
    return
  }
  func.func @transform_0(%arg0: i32) -> (i32, i32, i32) {
    %c0_i32 = arith.constant 0 : i32
    %c0_i32_0 = arith.constant 0 : i32
    %c0_i32_1 = arith.constant 0 : i32
    return %c0_i32, %arg0, %c0_i32_0 : i32, i32, i32
  }
  func.func @transform_1(%arg0: i32) -> (i32, i32) {
    %c0_i32 = arith.constant 0 : i32
    %c0_i32_0 = arith.constant 0 : i32
    return %arg0, %c0_i32 : i32, i32
  }
  func.func @transform_2(%arg0: i32) -> (i32, i32) {
    %c0_i32 = arith.constant 0 : i32
    %c0_i32_0 = arith.constant 0 : i32
    return %arg0, %c0_i32 : i32, i32
  }
  func.func @transform_3(%arg0: i32) -> (i32, i32) {
    %c0_i32 = arith.constant 0 : i32
    %c0_i32_0 = arith.constant 0 : i32
    %c0_i32_1 = arith.constant 0 : i32
    return %c0_i32, %c0_i32_0 : i32, i32
  }
  func.func @transform_4(%arg0: i32) -> (i32, i32) {
    %c0_i32 = arith.constant 0 : i32
    %c0_i32_0 = arith.constant 0 : i32
    %c0_i32_1 = arith.constant 0 : i32
    return %c0_i32, %c0_i32_0 : i32, i32
  }
  func.func @transform_5(%arg0: i32) -> (i32, i32) {
    %c0_i32 = arith.constant 0 : i32
    %c0_i32_0 = arith.constant 0 : i32
    return %arg0, %c0_i32 : i32, i32
  }
}

</mosaic_0001>

<sc_bundles>
// kernel: kernel.5.cloned.1.call-start
scs
__scs_entry_jumppad:
0x0: {  	(pc) =	sbr.rel $0x88, $3  }
0x1: {  	(tag) =	ssettag $0x0;
	lr =	simm.s32 $0x1  }
0x2: {  	[smem:$0x3F9A] =	sst lr;
	_ =	strace $0xD0000000  }
0x3: {  	_ = 	snop  }
0x4: {  	_ = 	snop  }
0x5: {  	_ = 	snop  }
0x6: {  	_ = 	snop  }
0x7: {  	_ = 	snop  }
__scs_overlays_trampoline_lowered:
0x8: {  	[smem:$0x3FA9] =	sst s0  }
0x9: {  	[smem:$0x3FAA] =	sst s1  }
0xa: {  	[smem:$0x3FAB] =	sst s2  }
0xb: {  	[smem:$0x3FAC] =	sst s3  }
0xc: {  	[smem:$0x3FAD] =	sst s4  }
0xd: {  	[smem:$0x3FAE] =	sst s5  }
0xe: {  	[smem:$0x3FAF] =	sst s6  }
0xf: {  	[smem:$0x3FB0] =	sst s7  }
0x10: {  	[smem:$0x3FB1] =	sst s8  }
0x11: {  	[smem:$0x3FB2] =	sst s9;
	s0 =	simm.s32 @!p0 $0x0  }
0x12: {  	s1 =	sld [smem:$0x3F98];
	s0 =	simm.s32 @p0 $0x1  }
0x13: {  	[smem:$0x3FB3] =	sst s0;
	s0 =	simm.s32 @!p1 $0x0  }
0x14: {  	s2 =	sld [smem:$0x3F97];
	s0 =	simm.s32 @p1 $0x1  }
0x15: {  	[smem:$0x3FB4] =	sst s0;
	s0 =	simm.s32 @!p2 $0x0  }
0x16: {  	s3 =	sld [smem:$0x3FDB];
	s0 =	simm.s32 @p2 $0x1  }
0x17: {  	s4 =	simm.s32 $0x1BF5;
	[smem:$0x3FB6] =	sst s0  }
0x18: {  	s0 =	sld [smem:$0x3F99];
	_ =	swait.ge [sflag:s4], $0x0  }
0x19: {  	s7 =	sld [smem:$0x3F9A]  }
0x1a: {  	s8 =	sadd.s32 $0xFFFFE003, lr  }
0x1b: {  	s9 =	sadd.s32 $0xFFFFFEF7, lr;
	s5 =	simm.s32 $0xFFFFFFFF;
	p2 =	slt.u32 s8, $0xFFFFF086  }
0x1c: {  	p1 =	slt.u32 s9, $0xF7A;
	s5 =	simm.s32 @!p2 $0x0  }
0x1d: {  	s5 =	simm.s32 @p1 $0x1;
	p0 =	seq.s32 s7, s2  }
0x1e: {  	s7 =	smul.u32 @!p0 $0xF7A, s2;
	p2 =	seq.s32 @!p0 s5, $0x0  }
0x1f: {  	s9 =	smul.u32 $0xF7A, s1;
	s8 =	simm.s32 @!p0 $0x1BF5;
	p2 =	por !p2, p0  }
0x20: {  	[sflag:s8] =	ssyncset.s32 @!p0 $0xFFFFF086;
	s6 =	sadd.s32 @!p0 s3, s7;
	s7 =	simm.s32 @!p0 $0x108  }
0x21: {  	s3 =	sadd.s32 s3, s9;
	s6 =	sadd.s32 @!p0 $0x88, s6;
	s7 =	simm.s32 @p2 $0x1082  }
0x22: {  	[simem:s7], [sflag:s8] =	dma.local @!p0 [hbm:s6], $0xF7A  }
0x23: {  	s9 =	sor.u32 $0xD0000000, s2;
	s6 =	simm.s32 $0x108;
	_ =	swait.ge @!p0 [sflag:s8], $0x0  }
0x24: {  	s3 =	sadd.s32 $0x88, s3;
	s6 =	simm.s32 @!p1 $0x1082;
	[sflag:s4] =	ssyncset.s32 $0xFFFFF086  }
0x25: {  	[simem:s6], [sflag:s4] =	dma.local [hbm:s3], $0xF7A  }
0x26: {  	[smem:$0x3F9A] =	sst s1;
	(tag) =	ssettag s2;
	_ =	strace s9  }
0x27: {  	s1 =	sld [smem:$0x3FAA]  }
0x28: {  	s2 =	sld [smem:$0x3FAB]  }
0x29: {  	s4 =	sld [smem:$0x3FAD]  }
0x2a: {  	p0 =	seq.s32 s5, $0x0;
	s5 =	sld [smem:$0x3FAE]  }
0x2b: {  	s6 =	sld [smem:$0x3FAF]  }
0x2c: {  	s7 =	sld [smem:$0x3FB0]  }
0x2d: {  	s3 =	simm.s32 $0x108;
	s8 =	sld [smem:$0x3FB1]  }
0x2e: {  	s3 =	simm.s32 @!p0 $0x1082;
	s9 =	sld [smem:$0x3FB2]  }
0x2f: {  	lr =	sadd.s32 s0, s3;
	s0 =	sld [smem:$0x3FA9]  }
0x30: {  	s3 =	sld [smem:$0x3FAC]  }
0x31: {  	[smem:$0x3FB5] =	sst s10  }
0x32: {  	s10 =	sld [smem:$0x3FB3];
	_ =	sdelay $0x3  }
0x33: {  	p0 =	seq.s32 s10, $0x1;
	s10 =	sld [smem:$0x3FB5];
	_ =	sdelay $0x3  }
0x34: {  	[smem:$0x3FB5] =	sst s10  }
0x35: {  	s10 =	sld [smem:$0x3FB4];
	_ =	sdelay $0x3  }
0x36: {  	p1 =	seq.s32 s10, $0x1;
	s10 =	sld [smem:$0x3FB5];
	_ =	sdelay $0x3  }
0x37: {  	[smem:$0x3FB5] =	sst s10  }
0x38: {  	s10 =	sld [smem:$0x3FB6]  }
0x39: {  	_ = 	snop;
	(pc) =	sbr.ind lr, $3  }
0x3a: {  	_ = 	snop  }
0x3b: {  	_ = 	snop  }
0x3c: {  	p2 =	seq.s32 s10, $0x1;
	s10 =	sld [smem:$0x3FB5]  }
0x3d: {  	_ =	shalt  }
0x3e: {  	_ =	shalt  }
0x3f: {  	_ =	shalt  }
0x40: {  	_ =	shalt  }
0x41: {  	_ =	shalt  }
0x42: {  	_ =	shalt  }
0x43: {  	_ =	shalt  }
0x44: {  	_ =	shalt  }
0x45: {  	_ =	shalt  }
0x46: {  	_ =	shalt  }
0x47: {  	_ =	shalt  }
0x48: {  	_ =	shalt  }
0x49: {  	_ =	shalt  }
0x4a: {  	_ =	shalt  }
0x4b: {  	_ =	shalt  }
0x4c: {  	_ =	shalt  }
0x4d: {  	_ =	shalt  }
0x4e: {  	_ =	shalt  }
0x4f: {  	_ =	shalt  }
0x50: {  	_ =	shalt  }
0x51: {  	_ =	shalt  }
0x52: {  	_ =	shalt  }
0x53: {  	_ =	shalt  }
0x54: {  	_ =	shalt  }
0x55: {  	_ =	shalt  }
0x56: {  	_ =	shalt  }
0x57: {  	_ =	shalt  }
0x58: {  	_ =	shalt  }
0x59: {  	_ =	shalt  }
0x5a: {  	_ =	shalt  }
0x5b: {  	_ =	shalt  }
0x5c: {  	_ =	shalt  }
0x5d: {  	_ =	shalt  }
0x5e: {  	_ =	shalt  }
0x5f: {  	_ =	shalt  }
0x60: {  	_ =	shalt  }
0x61: {  	_ =	shalt  }
0x62: {  	_ =	shalt  }
0x63: {  	_ =	shalt  }
0x64: {  	_ =	shalt  }
0x65: {  	_ =	shalt  }
0x66: {  	_ =	shalt  }
0x67: {  	_ =	shalt  }
0x68: {  	_ =	shalt  }
0x69: {  	_ =	shalt  }
0x6a: {  	_ =	shalt  }
0x6b: {  	_ =	shalt  }
0x6c: {  	_ =	shalt  }
0x6d: {  	_ =	shalt  }
0x6e: {  	_ =	shalt  }
0x6f: {  	_ =	shalt  }
0x70: {  	_ =	shalt  }
0x71: {  	_ =	shalt  }
0x72: {  	_ =	shalt  }
0x73: {  	_ =	shalt  }
0x74: {  	_ =	shalt  }
0x75: {  	_ =	shalt  }
0x76: {  	_ =	shalt  }
0x77: {  	_ =	shalt  }
0x78: {  	_ =	shalt  }
0x79: {  	_ =	shalt  }
0x7a: {  	_ =	shalt  }
0x7b: {  	_ =	shalt  }
0x7c: {  	_ =	shalt  }
0x7d: {  	_ =	shalt  }
0x7e: {  	_ =	shalt  }
0x7f: {  	_ =	shalt  }
0x80: {  	_ =	shalt  }
0x81: {  	_ =	shalt  }
0x82: {  	_ =	shalt  }
0x83: {  	_ =	shalt  }
0x84: {  	_ =	shalt  }
0x85: {  	_ =	shalt  }
0x86: {  	_ =	shalt  }
0x87: {  	_ =	shalt  }
.Lfunc_end0:
.L_simem_size_0:
called_computation_lowered:
.L_overlay_start_0:
0x88: {  	s2 =	sld [smem:$0x3FD9]  }
0x89: {  	s3 =	sld [smem:$0x3FFE];
	_ =	sdelay $0x1  }
0x8a: {  	s1 =	srdreg.scid  }
0x8b: {  	s0 =	sand.u32 $0x1, s1  }
0x8c: {  	s17 =	sshll.u32 s0, $0xA;
	s2 =	sadd.s32 s3, s2  }
0x8d: {  	s2 =	sadd.s32 s2, s17  }
0x8e: {  	[smem:$0x3FC1] =	sst s2  }
0x8f: {  	_ = 	snop  }
0x90: {  	s2 =	sld [smem:$0x3FD0];
	(tm) =	ssettm $0x1  }
0x91: {  	s18 =	sld [smem:$0x3FFB];
	_ =	sdelay $0x3  }
0x92: {  	_ =	strace s18  }
0x93: {  	s3 =	sld [smem:$0x3FFC];
	_ =	sdelay $0x3  }
0x94: {  	_ =	strace s3  }
0x95: {  	s3 =	sld [smem:$0x3FFD];
	_ =	sdelay $0x3  }
0x96: {  	_ =	strace s3  }
0x97: {  	_ =	strace $0x8FFFFFFF  }
0x98: {  	s19 =	sld [smem:$0x3FDB];
	_ =	sdelay $0x1  }
0x99: {  	s4 =	simm.s32 $_scs_section_size  }
0x9a: {  	s5 =	simm.s32 $_size__tile_overlayer_lowered;
	s6 =	simm.s32 $_tile_overlayer_lowered  }
0x9b: {  	s22 =	simm.s32 $0x1BFF;
	s21 =	sshll.u32 s6, $0x1;
	s3 =	sadd.s32 s4, s19  }
0x9c: {  	s7 =	simm.s32 $0x0;
	s20 =	sshll.u32 s5, $0x1;
	s5 =	sadd.s32 s21, s3  }
0x9d: {  	[timem:s7], [sflag:s22] =	dma.local [hbm:s5], s20  }
0x9e: {  	_ =	swait.ge [sflag:s22], s20  }
0x9f: {  	s4 =	ssub.s32 $0x0, s20;
	[sflag:s22] =	ssyncset.done $0x0  }
0xa0: {  	[sflag:s22] =	ssyncadd.s32 s4;
	_ =	sdelay $0x1  }
0xa1: {  	s23 =	simm.s32 $0x1B8B  }
0xa2: {  	_ =	swait.ge [sflag:s23], $0x1  }
0xa3: {  	[sflag:s23] =	ssyncset.done $0x0  }
0xa4: {  	s25 =	simm.s32 $0x1B8E;
	s24 =	sld [smem:$0x3FFE];
	[sflag:s23] =	ssyncadd.s32 $0xFFFFFFFF  }
0xa5: {  	s26 =	simm.s32 $execute0_lowered;
	[smem:$0x3FD2] =	sst s25  }
0xa6: {  	s5 =	sshll.u32 s26, $0x1;
	_ =	strace $0x80000046;
	[dreg:$0x1] =	wrdreg $0xFFFFFFFF  }
0xa7: {  	s28 =	simm.s32 $_size_execute0_lowered;
	s3 =	sadd.s32 s3, s5;
	[dreg:$0x0] =	wrdreg $0x0  }
0xa8: {  	s5 =	sshll.u32 s28, $0x1;
	[dreg:$0x2] =	wrdreg s3  }
0xa9: {  	[dreg:$0x3] =	wrdreg s5  }
0xaa: {  	[dreg:$0x4] =	wrdreg $0xC0  }
0xab: {  	_ =	task [dreg:s7], $0x5FFFF  }
0xac: {  	[dreg:$0x1] =	wrdreg $0xFFFFFFFF  }
0xad: {  	[dreg:$0x0] =	wrdreg $0x60  }
0xae: {  	[dreg:$0x2] =	wrdreg s2  }
0xaf: {  	[dreg:$0x3] =	wrdreg s24  }
0xb0: {  	[dreg:$0x4] =	wrdreg $0xC4000  }
0xb1: {  	[dreg:$0x5] =	wrdreg $0x1FC800  }
0xb2: {  	[dreg:$0x6] =	wrdreg $0x9  }
0xb3: {  	_ =	task.clear_ibuf [dreg:s7], $0x7FFFF;
	_ =	strace $0x90000046  }
0xb4: {  	s29 =	simm.s32 $0x9;
	_ =	strace $0x80000048  }
0xb5: {  	_ =	swait.ge [sflag:s29], $0x1  }
0xb6: {  	[sflag:s29] =	ssyncadd.s32 $0xFFFFFFFF  }
0xb7: {  	_ =	strace $0x90000048  }
0xb8: {  	_ =	sfence  }
0xb9: {  	s30 =	sld [smem:$0x0];
	_ =	sdelay $0x2  }
0xba: {  	s31 =	sshll.u32 s1, $0xD;
	s1 =	sshrl.u32 s1, $0x2  }
0xbb: {  	s3 =	sand.u32 $0x4000, s31;
	s1 =	sadd.s32 s1, s30  }
0xbc: {  	s0 =	sor.u32 s3, s0;
	s1 =	sshll.u32 s1, $0x11  }
0xbd: {  	s0 =	sor.u32 s1, s0  }
0xbe: {  	s0 =	sadd.s32 $0x8F2B, s0  }
0xbf: {  	[sflag:s0] =	ssyncadd.remote.s32 $0x1  }
0xc0: {  	_ =	sfence.sel $0xFFFF  }
0xc1: {  	[dreg:$0x0] =	wrdreg $0xFFFFFFFF;
	(pc) =	sbr.abs _section_cstart, $3  }
0xc2: {  	[dreg:$0x1] =	wrdreg $0xFFFFFFFF  }
0xc3: {  	_ =	task.clear_ibuf [dreg:s7], $0x2FFFF;
	_ =	strace $0x9FFFFFFF  }
0xc4: {  	(tm) =	ssettm $0x7FFFFFFF  }
0xc5: {  	_ =	shalt  }
tec
execute0_lowered:
.L_overlay_start_1:
0x0: {  	(tag) =	ssettag $0x1  }
0x1: {  	s1 =	rddreg [dreg:$0x1]  }
0x2: {  	s0 =	srdreg.scid;
	s2 =	simm.s32 $0x0;
	s18 =	stileid.u32  }
0x3: {  	s3 =	sand.u32 $0x1, s0;
	[smem:$0x7FF] =	sst s2;
	s24 =	sshll.u32 s18, $0x6  }
0x4: {  	s7 =	sadd.s32 $0x63600, s1;
	s5 =	sshll.u32 s18, $0x1;
	s6 =	smul.u32 $0x2710, s3  }
0x5: {  	s23 =	ssub.s32 $0x2, s3;
	s0 =	sor.u32 $0x2400, s24;
	s26 =	sor.u32 s3, s5  }
0x6: {  	s28 =	smul.u32 $0x138800, s3;
	s4 =	sshrl.u32 s23, $0x1;
	s8 =	sadd.s32 s6, s0  }
0x7: {  	s2 =	ssub.s32 s23, s4;
	s9 =	sshrl.u32 s6, $0x3;
	s10 =	sadd.s32 s6, s24  }
0x8: {  	s4 =	sor.u32 $0x400, s24;
	s25 =	sshrl.u32 s8, $0x3;
	s3 =	sadd.s32 s7, s9  }
0x9: {  	s9 =	sshrl.u32 s10, $0x3;
	s10 =	sadd.s32 s6, s4;
	s5 =	sadd.s32 s7, s25  }
0xa: {  	s9 =	sadd.s32 s7, s9;
	s11 =	sshrl.u32 s10, $0x3;
	[dreg:$0x7] =	wrdreg s5  }
0xb: {  	s10 =	sor.u32 $0xC00, s24;
	s5 =	sor.u32 $0x800, s24;
	[dreg:$0x8] =	wrdreg s9  }
0xc: {  	s9 =	sadd.s32 s7, s11;
	s14 =	sadd.s32 s6, s10;
	s12 =	sadd.s32 s6, s5  }
0xd: {  	s11 =	sor.u32 $0x1000, s24;
	[dreg:$0x9] =	wrdreg s9;
	s13 =	sshrl.u32 s12, $0x3  }
0xe: {  	s12 =	sadd.s32 s6, s11;
	s9 =	sadd.s32 s7, s13;
	s13 =	sor.u32 $0x1400, s24  }
0xf: {  	s15 =	sshrl.u32 s12, $0x3;
	s12 =	sor.u32 $0x1800, s24;
	[dreg:$0xa] =	wrdreg s9  }
0x10: {  	s9 =	sshrl.u32 s14, $0x3;
	s16 =	sadd.s32 s6, s13;
	s19 =	sadd.s32 s6, s12  }
0x11: {  	s14 =	sor.u32 $0x1C00, s24;
	s9 =	sadd.s32 s7, s9;
	s17 =	sshrl.u32 s16, $0x3  }
0x12: {  	s16 =	sor.u32 $0x2000, s24;
	[dreg:$0xb] =	wrdreg s9;
	s9 =	sadd.s32 s7, s15  }
0x13: {  	s15 =	sadd.s32 s6, s14;
	s6 =	sadd.s32 s6, s16;
	[dreg:$0xc] =	wrdreg s9  }
0x14: {  	s9 =	sadd.s32 s7, s17;
	s15 =	sshrl.u32 s15, $0x3;
	s17 =	smul.u32 $0x1400, s18  }
0x15: {  	s6 =	sshrl.u32 s6, $0x3;
	[dreg:$0xd] =	wrdreg s9;
	s20 =	sadd.s32 s7, s15  }
0x16: {  	s9 =	sshrl.u32 s19, $0x3;
	s6 =	sadd.s32 s7, s6;
	[dreg:$0xf] =	wrdreg s20  }
0x17: {  	s9 =	sadd.s32 s7, s9;
	[dreg:$0x10] =	wrdreg s6;
	s6 =	sadd.s32 $0x12C000, s17  }
0x18: {  	s21 =	sadd.s32 s17, s28;
	s17 =	rddreg [dreg:$0x2];
	s8 =	sadd.s32 s28, s6  }
0x19: {  	s22 =	sadd.s32 $0x64000, s1;
	[dreg:$0xe] =	wrdreg s9;
	s8 =	sshrl.u32 s8, $0x3  }
0x1a: {  	s28 =	rddreg [dreg:$0x3];
	s8 =	sadd.s32 s22, s8  }
0x1b: {  	p0 =	slt.u32 s18, $0x2;
	s23 =	smul.u32 $0x5000, s18;
	[dreg:$0x11] =	wrdreg s8  }
0x1c: {  	s0 =	sadd.s32 s0, s28;
	_ =	strace $0x80000047;
	[dreg:$0x6] =	wrdreg s26  }
0x1d: {  	s3 =	sadd.s32 $0x4E0, s3;
	s7 =	sshrl.u32 s21, $0x3;
	[dreg:$0x17] =	wrdreg s0  }
0x1e: {  	s19 =	sadd.s32 s7, s22;
	s7 =	sadd.s32 s4, s28;
	[dreg:$0x18] =	wrdreg s3  }
0x1f: {  	s25 =	sshrl.u32 s23, $0x2;
	s16 =	sadd.s32 s16, s28;
	[dreg:$0x1a] =	wrdreg s7  }
0x20: {  	p1 =	sgt.u32 s18, $0x9;
	s29 =	sadd.s32 s25, s17;
	[smem:$0x7E2] =	sst s16  }
0x21: {  	s23 =	sadd.s32 $0x1600, s1;
	s4 =	sadd.s32 $0x8C000, s29;
	[dreg:$0x5] =	wrdreg s24  }
0x22: {  	s20 =	sadd.s32 $0x15200, s1;
	s21 =	sadd.s32 $0x3C400, s1;
	[smem:$0x7EC] =	sst s4  }
0x23: {  	s7 =	sadd.s32 s24, s28;
	s24 =	sadd.s32 $0x14000, s29;
	[dreg:$0x12] =	wrdreg s29  }
0x24: {  	s25 =	simm.s32 $0x4F;
	s3 =	sadd.s32 $0x78000, s29;
	[smem:$0x7E6] =	sst s24  }
0x25: {  	s22 =	sadd.s32 $0xB400, s1;
	s26 =	sshll.u32 s26, $0x4;
	[smem:$0x7EB] =	sst s3  }
0x26: {  	s25 =	simm.s32 @!p0 $0x4E;
	s8 =	sadd.s32 s22, s26;
	[smem:$0x7FC] =	sst s7  }
0x27: {  	p0 =	sgt.u32 s18, $0xB;
	s1 =	sadd.s32 s23, s26;
	[dreg:$0x13] =	wrdreg s8  }
0x28: {  	p3 =	sne.s32 @p0 s18, $0xF;
	s18 =	sadd.s32 $0x2400, s7;
	[dreg:$0x14] =	wrdreg s1  }
0x29: {  	s16 =	sadd.s32 $0xC00, s7;
	[smem:$0x7E5] =	sst s18  }
0x2a: {  	s9 =	sor.u32 $0x8, s26;
	s24 =	sadd.s32 $0x1800, s7;
	[smem:$0x7F6] =	sst s16  }
0x2b: {  	s15 =	sadd.s32 s22, s9;
	[smem:$0x7F9] =	sst s24  }
0x2c: {  	s26 =	sadd.s32 s23, s9;
	[dreg:$0x15] =	wrdreg s15  }
0x2d: {  	s1 =	sadd.s32 s6, s17;
	s6 =	smax.u32 s2, $0x1;
	[dreg:$0x16] =	wrdreg s26  }
0x2e: {  	s8 =	sadd.s32 s5, s28;
	[dreg:$0x19] =	wrdreg s6  }
0x2f: {  	s9 =	sadd.s32 s10, s28;
	[dreg:$0x1b] =	wrdreg s8  }
0x30: {  	s10 =	sadd.s32 s11, s28;
	[dreg:$0x1c] =	wrdreg s9  }
0x31: {  	s11 =	sadd.s32 s13, s28;
	[dreg:$0x1d] =	wrdreg s10  }
0x32: {  	s13 =	sadd.s32 s12, s28;
	[dreg:$0x1e] =	wrdreg s11  }
0x33: {  	s17 =	sadd.s32 $0x12C000, s29;
	[dreg:$0x1f] =	wrdreg s13  }
0x34: {  	s2 =	sadd.s32 $0x64000, s29;
	[smem:$0x7E4] =	sst s17  }
0x35: {  	s5 =	sadd.s32 $0xA0000, s29;
	[smem:$0x7EA] =	sst s2  }
0x36: {  	s12 =	sadd.s32 $0x104000, s29;
	[smem:$0x7ED] =	sst s5  }
0x37: {  	s18 =	sadd.s32 $0x1400, s7;
	[smem:$0x7F2] =	sst s12  }
0x38: {  	s15 =	sadd.s32 s14, s28;
	[smem:$0x7F8] =	sst s18  }
0x39: {  	s0 =	sshrl.u32 @!p1 s1, $0x3;
	[smem:$0x7E1] =	sst s15  }
0x3a: {  	s30 =	simm.s32 $0x1;
	s26 =	sadd.s32 $0x28000, s29;
	[smem:$0x7E3] =	sst s0  }
0x3b: {  	s10 =	sadd.s32 $0x2700, s28;
	s28 =	sadd.s32 $0x3C000, s29;
	[smem:$0x7E7] =	sst s26  }
0x3c: {  	v0 =	vimm.s32 $0xFEDCBA98;
	s31 =	simm.s32 $0x3;
	s1 =	sadd.s32 $0x50000, s29;
	[smem:$0x7E8] =	sst s28  }
0x3d: {  	v1 =	vimm.s32 $0x76543210;
	v2 =	vimm.s32 $0xBA98FEDC;
	p2 =	por p3, !p0;
	s6 =	sadd.s32 $0xB4000, s29;
	[smem:$0x7E9] =	sst s1  }
0x3e: {  	v3 =	vimm.s32 $0x32107654;
	v4 =	vimm.s32 $0xDCFE98BA;
	p3 =	por !p3, !p0;
	s8 =	sadd.s32 $0xC8000, s29;
	[smem:$0x7EE] =	sst s6  }
0x3f: {  	v5 =	vimm.s32 $0x54761032;
	s4 =	simm.s32 $0x9;
	s9 =	sadd.s32 $0xDC000, s29;
	[smem:$0x7EF] =	sst s8  }
0x40: {  	v6 =	vimm.s32 $0xEFCDAB89;
	v7 =	vimm.s32 $0x67452301;
	s3 =	simm.s32 $0x0;
	s11 =	sadd.s32 $0xF0000, s29;
	[smem:$0x7F0] =	sst s9  }
0x41: {  	v0 =	vunpack.c.l.s4.s8 v0;
	v1 =	vunpack.c.l.s4.s8 v1;
	v2 =	vunpack.c.l.s4.s8 v2;
	s24 =	simm.s32 $0x80;
	s13 =	sadd.s32 $0x118000, s29;
	[smem:$0x7F1] =	sst s11  }
0x42: {  	v3 =	vunpack.c.l.s4.s8 v3;
	v4 =	vunpack.c.l.s4.s8 v4;
	v5 =	vunpack.c.l.s4.s8 v5;
	s14 =	sadd.s32 $0x400, s7;
	s17 =	sadd.s32 $0x1000, s7;
	[smem:$0x7F3] =	sst s13  }
0x43: {  	v6 =	vunpack.c.l.s4.s8 v6;
	v7 =	vunpack.c.l.s4.s8 v7;
	v0 =	vunpack.c.0.s8.s32 v0;
	s12 =	simm.s32 $0x8;
	s2 =	simm.s32 $0xB;
	[smem:$0x7F4] =	sst s14  }
0x44: {  	v1 =	vunpack.c.0.s8.s32 v1;
	v2 =	vunpack.c.0.s8.s32 v2;
	v3 =	vunpack.c.0.s8.s32 v3;
	s18 =	simm.s32 $0x4;
	s15 =	sadd.s32 $0x800, s7;
	[smem:$0x7F7] =	sst s17  }
0x45: {  	v4 =	vunpack.c.0.s8.s32 v4;
	v5 =	vunpack.c.0.s8.s32 v5;
	v0 =	vand.u32 $0xF, v0;
	s26 =	sadd.s32 $0x1C00, s7;
	s28 =	sadd.s32 $0x2000, s7;
	[smem:$0x7FD] =	sst s10  }
0x46: {  	v6 =	vunpack.c.0.s8.s32 v6;
	v7 =	vunpack.c.0.s8.s32 v7;
	v0 =	vcombine.low v0, v1;
	s6 =	simm.s32 $0xD;
	s8 =	simm.s32 $0x40;
	[smem:$0x7F5] =	sst s15  }
0x47: {  	vm0 =	vmmov $0xff;
	v1 =	vcombine.low v3, v2;
	v2 =	vcombine.low v5, v4;
	s11 =	simm.s32 $0xA300;
	s9 =	simm.s32 $0x6;
	[smem:$0x7FA] =	sst s26  }
0x48: {  	v3 =	vimm.f32 $0.0e+00;
	v4 =	vcombine.low v7, v6;
	v5 =	vlaneseq.u32;
	[smem:$0x7FB] =	sst s28;
	s15 =	simm.s32 $0x5;
	s26 =	simm.s32 $0x2  }
.LBB2_1:
0x49: {  	[smem:$0x7E0] =	sst s3;
	s0 =	simm.s32 $0x0;
	s1 =	simm.s32 $0x200  }
.LBB2_2:
0x4a: {  	p4 =	sne.s32 s1, $0x7E00;
	[tilespmem:s0+$0x8370] =	vst v3  }
0x4b: {  	[tilespmem:s0+$0x8300] =	vst v3  }
0x4c: {  	[tilespmem:s0+$0x8310] =	vst v3  }
.Ltmp0:
0x4d: {  	[tilespmem:s0+$0x8320] =	vst v3;
	(pc) =	sbr.rel @p4 .LBB2_2-.Ltmp0, $4  }
0x4e: {  	[tilespmem:s0+$0x8330] =	vst v3  }
0x4f: {  	[tilespmem:s0+$0x8340] =	vst v3  }
0x50: {  	[tilespmem:s0+$0x8350] =	vst v3  }
0x51: {  	[tilespmem:s0+$0x8360] =	vst v3;
	s0 =	sshra.s32 s1, $0x2;
	s1 =	sadd.s32 $0x200, s1  }
0x52: {  	[tilespmem:s0+$0x8370] =	vst v3  }
0x53: {  	[tilespmem:s0+$0x8300] =	vst v3  }
0x54: {  	[tilespmem:s0+$0x8310] =	vst v3  }
0x55: {  	[tilespmem:s0+$0x8320] =	vst v3  }
0x56: {  	[tilespmem:s0+$0x8330] =	vst v3  }
0x57: {  	[tilespmem:s0+$0x8340] =	vst v3  }
0x58: {  	[tilespmem:s0+$0x8350] =	vst v3  }
0x59: {  	[tilespmem:s0+$0x8360] =	vst v3  }
0x5a: {  	[tilespmem:$0xC300] =	vst v3  }
0x5b: {  	[tilespmem:$0xC310] =	vst v3  }
0x5c: {  	[tilespmem:$0xC320] =	vst v3  }
0x5d: {  	s3 =	simm.s32 $0x8300;
	[tilespmem:$0xC330] =	vst v3  }
0x5e: {  	[spmem:s29] =	stream.linear.scatter [tilespmem:s3], [sflag:$0xD], $0x1400, $0x38;
	[tilespmem:$0x1FEF8] =	vst v63  }
0x5f: {  	_ =	swait.ge [sflag:s6], $0x1400  }
0x60: {  	s14 =	sld [smem:$0x7E6]  }
0x61: {  	[sflag:s6] =	ssyncset.done $0x0  }
0x62: {  	[sflag:s6] =	ssyncadd.s32 $0xFFFFEC00  }
0x63: {  	[spmem:s14] =	stream.linear.scatter [tilespmem:s3], [sflag:$0xD], $0x1400, $0x38;
	[tilespmem:$0x1FEF8] =	vst v63  }
0x64: {  	_ =	swait.ge [sflag:s6], $0x1400  }
0x65: {  	s16 =	sld [smem:$0x7E7]  }
0x66: {  	[sflag:s6] =	ssyncset.done $0x0  }
0x67: {  	[sflag:s6] =	ssyncadd.s32 $0xFFFFEC00  }
0x68: {  	[spmem:s16] =	stream.linear.scatter [tilespmem:s3], [sflag:$0xD], $0x1400, $0x38;
	[tilespmem:$0x1FEF8] =	vst v63  }
0x69: {  	_ =	swait.ge [sflag:s6], $0x1400  }
0x6a: {  	s17 =	sld [smem:$0x7E8]  }
0x6b: {  	[sflag:s6] =	ssyncset.done $0x0  }
0x6c: {  	[sflag:s6] =	ssyncadd.s32 $0xFFFFEC00  }
0x6d: {  	[spmem:s17] =	stream.linear.scatter [tilespmem:s3], [sflag:$0xD], $0x1400, $0x38;
	[tilespmem:$0x1FEF8] =	vst v63  }
0x6e: {  	_ =	swait.ge [sflag:s6], $0x1400  }
0x6f: {  	s28 =	sld [smem:$0x7E9]  }
0x70: {  	[sflag:s6] =	ssyncset.done $0x0  }
0x71: {  	[sflag:s6] =	ssyncadd.s32 $0xFFFFEC00  }
0x72: {  	[spmem:s28] =	stream.linear.scatter [tilespmem:s3], [sflag:$0xD], $0x1400, $0x38;
	[tilespmem:$0x1FEF8] =	vst v63  }
0x73: {  	_ =	swait.ge [sflag:s6], $0x1400  }
0x74: {  	s29 =	sld [smem:$0x7EA]  }
0x75: {  	[sflag:s6] =	ssyncset.done $0x0  }
0x76: {  	[sflag:s6] =	ssyncadd.s32 $0xFFFFEC00  }
0x77: {  	[spmem:s29] =	stream.linear.scatter [tilespmem:s3], [sflag:$0xD], $0x1400, $0x38;
	[tilespmem:$0x1FEF8] =	vst v63  }
0x78: {  	_ =	swait.ge [sflag:s6], $0x1400  }
0x79: {  	s1 =	sld [smem:$0x7EB]  }
0x7a: {  	[sflag:s6] =	ssyncset.done $0x0  }
0x7b: {  	[sflag:s6] =	ssyncadd.s32 $0xFFFFEC00  }
0x7c: {  	[spmem:s1] =	stream.linear.scatter [tilespmem:s3], [sflag:$0xD], $0x1400, $0x38;
	[tilespmem:$0x1FEF8] =	vst v63  }
0x7d: {  	_ =	swait.ge [sflag:s6], $0x1400  }
0x7e: {  	s5 =	sld [smem:$0x7EC]  }
0x7f: {  	[sflag:s6] =	ssyncset.done $0x0  }
0x80: {  	[sflag:s6] =	ssyncadd.s32 $0xFFFFEC00  }
0x81: {  	[spmem:s5] =	stream.linear.scatter [tilespmem:s3], [sflag:$0xD], $0x1400, $0x38;
	[tilespmem:$0x1FEF8] =	vst v63  }
0x82: {  	_ =	swait.ge [sflag:s6], $0x1400  }
0x83: {  	s13 =	sld [smem:$0x7ED]  }
0x84: {  	[sflag:s6] =	ssyncset.done $0x0  }
0x85: {  	[sflag:s6] =	ssyncadd.s32 $0xFFFFEC00  }
0x86: {  	[spmem:s13] =	stream.linear.scatter [tilespmem:s3], [sflag:$0xD], $0x1400, $0x38;
	[tilespmem:$0x1FEF8] =	vst v63  }
0x87: {  	_ =	swait.ge [sflag:s6], $0x1400  }
0x88: {  	s14 =	sld [smem:$0x7EE]  }
0x89: {  	[sflag:s6] =	ssyncset.done $0x0  }
0x8a: {  	[sflag:s6] =	ssyncadd.s32 $0xFFFFEC00  }
0x8b: {  	[spmem:s14] =	stream.linear.scatter [tilespmem:s3], [sflag:$0xD], $0x1400, $0x38;
	[tilespmem:$0x1FEF8] =	vst v63  }
0x8c: {  	_ =	swait.ge [sflag:s6], $0x1400  }
0x8d: {  	s16 =	sld [smem:$0x7EF]  }
0x8e: {  	[sflag:s6] =	ssyncset.done $0x0  }
0x8f: {  	[sflag:s6] =	ssyncadd.s32 $0xFFFFEC00  }
0x90: {  	[spmem:s16] =	stream.linear.scatter [tilespmem:s3], [sflag:$0xD], $0x1400, $0x38;
	[tilespmem:$0x1FEF8] =	vst v63  }
0x91: {  	_ =	swait.ge [sflag:s6], $0x1400  }
0x92: {  	s17 =	sld [smem:$0x7F0]  }
0x93: {  	[sflag:s6] =	ssyncset.done $0x0  }
0x94: {  	[sflag:s6] =	ssyncadd.s32 $0xFFFFEC00  }
0x95: {  	[spmem:s17] =	stream.linear.scatter [tilespmem:s3], [sflag:$0xD], $0x1400, $0x38;
	[tilespmem:$0x1FEF8] =	vst v63  }
0x96: {  	_ =	swait.ge [sflag:s6], $0x1400  }
0x97: {  	s28 =	sld [smem:$0x7F1]  }
0x98: {  	[sflag:s6] =	ssyncset.done $0x0  }
0x99: {  	[sflag:s6] =	ssyncadd.s32 $0xFFFFEC00  }
0x9a: {  	[spmem:s28] =	stream.linear.scatter [tilespmem:s3], [sflag:$0xD], $0x1400, $0x38;
	[tilespmem:$0x1FEF8] =	vst v63  }
0x9b: {  	_ =	swait.ge [sflag:s6], $0x1400  }
0x9c: {  	s29 =	sld [smem:$0x7F2]  }
0x9d: {  	[sflag:s6] =	ssyncset.done $0x0  }
0x9e: {  	[sflag:s6] =	ssyncadd.s32 $0xFFFFEC00  }
0x9f: {  	[spmem:s29] =	stream.linear.scatter [tilespmem:s3], [sflag:$0xD], $0x1400, $0x38;
	[tilespmem:$0x1FEF8] =	vst v63  }
0xa0: {  	_ =	swait.ge [sflag:s6], $0x1400  }
0xa1: {  	s1 =	sld [smem:$0x7F3]  }
0xa2: {  	[sflag:s6] =	ssyncset.done $0x0  }
0xa3: {  	[sflag:s6] =	ssyncadd.s32 $0xFFFFEC00  }
0xa4: {  	[spmem:s1] =	stream.linear.scatter [tilespmem:s3], [sflag:$0xD], $0x1400, $0x38;
	[tilespmem:$0x1FEF8] =	vst v63  }
0xa5: {  	_ =	swait.ge [sflag:s6], $0x1400  }
0xa6: {  	s1 =	sld [smem:$0x7E4]  }
0xa7: {  	[sflag:s6] =	ssyncset.done $0x0  }
0xa8: {  	s0 =	simm.s32 @!p1 $0x8300;
	[sflag:s6] =	ssyncadd.s32 $0xFFFFEC00  }
0xa9: {  	[spmem:s1] =	stream.linear.scatter @!p1 [tilespmem:s0], [sflag:$0xD], $0x1400, $0x38;
	[tilespmem:$0x1FEF8] =	vst v63  }
0xaa: {  	s0 =	simm.s32 @!p1 $0xD  }
0xab: {  	_ =	swait.ge @!p1 [sflag:s0], $0x1400  }
0xac: {  	[sflag:s0] =	ssyncset.done @!p1 $0x0  }
0xad: {  	s1 =	simm.s32 $0xC300;
	[sflag:s0] =	ssyncadd.s32 @!p1 $0xFFFFEC00  }
0xae: {  	[spmem:s7] =	stream.linear.scatter [tilespmem:s1], [sflag:$0xD], $0x40, $0x38;
	[tilespmem:$0x1FEF8] =	vst v63  }
0xaf: {  	_ =	swait.ge [sflag:s6], $0x40  }
0xb0: {  	s5 =	sld [smem:$0x7F4]  }
0xb1: {  	[sflag:s6] =	ssyncset.done $0x0  }
0xb2: {  	[sflag:s6] =	ssyncadd.s32 $0xFFFFFFC0  }
0xb3: {  	[spmem:s5] =	stream.linear.scatter [tilespmem:s1], [sflag:$0xD], $0x40, $0x38;
	[tilespmem:$0x1FEF8] =	vst v63  }
0xb4: {  	_ =	swait.ge [sflag:s6], $0x40  }
0xb5: {  	s7 =	sld [smem:$0x7F5]  }
0xb6: {  	[sflag:s6] =	ssyncset.done $0x0  }
0xb7: {  	[sflag:s6] =	ssyncadd.s32 $0xFFFFFFC0  }
0xb8: {  	[spmem:s7] =	stream.linear.scatter [tilespmem:s1], [sflag:$0xD], $0x40, $0x38;
	[tilespmem:$0x1FEF8] =	vst v63  }
0xb9: {  	_ =	swait.ge [sflag:s6], $0x40  }
0xba: {  	s13 =	sld [smem:$0x7F6]  }
0xbb: {  	[sflag:s6] =	ssyncset.done $0x0  }
0xbc: {  	[sflag:s6] =	ssyncadd.s32 $0xFFFFFFC0  }
0xbd: {  	[spmem:s13] =	stream.linear.scatter [tilespmem:s1], [sflag:$0xD], $0x40, $0x38;
	[tilespmem:$0x1FEF8] =	vst v63  }
0xbe: {  	_ =	swait.ge [sflag:s6], $0x40  }
0xbf: {  	s14 =	sld [smem:$0x7F7]  }
0xc0: {  	[sflag:s6] =	ssyncset.done $0x0  }
0xc1: {  	[sflag:s6] =	ssyncadd.s32 $0xFFFFFFC0  }
0xc2: {  	[spmem:s14] =	stream.linear.scatter [tilespmem:s1], [sflag:$0xD], $0x40, $0x38;
	[tilespmem:$0x1FEF8] =	vst v63  }
0xc3: {  	_ =	swait.ge [sflag:s6], $0x40  }
0xc4: {  	s16 =	sld [smem:$0x7F8]  }
0xc5: {  	[sflag:s6] =	ssyncset.done $0x0  }
0xc6: {  	[sflag:s6] =	ssyncadd.s32 $0xFFFFFFC0  }
0xc7: {  	[spmem:s16] =	stream.linear.scatter [tilespmem:s1], [sflag:$0xD], $0x40, $0x38;
	[tilespmem:$0x1FEF8] =	vst v63  }
0xc8: {  	_ =	swait.ge [sflag:s6], $0x40  }
0xc9: {  	s17 =	sld [smem:$0x7F9]  }
0xca: {  	[sflag:s6] =	ssyncset.done $0x0  }
0xcb: {  	[sflag:s6] =	ssyncadd.s32 $0xFFFFFFC0  }
0xcc: {  	[spmem:s17] =	stream.linear.scatter [tilespmem:s1], [sflag:$0xD], $0x40, $0x38;
	[tilespmem:$0x1FEF8] =	vst v63  }
0xcd: {  	_ =	swait.ge [sflag:s6], $0x40  }
0xce: {  	s28 =	sld [smem:$0x7FA]  }
0xcf: {  	[sflag:s6] =	ssyncset.done $0x0  }
0xd0: {  	[sflag:s6] =	ssyncadd.s32 $0xFFFFFFC0  }
0xd1: {  	[spmem:s28] =	stream.linear.scatter [tilespmem:s1], [sflag:$0xD], $0x40, $0x38;
	[tilespmem:$0x1FEF8] =	vst v63  }
0xd2: {  	_ =	swait.ge [sflag:s6], $0x40  }
0xd3: {  	s29 =	sld [smem:$0x7FB]  }
0xd4: {  	[sflag:s6] =	ssyncset.done $0x0  }
0xd5: {  	[sflag:s6] =	ssyncadd.s32 $0xFFFFFFC0  }
0xd6: {  	[spmem:s29] =	stream.linear.scatter [tilespmem:s1], [sflag:$0xD], $0x40, $0x38;
	[tilespmem:$0x1FEF8] =	vst v63  }
0xd7: {  	_ =	swait.ge [sflag:s6], $0x40  }
0xd8: {  	[sflag:s6] =	ssyncset.done $0x0  }
0xd9: {  	s0 =	simm.s32 @!p2 $0xC300;
	[sflag:s6] =	ssyncadd.s32 $0xFFFFFFC0  }
0xda: {  	[spmem:s10] =	stream.linear.scatter @!p2 [tilespmem:s0], [sflag:$0xD], $0x10, $0x38;
	[tilespmem:$0x1FEF8] =	vst v63  }
0xdb: {  	s0 =	simm.s32 @!p2 $0xD  }
0xdc: {  	_ =	swait.ge @!p2 [sflag:s0], $0x10  }
0xdd: {  	s1 =	sld [smem:$0x7E5]  }
0xde: {  	[sflag:s0] =	ssyncset.done @!p2 $0x0  }
0xdf: {  	[sflag:s0] =	ssyncadd.s32 @!p2 $0xFFFFFFF0;
	s0 =	simm.s32 @!p0 $0xC300  }
0xe0: {  	[spmem:s1] =	stream.linear.scatter @!p0 [tilespmem:s0], [sflag:$0xD], $0x40, $0x38;
	[tilespmem:$0x1FEF8] =	vst v63  }
0xe1: {  	s0 =	simm.s32 @!p0 $0xD  }
0xe2: {  	_ =	swait.ge @!p0 [sflag:s0], $0x40  }
0xe3: {  	[sflag:s0] =	ssyncset.done @!p0 $0x0  }
0xe4: {  	[sflag:s0] =	ssyncadd.s32 @!p0 $0xFFFFFFC0  }
0xe5: {  	[bflag:$0x0] =	sbarrier.arrive $0xFFFF  }
0xe6: {  	s13 =	simm.s32 $0x0;
	s5 =	rddreg [dreg:$0x13]  }
0xe7: {  	[tilespmem:s13], [sflag:$0x7] =	stream.linear.gather [hbm4b:s5+s13], $0x40, $0x38;
	[tilespmem:$0x1FEF8] =	vst v63  }
0xe8: {  	s14 =	simm.s32 $0x7;
	s10 =	simm.s32 $0x100;
	s7 =	rddreg [dreg:$0x14]  }
0xe9: {  	[tilespmem:s10], [sflag:$0x7] =	stream.linear.gather [hbm4b:s7+s13], $0x40, $0x38;
	[tilespmem:$0x1FEF8] =	vst v63  }
0xea: {  	_ =	swait.ge [sflag:s14], $0x40  }
0xeb: {  	[sflag:s14] =	ssyncset.done $0x0  }
0xec: {  	[sflag:s14] =	ssyncadd.s32 $0xFFFFFFC0  }
0xed: {  	_ =	swait.ge [sflag:s14], $0x40  }
0xee: {  	[sflag:s14] =	ssyncset.done $0x0  }
0xef: {  	[sflag:s14] =	ssyncadd.s32 $0xFFFFFFC0  }
0xf0: {  	s5 =	simm.s32 $0x300;
	s0 =	rddreg [dreg:$0x0]  }
0xf1: {  	[tilespmem:s5], [sflag:$0x1] =	stream.indirect.gather [hbm4b:s0+s8], $0x80, s10, s8, $0xb8;
	[tilespmem:$0x1FEF8] =	vst v63  }
0xf2: {  	s16 =	simm.s32 $0x4300  }
0xf3: {  	[tilespmem:s16], [sflag:$0x3] =	stream.indirect.gather [hbm4b:s20+s8], $0x80, s13, s8, $0xb8;
	[tilespmem:$0x1FEF8] =	vst v63  }
0xf4: {  	p5 =	por @p0 $0x0, $0x0;
	p4 =	por @!p2 $0x1, $0x1  }
0xf5: {  	[tilespmem:s3], [sflag:$0x5] =	stream.indirect.gather [hbm4b:s21+s8], $0x80, s13, s8, $0xb8;
	[tilespmem:$0x1FEF8] =	vst v63  }
0xf6: {  	p4 =	por @!p3 p5, p5;
	p5 =	por @!p0 $0x0, $0x0;
	s17 =	rddreg [dreg:$0x15]  }
0xf7: {  	[tilespmem:s24], [sflag:$0x8] =	stream.linear.gather [hbm4b:s17+s13], $0x40, $0x38;
	[tilespmem:$0x1FEF8] =	vst v63  }
0xf8: {  	p4 =	por @!p0 p5, p5;
	s29 =	simm.s32 $0x180;
	s28 =	rddreg [dreg:$0x16]  }
0xf9: {  	[tilespmem:s29], [sflag:$0x8] =	stream.linear.gather [hbm4b:s28+s13], $0x40, $0x38;
	[tilespmem:$0x1FEF8] =	vst v63  }
.LBB2_4:
0xfa: {  	p5 =	seq.s32 s13, $0x0  }
0xfb: {  	s0 =	simm.s32 @!p5 $0xA  }
0xfc: {  	_ =	swait.ge @!p5 [sflag:s0], $0x2000  }
0xfd: {  	[sflag:s0] =	ssyncset.done @!p5 $0x0  }
0xfe: {  	[sflag:s0] =	ssyncadd.s32 @!p5 $0xFFFFE000;
	s0 =	simm.s32 @!p5 $0xC  }
0xff: {  	_ =	swait.ge @!p5 [sflag:s0], $0x40  }
0x100: {  	[sflag:s0] =	ssyncset.done @!p5 $0x0  }
0x101: {  	[sflag:s0] =	ssyncadd.s32 @!p5 $0xFFFFFFC0  }
0x102: {  	_ =	swait.ge [sflag:s12], $0x40  }
0x103: {  	[sflag:s12] =	ssyncset.done $0x0  }
0x104: {  	[sflag:s12] =	ssyncadd.s32 $0xFFFFFFC0  }
0x105: {  	_ =	swait.ge [sflag:s12], $0x40  }
0x106: {  	[sflag:s12] =	ssyncset.done $0x0  }
0x107: {  	[sflag:s12] =	ssyncadd.s32 $0xFFFFFFC0  }
0x108: {  	s1 =	simm.s32 $0x180;
	s3 =	simm.s32 $0x2300;
	s10 =	rddreg [dreg:$0x0]  }
0x109: {  	[tilespmem:s3], [sflag:$0x2] =	stream.indirect.gather [hbm4b:s10+s8], $0x80, s1, s8, $0xb8;
	[tilespmem:$0x1FEF8] =	vst v63  }
0x10a: {  	s14 =	simm.s32 $0x80;
	s16 =	simm.s32 $0x6300  }
0x10b: {  	[tilespmem:s16], [sflag:$0x4] =	stream.indirect.gather [hbm4b:s20+s8], $0x80, s14, s8, $0xb8;
	[tilespmem:$0x1FEF8] =	vst v63  }
0x10c: {  	_ = 	snop  }
0x10d: {  	[tilespmem:s11], [sflag:$0x6] =	stream.indirect.gather [hbm4b:s21+s8], $0x80, s14, s8, $0xb8;
	[tilespmem:$0x1FEF8] =	vst v63  }
0x10e: {  	_ =	swait.ge [sflag:s30], $0x2000  }
0x10f: {  	[sflag:s30] =	ssyncset.done $0x0  }
0x110: {  	[sflag:s30] =	ssyncadd.s32 $0xFFFFE000  }
0x111: {  	_ =	swait.ge [sflag:s31], $0x2000  }
0x112: {  	[sflag:s31] =	ssyncset.done $0x0  }
0x113: {  	[sflag:s31] =	ssyncadd.s32 $0xFFFFE000  }
0x114: {  	_ =	swait.ge [sflag:s15], $0x2000  }
0x115: {  	[sflag:s15] =	ssyncset.done $0x0  }
0x116: {  	[sflag:s15] =	ssyncadd.s32 $0xFFFFE000  }
0x117: {  	v6 =	vld [tilespmem:$0x100]  }
0x118: {  	v7 =	vld [tilespmem:$0x110]  }
0x119: {  	v8 =	vld [tilespmem:$0x120]  }
0x11a: {  	s13 =	sadd.s32 $0x1, s13;
	v9 =	vld [tilespmem:$0x130]  }
0x11b: {  	s17 =	sshll.u32 s13, $0x5;
	s29 =	rddreg [dreg:$0x6]  }
0x11c: {  	p5 =	sge.u32 s13, s25;
	s0 =	sor.u32 s29, s17;
	[tilespmem:$0x200] =	vst v6  }
0x11d: {  	s0 =	sshll.u32 @!p5 s0, $0x4;
	[tilespmem:$0x210] =	vst v7  }
0x11e: {  	s28 =	sand.u32 @!p5 $0x1FFFFFF0, s0;
	[tilespmem:$0x220] =	vst v8  }
0x11f: {  	s24 =	simm.s32 $0x80;
	s1 =	simm.s32 @!p5 $0x0;
	s0 =	sadd.s32 @!p5 s22, s28;
	[tilespmem:$0x230] =	vst v9  }
0x120: {  	[tilespmem:s1], [sflag:$0x7] =	stream.linear.gather @!p5 [hbm4b:s0+s1], $0x40, $0x38;
	[tilespmem:$0x1FEF8] =	vst v63  }
0x121: {  	s5 =	simm.s32 $0x8700;
	s3 =	simm.s32 @!p5 $0x100;
	s0 =	sadd.s32 @!p5 s23, s28  }
0x122: {  	[tilespmem:s3], [sflag:$0x7] =	stream.linear.gather @!p5 [hbm4b:s0+s1], $0x40, $0x38;
	[tilespmem:$0x1FEF8] =	vst v63  }
0x123: {  	s11 =	simm.s32 $0x4700;
	s1 =	simm.s32 $0x700;
	s3 =	simm.s32 $0x0  }
.LBB2_5:
0x124: {  	v7 =	vld [tilespmem:s1+$0xFFFFFC70]  }
0x125: {  	v11 =	vld [tilespmem:s11+$0xFFFFFC70]  }
0x126: {  	v8 =	vld [tilespmem:s1+$0xFFFFFC60]  }
0x127: {  	v10 =	vld [tilespmem:s11+$0xFFFFFC60]  }
0x128: {  	v6 =	vld [tilespmem:s1+$0xFFFFFC50]  }
0x129: {  	v9 =	vld [tilespmem:s11+$0xFFFFFC50]  }
0x12a: {  	v12 =	vld [tilespmem:s1+$0xFFFFFC40]  }
0x12b: {  	v13 =	vld [tilespmem:s11+$0xFFFFFC40]  }
0x12c: {  	v14 =	vld [tilespmem:s1+$0xFFFFFC30]  }
0x12d: {  	v15 =	vld [tilespmem:s11+$0xFFFFFC30]  }
0x12e: {  	v16 =	vld [tilespmem:s1+$0xFFFFFC20]  }
0x12f: {  	v17 =	vld [tilespmem:s11+$0xFFFFFC20]  }
0x130: {  	v18 =	vld [tilespmem:s1+$0xFFFFFC00]  }
0x131: {  	v19 =	vld [tilespmem:s11+$0xFFFFFC00]  }
0x132: {  	v20 =	vld [tilespmem:s1+$0xFFFFFC10]  }
0x133: {  	v21 =	vld [tilespmem:s11+$0xFFFFFC10]  }
0x134: {  	v22 =	vld [tilespmem:s1+$0x0]  }
0x135: {  	v23 =	vld [tilespmem:s11+$0x0]  }
0x136: {  	v24 =	vld [tilespmem:s1+$0x10]  }
0x137: {  	v25 =	vld [tilespmem:s11+$0x10]  }
0x138: {  	v26 =	vld [tilespmem:s1+$0x20]  }
0x139: {  	v27 =	vld [tilespmem:s11+$0x20]  }
0x13a: {  	v28 =	vld [tilespmem:s1+$0x30]  }
0x13b: {  	v18 =	vmul.f32 v19, v18;
	v19 =	vmul.f32 v21, v20;
	v20 =	vld [tilespmem:s11+$0x30]  }
0x13c: {  	v21 =	vmul.f32 v23, v22;
	v22 =	vmul.f32 v25, v24;
	v23 =	vld [tilespmem:s1+$0x40]  }
0x13d: {  	v16 =	vmul.f32 v17, v16;
	v17 =	vld [tilespmem:s11+$0x40];
	v14 =	vmul.f32 v15, v14  }
0x13e: {  	v15 =	vld [tilespmem:s11+$0x50];
	v18 =	vadd.f32 v19, v18;
	v19 =	vadd.f32 v22, v21;
	v21 =	vmul.f32 v27, v26  }
0x13f: {  	v12 =	vmul.f32 v13, v12;
	v22 =	vld [tilespmem:s1+$0x50]  }
0x140: {  	v13 =	vld [tilespmem:s11+$0x60];
	v16 =	vadd.f32 v16, v18;
	v18 =	vadd.f32 v21, v19;
	v19 =	vmul.f32 v20, v28  }
0x141: {  	v20 =	vld [tilespmem:s1+$0x60]  }
0x142: {  	v21 =	vld [tilespmem:s11+$0x70];
	v17 =	vmul.f32 v17, v23;
	v14 =	vadd.f32 v14, v16;
	v16 =	vadd.f32 v19, v18  }
0x143: {  	s16 =	sadd.s32 $0x80, s1;
	v7 =	vmul.f32 v11, v7;
	v18 =	vld [tilespmem:s1+$0x70];
	v19 =	vmul.f32 v9, v6  }
0x144: {  	s17 =	sadd.s32 $0x80, s11;
	v11 =	vld [tilespmem:s16+$0xFFFFFC50];
	v15 =	vmul.f32 v15, v22;
	v12 =	vadd.f32 v12, v14;
	v14 =	vadd.f32 v17, v16  }
0x145: {  	v24 =	vld [tilespmem:s17+$0xFFFFFC10];
	v16 =	vmul.f32 v10, v8  }
0x146: {  	v25 =	vld [tilespmem:s17+$0x0];
	v12 =	vadd.f32 v19, v12;
	v13 =	vmul.f32 v13, v20;
	v14 =	vadd.f32 v15, v14  }
0x147: {  	v26 =	vld [tilespmem:s16+$0x10]  }
0x148: {  	v27 =	vld [tilespmem:s17+$0x10];
	v15 =	vadd.f32 v16, v12;
	v16 =	vmul.f32 v21, v18;
	v14 =	vadd.f32 v13, v14  }
0x149: {  	v23 =	vld [tilespmem:s16+$0x0]  }
0x14a: {  	v6 =	vld [tilespmem:s16+$0xFFFFFC70];
	v7 =	vadd.f32 v7, v15;
	v18 =	vadd.f32 v16, v14  }
0x14b: {  	v9 =	vld [tilespmem:s17+$0xFFFFFC70]  }
0x14c: {  	v22 =	vld [tilespmem:s16+$0xFFFFFC10];
	v19 =	vperm.xlane v7, v0;
	v20 =	vperm.xlane v18, v0  }
0x14d: {  	v8 =	vld [tilespmem:s16+$0xFFFFFC60]  }
0x14e: {  	v10 =	vld [tilespmem:s17+$0xFFFFFC60];
	v7 =	vadd.f32 v19, v7;
	v19 =	vadd.f32 v20, v18  }
0x14f: {  	v17 =	vld [tilespmem:s16+$0xFFFFFC20]  }
0x150: {  	v12 =	vld [tilespmem:s17+$0xFFFFFC50];
	v7 =	vsel vm0, v7, v19  }
0x151: {  	v21 =	vld [tilespmem:s17+$0xFFFFFC00];
	v19 =	vperm.xlane v7, v1  }
0x152: {  	v13 =	vld [tilespmem:s16+$0xFFFFFC40]  }
0x153: {  	v15 =	vld [tilespmem:s16+$0xFFFFFC30];
	v19 =	vadd.f32 v7, v19  }
0x154: {  	v14 =	vld [tilespmem:s17+$0xFFFFFC40]  }
0x155: {  	v16 =	vld [tilespmem:s17+$0xFFFFFC30];
	v28 =	vperm.xlane v19, v2  }
0x156: {  	s7 =	sshll.u32 s3, $0x4;
	v20 =	vld [tilespmem:s16+$0xFFFFFC00]  }
0x157: {  	s29 =	simm.s32 $0x0;
	s14 =	simm.s32 $0x1;
	s0 =	simm.s32 $0x2;
	v18 =	vld [tilespmem:s17+$0xFFFFFC20];
	v7 =	vimm.f32 $0.0e+00;
	v19 =	vadd.f32 v19, v28  }
.LBB2_6:
0x158: {  	p6 =	sne.s32 s0, $0x7;
	v28 =	vld [tilespmem:s16+$0x20]  }
0x159: {  	v31 =	vmov s29;
	s10 =	sadd.s32 $0x8, s29;
	s29 =	smov.u32 s14;
	s14 =	smov.u32 s0;
	v29 =	vld [tilespmem:s17+$0x20];
	v30 =	vperm.xlane v19, v4  }
0x15a: {  	vm1 =	veq.s32 v31, v5;
	v31 =	vmov s10;
	v32 =	vld [tilespmem:s16+$0x30]  }
0x15b: {  	v20 =	vmul.f32 v21, v20;
	v21 =	vmul.f32 v24, v22;
	v22 =	vld [tilespmem:s17+$0x30];
	v19 =	vadd.f32 v19, v30  }
0x15c: {  	v23 =	vmul.f32 v25, v23;
	vm2 =	veq.s32 v31, v5;
	v24 =	vmul.f32 v27, v26;
	v25 =	vld [tilespmem:s16+$0x40]  }
0x15d: {  	v17 =	vmul.f32 v18, v17;
	vm1 =	vmor vm1, vm2;
	v18 =	vld [tilespmem:s17+$0x40];
	v19 =	vmul.f32 $8.838834610e-02, v19  }
0x15e: {  	v20 =	vadd.f32 v21, v20;
	v21 =	vadd.f32 v24, v23;
	v23 =	vmul.f32 v29, v28;
	v24 =	vld [tilespmem:s16+$0x50]  }
0x15f: {  	v15 =	vmul.f32 v16, v15;
	v16 =	vld [tilespmem:s17+$0x50];
	v7 =	vsel vm1, v19, v7  }
0x160: {  	v17 =	vadd.f32 v17, v20;
	v19 =	vadd.f32 v23, v21;
	v20 =	vmul.f32 v22, v32;
	v21 =	vld [tilespmem:s16+$0x60]  }
0x161: {  	v13 =	vmul.f32 v14, v13;
	v14 =	vld [tilespmem:s17+$0x60]  }
0x162: {  	v15 =	vadd.f32 v15, v17;
	v17 =	vadd.f32 v20, v19;
	v18 =	vmul.f32 v18, v25;
	v19 =	vld [tilespmem:s16+$0x70]  }
0x163: {  	v11 =	vmul.f32 v12, v11;
	s16 =	sadd.s32 $0x80, s16;
	v12 =	vld [tilespmem:s17+$0x70]  }
0x164: {  	v13 =	vadd.f32 v13, v15;
	s17 =	sadd.s32 $0x80, s17;
	v20 =	vld [tilespmem:s16+$0xFFFFFC70];
	v15 =	vadd.f32 v18, v17;
	v16 =	vmul.f32 v16, v24  }
0x165: {  	v18 =	vmul.f32 v10, v8;
	v17 =	vld [tilespmem:s17+$0xFFFFFC70]  }
0x166: {  	v13 =	vadd.f32 v11, v13;
	v8 =	vld [tilespmem:s16+$0xFFFFFC60];
	v15 =	vadd.f32 v16, v15;
	v14 =	vmul.f32 v14, v21  }
0x167: {  	v21 =	vmul.f32 v9, v6;
	v10 =	vld [tilespmem:s17+$0xFFFFFC60]  }
0x168: {  	v16 =	vadd.f32 v18, v13;
	v11 =	vld [tilespmem:s16+$0xFFFFFC50];
	v14 =	vadd.f32 v14, v15;
	v15 =	vmul.f32 v12, v19  }
0x169: {  	v12 =	vld [tilespmem:s17+$0xFFFFFC50];
	v6 =	vmov v20  }
0x16a: {  	v18 =	vadd.f32 v21, v16;
	v13 =	vld [tilespmem:s16+$0xFFFFFC40];
	v19 =	vadd.f32 v15, v14;
	v9 =	vmov v17  }
0x16b: {  	v14 =	vld [tilespmem:s17+$0xFFFFFC40]  }
0x16c: {  	v20 =	vperm.xlane v18, v0;
	v15 =	vld [tilespmem:s16+$0xFFFFFC30];
	v21 =	vperm.xlane v19, v0  }
0x16d: {  	v16 =	vld [tilespmem:s17+$0xFFFFFC30]  }
0x16e: {  	v22 =	vadd.f32 v20, v18;
	v17 =	vld [tilespmem:s16+$0xFFFFFC20];
	v19 =	vadd.f32 v21, v19  }
0x16f: {  	v18 =	vld [tilespmem:s17+$0xFFFFFC20]  }
0x170: {  	v20 =	vld [tilespmem:s16+$0xFFFFFC00];
	v19 =	vsel vm0, v22, v19  }
0x171: {  	v21 =	vld [tilespmem:s17+$0xFFFFFC00];
	v23 =	vperm.xlane v19, v1  }
0x172: {  	v22 =	vld [tilespmem:s16+$0xFFFFFC10]  }
.Ltmp1:
0x173: {  	v24 =	vld [tilespmem:s17+$0xFFFFFC10];
	v19 =	vadd.f32 v19, v23;
	(pc) =	sbr.rel @p6 .LBB2_6-.Ltmp1, $4  }
0x174: {  	v23 =	vld [tilespmem:s16+$0x0]  }
0x175: {  	v25 =	vld [tilespmem:s17+$0x0];
	v28 =	vperm.xlane v19, v2  }
0x176: {  	v26 =	vld [tilespmem:s16+$0x10]  }
0x177: {  	s0 =	sadd.s32 $0x1, s0;
	v27 =	vld [tilespmem:s17+$0x10];
	v19 =	vadd.f32 v19, v28  }
0x178: {  	v28 =	vld [tilespmem:s16+$0x20]  }
0x179: {  	v29 =	vld [tilespmem:s17+$0x20]  }
0x17a: {  	v30 =	vld [tilespmem:s16+$0x30]  }
0x17b: {  	v20 =	vmul.f32 v21, v20;
	v50 =	vmul.f32 v24, v22;
	v51 =	vld [tilespmem:s17+$0x30]  }
0x17c: {  	v53 =	vld [tilespmem:s16+$0x40];
	v23 =	vmul.f32 v25, v23;
	v52 =	vmul.f32 v27, v26  }
0x17d: {  	v17 =	vmul.f32 v18, v17;
	v54 =	vld [tilespmem:s17+$0x40]  }
0x17e: {  	v57 =	vld [tilespmem:s16+$0x50];
	v20 =	vadd.f32 v50, v20;
	v56 =	vmul.f32 v29, v28;
	v55 =	vadd.f32 v52, v23  }
0x17f: {  	v15 =	vmul.f32 v16, v15;
	v58 =	vld [tilespmem:s17+$0x50]  }
0x180: {  	v61 =	vld [tilespmem:s16+$0x60];
	v17 =	vadd.f32 v17, v20;
	v60 =	vmul.f32 v51, v30;
	v59 =	vadd.f32 v56, v55  }
0x181: {  	v13 =	vmul.f32 v14, v13;
	v14 =	vld [tilespmem:s17+$0x60]  }
0x182: {  	v63 =	vld [tilespmem:s16+$0x70];
	v18 =	vmul.f32 v54, v53;
	v15 =	vadd.f32 v15, v17;
	v62 =	vadd.f32 v60, v59  }
0x183: {  	v11 =	vmul.f32 v12, v11;
	v12 =	vld [tilespmem:s17+$0x70]  }
0x184: {  	v16 =	vmul.f32 v58, v57;
	v13 =	vadd.f32 v13, v15;
	v15 =	vadd.f32 v18, v62  }
0x185: {  	v8 =	vmul.f32 v10, v8  }
0x186: {  	v10 =	vadd.f32 v11, v13;
	v13 =	vmul.f32 v14, v61;
	v11 =	vadd.f32 v16, v15  }
0x187: {  	v6 =	vmul.f32 v9, v6  }
0x188: {  	v8 =	vadd.f32 v8, v10;
	v10 =	vmul.f32 v12, v63;
	v9 =	vadd.f32 v13, v11;
	_ =	sdelay $0x1  }
0x189: {  	v6 =	vadd.f32 v6, v8;
	v8 =	vadd.f32 v10, v9;
	_ =	sdelay $0x1  }
0x18a: {  	v9 =	vperm.xlane v6, v0;
	v10 =	vperm.xlane v8, v0;
	_ =	sdelay $0x1  }
0x18b: {  	v6 =	vadd.f32 v9, v6;
	v8 =	vadd.f32 v10, v8;
	_ =	sdelay $0x1  }
0x18c: {  	v6 =	vsel vm0, v6, v8  }
0x18d: {  	v8 =	vperm.xlane v6, v1;
	_ =	sdelay $0x1  }
0x18e: {  	v6 =	vadd.f32 v6, v8;
	_ =	sdelay $0x1  }
0x18f: {  	v8 =	vperm.xlane v6, v2;
	_ =	sdelay $0x1  }
0x190: {  	v9 =	vperm.xlane v19, v4;
	v6 =	vadd.f32 v6, v8;
	_ =	sdelay $0x1  }
0x191: {  	s0 =	sadd.s32 $0x8, s29;
	v9 =	vadd.f32 v19, v9;
	v8 =	vmov s29;
	v10 =	vperm.xlane v6, v4  }
0x192: {  	vm1 =	veq.s32 v8, v5;
	v8 =	vmov s0  }
0x193: {  	s16 =	sadd.s32 $0x8, s14;
	vm2 =	veq.s32 v8, v5;
	v8 =	vmul.f32 $8.838834610e-02, v9;
	v6 =	vadd.f32 v6, v10  }
0x194: {  	v9 =	vmov s14;
	vm1 =	vmor vm1, vm2;
	v10 =	vmov s16  }
0x195: {  	vm2 =	veq.s32 v9, v5;
	vm3 =	veq.s32 v10, v5;
	v6 =	vmul.f32 $8.838834610e-02, v6  }
0x196: {  	v7 =	vsel vm1, v8, v7;
	vm1 =	vmor vm2, vm3  }
0x197: {  	v6 =	vsel vm1, v6, v7  }
0x198: {  	v6 =	vmax.f32 v6, $-6.000000000e+01  }
0x199: {  	v6 =	vmin.f32 v6, $6.000000000e+01  }
0x19a: {  	v6 =	vmul.f32 $1.442695020e+00, v6;
	_ =	sdelay $0x1  }
0x19b: {  	(erf) = vpow2.f32 v6;
	_ =	sdelay $0x8  }
0x19c: {  	v6 =	vpop (erf)  }
0x19d: {  	[tilespmem:s7+$0xC300] =	vst v6  }
0x19e: {  	v7 =	vld [tilespmem:s5+$0xFFFFFC00]  }
0x19f: {  	s17 =	simm.s32 $0x0;
	v8 =	vld [tilespmem:s5+$0xFFFFFC10]  }
0x1a0: {  	v9 =	vmov s17;
	v10 =	vld [tilespmem:s5+$0xFFFFFC20]  }
0x1a1: {  	v9 =	vperm.xlane v6, v9;
	v11 =	vld [tilespmem:s5+$0xFFFFFC30]  }
0x1a2: {  	v12 =	vld [tilespmem:s5+$0xFFFFFC40]  }
0x1a3: {  	v13 =	vld [tilespmem:s5+$0xFFFFFC50];
	v7 =	vmul.f32 v7, v9  }
0x1a4: {  	v14 =	vld [tilespmem:s5+$0xFFFFFC60];
	v8 =	vmul.f32 v8, v9  }
0x1a5: {  	[tilespmem:s5+$0xFFFFFC00] =	vst v7;
	v7 =	vmul.f32 v10, v9;
	v10 =	vld [tilespmem:s5+$0xFFFFFC70]  }
0x1a6: {  	[tilespmem:s5+$0xFFFFFC10] =	vst v8;
	v8 =	vmul.f32 v11, v9;
	v11 =	vld [tilespmem:s5+$0x0]  }
0x1a7: {  	s29 =	simm.s32 $0x8;
	[tilespmem:s5+$0xFFFFFC20] =	vst v7;
	v7 =	vmul.f32 v12, v9;
	v12 =	vld [tilespmem:s5+$0x10]  }
0x1a8: {  	v15 =	vld [tilespmem:s5+$0x20];
	v13 =	vmul.f32 v13, v9;
	[tilespmem:s5+$0xFFFFFC30] =	vst v8;
	v8 =	vmov s29  }
0x1a9: {  	v14 =	vmul.f32 v14, v9;
	[tilespmem:s5+$0xFFFFFC40] =	vst v7;
	v7 =	vperm.xlane v6, v8;
	v8 =	vld [tilespmem:s5+$0x30]  }
0x1aa: {  	[tilespmem:s5+$0xFFFFFC50] =	vst v13;
	v9 =	vmul.f32 v10, v9;
	v10 =	vld [tilespmem:s5+$0x40]  }
0x1ab: {  	[tilespmem:s5+$0xFFFFFC60] =	vst v14;
	v14 =	vmul.f32 v11, v7;
	v11 =	vld [tilespmem:s5+$0x50]  }
0x1ac: {  	[tilespmem:s5+$0xFFFFFC70] =	vst v9;
	v9 =	vld [tilespmem:s5+$0x60];
	v13 =	vmul.f32 v12, v7  }
0x1ad: {  	s0 =	smov.u32 s5;
	s14 =	simm.s32 $0x1;
	s7 =	sadd.s32 $0x80, s5;
	v12 =	vld [tilespmem:s5+$0x70];
	[tilespmem:s5+$0x0] =	vst v14;
	v14 =	vmul.f32 v15, v7  }
.LBB2_8:
0x1ae: {  	v15 =	vld [tilespmem:s7+$0xFFFFFC00];
	p6 =	sne.s32 s14, $0x7;
	[tilespmem:s0+$0x10] =	vst v13;
	v8 =	vmul.f32 v8, v7  }
0x1af: {  	v13 =	vld [tilespmem:s7+$0xFFFFFC10];
	[tilespmem:s0+$0x20] =	vst v14;
	v10 =	vmul.f32 v10, v7  }
0x1b0: {  	v14 =	vmov s14;
	v16 =	vld [tilespmem:s7+$0xFFFFFC20];
	[tilespmem:s0+$0x30] =	vst v8;
	v8 =	vmul.f32 v11, v7  }
0x1b1: {  	v11 =	vperm.xlane v6, v14;
	v14 =	vld [tilespmem:s7+$0xFFFFFC30];
	[tilespmem:s0+$0x40] =	vst v10;
	v9 =	vmul.f32 v9, v7  }
0x1b2: {  	v10 =	vld [tilespmem:s7+$0xFFFFFC40];
	[tilespmem:s0+$0x50] =	vst v8;
	v7 =	vmul.f32 v12, v7  }
0x1b3: {  	v8 =	vmul.f32 v15, v11;
	v12 =	vld [tilespmem:s7+$0xFFFFFC50];
	[tilespmem:s0+$0x60] =	vst v9  }
0x1b4: {  	v9 =	vmul.f32 v13, v11;
	v13 =	vld [tilespmem:s7+$0xFFFFFC60];
	[tilespmem:s0+$0x70] =	vst v7;
	s0 =	smov.u32 s7  }
0x1b5: {  	[tilespmem:s7+$0xFFFFFC00] =	vst v8;
	v7 =	vmul.f32 v16, v11;
	v15 =	vld [tilespmem:s7+$0xFFFFFC70]  }
0x1b6: {  	[tilespmem:s7+$0xFFFFFC10] =	vst v9;
	v8 =	vmul.f32 v14, v11;
	v9 =	vld [tilespmem:s7+$0x0]  }
0x1b7: {  	s10 =	sadd.s32 $0x8, s14;
	[tilespmem:s7+$0xFFFFFC20] =	vst v7;
	v7 =	vmul.f32 v10, v11;
	v14 =	vld [tilespmem:s7+$0x10]  }
0x1b8: {  	[tilespmem:s7+$0xFFFFFC30] =	vst v8;
	v10 =	vmul.f32 v12, v11;
	v8 =	vmov s10;
	v12 =	vld [tilespmem:s7+$0x20]  }
.Ltmp2:
0x1b9: {  	[tilespmem:s7+$0xFFFFFC40] =	vst v7;
	v13 =	vmul.f32 v13, v11;
	v7 =	vperm.xlane v6, v8;
	v8 =	vld [tilespmem:s7+$0x30];
	(pc) =	sbr.rel @p6 .LBB2_8-.Ltmp2, $4  }
0x1ba: {  	[tilespmem:s7+$0xFFFFFC50] =	vst v10;
	v15 =	vmul.f32 v15, v11;
	v10 =	vld [tilespmem:s7+$0x40]  }
0x1bb: {  	[tilespmem:s7+$0xFFFFFC60] =	vst v13;
	v16 =	vmul.f32 v9, v7;
	v11 =	vld [tilespmem:s7+$0x50]  }
0x1bc: {  	[tilespmem:s7+$0xFFFFFC70] =	vst v15;
	v13 =	vmul.f32 v14, v7;
	v9 =	vld [tilespmem:s7+$0x60]  }
0x1bd: {  	s14 =	sadd.s32 $0x1, s14;
	s7 =	sadd.s32 $0x80, s7;
	[tilespmem:s0+$0x0] =	vst v16;
	v14 =	vmul.f32 v12, v7;
	v12 =	vld [tilespmem:s0+$0x70]  }
0x1be: {  	[tilespmem:s0+$0x10] =	vst v13;
	v6 =	vmul.f32 v8, v7;
	s3 =	sadd.s32 $0x1, s3  }
0x1bf: {  	[tilespmem:s0+$0x20] =	vst v14;
	v62 =	vmul.f32 v10, v7;
	p6 =	sne.s32 s3, $0x4  }
.Ltmp3:
0x1c0: {  	[tilespmem:s0+$0x30] =	vst v6;
	v6 =	vmul.f32 v11, v7;
	(pc) =	sbr.rel @p6 .LBB2_5-.Ltmp3, $4  }
0x1c1: {  	[tilespmem:s0+$0x40] =	vst v62;
	v63 =	vmul.f32 v9, v7  }
0x1c2: {  	[tilespmem:s0+$0x50] =	vst v6;
	v6 =	vmul.f32 v12, v7  }
0x1c3: {  	[tilespmem:s0+$0x60] =	vst v63  }
0x1c4: {  	s1 =	sadd.s32 $0x800, s1;
	s11 =	sadd.s32 $0x800, s11;
	s5 =	sadd.s32 $0x800, s5;
	[tilespmem:s0+$0x70] =	vst v6  }
0x1c5: {  	s0 =	rddreg [dreg:$0x2];
	s1 =	simm.s32 $0x8300;
	s3 =	simm.s32 $0x200  }
0x1c6: {  	[spmem:s0] =	stream.indirect.scatter.add.f32 [tilespmem:s1], [sflag:$0x9], $0x80, s3, s8, $0xb8;
	[tilespmem:$0x1FEF8] =	vst v63  }
0x1c7: {  	s17 =	rddreg [dreg:$0x3];
	s29 =	simm.s32 $0xC300  }
0x1c8: {  	[spmem:s17] =	stream.indirect.scatter.add.f32 [tilespmem:s29], [sflag:$0xB], $0x1, s3, s8, $0xb8;
	[tilespmem:$0x1FEF8] =	vst v63  }
0x1c9: {  	_ =	swait.ge [sflag:s4], $0x2000  }
0x1ca: {  	[sflag:s4] =	ssyncset.done $0x0  }
0x1cb: {  	[sflag:s4] =	ssyncadd.s32 $0xFFFFE000  }
0x1cc: {  	_ =	swait.ge [sflag:s2], $0x40  }
0x1cd: {  	[sflag:s2] =	ssyncset.done $0x0  }
0x1ce: {  	s0 =	simm.s32 @!p5 $0x7;
	[sflag:s2] =	ssyncadd.s32 $0xFFFFFFC0  }
0x1cf: {  	_ =	swait.ge @!p5 [sflag:s0], $0x40  }
0x1d0: {  	[sflag:s0] =	ssyncset.done @!p5 $0x0  }
0x1d1: {  	[sflag:s0] =	ssyncadd.s32 @!p5 $0xFFFFFFC0  }
0x1d2: {  	_ =	swait.ge @!p5 [sflag:s0], $0x40  }
0x1d3: {  	[sflag:s0] =	ssyncset.done @!p5 $0x0  }
0x1d4: {  	s1 =	simm.s32 @!p5 $0x100;
	[sflag:s0] =	ssyncadd.s32 @!p5 $0xFFFFFFC0  }
0x1d5: {  	s3 =	simm.s32 @!p5 $0x300;
	s0 =	simm.s32 @!p5 $0x40;
	s5 =	rddreg [dreg:$0x0]  }
0x1d6: {  	[tilespmem:s3], [sflag:$0x1] =	stream.indirect.gather @!p5 [hbm4b:s5+s0], $0x80, s1, s0, $0xb8;
	[tilespmem:$0x1FEF8] =	vst v63  }
0x1d7: {  	s1 =	simm.s32 @!p5 $0x0;
	s3 =	simm.s32 @!p5 $0x4300  }
0x1d8: {  	[tilespmem:s3], [sflag:$0x3] =	stream.indirect.gather @!p5 [hbm4b:s20+s0], $0x80, s1, s0, $0xb8;
	[tilespmem:$0x1FEF8] =	vst v63  }
0x1d9: {  	s3 =	simm.s32 @!p5 $0x8300  }
0x1da: {  	[tilespmem:s3], [sflag:$0x5] =	stream.indirect.gather @!p5 [hbm4b:s21+s0], $0x80, s1, s0, $0xb8;
	[tilespmem:$0x1FEF8] =	vst v63  }
0x1db: {  	_ =	swait.ge [sflag:s26], $0x2000  }
0x1dc: {  	[sflag:s26] =	ssyncset.done $0x0  }
0x1dd: {  	[sflag:s26] =	ssyncadd.s32 $0xFFFFE000  }
0x1de: {  	_ =	swait.ge [sflag:s18], $0x2000  }
0x1df: {  	[sflag:s18] =	ssyncset.done $0x0  }
0x1e0: {  	[sflag:s18] =	ssyncadd.s32 $0xFFFFE000  }
0x1e1: {  	_ =	swait.ge [sflag:s9], $0x2000  }
0x1e2: {  	[sflag:s9] =	ssyncset.done $0x0  }
0x1e3: {  	[sflag:s9] =	ssyncadd.s32 $0xFFFFE000  }
0x1e4: {  	v6 =	vld [tilespmem:$0x180]  }
0x1e5: {  	v7 =	vld [tilespmem:$0x190]  }
0x1e6: {  	v8 =	vld [tilespmem:$0x1A0]  }
0x1e7: {  	v9 =	vld [tilespmem:$0x1B0];
	_ =	sdelay $0x1  }
0x1e8: {  	[tilespmem:$0x280] =	vst v6  }
0x1e9: {  	[tilespmem:$0x290] =	vst v7  }
0x1ea: {  	s0 =	sor.u32 @!p5 $0x8, s28;
	[tilespmem:$0x2A0] =	vst v8  }
0x1eb: {  	s5 =	simm.s32 @!p5 $0x80;
	s3 =	sadd.s32 @!p5 s22, s0;
	[tilespmem:$0x2B0] =	vst v9  }
0x1ec: {  	[tilespmem:s5], [sflag:$0x8] =	stream.linear.gather @!p5 [hbm4b:s3+s1], $0x40, $0x38;
	[tilespmem:$0x1FEF8] =	vst v63  }
0x1ed: {  	s11 =	simm.s32 $0x2700;
	s0 =	sadd.s32 @!p5 s23, s0;
	s3 =	simm.s32 @!p5 $0x180  }
0x1ee: {  	[tilespmem:s3], [sflag:$0x8] =	stream.linear.gather @!p5 [hbm4b:s0+s1], $0x40, $0x38;
	[tilespmem:$0x1FEF8] =	vst v63  }
0x1ef: {  	s5 =	simm.s32 $0x6700;
	s1 =	simm.s32 $0x0;
	s3 =	simm.s32 $0xA700  }
.LBB2_11:
0x1f0: {  	v7 =	vld [tilespmem:s11+$0xFFFFFC70]  }
0x1f1: {  	v11 =	vld [tilespmem:s5+$0xFFFFFC70]  }
0x1f2: {  	v8 =	vld [tilespmem:s11+$0xFFFFFC60]  }
0x1f3: {  	v10 =	vld [tilespmem:s5+$0xFFFFFC60]  }
0x1f4: {  	v6 =	vld [tilespmem:s11+$0xFFFFFC50]  }
0x1f5: {  	v9 =	vld [tilespmem:s5+$0xFFFFFC50]  }
0x1f6: {  	v12 =	vld [tilespmem:s11+$0xFFFFFC40]  }
0x1f7: {  	v13 =	vld [tilespmem:s5+$0xFFFFFC40]  }
0x1f8: {  	v14 =	vld [tilespmem:s11+$0xFFFFFC30]  }
0x1f9: {  	v15 =	vld [tilespmem:s5+$0xFFFFFC30]  }
0x1fa: {  	v16 =	vld [tilespmem:s11+$0xFFFFFC20]  }
0x1fb: {  	v17 =	vld [tilespmem:s5+$0xFFFFFC20]  }
0x1fc: {  	v18 =	vld [tilespmem:s11+$0xFFFFFC00]  }
0x1fd: {  	v19 =	vld [tilespmem:s5+$0xFFFFFC00]  }
0x1fe: {  	v20 =	vld [tilespmem:s11+$0xFFFFFC10]  }
0x1ff: {  	v21 =	vld [tilespmem:s5+$0xFFFFFC10]  }
0x200: {  	v22 =	vld [tilespmem:s11+$0x0]  }
0x201: {  	v23 =	vld [tilespmem:s5+$0x0]  }
0x202: {  	v24 =	vld [tilespmem:s11+$0x10]  }
0x203: {  	v25 =	vld [tilespmem:s5+$0x10]  }
0x204: {  	v26 =	vld [tilespmem:s11+$0x20]  }
0x205: {  	v27 =	vld [tilespmem:s5+$0x20]  }
0x206: {  	v28 =	vld [tilespmem:s11+$0x30]  }
0x207: {  	v18 =	vmul.f32 v19, v18;
	v19 =	vmul.f32 v21, v20;
	v20 =	vld [tilespmem:s5+$0x30]  }
0x208: {  	v21 =	vmul.f32 v23, v22;
	v22 =	vmul.f32 v25, v24;
	v23 =	vld [tilespmem:s11+$0x40]  }
0x209: {  	v16 =	vmul.f32 v17, v16;
	v17 =	vld [tilespmem:s5+$0x40];
	v14 =	vmul.f32 v15, v14  }
0x20a: {  	v15 =	vld [tilespmem:s5+$0x50];
	v18 =	vadd.f32 v19, v18;
	v19 =	vadd.f32 v22, v21;
	v21 =	vmul.f32 v27, v26  }
0x20b: {  	v12 =	vmul.f32 v13, v12;
	v22 =	vld [tilespmem:s11+$0x50]  }
0x20c: {  	v13 =	vld [tilespmem:s5+$0x60];
	v16 =	vadd.f32 v16, v18;
	v18 =	vadd.f32 v21, v19;
	v19 =	vmul.f32 v20, v28  }
0x20d: {  	v20 =	vld [tilespmem:s11+$0x60]  }
0x20e: {  	v21 =	vld [tilespmem:s5+$0x70];
	v17 =	vmul.f32 v17, v23;
	v14 =	vadd.f32 v14, v16;
	v16 =	vadd.f32 v19, v18  }
0x20f: {  	s16 =	sadd.s32 $0x80, s11;
	v7 =	vmul.f32 v11, v7;
	v18 =	vld [tilespmem:s11+$0x70];
	v19 =	vmul.f32 v9, v6  }
0x210: {  	s17 =	sadd.s32 $0x80, s5;
	v11 =	vld [tilespmem:s16+$0xFFFFFC50];
	v15 =	vmul.f32 v15, v22;
	v12 =	vadd.f32 v12, v14;
	v14 =	vadd.f32 v17, v16  }
0x211: {  	v24 =	vld [tilespmem:s17+$0xFFFFFC10];
	v16 =	vmul.f32 v10, v8  }
0x212: {  	v25 =	vld [tilespmem:s17+$0x0];
	v12 =	vadd.f32 v19, v12;
	v13 =	vmul.f32 v13, v20;
	v14 =	vadd.f32 v15, v14  }
0x213: {  	v26 =	vld [tilespmem:s16+$0x10]  }
0x214: {  	v27 =	vld [tilespmem:s17+$0x10];
	v15 =	vadd.f32 v16, v12;
	v16 =	vmul.f32 v21, v18;
	v14 =	vadd.f32 v13, v14  }
0x215: {  	v23 =	vld [tilespmem:s16+$0x0]  }
0x216: {  	v6 =	vld [tilespmem:s16+$0xFFFFFC70];
	v7 =	vadd.f32 v7, v15;
	v18 =	vadd.f32 v16, v14  }
0x217: {  	v9 =	vld [tilespmem:s17+$0xFFFFFC70]  }
0x218: {  	v22 =	vld [tilespmem:s16+$0xFFFFFC10];
	v19 =	vperm.xlane v7, v0;
	v20 =	vperm.xlane v18, v0  }
0x219: {  	v8 =	vld [tilespmem:s16+$0xFFFFFC60]  }
0x21a: {  	v10 =	vld [tilespmem:s17+$0xFFFFFC60];
	v7 =	vadd.f32 v19, v7;
	v19 =	vadd.f32 v20, v18  }
0x21b: {  	v17 =	vld [tilespmem:s16+$0xFFFFFC20]  }
0x21c: {  	v12 =	vld [tilespmem:s17+$0xFFFFFC50];
	v7 =	vsel vm0, v7, v19  }
0x21d: {  	v21 =	vld [tilespmem:s17+$0xFFFFFC00];
	v19 =	vperm.xlane v7, v1  }
0x21e: {  	v13 =	vld [tilespmem:s16+$0xFFFFFC40]  }
0x21f: {  	v15 =	vld [tilespmem:s16+$0xFFFFFC30];
	v19 =	vadd.f32 v7, v19  }
0x220: {  	v14 =	vld [tilespmem:s17+$0xFFFFFC40]  }
0x221: {  	v16 =	vld [tilespmem:s17+$0xFFFFFC30];
	v28 =	vperm.xlane v19, v2  }
0x222: {  	s7 =	sshll.u32 s1, $0x4;
	v20 =	vld [tilespmem:s16+$0xFFFFFC00]  }
0x223: {  	s28 =	simm.s32 $0x1;
	s29 =	simm.s32 $0x2;
	s14 =	simm.s32 $0x0;
	v18 =	vld [tilespmem:s17+$0xFFFFFC20];
	v7 =	vimm.f32 $0.0e+00;
	v19 =	vadd.f32 v19, v28  }
.LBB2_12:
0x224: {  	p5 =	sne.s32 s29, $0x7;
	v28 =	vld [tilespmem:s16+$0x20]  }
0x225: {  	v31 =	vmov s14;
	s0 =	sadd.s32 $0x8, s14;
	s14 =	smov.u32 s28;
	s28 =	smov.u32 s29;
	v29 =	vld [tilespmem:s17+$0x20];
	v30 =	vperm.xlane v19, v4  }
0x226: {  	vm1 =	veq.s32 v31, v5;
	v31 =	vmov s0;
	v32 =	vld [tilespmem:s16+$0x30]  }
0x227: {  	v20 =	vmul.f32 v21, v20;
	v21 =	vmul.f32 v24, v22;
	v22 =	vld [tilespmem:s17+$0x30];
	v19 =	vadd.f32 v19, v30  }
0x228: {  	v23 =	vmul.f32 v25, v23;
	vm2 =	veq.s32 v31, v5;
	v24 =	vmul.f32 v27, v26;
	v25 =	vld [tilespmem:s16+$0x40]  }
0x229: {  	v17 =	vmul.f32 v18, v17;
	vm1 =	vmor vm1, vm2;
	v18 =	vld [tilespmem:s17+$0x40];
	v19 =	vmul.f32 $8.838834610e-02, v19  }
0x22a: {  	v20 =	vadd.f32 v21, v20;
	v21 =	vadd.f32 v24, v23;
	v23 =	vmul.f32 v29, v28;
	v24 =	vld [tilespmem:s16+$0x50]  }
0x22b: {  	v15 =	vmul.f32 v16, v15;
	v16 =	vld [tilespmem:s17+$0x50];
	v7 =	vsel vm1, v19, v7  }
0x22c: {  	v17 =	vadd.f32 v17, v20;
	v19 =	vadd.f32 v23, v21;
	v20 =	vmul.f32 v22, v32;
	v21 =	vld [tilespmem:s16+$0x60]  }
0x22d: {  	v13 =	vmul.f32 v14, v13;
	v14 =	vld [tilespmem:s17+$0x60]  }
0x22e: {  	v15 =	vadd.f32 v15, v17;
	v17 =	vadd.f32 v20, v19;
	v18 =	vmul.f32 v18, v25;
	v19 =	vld [tilespmem:s16+$0x70]  }
0x22f: {  	v11 =	vmul.f32 v12, v11;
	s16 =	sadd.s32 $0x80, s16;
	v12 =	vld [tilespmem:s17+$0x70]  }
0x230: {  	v13 =	vadd.f32 v13, v15;
	s17 =	sadd.s32 $0x80, s17;
	v20 =	vld [tilespmem:s16+$0xFFFFFC70];
	v15 =	vadd.f32 v18, v17;
	v16 =	vmul.f32 v16, v24  }
0x231: {  	v18 =	vmul.f32 v10, v8;
	v17 =	vld [tilespmem:s17+$0xFFFFFC70]  }
0x232: {  	v13 =	vadd.f32 v11, v13;
	v8 =	vld [tilespmem:s16+$0xFFFFFC60];
	v15 =	vadd.f32 v16, v15;
	v14 =	vmul.f32 v14, v21  }
0x233: {  	v21 =	vmul.f32 v9, v6;
	v10 =	vld [tilespmem:s17+$0xFFFFFC60]  }
0x234: {  	v16 =	vadd.f32 v18, v13;
	v11 =	vld [tilespmem:s16+$0xFFFFFC50];
	v14 =	vadd.f32 v14, v15;
	v15 =	vmul.f32 v12, v19  }
0x235: {  	v12 =	vld [tilespmem:s17+$0xFFFFFC50];
	v6 =	vmov v20  }
0x236: {  	v18 =	vadd.f32 v21, v16;
	v13 =	vld [tilespmem:s16+$0xFFFFFC40];
	v19 =	vadd.f32 v15, v14;
	v9 =	vmov v17  }
0x237: {  	v14 =	vld [tilespmem:s17+$0xFFFFFC40]  }
0x238: {  	v20 =	vperm.xlane v18, v0;
	v15 =	vld [tilespmem:s16+$0xFFFFFC30];
	v21 =	vperm.xlane v19, v0  }
0x239: {  	v16 =	vld [tilespmem:s17+$0xFFFFFC30]  }
0x23a: {  	v22 =	vadd.f32 v20, v18;
	v17 =	vld [tilespmem:s16+$0xFFFFFC20];
	v19 =	vadd.f32 v21, v19  }
0x23b: {  	v18 =	vld [tilespmem:s17+$0xFFFFFC20]  }
0x23c: {  	v20 =	vld [tilespmem:s16+$0xFFFFFC00];
	v19 =	vsel vm0, v22, v19  }
0x23d: {  	v21 =	vld [tilespmem:s17+$0xFFFFFC00];
	v23 =	vperm.xlane v19, v1  }
0x23e: {  	v22 =	vld [tilespmem:s16+$0xFFFFFC10]  }
.Ltmp4:
0x23f: {  	v24 =	vld [tilespmem:s17+$0xFFFFFC10];
	v19 =	vadd.f32 v19, v23;
	(pc) =	sbr.rel @p5 .LBB2_12-.Ltmp4, $4  }
0x240: {  	v23 =	vld [tilespmem:s16+$0x0]  }
0x241: {  	v25 =	vld [tilespmem:s17+$0x0];
	v28 =	vperm.xlane v19, v2  }
0x242: {  	v26 =	vld [tilespmem:s16+$0x10]  }
0x243: {  	s29 =	sadd.s32 $0x1, s29;
	v27 =	vld [tilespmem:s17+$0x10];
	v19 =	vadd.f32 v19, v28  }
0x244: {  	v28 =	vld [tilespmem:s16+$0x20]  }
0x245: {  	v29 =	vld [tilespmem:s17+$0x20]  }
0x246: {  	v30 =	vld [tilespmem:s16+$0x30]  }
0x247: {  	v20 =	vmul.f32 v21, v20;
	v50 =	vmul.f32 v24, v22;
	v51 =	vld [tilespmem:s17+$0x30]  }
0x248: {  	v53 =	vld [tilespmem:s16+$0x40];
	v23 =	vmul.f32 v25, v23;
	v52 =	vmul.f32 v27, v26  }
0x249: {  	v17 =	vmul.f32 v18, v17;
	v54 =	vld [tilespmem:s17+$0x40]  }
0x24a: {  	v57 =	vld [tilespmem:s16+$0x50];
	v20 =	vadd.f32 v50, v20;
	v56 =	vmul.f32 v29, v28;
	v55 =	vadd.f32 v52, v23  }
0x24b: {  	v15 =	vmul.f32 v16, v15;
	v58 =	vld [tilespmem:s17+$0x50]  }
0x24c: {  	v61 =	vld [tilespmem:s16+$0x60];
	v17 =	vadd.f32 v17, v20;
	v60 =	vmul.f32 v51, v30;
	v59 =	vadd.f32 v56, v55  }
0x24d: {  	v13 =	vmul.f32 v14, v13;
	v14 =	vld [tilespmem:s17+$0x60]  }
0x24e: {  	v63 =	vld [tilespmem:s16+$0x70];
	v18 =	vmul.f32 v54, v53;
	v15 =	vadd.f32 v15, v17;
	v62 =	vadd.f32 v60, v59  }
0x24f: {  	v11 =	vmul.f32 v12, v11;
	v12 =	vld [tilespmem:s17+$0x70]  }
0x250: {  	v16 =	vmul.f32 v58, v57;
	v13 =	vadd.f32 v13, v15;
	v15 =	vadd.f32 v18, v62  }
0x251: {  	v8 =	vmul.f32 v10, v8  }
0x252: {  	v10 =	vadd.f32 v11, v13;
	v13 =	vmul.f32 v14, v61;
	v11 =	vadd.f32 v16, v15  }
0x253: {  	v6 =	vmul.f32 v9, v6  }
0x254: {  	v8 =	vadd.f32 v8, v10;
	v10 =	vmul.f32 v12, v63;
	v9 =	vadd.f32 v13, v11;
	_ =	sdelay $0x1  }
0x255: {  	v6 =	vadd.f32 v6, v8;
	v8 =	vadd.f32 v10, v9;
	_ =	sdelay $0x1  }
0x256: {  	v9 =	vperm.xlane v6, v0;
	v10 =	vperm.xlane v8, v0;
	_ =	sdelay $0x1  }
0x257: {  	v6 =	vadd.f32 v9, v6;
	v8 =	vadd.f32 v10, v8;
	_ =	sdelay $0x1  }
0x258: {  	v6 =	vsel vm0, v6, v8  }
0x259: {  	v8 =	vperm.xlane v6, v1;
	_ =	sdelay $0x1  }
0x25a: {  	v6 =	vadd.f32 v6, v8;
	_ =	sdelay $0x1  }
0x25b: {  	v8 =	vperm.xlane v6, v2;
	_ =	sdelay $0x1  }
0x25c: {  	v9 =	vperm.xlane v19, v4;
	v6 =	vadd.f32 v6, v8;
	_ =	sdelay $0x1  }
0x25d: {  	s0 =	sadd.s32 $0x8, s14;
	v9 =	vadd.f32 v19, v9;
	v8 =	vmov s14;
	v10 =	vperm.xlane v6, v4  }
0x25e: {  	vm1 =	veq.s32 v8, v5;
	v8 =	vmov s0  }
0x25f: {  	s17 =	sadd.s32 $0x8, s28;
	vm2 =	veq.s32 v8, v5;
	v8 =	vmul.f32 $8.838834610e-02, v9;
	v6 =	vadd.f32 v6, v10  }
0x260: {  	v9 =	vmov s28;
	vm1 =	vmor vm1, vm2;
	v10 =	vmov s17  }
0x261: {  	vm2 =	veq.s32 v9, v5;
	vm3 =	veq.s32 v10, v5;
	v6 =	vmul.f32 $8.838834610e-02, v6  }
0x262: {  	v7 =	vsel vm1, v8, v7;
	vm1 =	vmor vm2, vm3  }
0x263: {  	v6 =	vsel vm1, v6, v7  }
0x264: {  	v6 =	vmax.f32 v6, $-6.000000000e+01  }
0x265: {  	v6 =	vmin.f32 v6, $6.000000000e+01  }
0x266: {  	v6 =	vmul.f32 $1.442695020e+00, v6;
	_ =	sdelay $0x1  }
0x267: {  	(erf) = vpow2.f32 v6;
	_ =	sdelay $0x8  }
0x268: {  	v6 =	vpop (erf)  }
0x269: {  	[tilespmem:s7+$0xC380] =	vst v6  }
0x26a: {  	v7 =	vld [tilespmem:s3+$0xFFFFFC00]  }
0x26b: {  	s28 =	simm.s32 $0x0;
	v8 =	vld [tilespmem:s3+$0xFFFFFC10]  }
0x26c: {  	v9 =	vmov s28;
	v10 =	vld [tilespmem:s3+$0xFFFFFC20]  }
0x26d: {  	v9 =	vperm.xlane v6, v9;
	v11 =	vld [tilespmem:s3+$0xFFFFFC30]  }
0x26e: {  	v12 =	vld [tilespmem:s3+$0xFFFFFC40]  }
0x26f: {  	v13 =	vld [tilespmem:s3+$0xFFFFFC50];
	v7 =	vmul.f32 v7, v9  }
0x270: {  	v14 =	vld [tilespmem:s3+$0xFFFFFC60];
	v8 =	vmul.f32 v8, v9  }
0x271: {  	[tilespmem:s3+$0xFFFFFC00] =	vst v7;
	v7 =	vmul.f32 v10, v9;
	v10 =	vld [tilespmem:s3+$0xFFFFFC70]  }
0x272: {  	[tilespmem:s3+$0xFFFFFC10] =	vst v8;
	v8 =	vmul.f32 v11, v9;
	v11 =	vld [tilespmem:s3+$0x0]  }
0x273: {  	s29 =	simm.s32 $0x8;
	[tilespmem:s3+$0xFFFFFC20] =	vst v7;
	v7 =	vmul.f32 v12, v9;
	v12 =	vld [tilespmem:s3+$0x10]  }
0x274: {  	v15 =	vld [tilespmem:s3+$0x20];
	v13 =	vmul.f32 v13, v9;
	[tilespmem:s3+$0xFFFFFC30] =	vst v8;
	v8 =	vmov s29  }
0x275: {  	v14 =	vmul.f32 v14, v9;
	[tilespmem:s3+$0xFFFFFC40] =	vst v7;
	v7 =	vperm.xlane v6, v8;
	v8 =	vld [tilespmem:s3+$0x30]  }
0x276: {  	[tilespmem:s3+$0xFFFFFC50] =	vst v13;
	v9 =	vmul.f32 v10, v9;
	v10 =	vld [tilespmem:s3+$0x40]  }
0x277: {  	[tilespmem:s3+$0xFFFFFC60] =	vst v14;
	v14 =	vmul.f32 v11, v7;
	v11 =	vld [tilespmem:s3+$0x50]  }
0x278: {  	[tilespmem:s3+$0xFFFFFC70] =	vst v9;
	v9 =	vld [tilespmem:s3+$0x60];
	v13 =	vmul.f32 v12, v7  }
0x279: {  	s14 =	simm.s32 $0x1;
	s0 =	smov.u32 s3;
	s7 =	sadd.s32 $0x80, s3;
	v12 =	vld [tilespmem:s3+$0x70];
	[tilespmem:s3+$0x0] =	vst v14;
	v14 =	vmul.f32 v15, v7  }
.LBB2_14:
0x27a: {  	v15 =	vld [tilespmem:s7+$0xFFFFFC00];
	p5 =	sne.s32 s14, $0x7;
	[tilespmem:s0+$0x10] =	vst v13;
	v8 =	vmul.f32 v8, v7  }
0x27b: {  	v13 =	vld [tilespmem:s7+$0xFFFFFC10];
	[tilespmem:s0+$0x20] =	vst v14;
	v10 =	vmul.f32 v10, v7  }
0x27c: {  	v14 =	vmov s14;
	v16 =	vld [tilespmem:s7+$0xFFFFFC20];
	[tilespmem:s0+$0x30] =	vst v8;
	v8 =	vmul.f32 v11, v7  }
0x27d: {  	v11 =	vperm.xlane v6, v14;
	v14 =	vld [tilespmem:s7+$0xFFFFFC30];
	[tilespmem:s0+$0x40] =	vst v10;
	v9 =	vmul.f32 v9, v7  }
0x27e: {  	v10 =	vld [tilespmem:s7+$0xFFFFFC40];
	[tilespmem:s0+$0x50] =	vst v8;
	v7 =	vmul.f32 v12, v7  }
0x27f: {  	v8 =	vmul.f32 v15, v11;
	v12 =	vld [tilespmem:s7+$0xFFFFFC50];
	[tilespmem:s0+$0x60] =	vst v9  }
0x280: {  	v9 =	vmul.f32 v13, v11;
	v13 =	vld [tilespmem:s7+$0xFFFFFC60];
	[tilespmem:s0+$0x70] =	vst v7;
	s0 =	smov.u32 s7  }
0x281: {  	[tilespmem:s7+$0xFFFFFC00] =	vst v8;
	v7 =	vmul.f32 v16, v11;
	v15 =	vld [tilespmem:s7+$0xFFFFFC70]  }
0x282: {  	[tilespmem:s7+$0xFFFFFC10] =	vst v9;
	v8 =	vmul.f32 v14, v11;
	v9 =	vld [tilespmem:s7+$0x0]  }
0x283: {  	s10 =	sadd.s32 $0x8, s14;
	[tilespmem:s7+$0xFFFFFC20] =	vst v7;
	v7 =	vmul.f32 v10, v11;
	v14 =	vld [tilespmem:s7+$0x10]  }
0x284: {  	[tilespmem:s7+$0xFFFFFC30] =	vst v8;
	v10 =	vmul.f32 v12, v11;
	v8 =	vmov s10;
	v12 =	vld [tilespmem:s7+$0x20]  }
.Ltmp5:
0x285: {  	[tilespmem:s7+$0xFFFFFC40] =	vst v7;
	v13 =	vmul.f32 v13, v11;
	v7 =	vperm.xlane v6, v8;
	v8 =	vld [tilespmem:s7+$0x30];
	(pc) =	sbr.rel @p5 .LBB2_14-.Ltmp5, $4  }
0x286: {  	[tilespmem:s7+$0xFFFFFC50] =	vst v10;
	v15 =	vmul.f32 v15, v11;
	v10 =	vld [tilespmem:s7+$0x40]  }
0x287: {  	[tilespmem:s7+$0xFFFFFC60] =	vst v13;
	v16 =	vmul.f32 v9, v7;
	v11 =	vld [tilespmem:s7+$0x50]  }
0x288: {  	[tilespmem:s7+$0xFFFFFC70] =	vst v15;
	v13 =	vmul.f32 v14, v7;
	v9 =	vld [tilespmem:s7+$0x60]  }
0x289: {  	s14 =	sadd.s32 $0x1, s14;
	s7 =	sadd.s32 $0x80, s7;
	[tilespmem:s0+$0x0] =	vst v16;
	v14 =	vmul.f32 v12, v7;
	v12 =	vld [tilespmem:s0+$0x70]  }
0x28a: {  	[tilespmem:s0+$0x10] =	vst v13;
	v6 =	vmul.f32 v8, v7;
	s1 =	sadd.s32 $0x1, s1  }
0x28b: {  	[tilespmem:s0+$0x20] =	vst v14;
	v62 =	vmul.f32 v10, v7;
	p5 =	sne.s32 s1, $0x4  }
.Ltmp6:
0x28c: {  	[tilespmem:s0+$0x30] =	vst v6;
	v6 =	vmul.f32 v11, v7;
	(pc) =	sbr.rel @p5 .LBB2_11-.Ltmp6, $4  }
0x28d: {  	[tilespmem:s0+$0x40] =	vst v62;
	v63 =	vmul.f32 v9, v7  }
0x28e: {  	[tilespmem:s0+$0x50] =	vst v6;
	v6 =	vmul.f32 v12, v7  }
0x28f: {  	[tilespmem:s0+$0x60] =	vst v63  }
0x290: {  	s11 =	sadd.s32 $0x800, s11;
	s5 =	sadd.s32 $0x800, s5;
	s3 =	sadd.s32 $0x800, s3;
	[tilespmem:s0+$0x70] =	vst v6  }
0x291: {  	p5 =	sne.s32 s13, s25  }
.Ltmp7:
0x292: {  	_ = 	snop;
	(pc) =	sbr.rel @p5 .LBB2_4-.Ltmp7, $4  }
0x293: {  	s0 =	rddreg [dreg:$0x2];
	s11 =	simm.s32 $0xA300;
	s1 =	simm.s32 $0x280  }
0x294: {  	[spmem:s0] =	stream.indirect.scatter.add.f32 [tilespmem:s11], [sflag:$0xA], $0x80, s1, s8, $0xb8;
	[tilespmem:$0x1FEF8] =	vst v63  }
0x295: {  	s29 =	rddreg [dreg:$0x3];
	s3 =	simm.s32 $0xC380  }
0x296: {  	[spmem:s29] =	stream.indirect.scatter.add.f32 [tilespmem:s3], [sflag:$0xC], $0x1, s1, s8, $0xb8;
	[tilespmem:$0x1FEF8] =	vst v63  }
0x297: {  	s0 =	simm.s32 $0xA  }
0x298: {  	_ =	swait.ge [sflag:s0], $0x2000  }
0x299: {  	[sflag:s0] =	ssyncset.done $0x0  }
0x29a: {  	s17 =	simm.s32 $0xC;
	[sflag:s0] =	ssyncadd.s32 $0xFFFFE000  }
0x29b: {  	_ =	swait.ge [sflag:s17], $0x40  }
0x29c: {  	[sflag:s17] =	ssyncset.done $0x0  }
0x29d: {  	[sflag:s17] =	ssyncadd.s32 $0xFFFFFFC0  }
0x29e: {  	[bflag:$0x0] =	sbarrier.arrive $0xFFFF  }
0x29f: {  	s28 =	rddreg [dreg:$0x5]  }
0x2a0: {  	s29 =	rddreg [dreg:$0x12]  }
0x2a1: {  	s1 =	sadd.s32 $0x0, s19;
	s0 =	sor.u32 $0x1C0D, s28;
	s3 =	sshrl.u32 s29, $0x3  }
0x2a2: {  	[hbm:s1], [sflag:s0] =	dma.local [spmem:s3], $0x280  }
0x2a3: {  	s1 =	simm.s32 $0x2800;
	s3 =	smov.u32 s29;
	_ =	swait.ge [sflag:s6], $0x280  }
.LBB2_18:
0x2a4: {  	s5 =	sadd.s32 s1, s19  }
0x2a5: {  	[sflag:s6] =	ssyncset.done $0x0;
	s3 =	sadd.s32 $0x14000, s3;
	p5 =	sne.s32 s1, $0x23000  }
.Ltmp8:
0x2a6: {  	s7 =	sshrl.u32 s3, $0x3;
	[sflag:s6] =	ssyncadd.s32 $0xFFFFFD80;
	(pc) =	sbr.rel @p5 .LBB2_18-.Ltmp8, $4  }
0x2a7: {  	[hbm:s5], [sflag:s0] =	dma.local [spmem:s7], $0x280  }
0x2a8: {  	_ = 	snop  }
0x2a9: {  	s1 =	sadd.s32 $0x2800, s1  }
0x2aa: {  	_ =	swait.ge [sflag:s6], $0x280  }
0x2ab: {  	s3 =	sld [smem:$0x7E3]  }
0x2ac: {  	[sflag:s6] =	ssyncset.done $0x0  }
0x2ad: {  	s1 =	rddreg [dreg:$0x11];
	[sflag:s6] =	ssyncadd.s32 $0xFFFFFD80  }
0x2ae: {  	[hbm:s1], [sflag:s0] =	dma.local @!p1 [spmem:s3], $0x280  }
0x2af: {  	s0 =	simm.s32 @!p1 $0xD  }
0x2b0: {  	_ =	swait.ge @!p1 [sflag:s0], $0x280  }
0x2b1: {  	s7 =	sld [smem:$0x7FC]  }
0x2b2: {  	[sflag:s0] =	ssyncset.done @!p1 $0x0  }
0x2b3: {  	s3 =	simm.s32 $0xC300;
	[sflag:s0] =	ssyncadd.s32 @!p1 $0xFFFFFD80  }
0x2b4: {  	[tilespmem:s3], [sflag:$0xD] =	stream.linear.gather [spmem:s7], $0x40, $0x38;
	[tilespmem:$0x1FEF8] =	vst v63  }
0x2b5: {  	_ =	swait.ge [sflag:s6], $0x40  }
0x2b6: {  	[sflag:s6] =	ssyncset.done $0x0  }
0x2b7: {  	s0 =	simm.s32 $0x0;
	s13 =	rddreg [dreg:$0x8];
	[sflag:s6] =	ssyncadd.s32 $0xFFFFFFC0  }
0x2b8: {  	[hbm4b:s13+s0] =	stream.linear.scatter [tilespmem:s3], [sflag:$0xD], $0x40, $0x38;
	[tilespmem:$0x1FEF8] =	vst v63  }
0x2b9: {  	_ =	swait.ge [sflag:s6], $0x40  }
0x2ba: {  	[sflag:s6] =	ssyncset.done $0x0  }
0x2bb: {  	s14 =	rddreg [dreg:$0x1a];
	[sflag:s6] =	ssyncadd.s32 $0xFFFFFFC0  }
0x2bc: {  	[tilespmem:s3], [sflag:$0xD] =	stream.linear.gather [spmem:s14], $0x40, $0x38;
	[tilespmem:$0x1FEF8] =	vst v63  }
0x2bd: {  	_ =	swait.ge [sflag:s6], $0x40  }
0x2be: {  	[sflag:s6] =	ssyncset.done $0x0  }
0x2bf: {  	s16 =	rddreg [dreg:$0x9];
	[sflag:s6] =	ssyncadd.s32 $0xFFFFFFC0  }
0x2c0: {  	[hbm4b:s16+s0] =	stream.linear.scatter [tilespmem:s3], [sflag:$0xD], $0x40, $0x38;
	[tilespmem:$0x1FEF8] =	vst v63  }
0x2c1: {  	_ =	swait.ge [sflag:s6], $0x40  }
0x2c2: {  	[sflag:s6] =	ssyncset.done $0x0  }
0x2c3: {  	s17 =	rddreg [dreg:$0x1b];
	[sflag:s6] =	ssyncadd.s32 $0xFFFFFFC0  }
0x2c4: {  	[tilespmem:s3], [sflag:$0xD] =	stream.linear.gather [spmem:s17], $0x40, $0x38;
	[tilespmem:$0x1FEF8] =	vst v63  }
0x2c5: {  	_ =	swait.ge [sflag:s6], $0x40  }
0x2c6: {  	[sflag:s6] =	ssyncset.done $0x0  }
0x2c7: {  	s28 =	rddreg [dreg:$0xa];
	[sflag:s6] =	ssyncadd.s32 $0xFFFFFFC0  }
0x2c8: {  	[hbm4b:s28+s0] =	stream.linear.scatter [tilespmem:s3], [sflag:$0xD], $0x40, $0x38;
	[tilespmem:$0x1FEF8] =	vst v63  }
0x2c9: {  	_ =	swait.ge [sflag:s6], $0x40  }
0x2ca: {  	[sflag:s6] =	ssyncset.done $0x0  }
0x2cb: {  	s5 =	rddreg [dreg:$0x1c];
	[sflag:s6] =	ssyncadd.s32 $0xFFFFFFC0  }
0x2cc: {  	[tilespmem:s3], [sflag:$0xD] =	stream.linear.gather [spmem:s5], $0x40, $0x38;
	[tilespmem:$0x1FEF8] =	vst v63  }
0x2cd: {  	_ =	swait.ge [sflag:s6], $0x40  }
0x2ce: {  	[sflag:s6] =	ssyncset.done $0x0  }
0x2cf: {  	s10 =	rddreg [dreg:$0xb];
	[sflag:s6] =	ssyncadd.s32 $0xFFFFFFC0  }
0x2d0: {  	[hbm4b:s10+s0] =	stream.linear.scatter [tilespmem:s3], [sflag:$0xD], $0x40, $0x38;
	[tilespmem:$0x1FEF8] =	vst v63  }
0x2d1: {  	_ =	swait.ge [sflag:s6], $0x40  }
0x2d2: {  	[sflag:s6] =	ssyncset.done $0x0  }
0x2d3: {  	s13 =	rddreg [dreg:$0x1d];
	[sflag:s6] =	ssyncadd.s32 $0xFFFFFFC0  }
0x2d4: {  	[tilespmem:s3], [sflag:$0xD] =	stream.linear.gather [spmem:s13], $0x40, $0x38;
	[tilespmem:$0x1FEF8] =	vst v63  }
0x2d5: {  	_ =	swait.ge [sflag:s6], $0x40  }
0x2d6: {  	[sflag:s6] =	ssyncset.done $0x0  }
0x2d7: {  	s14 =	rddreg [dreg:$0xc];
	[sflag:s6] =	ssyncadd.s32 $0xFFFFFFC0  }
0x2d8: {  	[hbm4b:s14+s0] =	stream.linear.scatter [tilespmem:s3], [sflag:$0xD], $0x40, $0x38;
	[tilespmem:$0x1FEF8] =	vst v63  }
0x2d9: {  	_ =	swait.ge [sflag:s6], $0x40  }
0x2da: {  	[sflag:s6] =	ssyncset.done $0x0  }
0x2db: {  	s16 =	rddreg [dreg:$0x1e];
	[sflag:s6] =	ssyncadd.s32 $0xFFFFFFC0  }
0x2dc: {  	[tilespmem:s3], [sflag:$0xD] =	stream.linear.gather [spmem:s16], $0x40, $0x38;
	[tilespmem:$0x1FEF8] =	vst v63  }
0x2dd: {  	_ =	swait.ge [sflag:s6], $0x40  }
0x2de: {  	[sflag:s6] =	ssyncset.done $0x0  }
0x2df: {  	s17 =	rddreg [dreg:$0xd];
	[sflag:s6] =	ssyncadd.s32 $0xFFFFFFC0  }
0x2e0: {  	[hbm4b:s17+s0] =	stream.linear.scatter [tilespmem:s3], [sflag:$0xD], $0x40, $0x38;
	[tilespmem:$0x1FEF8] =	vst v63  }
0x2e1: {  	_ =	swait.ge [sflag:s6], $0x40  }
0x2e2: {  	[sflag:s6] =	ssyncset.done $0x0  }
0x2e3: {  	s28 =	rddreg [dreg:$0x1f];
	[sflag:s6] =	ssyncadd.s32 $0xFFFFFFC0  }
0x2e4: {  	[tilespmem:s3], [sflag:$0xD] =	stream.linear.gather [spmem:s28], $0x40, $0x38;
	[tilespmem:$0x1FEF8] =	vst v63  }
0x2e5: {  	_ =	swait.ge [sflag:s6], $0x40  }
0x2e6: {  	[sflag:s6] =	ssyncset.done $0x0  }
0x2e7: {  	s5 =	rddreg [dreg:$0xe];
	[sflag:s6] =	ssyncadd.s32 $0xFFFFFFC0  }
0x2e8: {  	[hbm4b:s5+s0] =	stream.linear.scatter [tilespmem:s3], [sflag:$0xD], $0x40, $0x38;
	[tilespmem:$0x1FEF8] =	vst v63  }
0x2e9: {  	_ =	swait.ge [sflag:s6], $0x40  }
0x2ea: {  	s10 =	sld [smem:$0x7E1]  }
0x2eb: {  	[sflag:s6] =	ssyncset.done $0x0  }
0x2ec: {  	[sflag:s6] =	ssyncadd.s32 $0xFFFFFFC0  }
0x2ed: {  	[tilespmem:s3], [sflag:$0xD] =	stream.linear.gather [spmem:s10], $0x40, $0x38;
	[tilespmem:$0x1FEF8] =	vst v63  }
0x2ee: {  	_ =	swait.ge [sflag:s6], $0x40  }
0x2ef: {  	[sflag:s6] =	ssyncset.done $0x0  }
0x2f0: {  	s13 =	rddreg [dreg:$0xf];
	[sflag:s6] =	ssyncadd.s32 $0xFFFFFFC0  }
0x2f1: {  	[hbm4b:s13+s0] =	stream.linear.scatter [tilespmem:s3], [sflag:$0xD], $0x40, $0x38;
	[tilespmem:$0x1FEF8] =	vst v63  }
0x2f2: {  	_ =	swait.ge [sflag:s6], $0x40  }
0x2f3: {  	s14 =	sld [smem:$0x7E2]  }
0x2f4: {  	[sflag:s6] =	ssyncset.done $0x0  }
0x2f5: {  	[sflag:s6] =	ssyncadd.s32 $0xFFFFFFC0  }
0x2f6: {  	[tilespmem:s3], [sflag:$0xD] =	stream.linear.gather [spmem:s14], $0x40, $0x38;
	[tilespmem:$0x1FEF8] =	vst v63  }
0x2f7: {  	_ =	swait.ge [sflag:s6], $0x40  }
0x2f8: {  	[sflag:s6] =	ssyncset.done $0x0  }
0x2f9: {  	s16 =	rddreg [dreg:$0x10];
	[sflag:s6] =	ssyncadd.s32 $0xFFFFFFC0  }
0x2fa: {  	[hbm4b:s16+s0] =	stream.linear.scatter [tilespmem:s3], [sflag:$0xD], $0x40, $0x38;
	[tilespmem:$0x1FEF8] =	vst v63  }
0x2fb: {  	_ =	swait.ge [sflag:s6], $0x40  }
0x2fc: {  	[sflag:s6] =	ssyncset.done $0x0  }
0x2fd: {  	s0 =	simm.s32 @!p0 $0xC300;
	s1 =	rddreg [dreg:$0x17];
	[sflag:s6] =	ssyncadd.s32 $0xFFFFFFC0  }
0x2fe: {  	[tilespmem:s0], [sflag:$0xD] =	stream.linear.gather @!p0 [spmem:s1], $0x40, $0x38;
	[tilespmem:$0x1FEF8] =	vst v63  }
0x2ff: {  	s1 =	simm.s32 @!p0 $0xD  }
0x300: {  	_ =	swait.ge @!p0 [sflag:s1], $0x40  }
0x301: {  	[sflag:s1] =	ssyncset.done @!p0 $0x0  }
0x302: {  	s3 =	simm.s32 @!p0 $0x0;
	s5 =	rddreg [dreg:$0x7];
	[sflag:s1] =	ssyncadd.s32 @!p0 $0xFFFFFFC0  }
0x303: {  	[hbm4b:s5+s3] =	stream.linear.scatter @!p0 [tilespmem:s0], [sflag:$0xD], $0x40, $0x38;
	[tilespmem:$0x1FEF8] =	vst v63  }
0x304: {  	_ =	swait.ge @!p0 [sflag:s1], $0x40  }
0x305: {  	s10 =	sld [smem:$0x7FD]  }
0x306: {  	[sflag:s1] =	ssyncset.done @!p0 $0x0  }
0x307: {  	s0 =	simm.s32 @p4 $0xC300;
	[sflag:s1] =	ssyncadd.s32 @!p0 $0xFFFFFFC0;
	s1 =	simm.s32 @p4 $0xD  }
0x308: {  	[tilespmem:s0], [sflag:$0xD] =	stream.linear.gather @p4 [spmem:s10], $0x10, $0x38;
	[tilespmem:$0x1FEF8] =	vst v63  }
0x309: {  	_ =	swait.ge @p4 [sflag:s1], $0x10  }
0x30a: {  	[sflag:s1] =	ssyncset.done @p4 $0x0  }
0x30b: {  	s3 =	simm.s32 @p4 $0x0;
	s5 =	rddreg [dreg:$0x18];
	[sflag:s1] =	ssyncadd.s32 @p4 $0xFFFFFFF0  }
0x30c: {  	[hbm4b:s5+s3] =	stream.linear.scatter @p4 [tilespmem:s0], [sflag:$0xD], $0x10, $0x38;
	[tilespmem:$0x1FEF8] =	vst v63  }
0x30d: {  	_ =	swait.ge @p4 [sflag:s1], $0x10  }
0x30e: {  	s17 =	sld [smem:$0x7E0];
	_ =	sdelay $0x2  }
0x30f: {  	s28 =	rddreg [dreg:$0x19];
	s3 =	sadd.s32 $0x1, s17  }
0x310: {  	p5 =	sne.s32 s3, s28  }
.Ltmp9:
0x311: {  	_ = 	snop;
	(pc) =	sbr.rel @p5 .LBB2_1-.Ltmp9, $3  }
0x312: {  	_ =	sdelay $0x1  }
0x313: {  	[sflag:s1] =	ssyncset.done @p4 $0x0  }
0x314: {  	[sflag:s1] =	ssyncadd.s32 @p4 $0xFFFFFFF0  }
0x315: {  	_ =	sfence.sel $0x180000  }
0x316: {  	[bflag:$0x0] =	sbarrier.arrive $0xFFFF  }
0x317: {  	_ =	strace $0x90000047  }
0x318: {  	s0 =	stileid.u32;
	[bflag:$0x2] =	sbarrier.arrive $0xFFFF  }
0x319: {  	p0 =	sne.s32 s0, $0x0;
	s0 =	rddreg [dreg:$0x4]  }
0x31a: {  	s0 =	sadd.s32 @!p0 $0x100000, s0  }
0x31b: {  	[sflag:s0] =	ssyncadd.tile.s32 @!p0 $0x1;
	_ =	shalt  }
.Lfunc_end2:
_tile_overlayer_lowered:
.L_overlay_start_2:
0x31c: {  	(tag) =	ssettag $0x2  }
0x31d: {  	s0 =	rddreg [dreg:$0x0];
	s2 =	stileid.u32  }
0x31e: {  	s1 =	rddreg [dreg:$0x1];
	p0 =	sne.s32 s2, $0x0  }
0x31f: {  	s3 =	rddreg [dreg:$0x2];
	[bflag:$0x3] =	sbarrier.arrive $0xFFFF;
	s2 =	simm.s32 @!p0 $0x1C0D  }
0x320: {  	[timem:s3], [sflag:s2] =	dma.local @!p0 [hbm:s0], s1  }
0x321: {  	s0 =	simm.s32 @!p0 $0xD  }
0x322: {  	_ =	swait.ge @!p0 [sflag:s0], s1  }
0x323: {  	s1 =	ssub.s32 @!p0 $0x0, s1;
	[sflag:s0] =	ssyncset.done @!p0 $0x0  }
0x324: {  	[sflag:s0] =	ssyncadd.s32 @!p0 s1  }
0x325: {  	[bflag:$0x3] =	sbarrier.arrive $0xFFFF  }
0x326: {  	_ =	shalt  }

</sc_bundles>
